<compile_context>
chip_gen: v7x
topology: tpu7x:2x2x1
jax: 0.10.2.dev20260603
libtpu: 0.0.44.dev20260713+nightly
codegen_flags: <defaults>
</compile_context>

<pallas_src>
import functools

import jax
import jax.numpy as jnp
from jax import lax
from jax.experimental import pallas as pl
from jax.experimental.pallas import tpu as pltpu
from jax.experimental.pallas import tpu_sc as plsc

N_NODES = 10000
D_FEAT = 128
UNITS = 128

NC = 2
NS = 16
DQ = D_FEAT // NC
BATCH = 128
NBUF = 4
CH = 32
CHE = CH * BATCH
ACC_ROWS = 10240
ZROWS = 8
X_ROWS_PER_TILE = N_NODES // NS
OUT_ROWS_PER_TILE = ACC_ROWS // NS


def _sc_aggregate(edges_per_tile: int, full_tiles: int):
    nbatch = edges_per_tile // BATCH
    nchunk = nbatch // CH

    mesh = plsc.VectorSubcoreMesh(core_axis_name="c", subcore_axis_name="s")

    @functools.partial(
        pl.kernel,
        out_type=jax.ShapeDtypeStruct((NC, ACC_ROWS, DQ), jnp.float32),
        mesh=mesh,
        scratch_types=[
            pltpu.VMEM((2, CHE), jnp.int32),
            pltpu.VMEM((2, CH, BATCH), jnp.int32),
            pltpu.VMEM((NBUF, BATCH, DQ), jnp.float32),
            pltpu.VMEM((ZROWS, DQ), jnp.float32),
            pltpu.VMEM_SHARED((N_NODES, DQ), jnp.float32),
            pltpu.VMEM_SHARED((ACC_ROWS, DQ), jnp.float32),
        ] + [pltpu.SemaphoreType.DMA] * (2 * NBUF + 4),
        compiler_params=pltpu.CompilerParams(use_tc_tiling_on_sc=False),
    )
    def agg(src_hbm, dst_hbm, tsrc_hbm, tdst_hbm, xs_hbm, out_hbm,
            src_v, dst_v, rows_v, zbuf_v, x_sp, acc_sh, *sems):
        gsems = sems[:NBUF]
        ssems = sems[NBUF:2 * NBUF]
        isems = sems[2 * NBUF:2 * NBUF + 2]
        jsems = sems[2 * NBUF + 2:]
        c = lax.axis_index("c")
        s = lax.axis_index("s")

        ebase = s * edges_per_tile

        def idx_prefetch(ck):
            cb = ck % 2

            @pl.when(s < full_tiles)
            def _():
                pltpu.async_copy(src_hbm.at[pl.ds(ebase + ck * CHE, CHE)],
                                 src_v.at[cb], isems[cb])
                pltpu.async_copy(dst_hbm.at[pl.ds(s * nbatch + ck * CH, CH)],
                                 dst_v.at[cb], jsems[cb])

            @pl.when(s >= full_tiles)
            def _():
                st = s - full_tiles
                pltpu.async_copy(
                    tsrc_hbm.at[pl.ds(st * edges_per_tile + ck * CHE, CHE)],
                    src_v.at[cb], isems[cb])
                pltpu.async_copy(
                    tdst_hbm.at[pl.ds(st * nbatch + ck * CH, CH)],
                    dst_v.at[cb], jsems[cb])

        def idx_wait(ck):
            cb = ck % 2
            pltpu.make_async_copy(src_hbm.at[pl.ds(0, CHE)], src_v.at[cb],
                                  isems[cb]).wait()
            pltpu.make_async_copy(dst_hbm.at[pl.ds(0, CH)], dst_v.at[cb],
                                  jsems[cb]).wait()

        idx_prefetch(0)

        zvec = jnp.zeros((16,), jnp.float32)
        def zero_body(i, _):
            for j in range(DQ // 16):
                zbuf_v[i, pl.ds(j * 16, 16)] = zvec
            return 0
        lax.fori_loop(0, ZROWS, zero_body, 0)

        xbase = s * X_ROWS_PER_TILE
        pltpu.sync_copy(xs_hbm.at[pl.ds(xbase, X_ROWS_PER_TILE),
                                  pl.ds(c * DQ, DQ)],
                        x_sp.at[pl.ds(xbase, X_ROWS_PER_TILE)])
        nz = ACC_ROWS // NS // ZROWS
        for k in range(nz):
            pltpu.sync_copy(zbuf_v,
                            acc_sh.at[pl.ds((s * nz + k) * ZROWS, ZROWS)])
        plsc.subcore_barrier()

        for ck in range(nchunk):
            cb = ck % 2
            idx_wait(ck)
            if ck + 1 < nchunk:
                idx_prefetch(ck + 1)

            def gather_start(j, b):
                off = pl.multiple_of(j * BATCH, BATCH)
                pltpu.async_copy(x_sp.at[src_v.at[cb, pl.ds(off, BATCH)]],
                                 rows_v.at[b], gsems[b])

            def gather_wait(b):
                pltpu.make_async_copy(x_sp.at[src_v.at[cb, pl.ds(0, BATCH)]],
                                      rows_v.at[b], gsems[b]).wait()

            def scatter_start(j, b):
                pltpu.async_copy(rows_v.at[b], acc_sh.at[dst_v.at[cb, j]],
                                 ssems[b], add=True)

            def scatter_wait(b):
                pltpu.make_async_copy(rows_v.at[b], acc_sh.at[dst_v.at[cb, 0]],
                                      ssems[b]).wait()

            for b in range(NBUF - 1):
                gather_start(b, b)

            def pipe(t, _):
                j0 = t * NBUF
                for b in range(NBUF):
                    j = j0 + b
                    gather_wait(b)
                    scatter_start(j, b)
                    jn = j + NBUF - 1
                    bn = (b + NBUF - 1) % NBUF
                    @pl.when(jn < CH)
                    def _():
                        @pl.when(jn >= NBUF)
                        def _():
                            scatter_wait(bn)
                        gather_start(jn, bn)
                return 0

            lax.fori_loop(0, CH // NBUF, pipe, 0)
            for b in range(NBUF):
                scatter_wait(b)

        plsc.subcore_barrier()

        obase = s * OUT_ROWS_PER_TILE
        pltpu.sync_copy(acc_sh.at[pl.ds(obase, OUT_ROWS_PER_TILE)],
                        out_hbm.at[c, pl.ds(obase, OUT_ROWS_PER_TILE)])

    return agg


def _tc_body(p_ref, w_ref, b_ref, o_ref):
    w = w_ref[...]
    acc = b_ref[...].astype(jnp.float32)
    parts = []
    for ci in range(NC):
        parts.append(jnp.dot(p_ref[ci], w[ci * DQ:(ci + 1) * DQ],
                             preferred_element_type=jnp.float32))
    o_ref[...] = parts[0] + parts[1] + acc


def _tc_matmul(partials, w, b2d):
    rows = 2000
    grid = N_NODES // rows
    return pl.pallas_call(
        _tc_body,
        grid=(grid,),
        in_specs=[
            pl.BlockSpec((NC, rows, DQ), lambda i: (0, i, 0)),
            pl.BlockSpec((D_FEAT, UNITS), lambda i: (0, 0)),
            pl.BlockSpec((1, UNITS), lambda i: (0, 0)),
        ],
        out_specs=pl.BlockSpec((rows, UNITS), lambda i: (i, 0)),
        out_shape=jax.ShapeDtypeStruct((N_NODES, UNITS), jnp.float32),
    )(partials, w, b2d)


@jax.jit
def kernel(X, ref_A, ref_B, w, b):
    E = ref_A.shape[0]
    chunk = NS * CHE
    e_pad = ((E + chunk - 1) // chunk) * chunk
    ept = e_pad // NS
    full_tiles = min(E // ept, NS - 1)
    src = ref_A.astype(jnp.int32)
    dst = ref_B.astype(jnp.int32)
    tpad = NS * ept - E
    tsrc = jnp.concatenate(
        [src[full_tiles * ept:], jnp.zeros((tpad,), jnp.int32)])
    tdst = jnp.concatenate(
        [dst[full_tiles * ept:],
         jnp.full((tpad,), N_NODES, jnp.int32)])
    dst2d = dst[:full_tiles * ept].reshape(full_tiles * ept // BATCH, BATCH)
    tdst2d = tdst.reshape((NS - full_tiles) * ept // BATCH, BATCH)

    partials = _sc_aggregate(ept, full_tiles)(src, dst2d, tsrc, tdst2d, X)
    out = _tc_matmul(partials, w, b.reshape(1, UNITS))
    return out

# --- scband reference (transcript-rebuilt; emitter-appended) ---
"""Pipeline reference for scband-convolution-layer-88424786690167 (READ-ONLY COPY).

The authoritative reference and input builder live on the scoring server;
editing this copy changes nothing except your own understanding.
"""

import jax, jax.numpy as jnp
import numpy as np

N_NODES = 10000
N_EDGES = 320000
D_FEAT = 128
UNITS = 128

def setup_inputs(seed: int = 0) -> dict:
    key = jax.random.key(seed)
    k_x, k_a, k_b, k_w, k_bias = jax.random.split(key, 5)
    X = jax.random.normal(k_x, (N_NODES, D_FEAT), dtype=jnp.float32)
    ref_A = jax.random.randint(k_a, (N_EDGES,), 0, N_NODES, dtype=jnp.int64)
    ref_B = jnp.sort(jax.random.randint(k_b, (N_EDGES,), 0, N_NODES, dtype=jnp.int64))
    # GlorotUniform for w: limit = sqrt(6 / (fan_in + fan_out))
    limit_w = np.sqrt(6.0 / (D_FEAT + UNITS))
    w = jax.random.uniform(k_w, (D_FEAT, UNITS), dtype=jnp.float32, minval=-limit_w, maxval=limit_w)
    limit_b = np.sqrt(6.0 / (UNITS + 1))
    b = jax.random.uniform(k_bias, (UNITS,), dtype=jnp.float32, minval=-limit_b, maxval=limit_b)
    return {"X": X, "ref_A": ref_A, "ref_B": ref_B, "w": w, "b": b}

def reference(X, ref_A, ref_B, w, b):
    # graph convolution: gather source-node features along edges (ref_A = src indices),
    # scatter-add messages to destination nodes (ref_B = dst indices),
    # then linear transform + bias (matching tf.nn.bias_add(conv @ w, b)).
    msgs = jnp.take(X, ref_A, axis=0)                       # [E, d_feat] gather
    agg = jax.ops.segment_sum(msgs, ref_B, num_segments=X.shape[0])  # [N, d_feat] scatter-add
    out = agg @ w + b                                       # [N, units]
    return out

if __name__ == "__main__":
    import jax
    _d = setup_inputs()
    print(jax.jit(kernel)(*tuple(_d.values())))

</pallas_src>

<mosaic_0001>
#map = affine_map<(d0, d1) -> (0)>
#map1 = affine_map<(d0, d1) -> (0, 0)>
#map2 = affine_map<(d0, d1) -> (0, 0, 0)>
module attributes {stable_mosaic.version = 14 : i64} {
  func.func @agg(%arg0: i32, %arg1: i32, %arg2: memref<320000xi32, #tpu.memory_space<hbm>>, %arg3: memref<2400x128xi32, #tpu.memory_space<hbm>>, %arg4: memref<20480xi32, #tpu.memory_space<hbm>>, %arg5: memref<160x128xi32, #tpu.memory_space<hbm>>, %arg6: memref<10000x128xf32, #tpu.memory_space<hbm>>, %arg7: memref<2x10240x64xf32, #tpu.memory_space<hbm>>, %arg8: memref<2x4096xi32, #tpu.memory_space<vmem>>, %arg9: memref<2x32x128xi32, #tpu.memory_space<vmem>>, %arg10: memref<4x128x64xf32, #tpu.memory_space<vmem>>, %arg11: memref<8x64xf32, #tpu.memory_space<vmem>>, %arg12: memref<10000x64xf32, #tpu.memory_space<vmem_shared>>, %arg13: memref<10240x64xf32, #tpu.memory_space<vmem_shared>>, %arg14: memref<!tpu.dma_semaphore, #tpu.memory_space<semaphore_mem>>, %arg15: memref<!tpu.dma_semaphore, #tpu.memory_space<semaphore_mem>>, %arg16: memref<!tpu.dma_semaphore, #tpu.memory_space<semaphore_mem>>, %arg17: memref<!tpu.dma_semaphore, #tpu.memory_space<semaphore_mem>>, %arg18: memref<!tpu.dma_semaphore, #tpu.memory_space<semaphore_mem>>, %arg19: memref<!tpu.dma_semaphore, #tpu.memory_space<semaphore_mem>>, %arg20: memref<!tpu.dma_semaphore, #tpu.memory_space<semaphore_mem>>, %arg21: memref<!tpu.dma_semaphore, #tpu.memory_space<semaphore_mem>>, %arg22: memref<!tpu.dma_semaphore, #tpu.memory_space<semaphore_mem>>, %arg23: memref<!tpu.dma_semaphore, #tpu.memory_space<semaphore_mem>>, %arg24: memref<!tpu.dma_semaphore, #tpu.memory_space<semaphore_mem>>, %arg25: memref<!tpu.dma_semaphore, #tpu.memory_space<semaphore_mem>>) attributes {dimension_semantics = [#tpu.dimension_semantics<core_parallel>, #tpu.dimension_semantics<subcore_parallel>], iteration_bounds = array<i64: 2, 16>, scalar_prefetch = 0 : i64, scratch_operands = 18 : i64, tpu.core_type = #tpu.core_type<sc_vector_subcore>, window_params = [{transform_indices = #map}, {transform_indices = #map1}, {transform_indices = #map}, {transform_indices = #map1}, {transform_indices = #map1}, {transform_indices = #map2}]} {
    %mul3A = arith.constant 20480 : i32
    %mul3A_0 = arith.muli %arg1, %mul3A : i32
    %lt3A = arith.constant 15 : i32
    %lt3A_1 = arith.cmpi slt, %arg1, %lt3A : i32
    %convert_element_type3A = arith.extui %lt3A_1 : i1 to i32
    %cond3A = arith.constant 0 : i32
    %cond3A_2 = arith.cmpi ne, %convert_element_type3A, %cond3A : i32
    scf.if %cond3A_2 {
      %add3A_1157 = arith.constant 0 : i32
      %add3A_1158 = arith.addi %mul3A_0, %add3A_1157 : i32
      %dma_start3A_1159 = arith.constant 0 : i32
      %dma_start3A_1160 = arith.constant 0 : i32
      %dma_start3A_1161 = tpu.memref_slice %arg8[%dma_start3A_1159, %dma_start3A_1160] : memref<2x4096xi32, #tpu.memory_space<vmem>> -> memref<1x4096xi32, #tpu.memory_space<vmem>>
      %dma_start3A_1162 = tpu.memref_squeeze %dma_start3A_1161 : memref<1x4096xi32, #tpu.memory_space<vmem>> -> memref<4096xi32, #tpu.memory_space<vmem>>
      %dma_start3A_1163 = tpu.memref_slice %arg2[%add3A_1158] : memref<320000xi32, #tpu.memory_space<hbm>> -> memref<4096xi32, #tpu.memory_space<hbm>>
      %dma_start3A_1164 = arith.constant 0 : i32
      %dma_start3A_1165 = tpu.memref_slice %arg8[%dma_start3A_1159, %dma_start3A_1164] : memref<2x4096xi32, #tpu.memory_space<vmem>> -> memref<1x4096xi32, #tpu.memory_space<vmem>>
      %dma_start3A_1166 = tpu.memref_squeeze %dma_start3A_1165 : memref<1x4096xi32, #tpu.memory_space<vmem>> -> memref<4096xi32, #tpu.memory_space<vmem>>
      %dma_start3A_1167 = tpu.memref_slice %arg2[%add3A_1158] : memref<320000xi32, #tpu.memory_space<hbm>> -> memref<4096xi32, #tpu.memory_space<hbm>>
      tpu.enqueue_dma source(%dma_start3A_1167 : memref<4096xi32, #tpu.memory_space<hbm>>) target(%dma_start3A_1166 : memref<4096xi32, #tpu.memory_space<vmem>>) target_semaphore(%arg22 : memref<!tpu.dma_semaphore, #tpu.memory_space<semaphore_mem>>)
      %mul3A_1168 = arith.constant 160 : i32
      %mul3A_1169 = arith.muli %arg1, %mul3A_1168 : i32
      %add3A_1170 = arith.constant 0 : i32
      %add3A_1171 = arith.addi %mul3A_1169, %add3A_1170 : i32
      %dma_start3A_1172 = arith.constant 0 : i32
      %dma_start3A_1173 = arith.constant 0 : i32
      %dma_start3A_1174 = arith.constant 0 : i32
      %dma_start3A_1175 = tpu.memref_slice %arg9[%dma_start3A_1172, %dma_start3A_1173, %dma_start3A_1174] : memref<2x32x128xi32, #tpu.memory_space<vmem>> -> memref<1x32x128xi32, #tpu.memory_space<vmem>>
      %dma_start3A_1176 = tpu.memref_squeeze %dma_start3A_1175 : memref<1x32x128xi32, #tpu.memory_space<vmem>> -> memref<32x128xi32, #tpu.memory_space<vmem>>
      %dma_start3A_1177 = arith.constant 0 : i32
      %dma_start3A_1178 = tpu.memref_slice %arg3[%add3A_1171, %dma_start3A_1177] : memref<2400x128xi32, #tpu.memory_space<hbm>> -> memref<32x128xi32, #tpu.memory_space<hbm>>
      %dma_start3A_1179 = arith.constant 0 : i32
      %dma_start3A_1180 = arith.constant 0 : i32
      %dma_start3A_1181 = tpu.memref_slice %arg9[%dma_start3A_1172, %dma_start3A_1179, %dma_start3A_1180] : memref<2x32x128xi32, #tpu.memory_space<vmem>> -> memref<1x32x128xi32, #tpu.memory_space<vmem>>
      %dma_start3A_1182 = tpu.memref_squeeze %dma_start3A_1181 : memref<1x32x128xi32, #tpu.memory_space<vmem>> -> memref<32x128xi32, #tpu.memory_space<vmem>>
      %dma_start3A_1183 = arith.constant 0 : i32
      %dma_start3A_1184 = tpu.memref_slice %arg3[%add3A_1171, %dma_start3A_1183] : memref<2400x128xi32, #tpu.memory_space<hbm>> -> memref<32x128xi32, #tpu.memory_space<hbm>>
      tpu.enqueue_dma source(%dma_start3A_1184 : memref<32x128xi32, #tpu.memory_space<hbm>>) target(%dma_start3A_1182 : memref<32x128xi32, #tpu.memory_space<vmem>>) target_semaphore(%arg24 : memref<!tpu.dma_semaphore, #tpu.memory_space<semaphore_mem>>)
    } else {
    }
    %ge3A = arith.constant 15 : i32
    %ge3A_3 = arith.cmpi sge, %arg1, %ge3A : i32
    %convert_element_type3A_4 = arith.extui %ge3A_3 : i1 to i32
    %cond3A_5 = arith.constant 0 : i32
    %cond3A_6 = arith.cmpi ne, %convert_element_type3A_4, %cond3A_5 : i32
    scf.if %cond3A_6 {
      %sub3A = arith.constant 15 : i32
      %sub3A_1157 = arith.subi %arg1, %sub3A : i32
      %mul3A_1158 = arith.constant 20480 : i32
      %mul3A_1159 = arith.muli %sub3A_1157, %mul3A_1158 : i32
      %add3A_1160 = arith.constant 0 : i32
      %add3A_1161 = arith.addi %mul3A_1159, %add3A_1160 : i32
      %dma_start3A_1162 = arith.constant 0 : i32
      %dma_start3A_1163 = arith.constant 0 : i32
      %dma_start3A_1164 = tpu.memref_slice %arg8[%dma_start3A_1162, %dma_start3A_1163] : memref<2x4096xi32, #tpu.memory_space<vmem>> -> memref<1x4096xi32, #tpu.memory_space<vmem>>
      %dma_start3A_1165 = tpu.memref_squeeze %dma_start3A_1164 : memref<1x4096xi32, #tpu.memory_space<vmem>> -> memref<4096xi32, #tpu.memory_space<vmem>>
      %dma_start3A_1166 = tpu.memref_slice %arg4[%add3A_1161] : memref<20480xi32, #tpu.memory_space<hbm>> -> memref<4096xi32, #tpu.memory_space<hbm>>
      %dma_start3A_1167 = arith.constant 0 : i32
      %dma_start3A_1168 = tpu.memref_slice %arg8[%dma_start3A_1162, %dma_start3A_1167] : memref<2x4096xi32, #tpu.memory_space<vmem>> -> memref<1x4096xi32, #tpu.memory_space<vmem>>
      %dma_start3A_1169 = tpu.memref_squeeze %dma_start3A_1168 : memref<1x4096xi32, #tpu.memory_space<vmem>> -> memref<4096xi32, #tpu.memory_space<vmem>>
      %dma_start3A_1170 = tpu.memref_slice %arg4[%add3A_1161] : memref<20480xi32, #tpu.memory_space<hbm>> -> memref<4096xi32, #tpu.memory_space<hbm>>
      tpu.enqueue_dma source(%dma_start3A_1170 : memref<4096xi32, #tpu.memory_space<hbm>>) target(%dma_start3A_1169 : memref<4096xi32, #tpu.memory_space<vmem>>) target_semaphore(%arg22 : memref<!tpu.dma_semaphore, #tpu.memory_space<semaphore_mem>>)
      %mul3A_1171 = arith.constant 160 : i32
      %mul3A_1172 = arith.muli %sub3A_1157, %mul3A_1171 : i32
      %add3A_1173 = arith.constant 0 : i32
      %add3A_1174 = arith.addi %mul3A_1172, %add3A_1173 : i32
      %dma_start3A_1175 = arith.constant 0 : i32
      %dma_start3A_1176 = arith.constant 0 : i32
      %dma_start3A_1177 = arith.constant 0 : i32
      %dma_start3A_1178 = tpu.memref_slice %arg9[%dma_start3A_1175, %dma_start3A_1176, %dma_start3A_1177] : memref<2x32x128xi32, #tpu.memory_space<vmem>> -> memref<1x32x128xi32, #tpu.memory_space<vmem>>
      %dma_start3A_1179 = tpu.memref_squeeze %dma_start3A_1178 : memref<1x32x128xi32, #tpu.memory_space<vmem>> -> memref<32x128xi32, #tpu.memory_space<vmem>>
      %dma_start3A_1180 = arith.constant 0 : i32
      %dma_start3A_1181 = tpu.memref_slice %arg5[%add3A_1174, %dma_start3A_1180] : memref<160x128xi32, #tpu.memory_space<hbm>> -> memref<32x128xi32, #tpu.memory_space<hbm>>
      %dma_start3A_1182 = arith.constant 0 : i32
      %dma_start3A_1183 = arith.constant 0 : i32
      %dma_start3A_1184 = tpu.memref_slice %arg9[%dma_start3A_1175, %dma_start3A_1182, %dma_start3A_1183] : memref<2x32x128xi32, #tpu.memory_space<vmem>> -> memref<1x32x128xi32, #tpu.memory_space<vmem>>
      %dma_start3A_1185 = tpu.memref_squeeze %dma_start3A_1184 : memref<1x32x128xi32, #tpu.memory_space<vmem>> -> memref<32x128xi32, #tpu.memory_space<vmem>>
      %dma_start3A_1186 = arith.constant 0 : i32
      %dma_start3A_1187 = tpu.memref_slice %arg5[%add3A_1174, %dma_start3A_1186] : memref<160x128xi32, #tpu.memory_space<hbm>> -> memref<32x128xi32, #tpu.memory_space<hbm>>
      tpu.enqueue_dma source(%dma_start3A_1187 : memref<32x128xi32, #tpu.memory_space<hbm>>) target(%dma_start3A_1185 : memref<32x128xi32, #tpu.memory_space<vmem>>) target_semaphore(%arg24 : memref<!tpu.dma_semaphore, #tpu.memory_space<semaphore_mem>>)
    } else {
    }
    %broadcast_in_dim3A = arith.constant 0.000000e+00 : f32
    %broadcast_in_dim3A_7 = vector.broadcast %broadcast_in_dim3A : f32 to vector<16xf32>
    %scan3A = arith.constant 0 : i32
    %scan3A_8 = arith.constant 0 : i32
    %scan3A_9 = arith.constant 8 : i32
    %scan3A_10 = arith.addi %scan3A_8, %scan3A_9 : i32
    %scan3A_11 = arith.constant 1 : i32
    %scan3A_12 = scf.for %scan3A_1157 = %scan3A_8 to %scan3A_10 step %scan3A_11 iter_args(%scan3A_1158 = %scan3A) -> (i32)  : i32 {
      %swap3A = arith.index_cast %scan3A_1157 : i32 to index
      %swap3A_1159 = arith.constant 0 : index
      %swap3A_1160 = tpu.vector_load %arg11[%swap3A, %swap3A_1159] {strides = array<i32>} : memref<8x64xf32, #tpu.memory_space<vmem>>, vector<1x16xf32>,
      %swap3A_1161 = vector.shape_cast %swap3A_1160 : vector<1x16xf32> to vector<16xf32>
      %swap3A_1162 = vector.shape_cast %broadcast_in_dim3A_7 : vector<16xf32> to vector<1x16xf32>
      tpu.vector_store %arg11[%swap3A, %swap3A_1159], %swap3A_1162 {strides = array<i32>} : memref<8x64xf32, #tpu.memory_space<vmem>>, vector<1x16xf32>,
      %swap3A_1163 = arith.index_cast %scan3A_1157 : i32 to index
      %swap3A_1164 = arith.constant 16 : index
      %swap3A_1165 = tpu.vector_load %arg11[%swap3A_1163, %swap3A_1164] {strides = array<i32>} : memref<8x64xf32, #tpu.memory_space<vmem>>, vector<1x16xf32>,
      %swap3A_1166 = vector.shape_cast %swap3A_1165 : vector<1x16xf32> to vector<16xf32>
      %swap3A_1167 = vector.shape_cast %broadcast_in_dim3A_7 : vector<16xf32> to vector<1x16xf32>
      tpu.vector_store %arg11[%swap3A_1163, %swap3A_1164], %swap3A_1167 {strides = array<i32>} : memref<8x64xf32, #tpu.memory_space<vmem>>, vector<1x16xf32>,
      %swap3A_1168 = arith.index_cast %scan3A_1157 : i32 to index
      %swap3A_1169 = arith.constant 32 : index
      %swap3A_1170 = tpu.vector_load %arg11[%swap3A_1168, %swap3A_1169] {strides = array<i32>} : memref<8x64xf32, #tpu.memory_space<vmem>>, vector<1x16xf32>,
      %swap3A_1171 = vector.shape_cast %swap3A_1170 : vector<1x16xf32> to vector<16xf32>
      %swap3A_1172 = vector.shape_cast %broadcast_in_dim3A_7 : vector<16xf32> to vector<1x16xf32>
      tpu.vector_store %arg11[%swap3A_1168, %swap3A_1169], %swap3A_1172 {strides = array<i32>} : memref<8x64xf32, #tpu.memory_space<vmem>>, vector<1x16xf32>,
      %swap3A_1173 = arith.index_cast %scan3A_1157 : i32 to index
      %swap3A_1174 = arith.constant 48 : index
      %swap3A_1175 = tpu.vector_load %arg11[%swap3A_1173, %swap3A_1174] {strides = array<i32>} : memref<8x64xf32, #tpu.memory_space<vmem>>, vector<1x16xf32>,
      %swap3A_1176 = vector.shape_cast %swap3A_1175 : vector<1x16xf32> to vector<16xf32>
      %swap3A_1177 = vector.shape_cast %broadcast_in_dim3A_7 : vector<16xf32> to vector<1x16xf32>
      tpu.vector_store %arg11[%swap3A_1173, %swap3A_1174], %swap3A_1177 {strides = array<i32>} : memref<8x64xf32, #tpu.memory_space<vmem>>, vector<1x16xf32>,
      %scan3A_1178 = arith.constant 0 : i32
      scf.yield %scan3A_1178 : i32
    }
    %scan3A_13 = arith.constant 8 : i32
    %mul3A_14 = arith.constant 625 : i32
    %mul3A_15 = arith.muli %arg1, %mul3A_14 : i32
    %mul3A_16 = arith.constant 64 : i32
    %mul3A_17 = arith.muli %arg0, %mul3A_16 : i32
    "tpu.region"() ({
      %run_scoped3A = tpu.sem_alloc : memref<!tpu.dma_semaphore, #tpu.memory_space<semaphore_mem>>
      %dma_start3A_1157 = arith.constant 0 : i32
      %dma_start3A_1158 = tpu.memref_slice %arg12[%mul3A_15, %dma_start3A_1157] : memref<10000x64xf32, #tpu.memory_space<vmem_shared>> -> memref<625x64xf32, #tpu.memory_space<vmem_shared>>
      %dma_start3A_1159 = tpu.memref_slice %arg6[%mul3A_15, %mul3A_17] : memref<10000x128xf32, #tpu.memory_space<hbm>> -> memref<625x64xf32, #tpu.memory_space<hbm>>
      tpu.enqueue_dma source(%dma_start3A_1159 : memref<625x64xf32, #tpu.memory_space<hbm>>) target(%dma_start3A_1158 : memref<625x64xf32, #tpu.memory_space<vmem_shared>>) target_semaphore(%run_scoped3A : memref<!tpu.dma_semaphore, #tpu.memory_space<semaphore_mem>>)
      %dma_wait3A_1160 = arith.constant 0 : i32
      %dma_wait3A_1161 = tpu.memref_slice %arg12[%mul3A_15, %dma_wait3A_1160] : memref<10000x64xf32, #tpu.memory_space<vmem_shared>> -> memref<625x64xf32, #tpu.memory_space<vmem_shared>>
      %dma_wait3A_1162 = tpu.memref_slice %arg6[%mul3A_15, %mul3A_17] : memref<10000x128xf32, #tpu.memory_space<hbm>> -> memref<625x64xf32, #tpu.memory_space<hbm>>
      tpu.wait_dma2 semaphore(%run_scoped3A : memref<!tpu.dma_semaphore, #tpu.memory_space<semaphore_mem>>) src(%dma_wait3A_1162 : memref<625x64xf32, #tpu.memory_space<hbm>>) dst(%dma_wait3A_1161 : memref<625x64xf32, #tpu.memory_space<vmem_shared>>)
      tpu.yield
    }) : () -> ()
    %mul3A_18 = arith.constant 80 : i32
    %mul3A_19 = arith.muli %arg1, %mul3A_18 : i32
    %add3A = arith.constant 0 : i32
    %add3A_20 = arith.addi %mul3A_19, %add3A : i32
    %mul3A_21 = arith.constant 8 : i32
    %mul3A_22 = arith.muli %add3A_20, %mul3A_21 : i32
    "tpu.region"() ({
      %run_scoped3A = tpu.sem_alloc : memref<!tpu.dma_semaphore, #tpu.memory_space<semaphore_mem>>
      %dma_start3A_1157 = arith.constant 0 : i32
      %dma_start3A_1158 = tpu.memref_slice %arg13[%mul3A_22, %dma_start3A_1157] : memref<10240x64xf32, #tpu.memory_space<vmem_shared>> -> memref<8x64xf32, #tpu.memory_space<vmem_shared>>
      %dma_start3A_1159 = arith.constant 0 : i32
      %dma_start3A_1160 = tpu.memref_slice %arg13[%mul3A_22, %dma_start3A_1159] : memref<10240x64xf32, #tpu.memory_space<vmem_shared>> -> memref<8x64xf32, #tpu.memory_space<vmem_shared>>
      tpu.enqueue_dma source(%arg11 : memref<8x64xf32, #tpu.memory_space<vmem>>) target(%dma_start3A_1160 : memref<8x64xf32, #tpu.memory_space<vmem_shared>>) target_semaphore(%run_scoped3A : memref<!tpu.dma_semaphore, #tpu.memory_space<semaphore_mem>>)
      %dma_wait3A_1161 = arith.constant 0 : i32
      %dma_wait3A_1162 = tpu.memref_slice %arg13[%mul3A_22, %dma_wait3A_1161] : memref<10240x64xf32, #tpu.memory_space<vmem_shared>> -> memref<8x64xf32, #tpu.memory_space<vmem_shared>>
      %dma_wait3A_1163 = arith.constant 0 : i32
      %dma_wait3A_1164 = tpu.memref_slice %arg13[%mul3A_22, %dma_wait3A_1163] : memref<10240x64xf32, #tpu.memory_space<vmem_shared>> -> memref<8x64xf32, #tpu.memory_space<vmem_shared>>
      tpu.wait_dma2 semaphore(%run_scoped3A : memref<!tpu.dma_semaphore, #tpu.memory_space<semaphore_mem>>) src(%arg11 : memref<8x64xf32, #tpu.memory_space<vmem>>) dst(%dma_wait3A_1164 : memref<8x64xf32, #tpu.memory_space<vmem_shared>>)
      tpu.yield
    }) : () -> ()
    %mul3A_23 = arith.constant 80 : i32
    %mul3A_24 = arith.muli %arg1, %mul3A_23 : i32
    %add3A_25 = arith.constant 1 : i32
    %add3A_26 = arith.addi %mul3A_24, %add3A_25 : i32
    %mul3A_27 = arith.constant 8 : i32
    %mul3A_28 = arith.muli %add3A_26, %mul3A_27 : i32
    "tpu.region"() ({
      %run_scoped3A = tpu.sem_alloc : memref<!tpu.dma_semaphore, #tpu.memory_space<semaphore_mem>>
      %dma_start3A_1157 = arith.constant 0 : i32
      %dma_start3A_1158 = tpu.memref_slice %arg13[%mul3A_28, %dma_start3A_1157] : memref<10240x64xf32, #tpu.memory_space<vmem_shared>> -> memref<8x64xf32, #tpu.memory_space<vmem_shared>>
      %dma_start3A_1159 = arith.constant 0 : i32
      %dma_start3A_1160 = tpu.memref_slice %arg13[%mul3A_28, %dma_start3A_1159] : memref<10240x64xf32, #tpu.memory_space<vmem_shared>> -> memref<8x64xf32, #tpu.memory_space<vmem_shared>>
      tpu.enqueue_dma source(%arg11 : memref<8x64xf32, #tpu.memory_space<vmem>>) target(%dma_start3A_1160 : memref<8x64xf32, #tpu.memory_space<vmem_shared>>) target_semaphore(%run_scoped3A : memref<!tpu.dma_semaphore, #tpu.memory_space<semaphore_mem>>)
      %dma_wait3A_1161 = arith.constant 0 : i32
      %dma_wait3A_1162 = tpu.memref_slice %arg13[%mul3A_28, %dma_wait3A_1161] : memref<10240x64xf32, #tpu.memory_space<vmem_shared>> -> memref<8x64xf32, #tpu.memory_space<vmem_shared>>
      %dma_wait3A_1163 = arith.constant 0 : i32
      %dma_wait3A_1164 = tpu.memref_slice %arg13[%mul3A_28, %dma_wait3A_1163] : memref<10240x64xf32, #tpu.memory_space<vmem_shared>> -> memref<8x64xf32, #tpu.memory_space<vmem_shared>>
      tpu.wait_dma2 semaphore(%run_scoped3A : memref<!tpu.dma_semaphore, #tpu.memory_space<semaphore_mem>>) src(%arg11 : memref<8x64xf32, #tpu.memory_space<vmem>>) dst(%dma_wait3A_1164 : memref<8x64xf32, #tpu.memory_space<vmem_shared>>)
      tpu.yield
    }) : () -> ()
    %mul3A_29 = arith.constant 80 : i32
    %mul3A_30 = arith.muli %arg1, %mul3A_29 : i32
    %add3A_31 = arith.constant 2 : i32
    %add3A_32 = arith.addi %mul3A_30, %add3A_31 : i32
    %mul3A_33 = arith.constant 8 : i32
    %mul3A_34 = arith.muli %add3A_32, %mul3A_33 : i32
    "tpu.region"() ({
      %run_scoped3A = tpu.sem_alloc : memref<!tpu.dma_semaphore, #tpu.memory_space<semaphore_mem>>
      %dma_start3A_1157 = arith.constant 0 : i32
      %dma_start3A_1158 = tpu.memref_slice %arg13[%mul3A_34, %dma_start3A_1157] : memref<10240x64xf32, #tpu.memory_space<vmem_shared>> -> memref<8x64xf32, #tpu.memory_space<vmem_shared>>
      %dma_start3A_1159 = arith.constant 0 : i32
      %dma_start3A_1160 = tpu.memref_slice %arg13[%mul3A_34, %dma_start3A_1159] : memref<10240x64xf32, #tpu.memory_space<vmem_shared>> -> memref<8x64xf32, #tpu.memory_space<vmem_shared>>
      tpu.enqueue_dma source(%arg11 : memref<8x64xf32, #tpu.memory_space<vmem>>) target(%dma_start3A_1160 : memref<8x64xf32, #tpu.memory_space<vmem_shared>>) target_semaphore(%run_scoped3A : memref<!tpu.dma_semaphore, #tpu.memory_space<semaphore_mem>>)
      %dma_wait3A_1161 = arith.constant 0 : i32
      %dma_wait3A_1162 = tpu.memref_slice %arg13[%mul3A_34, %dma_wait3A_1161] : memref<10240x64xf32, #tpu.memory_space<vmem_shared>> -> memref<8x64xf32, #tpu.memory_space<vmem_shared>>
      %dma_wait3A_1163 = arith.constant 0 : i32
      %dma_wait3A_1164 = tpu.memref_slice %arg13[%mul3A_34, %dma_wait3A_1163] : memref<10240x64xf32, #tpu.memory_space<vmem_shared>> -> memref<8x64xf32, #tpu.memory_space<vmem_shared>>
      tpu.wait_dma2 semaphore(%run_scoped3A : memref<!tpu.dma_semaphore, #tpu.memory_space<semaphore_mem>>) src(%arg11 : memref<8x64xf32, #tpu.memory_space<vmem>>) dst(%dma_wait3A_1164 : memref<8x64xf32, #tpu.memory_space<vmem_shared>>)
      tpu.yield
    }) : () -> ()
    %mul3A_35 = arith.constant 80 : i32
    %mul3A_36 = arith.muli %arg1, %mul3A_35 : i32
    %add3A_37 = arith.constant 3 : i32
    %add3A_38 = arith.addi %mul3A_36, %add3A_37 : i32
    %mul3A_39 = arith.constant 8 : i32
    %mul3A_40 = arith.muli %add3A_38, %mul3A_39 : i32
    "tpu.region"() ({
      %run_scoped3A = tpu.sem_alloc : memref<!tpu.dma_semaphore, #tpu.memory_space<semaphore_mem>>
      %dma_start3A_1157 = arith.constant 0 : i32
      %dma_start3A_1158 = tpu.memref_slice %arg13[%mul3A_40, %dma_start3A_1157] : memref<10240x64xf32, #tpu.memory_space<vmem_shared>> -> memref<8x64xf32, #tpu.memory_space<vmem_shared>>
      %dma_start3A_1159 = arith.constant 0 : i32
      %dma_start3A_1160 = tpu.memref_slice %arg13[%mul3A_40, %dma_start3A_1159] : memref<10240x64xf32, #tpu.memory_space<vmem_shared>> -> memref<8x64xf32, #tpu.memory_space<vmem_shared>>
      tpu.enqueue_dma source(%arg11 : memref<8x64xf32, #tpu.memory_space<vmem>>) target(%dma_start3A_1160 : memref<8x64xf32, #tpu.memory_space<vmem_shared>>) target_semaphore(%run_scoped3A : memref<!tpu.dma_semaphore, #tpu.memory_space<semaphore_mem>>)
      %dma_wait3A_1161 = arith.constant 0 : i32
      %dma_wait3A_1162 = tpu.memref_slice %arg13[%mul3A_40, %dma_wait3A_1161] : memref<10240x64xf32, #tpu.memory_space<vmem_shared>> -> memref<8x64xf32, #tpu.memory_space<vmem_shared>>
      %dma_wait3A_1163 = arith.constant 0 : i32
      %dma_wait3A_1164 = tpu.memref_slice %arg13[%mul3A_40, %dma_wait3A_1163] : memref<10240x64xf32, #tpu.memory_space<vmem_shared>> -> memref<8x64xf32, #tpu.memory_space<vmem_shared>>
      tpu.wait_dma2 semaphore(%run_scoped3A : memref<!tpu.dma_semaphore, #tpu.memory_space<semaphore_mem>>) src(%arg11 : memref<8x64xf32, #tpu.memory_space<vmem>>) dst(%dma_wait3A_1164 : memref<8x64xf32, #tpu.memory_space<vmem_shared>>)
      tpu.yield
    }) : () -> ()
    %mul3A_41 = arith.constant 80 : i32
    %mul3A_42 = arith.muli %arg1, %mul3A_41 : i32
    %add3A_43 = arith.constant 4 : i32
    %add3A_44 = arith.addi %mul3A_42, %add3A_43 : i32
    %mul3A_45 = arith.constant 8 : i32
    %mul3A_46 = arith.muli %add3A_44, %mul3A_45 : i32
    "tpu.region"() ({
      %run_scoped3A = tpu.sem_alloc : memref<!tpu.dma_semaphore, #tpu.memory_space<semaphore_mem>>
      %dma_start3A_1157 = arith.constant 0 : i32
      %dma_start3A_1158 = tpu.memref_slice %arg13[%mul3A_46, %dma_start3A_1157] : memref<10240x64xf32, #tpu.memory_space<vmem_shared>> -> memref<8x64xf32, #tpu.memory_space<vmem_shared>>
      %dma_start3A_1159 = arith.constant 0 : i32
      %dma_start3A_1160 = tpu.memref_slice %arg13[%mul3A_46, %dma_start3A_1159] : memref<10240x64xf32, #tpu.memory_space<vmem_shared>> -> memref<8x64xf32, #tpu.memory_space<vmem_shared>>
      tpu.enqueue_dma source(%arg11 : memref<8x64xf32, #tpu.memory_space<vmem>>) target(%dma_start3A_1160 : memref<8x64xf32, #tpu.memory_space<vmem_shared>>) target_semaphore(%run_scoped3A : memref<!tpu.dma_semaphore, #tpu.memory_space<semaphore_mem>>)
      %dma_wait3A_1161 = arith.constant 0 : i32
      %dma_wait3A_1162 = tpu.memref_slice %arg13[%mul3A_46, %dma_wait3A_1161] : memref<10240x64xf32, #tpu.memory_space<vmem_shared>> -> memref<8x64xf32, #tpu.memory_space<vmem_shared>>
      %dma_wait3A_1163 = arith.constant 0 : i32
      %dma_wait3A_1164 = tpu.memref_slice %arg13[%mul3A_46, %dma_wait3A_1163] : memref<10240x64xf32, #tpu.memory_space<vmem_shared>> -> memref<8x64xf32, #tpu.memory_space<vmem_shared>>
      tpu.wait_dma2 semaphore(%run_scoped3A : memref<!tpu.dma_semaphore, #tpu.memory_space<semaphore_mem>>) src(%arg11 : memref<8x64xf32, #tpu.memory_space<vmem>>) dst(%dma_wait3A_1164 : memref<8x64xf32, #tpu.memory_space<vmem_shared>>)
      tpu.yield
    }) : () -> ()
    %mul3A_47 = arith.constant 80 : i32
    %mul3A_48 = arith.muli %arg1, %mul3A_47 : i32
    %add3A_49 = arith.constant 5 : i32
    %add3A_50 = arith.addi %mul3A_48, %add3A_49 : i32
    %mul3A_51 = arith.constant 8 : i32
    %mul3A_52 = arith.muli %add3A_50, %mul3A_51 : i32
    "tpu.region"() ({
      %run_scoped3A = tpu.sem_alloc : memref<!tpu.dma_semaphore, #tpu.memory_space<semaphore_mem>>
      %dma_start3A_1157 = arith.constant 0 : i32
      %dma_start3A_1158 = tpu.memref_slice %arg13[%mul3A_52, %dma_start3A_1157] : memref<10240x64xf32, #tpu.memory_space<vmem_shared>> -> memref<8x64xf32, #tpu.memory_space<vmem_shared>>
      %dma_start3A_1159 = arith.constant 0 : i32
      %dma_start3A_1160 = tpu.memref_slice %arg13[%mul3A_52, %dma_start3A_1159] : memref<10240x64xf32, #tpu.memory_space<vmem_shared>> -> memref<8x64xf32, #tpu.memory_space<vmem_shared>>
      tpu.enqueue_dma source(%arg11 : memref<8x64xf32, #tpu.memory_space<vmem>>) target(%dma_start3A_1160 : memref<8x64xf32, #tpu.memory_space<vmem_shared>>) target_semaphore(%run_scoped3A : memref<!tpu.dma_semaphore, #tpu.memory_space<semaphore_mem>>)
      %dma_wait3A_1161 = arith.constant 0 : i32
      %dma_wait3A_1162 = tpu.memref_slice %arg13[%mul3A_52, %dma_wait3A_1161] : memref<10240x64xf32, #tpu.memory_space<vmem_shared>> -> memref<8x64xf32, #tpu.memory_space<vmem_shared>>
      %dma_wait3A_1163 = arith.constant 0 : i32
      %dma_wait3A_1164 = tpu.memref_slice %arg13[%mul3A_52, %dma_wait3A_1163] : memref<10240x64xf32, #tpu.memory_space<vmem_shared>> -> memref<8x64xf32, #tpu.memory_space<vmem_shared>>
      tpu.wait_dma2 semaphore(%run_scoped3A : memref<!tpu.dma_semaphore, #tpu.memory_space<semaphore_mem>>) src(%arg11 : memref<8x64xf32, #tpu.memory_space<vmem>>) dst(%dma_wait3A_1164 : memref<8x64xf32, #tpu.memory_space<vmem_shared>>)
      tpu.yield
    }) : () -> ()
    %mul3A_53 = arith.constant 80 : i32
    %mul3A_54 = arith.muli %arg1, %mul3A_53 : i32
    %add3A_55 = arith.constant 6 : i32
    %add3A_56 = arith.addi %mul3A_54, %add3A_55 : i32
    %mul3A_57 = arith.constant 8 : i32
    %mul3A_58 = arith.muli %add3A_56, %mul3A_57 : i32
    "tpu.region"() ({
      %run_scoped3A = tpu.sem_alloc : memref<!tpu.dma_semaphore, #tpu.memory_space<semaphore_mem>>
      %dma_start3A_1157 = arith.constant 0 : i32
      %dma_start3A_1158 = tpu.memref_slice %arg13[%mul3A_58, %dma_start3A_1157] : memref<10240x64xf32, #tpu.memory_space<vmem_shared>> -> memref<8x64xf32, #tpu.memory_space<vmem_shared>>
      %dma_start3A_1159 = arith.constant 0 : i32
      %dma_start3A_1160 = tpu.memref_slice %arg13[%mul3A_58, %dma_start3A_1159] : memref<10240x64xf32, #tpu.memory_space<vmem_shared>> -> memref<8x64xf32, #tpu.memory_space<vmem_shared>>
      tpu.enqueue_dma source(%arg11 : memref<8x64xf32, #tpu.memory_space<vmem>>) target(%dma_start3A_1160 : memref<8x64xf32, #tpu.memory_space<vmem_shared>>) target_semaphore(%run_scoped3A : memref<!tpu.dma_semaphore, #tpu.memory_space<semaphore_mem>>)
      %dma_wait3A_1161 = arith.constant 0 : i32
      %dma_wait3A_1162 = tpu.memref_slice %arg13[%mul3A_58, %dma_wait3A_1161] : memref<10240x64xf32, #tpu.memory_space<vmem_shared>> -> memref<8x64xf32, #tpu.memory_space<vmem_shared>>
      %dma_wait3A_1163 = arith.constant 0 : i32
      %dma_wait3A_1164 = tpu.memref_slice %arg13[%mul3A_58, %dma_wait3A_1163] : memref<10240x64xf32, #tpu.memory_space<vmem_shared>> -> memref<8x64xf32, #tpu.memory_space<vmem_shared>>
      tpu.wait_dma2 semaphore(%run_scoped3A : memref<!tpu.dma_semaphore, #tpu.memory_space<semaphore_mem>>) src(%arg11 : memref<8x64xf32, #tpu.memory_space<vmem>>) dst(%dma_wait3A_1164 : memref<8x64xf32, #tpu.memory_space<vmem_shared>>)
      tpu.yield
    }) : () -> ()
    %mul3A_59 = arith.constant 80 : i32
    %mul3A_60 = arith.muli %arg1, %mul3A_59 : i32
    %add3A_61 = arith.constant 7 : i32
    %add3A_62 = arith.addi %mul3A_60, %add3A_61 : i32
    %mul3A_63 = arith.constant 8 : i32
    %mul3A_64 = arith.muli %add3A_62, %mul3A_63 : i32
    "tpu.region"() ({
      %run_scoped3A = tpu.sem_alloc : memref<!tpu.dma_semaphore, #tpu.memory_space<semaphore_mem>>
      %dma_start3A_1157 = arith.constant 0 : i32
      %dma_start3A_1158 = tpu.memref_slice %arg13[%mul3A_64, %dma_start3A_1157] : memref<10240x64xf32, #tpu.memory_space<vmem_shared>> -> memref<8x64xf32, #tpu.memory_space<vmem_shared>>
      %dma_start3A_1159 = arith.constant 0 : i32
      %dma_start3A_1160 = tpu.memref_slice %arg13[%mul3A_64, %dma_start3A_1159] : memref<10240x64xf32, #tpu.memory_space<vmem_shared>> -> memref<8x64xf32, #tpu.memory_space<vmem_shared>>
      tpu.enqueue_dma source(%arg11 : memref<8x64xf32, #tpu.memory_space<vmem>>) target(%dma_start3A_1160 : memref<8x64xf32, #tpu.memory_space<vmem_shared>>) target_semaphore(%run_scoped3A : memref<!tpu.dma_semaphore, #tpu.memory_space<semaphore_mem>>)
      %dma_wait3A_1161 = arith.constant 0 : i32
      %dma_wait3A_1162 = tpu.memref_slice %arg13[%mul3A_64, %dma_wait3A_1161] : memref<10240x64xf32, #tpu.memory_space<vmem_shared>> -> memref<8x64xf32, #tpu.memory_space<vmem_shared>>
      %dma_wait3A_1163 = arith.constant 0 : i32
      %dma_wait3A_1164 = tpu.memref_slice %arg13[%mul3A_64, %dma_wait3A_1163] : memref<10240x64xf32, #tpu.memory_space<vmem_shared>> -> memref<8x64xf32, #tpu.memory_space<vmem_shared>>
      tpu.wait_dma2 semaphore(%run_scoped3A : memref<!tpu.dma_semaphore, #tpu.memory_space<semaphore_mem>>) src(%arg11 : memref<8x64xf32, #tpu.memory_space<vmem>>) dst(%dma_wait3A_1164 : memref<8x64xf32, #tpu.memory_space<vmem_shared>>)
      tpu.yield
    }) : () -> ()
    %mul3A_65 = arith.constant 80 : i32
    %mul3A_66 = arith.muli %arg1, %mul3A_65 : i32
    %add3A_67 = arith.constant 8 : i32
    %add3A_68 = arith.addi %mul3A_66, %add3A_67 : i32
    %mul3A_69 = arith.constant 8 : i32
    %mul3A_70 = arith.muli %add3A_68, %mul3A_69 : i32
    "tpu.region"() ({
      %run_scoped3A = tpu.sem_alloc : memref<!tpu.dma_semaphore, #tpu.memory_space<semaphore_mem>>
      %dma_start3A_1157 = arith.constant 0 : i32
      %dma_start3A_1158 = tpu.memref_slice %arg13[%mul3A_70, %dma_start3A_1157] : memref<10240x64xf32, #tpu.memory_space<vmem_shared>> -> memref<8x64xf32, #tpu.memory_space<vmem_shared>>
      %dma_start3A_1159 = arith.constant 0 : i32
      %dma_start3A_1160 = tpu.memref_slice %arg13[%mul3A_70, %dma_start3A_1159] : memref<10240x64xf32, #tpu.memory_space<vmem_shared>> -> memref<8x64xf32, #tpu.memory_space<vmem_shared>>
      tpu.enqueue_dma source(%arg11 : memref<8x64xf32, #tpu.memory_space<vmem>>) target(%dma_start3A_1160 : memref<8x64xf32, #tpu.memory_space<vmem_shared>>) target_semaphore(%run_scoped3A : memref<!tpu.dma_semaphore, #tpu.memory_space<semaphore_mem>>)
      %dma_wait3A_1161 = arith.constant 0 : i32
      %dma_wait3A_1162 = tpu.memref_slice %arg13[%mul3A_70, %dma_wait3A_1161] : memref<10240x64xf32, #tpu.memory_space<vmem_shared>> -> memref<8x64xf32, #tpu.memory_space<vmem_shared>>
      %dma_wait3A_1163 = arith.constant 0 : i32
      %dma_wait3A_1164 = tpu.memref_slice %arg13[%mul3A_70, %dma_wait3A_1163] : memref<10240x64xf32, #tpu.memory_space<vmem_shared>> -> memref<8x64xf32, #tpu.memory_space<vmem_shared>>
      tpu.wait_dma2 semaphore(%run_scoped3A : memref<!tpu.dma_semaphore, #tpu.memory_space<semaphore_mem>>) src(%arg11 : memref<8x64xf32, #tpu.memory_space<vmem>>) dst(%dma_wait3A_1164 : memref<8x64xf32, #tpu.memory_space<vmem_shared>>)
      tpu.yield
    }) : () -> ()
    %mul3A_71 = arith.constant 80 : i32
    %mul3A_72 = arith.muli %arg1, %mul3A_71 : i32
    %add3A_73 = arith.constant 9 : i32
    %add3A_74 = arith.addi %mul3A_72, %add3A_73 : i32
    %mul3A_75 = arith.constant 8 : i32
    %mul3A_76 = arith.muli %add3A_74, %mul3A_75 : i32
    "tpu.region"() ({
      %run_scoped3A = tpu.sem_alloc : memref<!tpu.dma_semaphore, #tpu.memory_space<semaphore_mem>>
      %dma_start3A_1157 = arith.constant 0 : i32
      %dma_start3A_1158 = tpu.memref_slice %arg13[%mul3A_76, %dma_start3A_1157] : memref<10240x64xf32, #tpu.memory_space<vmem_shared>> -> memref<8x64xf32, #tpu.memory_space<vmem_shared>>
      %dma_start3A_1159 = arith.constant 0 : i32
      %dma_start3A_1160 = tpu.memref_slice %arg13[%mul3A_76, %dma_start3A_1159] : memref<10240x64xf32, #tpu.memory_space<vmem_shared>> -> memref<8x64xf32, #tpu.memory_space<vmem_shared>>
      tpu.enqueue_dma source(%arg11 : memref<8x64xf32, #tpu.memory_space<vmem>>) target(%dma_start3A_1160 : memref<8x64xf32, #tpu.memory_space<vmem_shared>>) target_semaphore(%run_scoped3A : memref<!tpu.dma_semaphore, #tpu.memory_space<semaphore_mem>>)
      %dma_wait3A_1161 = arith.constant 0 : i32
      %dma_wait3A_1162 = tpu.memref_slice %arg13[%mul3A_76, %dma_wait3A_1161] : memref<10240x64xf32, #tpu.memory_space<vmem_shared>> -> memref<8x64xf32, #tpu.memory_space<vmem_shared>>
      %dma_wait3A_1163 = arith.constant 0 : i32
      %dma_wait3A_1164 = tpu.memref_slice %arg13[%mul3A_76, %dma_wait3A_1163] : memref<10240x64xf32, #tpu.memory_space<vmem_shared>> -> memref<8x64xf32, #tpu.memory_space<vmem_shared>>
      tpu.wait_dma2 semaphore(%run_scoped3A : memref<!tpu.dma_semaphore, #tpu.memory_space<semaphore_mem>>) src(%arg11 : memref<8x64xf32, #tpu.memory_space<vmem>>) dst(%dma_wait3A_1164 : memref<8x64xf32, #tpu.memory_space<vmem_shared>>)
      tpu.yield
    }) : () -> ()
    %mul3A_77 = arith.constant 80 : i32
    %mul3A_78 = arith.muli %arg1, %mul3A_77 : i32
    %add3A_79 = arith.constant 10 : i32
    %add3A_80 = arith.addi %mul3A_78, %add3A_79 : i32
    %mul3A_81 = arith.constant 8 : i32
    %mul3A_82 = arith.muli %add3A_80, %mul3A_81 : i32
    "tpu.region"() ({
      %run_scoped3A = tpu.sem_alloc : memref<!tpu.dma_semaphore, #tpu.memory_space<semaphore_mem>>
      %dma_start3A_1157 = arith.constant 0 : i32
      %dma_start3A_1158 = tpu.memref_slice %arg13[%mul3A_82, %dma_start3A_1157] : memref<10240x64xf32, #tpu.memory_space<vmem_shared>> -> memref<8x64xf32, #tpu.memory_space<vmem_shared>>
      %dma_start3A_1159 = arith.constant 0 : i32
      %dma_start3A_1160 = tpu.memref_slice %arg13[%mul3A_82, %dma_start3A_1159] : memref<10240x64xf32, #tpu.memory_space<vmem_shared>> -> memref<8x64xf32, #tpu.memory_space<vmem_shared>>
      tpu.enqueue_dma source(%arg11 : memref<8x64xf32, #tpu.memory_space<vmem>>) target(%dma_start3A_1160 : memref<8x64xf32, #tpu.memory_space<vmem_shared>>) target_semaphore(%run_scoped3A : memref<!tpu.dma_semaphore, #tpu.memory_space<semaphore_mem>>)
      %dma_wait3A_1161 = arith.constant 0 : i32
      %dma_wait3A_1162 = tpu.memref_slice %arg13[%mul3A_82, %dma_wait3A_1161] : memref<10240x64xf32, #tpu.memory_space<vmem_shared>> -> memref<8x64xf32, #tpu.memory_space<vmem_shared>>
      %dma_wait3A_1163 = arith.constant 0 : i32
      %dma_wait3A_1164 = tpu.memref_slice %arg13[%mul3A_82, %dma_wait3A_1163] : memref<10240x64xf32, #tpu.memory_space<vmem_shared>> -> memref<8x64xf32, #tpu.memory_space<vmem_shared>>
      tpu.wait_dma2 semaphore(%run_scoped3A : memref<!tpu.dma_semaphore, #tpu.memory_space<semaphore_mem>>) src(%arg11 : memref<8x64xf32, #tpu.memory_space<vmem>>) dst(%dma_wait3A_1164 : memref<8x64xf32, #tpu.memory_space<vmem_shared>>)
      tpu.yield
    }) : () -> ()
    %mul3A_83 = arith.constant 80 : i32
    %mul3A_84 = arith.muli %arg1, %mul3A_83 : i32
    %add3A_85 = arith.constant 11 : i32
    %add3A_86 = arith.addi %mul3A_84, %add3A_85 : i32
    %mul3A_87 = arith.constant 8 : i32
    %mul3A_88 = arith.muli %add3A_86, %mul3A_87 : i32
    "tpu.region"() ({
      %run_scoped3A = tpu.sem_alloc : memref<!tpu.dma_semaphore, #tpu.memory_space<semaphore_mem>>
      %dma_start3A_1157 = arith.constant 0 : i32
      %dma_start3A_1158 = tpu.memref_slice %arg13[%mul3A_88, %dma_start3A_1157] : memref<10240x64xf32, #tpu.memory_space<vmem_shared>> -> memref<8x64xf32, #tpu.memory_space<vmem_shared>>
      %dma_start3A_1159 = arith.constant 0 : i32
      %dma_start3A_1160 = tpu.memref_slice %arg13[%mul3A_88, %dma_start3A_1159] : memref<10240x64xf32, #tpu.memory_space<vmem_shared>> -> memref<8x64xf32, #tpu.memory_space<vmem_shared>>
      tpu.enqueue_dma source(%arg11 : memref<8x64xf32, #tpu.memory_space<vmem>>) target(%dma_start3A_1160 : memref<8x64xf32, #tpu.memory_space<vmem_shared>>) target_semaphore(%run_scoped3A : memref<!tpu.dma_semaphore, #tpu.memory_space<semaphore_mem>>)
      %dma_wait3A_1161 = arith.constant 0 : i32
      %dma_wait3A_1162 = tpu.memref_slice %arg13[%mul3A_88, %dma_wait3A_1161] : memref<10240x64xf32, #tpu.memory_space<vmem_shared>> -> memref<8x64xf32, #tpu.memory_space<vmem_shared>>
      %dma_wait3A_1163 = arith.constant 0 : i32
      %dma_wait3A_1164 = tpu.memref_slice %arg13[%mul3A_88, %dma_wait3A_1163] : memref<10240x64xf32, #tpu.memory_space<vmem_shared>> -> memref<8x64xf32, #tpu.memory_space<vmem_shared>>
      tpu.wait_dma2 semaphore(%run_scoped3A : memref<!tpu.dma_semaphore, #tpu.memory_space<semaphore_mem>>) src(%arg11 : memref<8x64xf32, #tpu.memory_space<vmem>>) dst(%dma_wait3A_1164 : memref<8x64xf32, #tpu.memory_space<vmem_shared>>)
      tpu.yield
    }) : () -> ()
    %mul3A_89 = arith.constant 80 : i32
    %mul3A_90 = arith.muli %arg1, %mul3A_89 : i32
    %add3A_91 = arith.constant 12 : i32
    %add3A_92 = arith.addi %mul3A_90, %add3A_91 : i32
    %mul3A_93 = arith.constant 8 : i32
    %mul3A_94 = arith.muli %add3A_92, %mul3A_93 : i32
    "tpu.region"() ({
      %run_scoped3A = tpu.sem_alloc : memref<!tpu.dma_semaphore, #tpu.memory_space<semaphore_mem>>
      %dma_start3A_1157 = arith.constant 0 : i32
      %dma_start3A_1158 = tpu.memref_slice %arg13[%mul3A_94, %dma_start3A_1157] : memref<10240x64xf32, #tpu.memory_space<vmem_shared>> -> memref<8x64xf32, #tpu.memory_space<vmem_shared>>
      %dma_start3A_1159 = arith.constant 0 : i32
      %dma_start3A_1160 = tpu.memref_slice %arg13[%mul3A_94, %dma_start3A_1159] : memref<10240x64xf32, #tpu.memory_space<vmem_shared>> -> memref<8x64xf32, #tpu.memory_space<vmem_shared>>
      tpu.enqueue_dma source(%arg11 : memref<8x64xf32, #tpu.memory_space<vmem>>) target(%dma_start3A_1160 : memref<8x64xf32, #tpu.memory_space<vmem_shared>>) target_semaphore(%run_scoped3A : memref<!tpu.dma_semaphore, #tpu.memory_space<semaphore_mem>>)
      %dma_wait3A_1161 = arith.constant 0 : i32
      %dma_wait3A_1162 = tpu.memref_slice %arg13[%mul3A_94, %dma_wait3A_1161] : memref<10240x64xf32, #tpu.memory_space<vmem_shared>> -> memref<8x64xf32, #tpu.memory_space<vmem_shared>>
      %dma_wait3A_1163 = arith.constant 0 : i32
      %dma_wait3A_1164 = tpu.memref_slice %arg13[%mul3A_94, %dma_wait3A_1163] : memref<10240x64xf32, #tpu.memory_space<vmem_shared>> -> memref<8x64xf32, #tpu.memory_space<vmem_shared>>
      tpu.wait_dma2 semaphore(%run_scoped3A : memref<!tpu.dma_semaphore, #tpu.memory_space<semaphore_mem>>) src(%arg11 : memref<8x64xf32, #tpu.memory_space<vmem>>) dst(%dma_wait3A_1164 : memref<8x64xf32, #tpu.memory_space<vmem_shared>>)
      tpu.yield
    }) : () -> ()
    %mul3A_95 = arith.constant 80 : i32
    %mul3A_96 = arith.muli %arg1, %mul3A_95 : i32
    %add3A_97 = arith.constant 13 : i32
    %add3A_98 = arith.addi %mul3A_96, %add3A_97 : i32
    %mul3A_99 = arith.constant 8 : i32
    %mul3A_100 = arith.muli %add3A_98, %mul3A_99 : i32
    "tpu.region"() ({
      %run_scoped3A = tpu.sem_alloc : memref<!tpu.dma_semaphore, #tpu.memory_space<semaphore_mem>>
      %dma_start3A_1157 = arith.constant 0 : i32
      %dma_start3A_1158 = tpu.memref_slice %arg13[%mul3A_100, %dma_start3A_1157] : memref<10240x64xf32, #tpu.memory_space<vmem_shared>> -> memref<8x64xf32, #tpu.memory_space<vmem_shared>>
      %dma_start3A_1159 = arith.constant 0 : i32
      %dma_start3A_1160 = tpu.memref_slice %arg13[%mul3A_100, %dma_start3A_1159] : memref<10240x64xf32, #tpu.memory_space<vmem_shared>> -> memref<8x64xf32, #tpu.memory_space<vmem_shared>>
      tpu.enqueue_dma source(%arg11 : memref<8x64xf32, #tpu.memory_space<vmem>>) target(%dma_start3A_1160 : memref<8x64xf32, #tpu.memory_space<vmem_shared>>) target_semaphore(%run_scoped3A : memref<!tpu.dma_semaphore, #tpu.memory_space<semaphore_mem>>)
      %dma_wait3A_1161 = arith.constant 0 : i32
      %dma_wait3A_1162 = tpu.memref_slice %arg13[%mul3A_100, %dma_wait3A_1161] : memref<10240x64xf32, #tpu.memory_space<vmem_shared>> -> memref<8x64xf32, #tpu.memory_space<vmem_shared>>
      %dma_wait3A_1163 = arith.constant 0 : i32
      %dma_wait3A_1164 = tpu.memref_slice %arg13[%mul3A_100, %dma_wait3A_1163] : memref<10240x64xf32, #tpu.memory_space<vmem_shared>> -> memref<8x64xf32, #tpu.memory_space<vmem_shared>>
      tpu.wait_dma2 semaphore(%run_scoped3A : memref<!tpu.dma_semaphore, #tpu.memory_space<semaphore_mem>>) src(%arg11 : memref<8x64xf32, #tpu.memory_space<vmem>>) dst(%dma_wait3A_1164 : memref<8x64xf32, #tpu.memory_space<vmem_shared>>)
      tpu.yield
    }) : () -> ()
    %mul3A_101 = arith.constant 80 : i32
    %mul3A_102 = arith.muli %arg1, %mul3A_101 : i32
    %add3A_103 = arith.constant 14 : i32
    %add3A_104 = arith.addi %mul3A_102, %add3A_103 : i32
    %mul3A_105 = arith.constant 8 : i32
    %mul3A_106 = arith.muli %add3A_104, %mul3A_105 : i32
    "tpu.region"() ({
      %run_scoped3A = tpu.sem_alloc : memref<!tpu.dma_semaphore, #tpu.memory_space<semaphore_mem>>
      %dma_start3A_1157 = arith.constant 0 : i32
      %dma_start3A_1158 = tpu.memref_slice %arg13[%mul3A_106, %dma_start3A_1157] : memref<10240x64xf32, #tpu.memory_space<vmem_shared>> -> memref<8x64xf32, #tpu.memory_space<vmem_shared>>
      %dma_start3A_1159 = arith.constant 0 : i32
      %dma_start3A_1160 = tpu.memref_slice %arg13[%mul3A_106, %dma_start3A_1159] : memref<10240x64xf32, #tpu.memory_space<vmem_shared>> -> memref<8x64xf32, #tpu.memory_space<vmem_shared>>
      tpu.enqueue_dma source(%arg11 : memref<8x64xf32, #tpu.memory_space<vmem>>) target(%dma_start3A_1160 : memref<8x64xf32, #tpu.memory_space<vmem_shared>>) target_semaphore(%run_scoped3A : memref<!tpu.dma_semaphore, #tpu.memory_space<semaphore_mem>>)
      %dma_wait3A_1161 = arith.constant 0 : i32
      %dma_wait3A_1162 = tpu.memref_slice %arg13[%mul3A_106, %dma_wait3A_1161] : memref<10240x64xf32, #tpu.memory_space<vmem_shared>> -> memref<8x64xf32, #tpu.memory_space<vmem_shared>>
      %dma_wait3A_1163 = arith.constant 0 : i32
      %dma_wait3A_1164 = tpu.memref_slice %arg13[%mul3A_106, %dma_wait3A_1163] : memref<10240x64xf32, #tpu.memory_space<vmem_shared>> -> memref<8x64xf32, #tpu.memory_space<vmem_shared>>
      tpu.wait_dma2 semaphore(%run_scoped3A : memref<!tpu.dma_semaphore, #tpu.memory_space<semaphore_mem>>) src(%arg11 : memref<8x64xf32, #tpu.memory_space<vmem>>) dst(%dma_wait3A_1164 : memref<8x64xf32, #tpu.memory_space<vmem_shared>>)
      tpu.yield
    }) : () -> ()
    %mul3A_107 = arith.constant 80 : i32
    %mul3A_108 = arith.muli %arg1, %mul3A_107 : i32
    %add3A_109 = arith.constant 15 : i32
    %add3A_110 = arith.addi %mul3A_108, %add3A_109 : i32
    %mul3A_111 = arith.constant 8 : i32
    %mul3A_112 = arith.muli %add3A_110, %mul3A_111 : i32
    "tpu.region"() ({
      %run_scoped3A = tpu.sem_alloc : memref<!tpu.dma_semaphore, #tpu.memory_space<semaphore_mem>>
      %dma_start3A_1157 = arith.constant 0 : i32
      %dma_start3A_1158 = tpu.memref_slice %arg13[%mul3A_112, %dma_start3A_1157] : memref<10240x64xf32, #tpu.memory_space<vmem_shared>> -> memref<8x64xf32, #tpu.memory_space<vmem_shared>>
      %dma_start3A_1159 = arith.constant 0 : i32
      %dma_start3A_1160 = tpu.memref_slice %arg13[%mul3A_112, %dma_start3A_1159] : memref<10240x64xf32, #tpu.memory_space<vmem_shared>> -> memref<8x64xf32, #tpu.memory_space<vmem_shared>>
      tpu.enqueue_dma source(%arg11 : memref<8x64xf32, #tpu.memory_space<vmem>>) target(%dma_start3A_1160 : memref<8x64xf32, #tpu.memory_space<vmem_shared>>) target_semaphore(%run_scoped3A : memref<!tpu.dma_semaphore, #tpu.memory_space<semaphore_mem>>)
      %dma_wait3A_1161 = arith.constant 0 : i32
      %dma_wait3A_1162 = tpu.memref_slice %arg13[%mul3A_112, %dma_wait3A_1161] : memref<10240x64xf32, #tpu.memory_space<vmem_shared>> -> memref<8x64xf32, #tpu.memory_space<vmem_shared>>
      %dma_wait3A_1163 = arith.constant 0 : i32
      %dma_wait3A_1164 = tpu.memref_slice %arg13[%mul3A_112, %dma_wait3A_1163] : memref<10240x64xf32, #tpu.memory_space<vmem_shared>> -> memref<8x64xf32, #tpu.memory_space<vmem_shared>>
      tpu.wait_dma2 semaphore(%run_scoped3A : memref<!tpu.dma_semaphore, #tpu.memory_space<semaphore_mem>>) src(%arg11 : memref<8x64xf32, #tpu.memory_space<vmem>>) dst(%dma_wait3A_1164 : memref<8x64xf32, #tpu.memory_space<vmem_shared>>)
      tpu.yield
    }) : () -> ()
    %mul3A_113 = arith.constant 80 : i32
    %mul3A_114 = arith.muli %arg1, %mul3A_113 : i32
    %add3A_115 = arith.constant 16 : i32
    %add3A_116 = arith.addi %mul3A_114, %add3A_115 : i32
    %mul3A_117 = arith.constant 8 : i32
    %mul3A_118 = arith.muli %add3A_116, %mul3A_117 : i32
    "tpu.region"() ({
      %run_scoped3A = tpu.sem_alloc : memref<!tpu.dma_semaphore, #tpu.memory_space<semaphore_mem>>
      %dma_start3A_1157 = arith.constant 0 : i32
      %dma_start3A_1158 = tpu.memref_slice %arg13[%mul3A_118, %dma_start3A_1157] : memref<10240x64xf32, #tpu.memory_space<vmem_shared>> -> memref<8x64xf32, #tpu.memory_space<vmem_shared>>
      %dma_start3A_1159 = arith.constant 0 : i32
      %dma_start3A_1160 = tpu.memref_slice %arg13[%mul3A_118, %dma_start3A_1159] : memref<10240x64xf32, #tpu.memory_space<vmem_shared>> -> memref<8x64xf32, #tpu.memory_space<vmem_shared>>
      tpu.enqueue_dma source(%arg11 : memref<8x64xf32, #tpu.memory_space<vmem>>) target(%dma_start3A_1160 : memref<8x64xf32, #tpu.memory_space<vmem_shared>>) target_semaphore(%run_scoped3A : memref<!tpu.dma_semaphore, #tpu.memory_space<semaphore_mem>>)
      %dma_wait3A_1161 = arith.constant 0 : i32
      %dma_wait3A_1162 = tpu.memref_slice %arg13[%mul3A_118, %dma_wait3A_1161] : memref<10240x64xf32, #tpu.memory_space<vmem_shared>> -> memref<8x64xf32, #tpu.memory_space<vmem_shared>>
      %dma_wait3A_1163 = arith.constant 0 : i32
      %dma_wait3A_1164 = tpu.memref_slice %arg13[%mul3A_118, %dma_wait3A_1163] : memref<10240x64xf32, #tpu.memory_space<vmem_shared>> -> memref<8x64xf32, #tpu.memory_space<vmem_shared>>
      tpu.wait_dma2 semaphore(%run_scoped3A : memref<!tpu.dma_semaphore, #tpu.memory_space<semaphore_mem>>) src(%arg11 : memref<8x64xf32, #tpu.memory_space<vmem>>) dst(%dma_wait3A_1164 : memref<8x64xf32, #tpu.memory_space<vmem_shared>>)
      tpu.yield
    }) : () -> ()
    %mul3A_119 = arith.constant 80 : i32
    %mul3A_120 = arith.muli %arg1, %mul3A_119 : i32
    %add3A_121 = arith.constant 17 : i32
    %add3A_122 = arith.addi %mul3A_120, %add3A_121 : i32
    %mul3A_123 = arith.constant 8 : i32
    %mul3A_124 = arith.muli %add3A_122, %mul3A_123 : i32
    "tpu.region"() ({
      %run_scoped3A = tpu.sem_alloc : memref<!tpu.dma_semaphore, #tpu.memory_space<semaphore_mem>>
      %dma_start3A_1157 = arith.constant 0 : i32
      %dma_start3A_1158 = tpu.memref_slice %arg13[%mul3A_124, %dma_start3A_1157] : memref<10240x64xf32, #tpu.memory_space<vmem_shared>> -> memref<8x64xf32, #tpu.memory_space<vmem_shared>>
      %dma_start3A_1159 = arith.constant 0 : i32
      %dma_start3A_1160 = tpu.memref_slice %arg13[%mul3A_124, %dma_start3A_1159] : memref<10240x64xf32, #tpu.memory_space<vmem_shared>> -> memref<8x64xf32, #tpu.memory_space<vmem_shared>>
      tpu.enqueue_dma source(%arg11 : memref<8x64xf32, #tpu.memory_space<vmem>>) target(%dma_start3A_1160 : memref<8x64xf32, #tpu.memory_space<vmem_shared>>) target_semaphore(%run_scoped3A : memref<!tpu.dma_semaphore, #tpu.memory_space<semaphore_mem>>)
      %dma_wait3A_1161 = arith.constant 0 : i32
      %dma_wait3A_1162 = tpu.memref_slice %arg13[%mul3A_124, %dma_wait3A_1161] : memref<10240x64xf32, #tpu.memory_space<vmem_shared>> -> memref<8x64xf32, #tpu.memory_space<vmem_shared>>
      %dma_wait3A_1163 = arith.constant 0 : i32
      %dma_wait3A_1164 = tpu.memref_slice %arg13[%mul3A_124, %dma_wait3A_1163] : memref<10240x64xf32, #tpu.memory_space<vmem_shared>> -> memref<8x64xf32, #tpu.memory_space<vmem_shared>>
      tpu.wait_dma2 semaphore(%run_scoped3A : memref<!tpu.dma_semaphore, #tpu.memory_space<semaphore_mem>>) src(%arg11 : memref<8x64xf32, #tpu.memory_space<vmem>>) dst(%dma_wait3A_1164 : memref<8x64xf32, #tpu.memory_space<vmem_shared>>)
      tpu.yield
    }) : () -> ()
    %mul3A_125 = arith.constant 80 : i32
    %mul3A_126 = arith.muli %arg1, %mul3A_125 : i32
    %add3A_127 = arith.constant 18 : i32
    %add3A_128 = arith.addi %mul3A_126, %add3A_127 : i32
    %mul3A_129 = arith.constant 8 : i32
    %mul3A_130 = arith.muli %add3A_128, %mul3A_129 : i32
    "tpu.region"() ({
      %run_scoped3A = tpu.sem_alloc : memref<!tpu.dma_semaphore, #tpu.memory_space<semaphore_mem>>
      %dma_start3A_1157 = arith.constant 0 : i32
      %dma_start3A_1158 = tpu.memref_slice %arg13[%mul3A_130, %dma_start3A_1157] : memref<10240x64xf32, #tpu.memory_space<vmem_shared>> -> memref<8x64xf32, #tpu.memory_space<vmem_shared>>
      %dma_start3A_1159 = arith.constant 0 : i32
      %dma_start3A_1160 = tpu.memref_slice %arg13[%mul3A_130, %dma_start3A_1159] : memref<10240x64xf32, #tpu.memory_space<vmem_shared>> -> memref<8x64xf32, #tpu.memory_space<vmem_shared>>
      tpu.enqueue_dma source(%arg11 : memref<8x64xf32, #tpu.memory_space<vmem>>) target(%dma_start3A_1160 : memref<8x64xf32, #tpu.memory_space<vmem_shared>>) target_semaphore(%run_scoped3A : memref<!tpu.dma_semaphore, #tpu.memory_space<semaphore_mem>>)
      %dma_wait3A_1161 = arith.constant 0 : i32
      %dma_wait3A_1162 = tpu.memref_slice %arg13[%mul3A_130, %dma_wait3A_1161] : memref<10240x64xf32, #tpu.memory_space<vmem_shared>> -> memref<8x64xf32, #tpu.memory_space<vmem_shared>>
      %dma_wait3A_1163 = arith.constant 0 : i32
      %dma_wait3A_1164 = tpu.memref_slice %arg13[%mul3A_130, %dma_wait3A_1163] : memref<10240x64xf32, #tpu.memory_space<vmem_shared>> -> memref<8x64xf32, #tpu.memory_space<vmem_shared>>
      tpu.wait_dma2 semaphore(%run_scoped3A : memref<!tpu.dma_semaphore, #tpu.memory_space<semaphore_mem>>) src(%arg11 : memref<8x64xf32, #tpu.memory_space<vmem>>) dst(%dma_wait3A_1164 : memref<8x64xf32, #tpu.memory_space<vmem_shared>>)
      tpu.yield
    }) : () -> ()
    %mul3A_131 = arith.constant 80 : i32
    %mul3A_132 = arith.muli %arg1, %mul3A_131 : i32
    %add3A_133 = arith.constant 19 : i32
    %add3A_134 = arith.addi %mul3A_132, %add3A_133 : i32
    %mul3A_135 = arith.constant 8 : i32
    %mul3A_136 = arith.muli %add3A_134, %mul3A_135 : i32
    "tpu.region"() ({
      %run_scoped3A = tpu.sem_alloc : memref<!tpu.dma_semaphore, #tpu.memory_space<semaphore_mem>>
      %dma_start3A_1157 = arith.constant 0 : i32
      %dma_start3A_1158 = tpu.memref_slice %arg13[%mul3A_136, %dma_start3A_1157] : memref<10240x64xf32, #tpu.memory_space<vmem_shared>> -> memref<8x64xf32, #tpu.memory_space<vmem_shared>>
      %dma_start3A_1159 = arith.constant 0 : i32
      %dma_start3A_1160 = tpu.memref_slice %arg13[%mul3A_136, %dma_start3A_1159] : memref<10240x64xf32, #tpu.memory_space<vmem_shared>> -> memref<8x64xf32, #tpu.memory_space<vmem_shared>>
      tpu.enqueue_dma source(%arg11 : memref<8x64xf32, #tpu.memory_space<vmem>>) target(%dma_start3A_1160 : memref<8x64xf32, #tpu.memory_space<vmem_shared>>) target_semaphore(%run_scoped3A : memref<!tpu.dma_semaphore, #tpu.memory_space<semaphore_mem>>)
      %dma_wait3A_1161 = arith.constant 0 : i32
      %dma_wait3A_1162 = tpu.memref_slice %arg13[%mul3A_136, %dma_wait3A_1161] : memref<10240x64xf32, #tpu.memory_space<vmem_shared>> -> memref<8x64xf32, #tpu.memory_space<vmem_shared>>
      %dma_wait3A_1163 = arith.constant 0 : i32
      %dma_wait3A_1164 = tpu.memref_slice %arg13[%mul3A_136, %dma_wait3A_1163] : memref<10240x64xf32, #tpu.memory_space<vmem_shared>> -> memref<8x64xf32, #tpu.memory_space<vmem_shared>>
      tpu.wait_dma2 semaphore(%run_scoped3A : memref<!tpu.dma_semaphore, #tpu.memory_space<semaphore_mem>>) src(%arg11 : memref<8x64xf32, #tpu.memory_space<vmem>>) dst(%dma_wait3A_1164 : memref<8x64xf32, #tpu.memory_space<vmem_shared>>)
      tpu.yield
    }) : () -> ()
    %mul3A_137 = arith.constant 80 : i32
    %mul3A_138 = arith.muli %arg1, %mul3A_137 : i32
    %add3A_139 = arith.constant 20 : i32
    %add3A_140 = arith.addi %mul3A_138, %add3A_139 : i32
    %mul3A_141 = arith.constant 8 : i32
    %mul3A_142 = arith.muli %add3A_140, %mul3A_141 : i32
    "tpu.region"() ({
      %run_scoped3A = tpu.sem_alloc : memref<!tpu.dma_semaphore, #tpu.memory_space<semaphore_mem>>
      %dma_start3A_1157 = arith.constant 0 : i32
      %dma_start3A_1158 = tpu.memref_slice %arg13[%mul3A_142, %dma_start3A_1157] : memref<10240x64xf32, #tpu.memory_space<vmem_shared>> -> memref<8x64xf32, #tpu.memory_space<vmem_shared>>
      %dma_start3A_1159 = arith.constant 0 : i32
      %dma_start3A_1160 = tpu.memref_slice %arg13[%mul3A_142, %dma_start3A_1159] : memref<10240x64xf32, #tpu.memory_space<vmem_shared>> -> memref<8x64xf32, #tpu.memory_space<vmem_shared>>
      tpu.enqueue_dma source(%arg11 : memref<8x64xf32, #tpu.memory_space<vmem>>) target(%dma_start3A_1160 : memref<8x64xf32, #tpu.memory_space<vmem_shared>>) target_semaphore(%run_scoped3A : memref<!tpu.dma_semaphore, #tpu.memory_space<semaphore_mem>>)
      %dma_wait3A_1161 = arith.constant 0 : i32
      %dma_wait3A_1162 = tpu.memref_slice %arg13[%mul3A_142, %dma_wait3A_1161] : memref<10240x64xf32, #tpu.memory_space<vmem_shared>> -> memref<8x64xf32, #tpu.memory_space<vmem_shared>>
      %dma_wait3A_1163 = arith.constant 0 : i32
      %dma_wait3A_1164 = tpu.memref_slice %arg13[%mul3A_142, %dma_wait3A_1163] : memref<10240x64xf32, #tpu.memory_space<vmem_shared>> -> memref<8x64xf32, #tpu.memory_space<vmem_shared>>
      tpu.wait_dma2 semaphore(%run_scoped3A : memref<!tpu.dma_semaphore, #tpu.memory_space<semaphore_mem>>) src(%arg11 : memref<8x64xf32, #tpu.memory_space<vmem>>) dst(%dma_wait3A_1164 : memref<8x64xf32, #tpu.memory_space<vmem_shared>>)
      tpu.yield
    }) : () -> ()
    %mul3A_143 = arith.constant 80 : i32
    %mul3A_144 = arith.muli %arg1, %mul3A_143 : i32
    %add3A_145 = arith.constant 21 : i32
    %add3A_146 = arith.addi %mul3A_144, %add3A_145 : i32
    %mul3A_147 = arith.constant 8 : i32
    %mul3A_148 = arith.muli %add3A_146, %mul3A_147 : i32
    "tpu.region"() ({
      %run_scoped3A = tpu.sem_alloc : memref<!tpu.dma_semaphore, #tpu.memory_space<semaphore_mem>>
      %dma_start3A_1157 = arith.constant 0 : i32
      %dma_start3A_1158 = tpu.memref_slice %arg13[%mul3A_148, %dma_start3A_1157] : memref<10240x64xf32, #tpu.memory_space<vmem_shared>> -> memref<8x64xf32, #tpu.memory_space<vmem_shared>>
      %dma_start3A_1159 = arith.constant 0 : i32
      %dma_start3A_1160 = tpu.memref_slice %arg13[%mul3A_148, %dma_start3A_1159] : memref<10240x64xf32, #tpu.memory_space<vmem_shared>> -> memref<8x64xf32, #tpu.memory_space<vmem_shared>>
      tpu.enqueue_dma source(%arg11 : memref<8x64xf32, #tpu.memory_space<vmem>>) target(%dma_start3A_1160 : memref<8x64xf32, #tpu.memory_space<vmem_shared>>) target_semaphore(%run_scoped3A : memref<!tpu.dma_semaphore, #tpu.memory_space<semaphore_mem>>)
      %dma_wait3A_1161 = arith.constant 0 : i32
      %dma_wait3A_1162 = tpu.memref_slice %arg13[%mul3A_148, %dma_wait3A_1161] : memref<10240x64xf32, #tpu.memory_space<vmem_shared>> -> memref<8x64xf32, #tpu.memory_space<vmem_shared>>
      %dma_wait3A_1163 = arith.constant 0 : i32
      %dma_wait3A_1164 = tpu.memref_slice %arg13[%mul3A_148, %dma_wait3A_1163] : memref<10240x64xf32, #tpu.memory_space<vmem_shared>> -> memref<8x64xf32, #tpu.memory_space<vmem_shared>>
      tpu.wait_dma2 semaphore(%run_scoped3A : memref<!tpu.dma_semaphore, #tpu.memory_space<semaphore_mem>>) src(%arg11 : memref<8x64xf32, #tpu.memory_space<vmem>>) dst(%dma_wait3A_1164 : memref<8x64xf32, #tpu.memory_space<vmem_shared>>)
      tpu.yield
    }) : () -> ()
    %mul3A_149 = arith.constant 80 : i32
    %mul3A_150 = arith.muli %arg1, %mul3A_149 : i32
    %add3A_151 = arith.constant 22 : i32
    %add3A_152 = arith.addi %mul3A_150, %add3A_151 : i32
    %mul3A_153 = arith.constant 8 : i32
    %mul3A_154 = arith.muli %add3A_152, %mul3A_153 : i32
    "tpu.region"() ({
      %run_scoped3A = tpu.sem_alloc : memref<!tpu.dma_semaphore, #tpu.memory_space<semaphore_mem>>
      %dma_start3A_1157 = arith.constant 0 : i32
      %dma_start3A_1158 = tpu.memref_slice %arg13[%mul3A_154, %dma_start3A_1157] : memref<10240x64xf32, #tpu.memory_space<vmem_shared>> -> memref<8x64xf32, #tpu.memory_space<vmem_shared>>
      %dma_start3A_1159 = arith.constant 0 : i32
      %dma_start3A_1160 = tpu.memref_slice %arg13[%mul3A_154, %dma_start3A_1159] : memref<10240x64xf32, #tpu.memory_space<vmem_shared>> -> memref<8x64xf32, #tpu.memory_space<vmem_shared>>
      tpu.enqueue_dma source(%arg11 : memref<8x64xf32, #tpu.memory_space<vmem>>) target(%dma_start3A_1160 : memref<8x64xf32, #tpu.memory_space<vmem_shared>>) target_semaphore(%run_scoped3A : memref<!tpu.dma_semaphore, #tpu.memory_space<semaphore_mem>>)
      %dma_wait3A_1161 = arith.constant 0 : i32
      %dma_wait3A_1162 = tpu.memref_slice %arg13[%mul3A_154, %dma_wait3A_1161] : memref<10240x64xf32, #tpu.memory_space<vmem_shared>> -> memref<8x64xf32, #tpu.memory_space<vmem_shared>>
      %dma_wait3A_1163 = arith.constant 0 : i32
      %dma_wait3A_1164 = tpu.memref_slice %arg13[%mul3A_154, %dma_wait3A_1163] : memref<10240x64xf32, #tpu.memory_space<vmem_shared>> -> memref<8x64xf32, #tpu.memory_space<vmem_shared>>
      tpu.wait_dma2 semaphore(%run_scoped3A : memref<!tpu.dma_semaphore, #tpu.memory_space<semaphore_mem>>) src(%arg11 : memref<8x64xf32, #tpu.memory_space<vmem>>) dst(%dma_wait3A_1164 : memref<8x64xf32, #tpu.memory_space<vmem_shared>>)
      tpu.yield
    }) : () -> ()
    %mul3A_155 = arith.constant 80 : i32
    %mul3A_156 = arith.muli %arg1, %mul3A_155 : i32
    %add3A_157 = arith.constant 23 : i32
    %add3A_158 = arith.addi %mul3A_156, %add3A_157 : i32
    %mul3A_159 = arith.constant 8 : i32
    %mul3A_160 = arith.muli %add3A_158, %mul3A_159 : i32
    "tpu.region"() ({
      %run_scoped3A = tpu.sem_alloc : memref<!tpu.dma_semaphore, #tpu.memory_space<semaphore_mem>>
      %dma_start3A_1157 = arith.constant 0 : i32
      %dma_start3A_1158 = tpu.memref_slice %arg13[%mul3A_160, %dma_start3A_1157] : memref<10240x64xf32, #tpu.memory_space<vmem_shared>> -> memref<8x64xf32, #tpu.memory_space<vmem_shared>>
      %dma_start3A_1159 = arith.constant 0 : i32
      %dma_start3A_1160 = tpu.memref_slice %arg13[%mul3A_160, %dma_start3A_1159] : memref<10240x64xf32, #tpu.memory_space<vmem_shared>> -> memref<8x64xf32, #tpu.memory_space<vmem_shared>>
      tpu.enqueue_dma source(%arg11 : memref<8x64xf32, #tpu.memory_space<vmem>>) target(%dma_start3A_1160 : memref<8x64xf32, #tpu.memory_space<vmem_shared>>) target_semaphore(%run_scoped3A : memref<!tpu.dma_semaphore, #tpu.memory_space<semaphore_mem>>)
      %dma_wait3A_1161 = arith.constant 0 : i32
      %dma_wait3A_1162 = tpu.memref_slice %arg13[%mul3A_160, %dma_wait3A_1161] : memref<10240x64xf32, #tpu.memory_space<vmem_shared>> -> memref<8x64xf32, #tpu.memory_space<vmem_shared>>
      %dma_wait3A_1163 = arith.constant 0 : i32
      %dma_wait3A_1164 = tpu.memref_slice %arg13[%mul3A_160, %dma_wait3A_1163] : memref<10240x64xf32, #tpu.memory_space<vmem_shared>> -> memref<8x64xf32, #tpu.memory_space<vmem_shared>>
      tpu.wait_dma2 semaphore(%run_scoped3A : memref<!tpu.dma_semaphore, #tpu.memory_space<semaphore_mem>>) src(%arg11 : memref<8x64xf32, #tpu.memory_space<vmem>>) dst(%dma_wait3A_1164 : memref<8x64xf32, #tpu.memory_space<vmem_shared>>)
      tpu.yield
    }) : () -> ()
    %mul3A_161 = arith.constant 80 : i32
    %mul3A_162 = arith.muli %arg1, %mul3A_161 : i32
    %add3A_163 = arith.constant 24 : i32
    %add3A_164 = arith.addi %mul3A_162, %add3A_163 : i32
    %mul3A_165 = arith.constant 8 : i32
    %mul3A_166 = arith.muli %add3A_164, %mul3A_165 : i32
    "tpu.region"() ({
      %run_scoped3A = tpu.sem_alloc : memref<!tpu.dma_semaphore, #tpu.memory_space<semaphore_mem>>
      %dma_start3A_1157 = arith.constant 0 : i32
      %dma_start3A_1158 = tpu.memref_slice %arg13[%mul3A_166, %dma_start3A_1157] : memref<10240x64xf32, #tpu.memory_space<vmem_shared>> -> memref<8x64xf32, #tpu.memory_space<vmem_shared>>
      %dma_start3A_1159 = arith.constant 0 : i32
      %dma_start3A_1160 = tpu.memref_slice %arg13[%mul3A_166, %dma_start3A_1159] : memref<10240x64xf32, #tpu.memory_space<vmem_shared>> -> memref<8x64xf32, #tpu.memory_space<vmem_shared>>
      tpu.enqueue_dma source(%arg11 : memref<8x64xf32, #tpu.memory_space<vmem>>) target(%dma_start3A_1160 : memref<8x64xf32, #tpu.memory_space<vmem_shared>>) target_semaphore(%run_scoped3A : memref<!tpu.dma_semaphore, #tpu.memory_space<semaphore_mem>>)
      %dma_wait3A_1161 = arith.constant 0 : i32
      %dma_wait3A_1162 = tpu.memref_slice %arg13[%mul3A_166, %dma_wait3A_1161] : memref<10240x64xf32, #tpu.memory_space<vmem_shared>> -> memref<8x64xf32, #tpu.memory_space<vmem_shared>>
      %dma_wait3A_1163 = arith.constant 0 : i32
      %dma_wait3A_1164 = tpu.memref_slice %arg13[%mul3A_166, %dma_wait3A_1163] : memref<10240x64xf32, #tpu.memory_space<vmem_shared>> -> memref<8x64xf32, #tpu.memory_space<vmem_shared>>
      tpu.wait_dma2 semaphore(%run_scoped3A : memref<!tpu.dma_semaphore, #tpu.memory_space<semaphore_mem>>) src(%arg11 : memref<8x64xf32, #tpu.memory_space<vmem>>) dst(%dma_wait3A_1164 : memref<8x64xf32, #tpu.memory_space<vmem_shared>>)
      tpu.yield
    }) : () -> ()
    %mul3A_167 = arith.constant 80 : i32
    %mul3A_168 = arith.muli %arg1, %mul3A_167 : i32
    %add3A_169 = arith.constant 25 : i32
    %add3A_170 = arith.addi %mul3A_168, %add3A_169 : i32
    %mul3A_171 = arith.constant 8 : i32
    %mul3A_172 = arith.muli %add3A_170, %mul3A_171 : i32
    "tpu.region"() ({
      %run_scoped3A = tpu.sem_alloc : memref<!tpu.dma_semaphore, #tpu.memory_space<semaphore_mem>>
      %dma_start3A_1157 = arith.constant 0 : i32
      %dma_start3A_1158 = tpu.memref_slice %arg13[%mul3A_172, %dma_start3A_1157] : memref<10240x64xf32, #tpu.memory_space<vmem_shared>> -> memref<8x64xf32, #tpu.memory_space<vmem_shared>>
      %dma_start3A_1159 = arith.constant 0 : i32
      %dma_start3A_1160 = tpu.memref_slice %arg13[%mul3A_172, %dma_start3A_1159] : memref<10240x64xf32, #tpu.memory_space<vmem_shared>> -> memref<8x64xf32, #tpu.memory_space<vmem_shared>>
      tpu.enqueue_dma source(%arg11 : memref<8x64xf32, #tpu.memory_space<vmem>>) target(%dma_start3A_1160 : memref<8x64xf32, #tpu.memory_space<vmem_shared>>) target_semaphore(%run_scoped3A : memref<!tpu.dma_semaphore, #tpu.memory_space<semaphore_mem>>)
      %dma_wait3A_1161 = arith.constant 0 : i32
      %dma_wait3A_1162 = tpu.memref_slice %arg13[%mul3A_172, %dma_wait3A_1161] : memref<10240x64xf32, #tpu.memory_space<vmem_shared>> -> memref<8x64xf32, #tpu.memory_space<vmem_shared>>
      %dma_wait3A_1163 = arith.constant 0 : i32
      %dma_wait3A_1164 = tpu.memref_slice %arg13[%mul3A_172, %dma_wait3A_1163] : memref<10240x64xf32, #tpu.memory_space<vmem_shared>> -> memref<8x64xf32, #tpu.memory_space<vmem_shared>>
      tpu.wait_dma2 semaphore(%run_scoped3A : memref<!tpu.dma_semaphore, #tpu.memory_space<semaphore_mem>>) src(%arg11 : memref<8x64xf32, #tpu.memory_space<vmem>>) dst(%dma_wait3A_1164 : memref<8x64xf32, #tpu.memory_space<vmem_shared>>)
      tpu.yield
    }) : () -> ()
    %mul3A_173 = arith.constant 80 : i32
    %mul3A_174 = arith.muli %arg1, %mul3A_173 : i32
    %add3A_175 = arith.constant 26 : i32
    %add3A_176 = arith.addi %mul3A_174, %add3A_175 : i32
    %mul3A_177 = arith.constant 8 : i32
    %mul3A_178 = arith.muli %add3A_176, %mul3A_177 : i32
    "tpu.region"() ({
      %run_scoped3A = tpu.sem_alloc : memref<!tpu.dma_semaphore, #tpu.memory_space<semaphore_mem>>
      %dma_start3A_1157 = arith.constant 0 : i32
      %dma_start3A_1158 = tpu.memref_slice %arg13[%mul3A_178, %dma_start3A_1157] : memref<10240x64xf32, #tpu.memory_space<vmem_shared>> -> memref<8x64xf32, #tpu.memory_space<vmem_shared>>
      %dma_start3A_1159 = arith.constant 0 : i32
      %dma_start3A_1160 = tpu.memref_slice %arg13[%mul3A_178, %dma_start3A_1159] : memref<10240x64xf32, #tpu.memory_space<vmem_shared>> -> memref<8x64xf32, #tpu.memory_space<vmem_shared>>
      tpu.enqueue_dma source(%arg11 : memref<8x64xf32, #tpu.memory_space<vmem>>) target(%dma_start3A_1160 : memref<8x64xf32, #tpu.memory_space<vmem_shared>>) target_semaphore(%run_scoped3A : memref<!tpu.dma_semaphore, #tpu.memory_space<semaphore_mem>>)
      %dma_wait3A_1161 = arith.constant 0 : i32
      %dma_wait3A_1162 = tpu.memref_slice %arg13[%mul3A_178, %dma_wait3A_1161] : memref<10240x64xf32, #tpu.memory_space<vmem_shared>> -> memref<8x64xf32, #tpu.memory_space<vmem_shared>>
      %dma_wait3A_1163 = arith.constant 0 : i32
      %dma_wait3A_1164 = tpu.memref_slice %arg13[%mul3A_178, %dma_wait3A_1163] : memref<10240x64xf32, #tpu.memory_space<vmem_shared>> -> memref<8x64xf32, #tpu.memory_space<vmem_shared>>
      tpu.wait_dma2 semaphore(%run_scoped3A : memref<!tpu.dma_semaphore, #tpu.memory_space<semaphore_mem>>) src(%arg11 : memref<8x64xf32, #tpu.memory_space<vmem>>) dst(%dma_wait3A_1164 : memref<8x64xf32, #tpu.memory_space<vmem_shared>>)
      tpu.yield
    }) : () -> ()
    %mul3A_179 = arith.constant 80 : i32
    %mul3A_180 = arith.muli %arg1, %mul3A_179 : i32
    %add3A_181 = arith.constant 27 : i32
    %add3A_182 = arith.addi %mul3A_180, %add3A_181 : i32
    %mul3A_183 = arith.constant 8 : i32
    %mul3A_184 = arith.muli %add3A_182, %mul3A_183 : i32
    "tpu.region"() ({
      %run_scoped3A = tpu.sem_alloc : memref<!tpu.dma_semaphore, #tpu.memory_space<semaphore_mem>>
      %dma_start3A_1157 = arith.constant 0 : i32
      %dma_start3A_1158 = tpu.memref_slice %arg13[%mul3A_184, %dma_start3A_1157] : memref<10240x64xf32, #tpu.memory_space<vmem_shared>> -> memref<8x64xf32, #tpu.memory_space<vmem_shared>>
      %dma_start3A_1159 = arith.constant 0 : i32
      %dma_start3A_1160 = tpu.memref_slice %arg13[%mul3A_184, %dma_start3A_1159] : memref<10240x64xf32, #tpu.memory_space<vmem_shared>> -> memref<8x64xf32, #tpu.memory_space<vmem_shared>>
      tpu.enqueue_dma source(%arg11 : memref<8x64xf32, #tpu.memory_space<vmem>>) target(%dma_start3A_1160 : memref<8x64xf32, #tpu.memory_space<vmem_shared>>) target_semaphore(%run_scoped3A : memref<!tpu.dma_semaphore, #tpu.memory_space<semaphore_mem>>)
      %dma_wait3A_1161 = arith.constant 0 : i32
      %dma_wait3A_1162 = tpu.memref_slice %arg13[%mul3A_184, %dma_wait3A_1161] : memref<10240x64xf32, #tpu.memory_space<vmem_shared>> -> memref<8x64xf32, #tpu.memory_space<vmem_shared>>
      %dma_wait3A_1163 = arith.constant 0 : i32
      %dma_wait3A_1164 = tpu.memref_slice %arg13[%mul3A_184, %dma_wait3A_1163] : memref<10240x64xf32, #tpu.memory_space<vmem_shared>> -> memref<8x64xf32, #tpu.memory_space<vmem_shared>>
      tpu.wait_dma2 semaphore(%run_scoped3A : memref<!tpu.dma_semaphore, #tpu.memory_space<semaphore_mem>>) src(%arg11 : memref<8x64xf32, #tpu.memory_space<vmem>>) dst(%dma_wait3A_1164 : memref<8x64xf32, #tpu.memory_space<vmem_shared>>)
      tpu.yield
    }) : () -> ()
    %mul3A_185 = arith.constant 80 : i32
    %mul3A_186 = arith.muli %arg1, %mul3A_185 : i32
    %add3A_187 = arith.constant 28 : i32
    %add3A_188 = arith.addi %mul3A_186, %add3A_187 : i32
    %mul3A_189 = arith.constant 8 : i32
    %mul3A_190 = arith.muli %add3A_188, %mul3A_189 : i32
    "tpu.region"() ({
      %run_scoped3A = tpu.sem_alloc : memref<!tpu.dma_semaphore, #tpu.memory_space<semaphore_mem>>
      %dma_start3A_1157 = arith.constant 0 : i32
      %dma_start3A_1158 = tpu.memref_slice %arg13[%mul3A_190, %dma_start3A_1157] : memref<10240x64xf32, #tpu.memory_space<vmem_shared>> -> memref<8x64xf32, #tpu.memory_space<vmem_shared>>
      %dma_start3A_1159 = arith.constant 0 : i32
      %dma_start3A_1160 = tpu.memref_slice %arg13[%mul3A_190, %dma_start3A_1159] : memref<10240x64xf32, #tpu.memory_space<vmem_shared>> -> memref<8x64xf32, #tpu.memory_space<vmem_shared>>
      tpu.enqueue_dma source(%arg11 : memref<8x64xf32, #tpu.memory_space<vmem>>) target(%dma_start3A_1160 : memref<8x64xf32, #tpu.memory_space<vmem_shared>>) target_semaphore(%run_scoped3A : memref<!tpu.dma_semaphore, #tpu.memory_space<semaphore_mem>>)
      %dma_wait3A_1161 = arith.constant 0 : i32
      %dma_wait3A_1162 = tpu.memref_slice %arg13[%mul3A_190, %dma_wait3A_1161] : memref<10240x64xf32, #tpu.memory_space<vmem_shared>> -> memref<8x64xf32, #tpu.memory_space<vmem_shared>>
      %dma_wait3A_1163 = arith.constant 0 : i32
      %dma_wait3A_1164 = tpu.memref_slice %arg13[%mul3A_190, %dma_wait3A_1163] : memref<10240x64xf32, #tpu.memory_space<vmem_shared>> -> memref<8x64xf32, #tpu.memory_space<vmem_shared>>
      tpu.wait_dma2 semaphore(%run_scoped3A : memref<!tpu.dma_semaphore, #tpu.memory_space<semaphore_mem>>) src(%arg11 : memref<8x64xf32, #tpu.memory_space<vmem>>) dst(%dma_wait3A_1164 : memref<8x64xf32, #tpu.memory_space<vmem_shared>>)
      tpu.yield
    }) : () -> ()
    %mul3A_191 = arith.constant 80 : i32
    %mul3A_192 = arith.muli %arg1, %mul3A_191 : i32
    %add3A_193 = arith.constant 29 : i32
    %add3A_194 = arith.addi %mul3A_192, %add3A_193 : i32
    %mul3A_195 = arith.constant 8 : i32
    %mul3A_196 = arith.muli %add3A_194, %mul3A_195 : i32
    "tpu.region"() ({
      %run_scoped3A = tpu.sem_alloc : memref<!tpu.dma_semaphore, #tpu.memory_space<semaphore_mem>>
      %dma_start3A_1157 = arith.constant 0 : i32
      %dma_start3A_1158 = tpu.memref_slice %arg13[%mul3A_196, %dma_start3A_1157] : memref<10240x64xf32, #tpu.memory_space<vmem_shared>> -> memref<8x64xf32, #tpu.memory_space<vmem_shared>>
      %dma_start3A_1159 = arith.constant 0 : i32
      %dma_start3A_1160 = tpu.memref_slice %arg13[%mul3A_196, %dma_start3A_1159] : memref<10240x64xf32, #tpu.memory_space<vmem_shared>> -> memref<8x64xf32, #tpu.memory_space<vmem_shared>>
      tpu.enqueue_dma source(%arg11 : memref<8x64xf32, #tpu.memory_space<vmem>>) target(%dma_start3A_1160 : memref<8x64xf32, #tpu.memory_space<vmem_shared>>) target_semaphore(%run_scoped3A : memref<!tpu.dma_semaphore, #tpu.memory_space<semaphore_mem>>)
      %dma_wait3A_1161 = arith.constant 0 : i32
      %dma_wait3A_1162 = tpu.memref_slice %arg13[%mul3A_196, %dma_wait3A_1161] : memref<10240x64xf32, #tpu.memory_space<vmem_shared>> -> memref<8x64xf32, #tpu.memory_space<vmem_shared>>
      %dma_wait3A_1163 = arith.constant 0 : i32
      %dma_wait3A_1164 = tpu.memref_slice %arg13[%mul3A_196, %dma_wait3A_1163] : memref<10240x64xf32, #tpu.memory_space<vmem_shared>> -> memref<8x64xf32, #tpu.memory_space<vmem_shared>>
      tpu.wait_dma2 semaphore(%run_scoped3A : memref<!tpu.dma_semaphore, #tpu.memory_space<semaphore_mem>>) src(%arg11 : memref<8x64xf32, #tpu.memory_space<vmem>>) dst(%dma_wait3A_1164 : memref<8x64xf32, #tpu.memory_space<vmem_shared>>)
      tpu.yield
    }) : () -> ()
    %mul3A_197 = arith.constant 80 : i32
    %mul3A_198 = arith.muli %arg1, %mul3A_197 : i32
    %add3A_199 = arith.constant 30 : i32
    %add3A_200 = arith.addi %mul3A_198, %add3A_199 : i32
    %mul3A_201 = arith.constant 8 : i32
    %mul3A_202 = arith.muli %add3A_200, %mul3A_201 : i32
    "tpu.region"() ({
      %run_scoped3A = tpu.sem_alloc : memref<!tpu.dma_semaphore, #tpu.memory_space<semaphore_mem>>
      %dma_start3A_1157 = arith.constant 0 : i32
      %dma_start3A_1158 = tpu.memref_slice %arg13[%mul3A_202, %dma_start3A_1157] : memref<10240x64xf32, #tpu.memory_space<vmem_shared>> -> memref<8x64xf32, #tpu.memory_space<vmem_shared>>
      %dma_start3A_1159 = arith.constant 0 : i32
      %dma_start3A_1160 = tpu.memref_slice %arg13[%mul3A_202, %dma_start3A_1159] : memref<10240x64xf32, #tpu.memory_space<vmem_shared>> -> memref<8x64xf32, #tpu.memory_space<vmem_shared>>
      tpu.enqueue_dma source(%arg11 : memref<8x64xf32, #tpu.memory_space<vmem>>) target(%dma_start3A_1160 : memref<8x64xf32, #tpu.memory_space<vmem_shared>>) target_semaphore(%run_scoped3A : memref<!tpu.dma_semaphore, #tpu.memory_space<semaphore_mem>>)
      %dma_wait3A_1161 = arith.constant 0 : i32
      %dma_wait3A_1162 = tpu.memref_slice %arg13[%mul3A_202, %dma_wait3A_1161] : memref<10240x64xf32, #tpu.memory_space<vmem_shared>> -> memref<8x64xf32, #tpu.memory_space<vmem_shared>>
      %dma_wait3A_1163 = arith.constant 0 : i32
      %dma_wait3A_1164 = tpu.memref_slice %arg13[%mul3A_202, %dma_wait3A_1163] : memref<10240x64xf32, #tpu.memory_space<vmem_shared>> -> memref<8x64xf32, #tpu.memory_space<vmem_shared>>
      tpu.wait_dma2 semaphore(%run_scoped3A : memref<!tpu.dma_semaphore, #tpu.memory_space<semaphore_mem>>) src(%arg11 : memref<8x64xf32, #tpu.memory_space<vmem>>) dst(%dma_wait3A_1164 : memref<8x64xf32, #tpu.memory_space<vmem_shared>>)
      tpu.yield
    }) : () -> ()
    %mul3A_203 = arith.constant 80 : i32
    %mul3A_204 = arith.muli %arg1, %mul3A_203 : i32
    %add3A_205 = arith.constant 31 : i32
    %add3A_206 = arith.addi %mul3A_204, %add3A_205 : i32
    %mul3A_207 = arith.constant 8 : i32
    %mul3A_208 = arith.muli %add3A_206, %mul3A_207 : i32
    "tpu.region"() ({
      %run_scoped3A = tpu.sem_alloc : memref<!tpu.dma_semaphore, #tpu.memory_space<semaphore_mem>>
      %dma_start3A_1157 = arith.constant 0 : i32
      %dma_start3A_1158 = tpu.memref_slice %arg13[%mul3A_208, %dma_start3A_1157] : memref<10240x64xf32, #tpu.memory_space<vmem_shared>> -> memref<8x64xf32, #tpu.memory_space<vmem_shared>>
      %dma_start3A_1159 = arith.constant 0 : i32
      %dma_start3A_1160 = tpu.memref_slice %arg13[%mul3A_208, %dma_start3A_1159] : memref<10240x64xf32, #tpu.memory_space<vmem_shared>> -> memref<8x64xf32, #tpu.memory_space<vmem_shared>>
      tpu.enqueue_dma source(%arg11 : memref<8x64xf32, #tpu.memory_space<vmem>>) target(%dma_start3A_1160 : memref<8x64xf32, #tpu.memory_space<vmem_shared>>) target_semaphore(%run_scoped3A : memref<!tpu.dma_semaphore, #tpu.memory_space<semaphore_mem>>)
      %dma_wait3A_1161 = arith.constant 0 : i32
      %dma_wait3A_1162 = tpu.memref_slice %arg13[%mul3A_208, %dma_wait3A_1161] : memref<10240x64xf32, #tpu.memory_space<vmem_shared>> -> memref<8x64xf32, #tpu.memory_space<vmem_shared>>
      %dma_wait3A_1163 = arith.constant 0 : i32
      %dma_wait3A_1164 = tpu.memref_slice %arg13[%mul3A_208, %dma_wait3A_1163] : memref<10240x64xf32, #tpu.memory_space<vmem_shared>> -> memref<8x64xf32, #tpu.memory_space<vmem_shared>>
      tpu.wait_dma2 semaphore(%run_scoped3A : memref<!tpu.dma_semaphore, #tpu.memory_space<semaphore_mem>>) src(%arg11 : memref<8x64xf32, #tpu.memory_space<vmem>>) dst(%dma_wait3A_1164 : memref<8x64xf32, #tpu.memory_space<vmem_shared>>)
      tpu.yield
    }) : () -> ()
    %mul3A_209 = arith.constant 80 : i32
    %mul3A_210 = arith.muli %arg1, %mul3A_209 : i32
    %add3A_211 = arith.constant 32 : i32
    %add3A_212 = arith.addi %mul3A_210, %add3A_211 : i32
    %mul3A_213 = arith.constant 8 : i32
    %mul3A_214 = arith.muli %add3A_212, %mul3A_213 : i32
    "tpu.region"() ({
      %run_scoped3A = tpu.sem_alloc : memref<!tpu.dma_semaphore, #tpu.memory_space<semaphore_mem>>
      %dma_start3A_1157 = arith.constant 0 : i32
      %dma_start3A_1158 = tpu.memref_slice %arg13[%mul3A_214, %dma_start3A_1157] : memref<10240x64xf32, #tpu.memory_space<vmem_shared>> -> memref<8x64xf32, #tpu.memory_space<vmem_shared>>
      %dma_start3A_1159 = arith.constant 0 : i32
      %dma_start3A_1160 = tpu.memref_slice %arg13[%mul3A_214, %dma_start3A_1159] : memref<10240x64xf32, #tpu.memory_space<vmem_shared>> -> memref<8x64xf32, #tpu.memory_space<vmem_shared>>
      tpu.enqueue_dma source(%arg11 : memref<8x64xf32, #tpu.memory_space<vmem>>) target(%dma_start3A_1160 : memref<8x64xf32, #tpu.memory_space<vmem_shared>>) target_semaphore(%run_scoped3A : memref<!tpu.dma_semaphore, #tpu.memory_space<semaphore_mem>>)
      %dma_wait3A_1161 = arith.constant 0 : i32
      %dma_wait3A_1162 = tpu.memref_slice %arg13[%mul3A_214, %dma_wait3A_1161] : memref<10240x64xf32, #tpu.memory_space<vmem_shared>> -> memref<8x64xf32, #tpu.memory_space<vmem_shared>>
      %dma_wait3A_1163 = arith.constant 0 : i32
      %dma_wait3A_1164 = tpu.memref_slice %arg13[%mul3A_214, %dma_wait3A_1163] : memref<10240x64xf32, #tpu.memory_space<vmem_shared>> -> memref<8x64xf32, #tpu.memory_space<vmem_shared>>
      tpu.wait_dma2 semaphore(%run_scoped3A : memref<!tpu.dma_semaphore, #tpu.memory_space<semaphore_mem>>) src(%arg11 : memref<8x64xf32, #tpu.memory_space<vmem>>) dst(%dma_wait3A_1164 : memref<8x64xf32, #tpu.memory_space<vmem_shared>>)
      tpu.yield
    }) : () -> ()
    %mul3A_215 = arith.constant 80 : i32
    %mul3A_216 = arith.muli %arg1, %mul3A_215 : i32
    %add3A_217 = arith.constant 33 : i32
    %add3A_218 = arith.addi %mul3A_216, %add3A_217 : i32
    %mul3A_219 = arith.constant 8 : i32
    %mul3A_220 = arith.muli %add3A_218, %mul3A_219 : i32
    "tpu.region"() ({
      %run_scoped3A = tpu.sem_alloc : memref<!tpu.dma_semaphore, #tpu.memory_space<semaphore_mem>>
      %dma_start3A_1157 = arith.constant 0 : i32
      %dma_start3A_1158 = tpu.memref_slice %arg13[%mul3A_220, %dma_start3A_1157] : memref<10240x64xf32, #tpu.memory_space<vmem_shared>> -> memref<8x64xf32, #tpu.memory_space<vmem_shared>>
      %dma_start3A_1159 = arith.constant 0 : i32
      %dma_start3A_1160 = tpu.memref_slice %arg13[%mul3A_220, %dma_start3A_1159] : memref<10240x64xf32, #tpu.memory_space<vmem_shared>> -> memref<8x64xf32, #tpu.memory_space<vmem_shared>>
      tpu.enqueue_dma source(%arg11 : memref<8x64xf32, #tpu.memory_space<vmem>>) target(%dma_start3A_1160 : memref<8x64xf32, #tpu.memory_space<vmem_shared>>) target_semaphore(%run_scoped3A : memref<!tpu.dma_semaphore, #tpu.memory_space<semaphore_mem>>)
      %dma_wait3A_1161 = arith.constant 0 : i32
      %dma_wait3A_1162 = tpu.memref_slice %arg13[%mul3A_220, %dma_wait3A_1161] : memref<10240x64xf32, #tpu.memory_space<vmem_shared>> -> memref<8x64xf32, #tpu.memory_space<vmem_shared>>
      %dma_wait3A_1163 = arith.constant 0 : i32
      %dma_wait3A_1164 = tpu.memref_slice %arg13[%mul3A_220, %dma_wait3A_1163] : memref<10240x64xf32, #tpu.memory_space<vmem_shared>> -> memref<8x64xf32, #tpu.memory_space<vmem_shared>>
      tpu.wait_dma2 semaphore(%run_scoped3A : memref<!tpu.dma_semaphore, #tpu.memory_space<semaphore_mem>>) src(%arg11 : memref<8x64xf32, #tpu.memory_space<vmem>>) dst(%dma_wait3A_1164 : memref<8x64xf32, #tpu.memory_space<vmem_shared>>)
      tpu.yield
    }) : () -> ()
    %mul3A_221 = arith.constant 80 : i32
    %mul3A_222 = arith.muli %arg1, %mul3A_221 : i32
    %add3A_223 = arith.constant 34 : i32
    %add3A_224 = arith.addi %mul3A_222, %add3A_223 : i32
    %mul3A_225 = arith.constant 8 : i32
    %mul3A_226 = arith.muli %add3A_224, %mul3A_225 : i32
    "tpu.region"() ({
      %run_scoped3A = tpu.sem_alloc : memref<!tpu.dma_semaphore, #tpu.memory_space<semaphore_mem>>
      %dma_start3A_1157 = arith.constant 0 : i32
      %dma_start3A_1158 = tpu.memref_slice %arg13[%mul3A_226, %dma_start3A_1157] : memref<10240x64xf32, #tpu.memory_space<vmem_shared>> -> memref<8x64xf32, #tpu.memory_space<vmem_shared>>
      %dma_start3A_1159 = arith.constant 0 : i32
      %dma_start3A_1160 = tpu.memref_slice %arg13[%mul3A_226, %dma_start3A_1159] : memref<10240x64xf32, #tpu.memory_space<vmem_shared>> -> memref<8x64xf32, #tpu.memory_space<vmem_shared>>
      tpu.enqueue_dma source(%arg11 : memref<8x64xf32, #tpu.memory_space<vmem>>) target(%dma_start3A_1160 : memref<8x64xf32, #tpu.memory_space<vmem_shared>>) target_semaphore(%run_scoped3A : memref<!tpu.dma_semaphore, #tpu.memory_space<semaphore_mem>>)
      %dma_wait3A_1161 = arith.constant 0 : i32
      %dma_wait3A_1162 = tpu.memref_slice %arg13[%mul3A_226, %dma_wait3A_1161] : memref<10240x64xf32, #tpu.memory_space<vmem_shared>> -> memref<8x64xf32, #tpu.memory_space<vmem_shared>>
      %dma_wait3A_1163 = arith.constant 0 : i32
      %dma_wait3A_1164 = tpu.memref_slice %arg13[%mul3A_226, %dma_wait3A_1163] : memref<10240x64xf32, #tpu.memory_space<vmem_shared>> -> memref<8x64xf32, #tpu.memory_space<vmem_shared>>
      tpu.wait_dma2 semaphore(%run_scoped3A : memref<!tpu.dma_semaphore, #tpu.memory_space<semaphore_mem>>) src(%arg11 : memref<8x64xf32, #tpu.memory_space<vmem>>) dst(%dma_wait3A_1164 : memref<8x64xf32, #tpu.memory_space<vmem_shared>>)
      tpu.yield
    }) : () -> ()
    %mul3A_227 = arith.constant 80 : i32
    %mul3A_228 = arith.muli %arg1, %mul3A_227 : i32
    %add3A_229 = arith.constant 35 : i32
    %add3A_230 = arith.addi %mul3A_228, %add3A_229 : i32
    %mul3A_231 = arith.constant 8 : i32
    %mul3A_232 = arith.muli %add3A_230, %mul3A_231 : i32
    "tpu.region"() ({
      %run_scoped3A = tpu.sem_alloc : memref<!tpu.dma_semaphore, #tpu.memory_space<semaphore_mem>>
      %dma_start3A_1157 = arith.constant 0 : i32
      %dma_start3A_1158 = tpu.memref_slice %arg13[%mul3A_232, %dma_start3A_1157] : memref<10240x64xf32, #tpu.memory_space<vmem_shared>> -> memref<8x64xf32, #tpu.memory_space<vmem_shared>>
      %dma_start3A_1159 = arith.constant 0 : i32
      %dma_start3A_1160 = tpu.memref_slice %arg13[%mul3A_232, %dma_start3A_1159] : memref<10240x64xf32, #tpu.memory_space<vmem_shared>> -> memref<8x64xf32, #tpu.memory_space<vmem_shared>>
      tpu.enqueue_dma source(%arg11 : memref<8x64xf32, #tpu.memory_space<vmem>>) target(%dma_start3A_1160 : memref<8x64xf32, #tpu.memory_space<vmem_shared>>) target_semaphore(%run_scoped3A : memref<!tpu.dma_semaphore, #tpu.memory_space<semaphore_mem>>)
      %dma_wait3A_1161 = arith.constant 0 : i32
      %dma_wait3A_1162 = tpu.memref_slice %arg13[%mul3A_232, %dma_wait3A_1161] : memref<10240x64xf32, #tpu.memory_space<vmem_shared>> -> memref<8x64xf32, #tpu.memory_space<vmem_shared>>
      %dma_wait3A_1163 = arith.constant 0 : i32
      %dma_wait3A_1164 = tpu.memref_slice %arg13[%mul3A_232, %dma_wait3A_1163] : memref<10240x64xf32, #tpu.memory_space<vmem_shared>> -> memref<8x64xf32, #tpu.memory_space<vmem_shared>>
      tpu.wait_dma2 semaphore(%run_scoped3A : memref<!tpu.dma_semaphore, #tpu.memory_space<semaphore_mem>>) src(%arg11 : memref<8x64xf32, #tpu.memory_space<vmem>>) dst(%dma_wait3A_1164 : memref<8x64xf32, #tpu.memory_space<vmem_shared>>)
      tpu.yield
    }) : () -> ()
    %mul3A_233 = arith.constant 80 : i32
    %mul3A_234 = arith.muli %arg1, %mul3A_233 : i32
    %add3A_235 = arith.constant 36 : i32
    %add3A_236 = arith.addi %mul3A_234, %add3A_235 : i32
    %mul3A_237 = arith.constant 8 : i32
    %mul3A_238 = arith.muli %add3A_236, %mul3A_237 : i32
    "tpu.region"() ({
      %run_scoped3A = tpu.sem_alloc : memref<!tpu.dma_semaphore, #tpu.memory_space<semaphore_mem>>
      %dma_start3A_1157 = arith.constant 0 : i32
      %dma_start3A_1158 = tpu.memref_slice %arg13[%mul3A_238, %dma_start3A_1157] : memref<10240x64xf32, #tpu.memory_space<vmem_shared>> -> memref<8x64xf32, #tpu.memory_space<vmem_shared>>
      %dma_start3A_1159 = arith.constant 0 : i32
      %dma_start3A_1160 = tpu.memref_slice %arg13[%mul3A_238, %dma_start3A_1159] : memref<10240x64xf32, #tpu.memory_space<vmem_shared>> -> memref<8x64xf32, #tpu.memory_space<vmem_shared>>
      tpu.enqueue_dma source(%arg11 : memref<8x64xf32, #tpu.memory_space<vmem>>) target(%dma_start3A_1160 : memref<8x64xf32, #tpu.memory_space<vmem_shared>>) target_semaphore(%run_scoped3A : memref<!tpu.dma_semaphore, #tpu.memory_space<semaphore_mem>>)
      %dma_wait3A_1161 = arith.constant 0 : i32
      %dma_wait3A_1162 = tpu.memref_slice %arg13[%mul3A_238, %dma_wait3A_1161] : memref<10240x64xf32, #tpu.memory_space<vmem_shared>> -> memref<8x64xf32, #tpu.memory_space<vmem_shared>>
      %dma_wait3A_1163 = arith.constant 0 : i32
      %dma_wait3A_1164 = tpu.memref_slice %arg13[%mul3A_238, %dma_wait3A_1163] : memref<10240x64xf32, #tpu.memory_space<vmem_shared>> -> memref<8x64xf32, #tpu.memory_space<vmem_shared>>
      tpu.wait_dma2 semaphore(%run_scoped3A : memref<!tpu.dma_semaphore, #tpu.memory_space<semaphore_mem>>) src(%arg11 : memref<8x64xf32, #tpu.memory_space<vmem>>) dst(%dma_wait3A_1164 : memref<8x64xf32, #tpu.memory_space<vmem_shared>>)
      tpu.yield
    }) : () -> ()
    %mul3A_239 = arith.constant 80 : i32
    %mul3A_240 = arith.muli %arg1, %mul3A_239 : i32
    %add3A_241 = arith.constant 37 : i32
    %add3A_242 = arith.addi %mul3A_240, %add3A_241 : i32
    %mul3A_243 = arith.constant 8 : i32
    %mul3A_244 = arith.muli %add3A_242, %mul3A_243 : i32
    "tpu.region"() ({
      %run_scoped3A = tpu.sem_alloc : memref<!tpu.dma_semaphore, #tpu.memory_space<semaphore_mem>>
      %dma_start3A_1157 = arith.constant 0 : i32
      %dma_start3A_1158 = tpu.memref_slice %arg13[%mul3A_244, %dma_start3A_1157] : memref<10240x64xf32, #tpu.memory_space<vmem_shared>> -> memref<8x64xf32, #tpu.memory_space<vmem_shared>>
      %dma_start3A_1159 = arith.constant 0 : i32
      %dma_start3A_1160 = tpu.memref_slice %arg13[%mul3A_244, %dma_start3A_1159] : memref<10240x64xf32, #tpu.memory_space<vmem_shared>> -> memref<8x64xf32, #tpu.memory_space<vmem_shared>>
      tpu.enqueue_dma source(%arg11 : memref<8x64xf32, #tpu.memory_space<vmem>>) target(%dma_start3A_1160 : memref<8x64xf32, #tpu.memory_space<vmem_shared>>) target_semaphore(%run_scoped3A : memref<!tpu.dma_semaphore, #tpu.memory_space<semaphore_mem>>)
      %dma_wait3A_1161 = arith.constant 0 : i32
      %dma_wait3A_1162 = tpu.memref_slice %arg13[%mul3A_244, %dma_wait3A_1161] : memref<10240x64xf32, #tpu.memory_space<vmem_shared>> -> memref<8x64xf32, #tpu.memory_space<vmem_shared>>
      %dma_wait3A_1163 = arith.constant 0 : i32
      %dma_wait3A_1164 = tpu.memref_slice %arg13[%mul3A_244, %dma_wait3A_1163] : memref<10240x64xf32, #tpu.memory_space<vmem_shared>> -> memref<8x64xf32, #tpu.memory_space<vmem_shared>>
      tpu.wait_dma2 semaphore(%run_scoped3A : memref<!tpu.dma_semaphore, #tpu.memory_space<semaphore_mem>>) src(%arg11 : memref<8x64xf32, #tpu.memory_space<vmem>>) dst(%dma_wait3A_1164 : memref<8x64xf32, #tpu.memory_space<vmem_shared>>)
      tpu.yield
    }) : () -> ()
    %mul3A_245 = arith.constant 80 : i32
    %mul3A_246 = arith.muli %arg1, %mul3A_245 : i32
    %add3A_247 = arith.constant 38 : i32
    %add3A_248 = arith.addi %mul3A_246, %add3A_247 : i32
    %mul3A_249 = arith.constant 8 : i32
    %mul3A_250 = arith.muli %add3A_248, %mul3A_249 : i32
    "tpu.region"() ({
      %run_scoped3A = tpu.sem_alloc : memref<!tpu.dma_semaphore, #tpu.memory_space<semaphore_mem>>
      %dma_start3A_1157 = arith.constant 0 : i32
      %dma_start3A_1158 = tpu.memref_slice %arg13[%mul3A_250, %dma_start3A_1157] : memref<10240x64xf32, #tpu.memory_space<vmem_shared>> -> memref<8x64xf32, #tpu.memory_space<vmem_shared>>
      %dma_start3A_1159 = arith.constant 0 : i32
      %dma_start3A_1160 = tpu.memref_slice %arg13[%mul3A_250, %dma_start3A_1159] : memref<10240x64xf32, #tpu.memory_space<vmem_shared>> -> memref<8x64xf32, #tpu.memory_space<vmem_shared>>
      tpu.enqueue_dma source(%arg11 : memref<8x64xf32, #tpu.memory_space<vmem>>) target(%dma_start3A_1160 : memref<8x64xf32, #tpu.memory_space<vmem_shared>>) target_semaphore(%run_scoped3A : memref<!tpu.dma_semaphore, #tpu.memory_space<semaphore_mem>>)
      %dma_wait3A_1161 = arith.constant 0 : i32
      %dma_wait3A_1162 = tpu.memref_slice %arg13[%mul3A_250, %dma_wait3A_1161] : memref<10240x64xf32, #tpu.memory_space<vmem_shared>> -> memref<8x64xf32, #tpu.memory_space<vmem_shared>>
      %dma_wait3A_1163 = arith.constant 0 : i32
      %dma_wait3A_1164 = tpu.memref_slice %arg13[%mul3A_250, %dma_wait3A_1163] : memref<10240x64xf32, #tpu.memory_space<vmem_shared>> -> memref<8x64xf32, #tpu.memory_space<vmem_shared>>
      tpu.wait_dma2 semaphore(%run_scoped3A : memref<!tpu.dma_semaphore, #tpu.memory_space<semaphore_mem>>) src(%arg11 : memref<8x64xf32, #tpu.memory_space<vmem>>) dst(%dma_wait3A_1164 : memref<8x64xf32, #tpu.memory_space<vmem_shared>>)
      tpu.yield
    }) : () -> ()
    %mul3A_251 = arith.constant 80 : i32
    %mul3A_252 = arith.muli %arg1, %mul3A_251 : i32
    %add3A_253 = arith.constant 39 : i32
    %add3A_254 = arith.addi %mul3A_252, %add3A_253 : i32
    %mul3A_255 = arith.constant 8 : i32
    %mul3A_256 = arith.muli %add3A_254, %mul3A_255 : i32
    "tpu.region"() ({
      %run_scoped3A = tpu.sem_alloc : memref<!tpu.dma_semaphore, #tpu.memory_space<semaphore_mem>>
      %dma_start3A_1157 = arith.constant 0 : i32
      %dma_start3A_1158 = tpu.memref_slice %arg13[%mul3A_256, %dma_start3A_1157] : memref<10240x64xf32, #tpu.memory_space<vmem_shared>> -> memref<8x64xf32, #tpu.memory_space<vmem_shared>>
      %dma_start3A_1159 = arith.constant 0 : i32
      %dma_start3A_1160 = tpu.memref_slice %arg13[%mul3A_256, %dma_start3A_1159] : memref<10240x64xf32, #tpu.memory_space<vmem_shared>> -> memref<8x64xf32, #tpu.memory_space<vmem_shared>>
      tpu.enqueue_dma source(%arg11 : memref<8x64xf32, #tpu.memory_space<vmem>>) target(%dma_start3A_1160 : memref<8x64xf32, #tpu.memory_space<vmem_shared>>) target_semaphore(%run_scoped3A : memref<!tpu.dma_semaphore, #tpu.memory_space<semaphore_mem>>)
      %dma_wait3A_1161 = arith.constant 0 : i32
      %dma_wait3A_1162 = tpu.memref_slice %arg13[%mul3A_256, %dma_wait3A_1161] : memref<10240x64xf32, #tpu.memory_space<vmem_shared>> -> memref<8x64xf32, #tpu.memory_space<vmem_shared>>
      %dma_wait3A_1163 = arith.constant 0 : i32
      %dma_wait3A_1164 = tpu.memref_slice %arg13[%mul3A_256, %dma_wait3A_1163] : memref<10240x64xf32, #tpu.memory_space<vmem_shared>> -> memref<8x64xf32, #tpu.memory_space<vmem_shared>>
      tpu.wait_dma2 semaphore(%run_scoped3A : memref<!tpu.dma_semaphore, #tpu.memory_space<semaphore_mem>>) src(%arg11 : memref<8x64xf32, #tpu.memory_space<vmem>>) dst(%dma_wait3A_1164 : memref<8x64xf32, #tpu.memory_space<vmem_shared>>)
      tpu.yield
    }) : () -> ()
    %mul3A_257 = arith.constant 80 : i32
    %mul3A_258 = arith.muli %arg1, %mul3A_257 : i32
    %add3A_259 = arith.constant 40 : i32
    %add3A_260 = arith.addi %mul3A_258, %add3A_259 : i32
    %mul3A_261 = arith.constant 8 : i32
    %mul3A_262 = arith.muli %add3A_260, %mul3A_261 : i32
    "tpu.region"() ({
      %run_scoped3A = tpu.sem_alloc : memref<!tpu.dma_semaphore, #tpu.memory_space<semaphore_mem>>
      %dma_start3A_1157 = arith.constant 0 : i32
      %dma_start3A_1158 = tpu.memref_slice %arg13[%mul3A_262, %dma_start3A_1157] : memref<10240x64xf32, #tpu.memory_space<vmem_shared>> -> memref<8x64xf32, #tpu.memory_space<vmem_shared>>
      %dma_start3A_1159 = arith.constant 0 : i32
      %dma_start3A_1160 = tpu.memref_slice %arg13[%mul3A_262, %dma_start3A_1159] : memref<10240x64xf32, #tpu.memory_space<vmem_shared>> -> memref<8x64xf32, #tpu.memory_space<vmem_shared>>
      tpu.enqueue_dma source(%arg11 : memref<8x64xf32, #tpu.memory_space<vmem>>) target(%dma_start3A_1160 : memref<8x64xf32, #tpu.memory_space<vmem_shared>>) target_semaphore(%run_scoped3A : memref<!tpu.dma_semaphore, #tpu.memory_space<semaphore_mem>>)
      %dma_wait3A_1161 = arith.constant 0 : i32
      %dma_wait3A_1162 = tpu.memref_slice %arg13[%mul3A_262, %dma_wait3A_1161] : memref<10240x64xf32, #tpu.memory_space<vmem_shared>> -> memref<8x64xf32, #tpu.memory_space<vmem_shared>>
      %dma_wait3A_1163 = arith.constant 0 : i32
      %dma_wait3A_1164 = tpu.memref_slice %arg13[%mul3A_262, %dma_wait3A_1163] : memref<10240x64xf32, #tpu.memory_space<vmem_shared>> -> memref<8x64xf32, #tpu.memory_space<vmem_shared>>
      tpu.wait_dma2 semaphore(%run_scoped3A : memref<!tpu.dma_semaphore, #tpu.memory_space<semaphore_mem>>) src(%arg11 : memref<8x64xf32, #tpu.memory_space<vmem>>) dst(%dma_wait3A_1164 : memref<8x64xf32, #tpu.memory_space<vmem_shared>>)
      tpu.yield
    }) : () -> ()
    %mul3A_263 = arith.constant 80 : i32
    %mul3A_264 = arith.muli %arg1, %mul3A_263 : i32
    %add3A_265 = arith.constant 41 : i32
    %add3A_266 = arith.addi %mul3A_264, %add3A_265 : i32
    %mul3A_267 = arith.constant 8 : i32
    %mul3A_268 = arith.muli %add3A_266, %mul3A_267 : i32
    "tpu.region"() ({
      %run_scoped3A = tpu.sem_alloc : memref<!tpu.dma_semaphore, #tpu.memory_space<semaphore_mem>>
      %dma_start3A_1157 = arith.constant 0 : i32
      %dma_start3A_1158 = tpu.memref_slice %arg13[%mul3A_268, %dma_start3A_1157] : memref<10240x64xf32, #tpu.memory_space<vmem_shared>> -> memref<8x64xf32, #tpu.memory_space<vmem_shared>>
      %dma_start3A_1159 = arith.constant 0 : i32
      %dma_start3A_1160 = tpu.memref_slice %arg13[%mul3A_268, %dma_start3A_1159] : memref<10240x64xf32, #tpu.memory_space<vmem_shared>> -> memref<8x64xf32, #tpu.memory_space<vmem_shared>>
      tpu.enqueue_dma source(%arg11 : memref<8x64xf32, #tpu.memory_space<vmem>>) target(%dma_start3A_1160 : memref<8x64xf32, #tpu.memory_space<vmem_shared>>) target_semaphore(%run_scoped3A : memref<!tpu.dma_semaphore, #tpu.memory_space<semaphore_mem>>)
      %dma_wait3A_1161 = arith.constant 0 : i32
      %dma_wait3A_1162 = tpu.memref_slice %arg13[%mul3A_268, %dma_wait3A_1161] : memref<10240x64xf32, #tpu.memory_space<vmem_shared>> -> memref<8x64xf32, #tpu.memory_space<vmem_shared>>
      %dma_wait3A_1163 = arith.constant 0 : i32
      %dma_wait3A_1164 = tpu.memref_slice %arg13[%mul3A_268, %dma_wait3A_1163] : memref<10240x64xf32, #tpu.memory_space<vmem_shared>> -> memref<8x64xf32, #tpu.memory_space<vmem_shared>>
      tpu.wait_dma2 semaphore(%run_scoped3A : memref<!tpu.dma_semaphore, #tpu.memory_space<semaphore_mem>>) src(%arg11 : memref<8x64xf32, #tpu.memory_space<vmem>>) dst(%dma_wait3A_1164 : memref<8x64xf32, #tpu.memory_space<vmem_shared>>)
      tpu.yield
    }) : () -> ()
    %mul3A_269 = arith.constant 80 : i32
    %mul3A_270 = arith.muli %arg1, %mul3A_269 : i32
    %add3A_271 = arith.constant 42 : i32
    %add3A_272 = arith.addi %mul3A_270, %add3A_271 : i32
    %mul3A_273 = arith.constant 8 : i32
    %mul3A_274 = arith.muli %add3A_272, %mul3A_273 : i32
    "tpu.region"() ({
      %run_scoped3A = tpu.sem_alloc : memref<!tpu.dma_semaphore, #tpu.memory_space<semaphore_mem>>
      %dma_start3A_1157 = arith.constant 0 : i32
      %dma_start3A_1158 = tpu.memref_slice %arg13[%mul3A_274, %dma_start3A_1157] : memref<10240x64xf32, #tpu.memory_space<vmem_shared>> -> memref<8x64xf32, #tpu.memory_space<vmem_shared>>
      %dma_start3A_1159 = arith.constant 0 : i32
      %dma_start3A_1160 = tpu.memref_slice %arg13[%mul3A_274, %dma_start3A_1159] : memref<10240x64xf32, #tpu.memory_space<vmem_shared>> -> memref<8x64xf32, #tpu.memory_space<vmem_shared>>
      tpu.enqueue_dma source(%arg11 : memref<8x64xf32, #tpu.memory_space<vmem>>) target(%dma_start3A_1160 : memref<8x64xf32, #tpu.memory_space<vmem_shared>>) target_semaphore(%run_scoped3A : memref<!tpu.dma_semaphore, #tpu.memory_space<semaphore_mem>>)
      %dma_wait3A_1161 = arith.constant 0 : i32
      %dma_wait3A_1162 = tpu.memref_slice %arg13[%mul3A_274, %dma_wait3A_1161] : memref<10240x64xf32, #tpu.memory_space<vmem_shared>> -> memref<8x64xf32, #tpu.memory_space<vmem_shared>>
      %dma_wait3A_1163 = arith.constant 0 : i32
      %dma_wait3A_1164 = tpu.memref_slice %arg13[%mul3A_274, %dma_wait3A_1163] : memref<10240x64xf32, #tpu.memory_space<vmem_shared>> -> memref<8x64xf32, #tpu.memory_space<vmem_shared>>
      tpu.wait_dma2 semaphore(%run_scoped3A : memref<!tpu.dma_semaphore, #tpu.memory_space<semaphore_mem>>) src(%arg11 : memref<8x64xf32, #tpu.memory_space<vmem>>) dst(%dma_wait3A_1164 : memref<8x64xf32, #tpu.memory_space<vmem_shared>>)
      tpu.yield
    }) : () -> ()
    %mul3A_275 = arith.constant 80 : i32
    %mul3A_276 = arith.muli %arg1, %mul3A_275 : i32
    %add3A_277 = arith.constant 43 : i32
    %add3A_278 = arith.addi %mul3A_276, %add3A_277 : i32
    %mul3A_279 = arith.constant 8 : i32
    %mul3A_280 = arith.muli %add3A_278, %mul3A_279 : i32
    "tpu.region"() ({
      %run_scoped3A = tpu.sem_alloc : memref<!tpu.dma_semaphore, #tpu.memory_space<semaphore_mem>>
      %dma_start3A_1157 = arith.constant 0 : i32
      %dma_start3A_1158 = tpu.memref_slice %arg13[%mul3A_280, %dma_start3A_1157] : memref<10240x64xf32, #tpu.memory_space<vmem_shared>> -> memref<8x64xf32, #tpu.memory_space<vmem_shared>>
      %dma_start3A_1159 = arith.constant 0 : i32
      %dma_start3A_1160 = tpu.memref_slice %arg13[%mul3A_280, %dma_start3A_1159] : memref<10240x64xf32, #tpu.memory_space<vmem_shared>> -> memref<8x64xf32, #tpu.memory_space<vmem_shared>>
      tpu.enqueue_dma source(%arg11 : memref<8x64xf32, #tpu.memory_space<vmem>>) target(%dma_start3A_1160 : memref<8x64xf32, #tpu.memory_space<vmem_shared>>) target_semaphore(%run_scoped3A : memref<!tpu.dma_semaphore, #tpu.memory_space<semaphore_mem>>)
      %dma_wait3A_1161 = arith.constant 0 : i32
      %dma_wait3A_1162 = tpu.memref_slice %arg13[%mul3A_280, %dma_wait3A_1161] : memref<10240x64xf32, #tpu.memory_space<vmem_shared>> -> memref<8x64xf32, #tpu.memory_space<vmem_shared>>
      %dma_wait3A_1163 = arith.constant 0 : i32
      %dma_wait3A_1164 = tpu.memref_slice %arg13[%mul3A_280, %dma_wait3A_1163] : memref<10240x64xf32, #tpu.memory_space<vmem_shared>> -> memref<8x64xf32, #tpu.memory_space<vmem_shared>>
      tpu.wait_dma2 semaphore(%run_scoped3A : memref<!tpu.dma_semaphore, #tpu.memory_space<semaphore_mem>>) src(%arg11 : memref<8x64xf32, #tpu.memory_space<vmem>>) dst(%dma_wait3A_1164 : memref<8x64xf32, #tpu.memory_space<vmem_shared>>)
      tpu.yield
    }) : () -> ()
    %mul3A_281 = arith.constant 80 : i32
    %mul3A_282 = arith.muli %arg1, %mul3A_281 : i32
    %add3A_283 = arith.constant 44 : i32
    %add3A_284 = arith.addi %mul3A_282, %add3A_283 : i32
    %mul3A_285 = arith.constant 8 : i32
    %mul3A_286 = arith.muli %add3A_284, %mul3A_285 : i32
    "tpu.region"() ({
      %run_scoped3A = tpu.sem_alloc : memref<!tpu.dma_semaphore, #tpu.memory_space<semaphore_mem>>
      %dma_start3A_1157 = arith.constant 0 : i32
      %dma_start3A_1158 = tpu.memref_slice %arg13[%mul3A_286, %dma_start3A_1157] : memref<10240x64xf32, #tpu.memory_space<vmem_shared>> -> memref<8x64xf32, #tpu.memory_space<vmem_shared>>
      %dma_start3A_1159 = arith.constant 0 : i32
      %dma_start3A_1160 = tpu.memref_slice %arg13[%mul3A_286, %dma_start3A_1159] : memref<10240x64xf32, #tpu.memory_space<vmem_shared>> -> memref<8x64xf32, #tpu.memory_space<vmem_shared>>
      tpu.enqueue_dma source(%arg11 : memref<8x64xf32, #tpu.memory_space<vmem>>) target(%dma_start3A_1160 : memref<8x64xf32, #tpu.memory_space<vmem_shared>>) target_semaphore(%run_scoped3A : memref<!tpu.dma_semaphore, #tpu.memory_space<semaphore_mem>>)
      %dma_wait3A_1161 = arith.constant 0 : i32
      %dma_wait3A_1162 = tpu.memref_slice %arg13[%mul3A_286, %dma_wait3A_1161] : memref<10240x64xf32, #tpu.memory_space<vmem_shared>> -> memref<8x64xf32, #tpu.memory_space<vmem_shared>>
      %dma_wait3A_1163 = arith.constant 0 : i32
      %dma_wait3A_1164 = tpu.memref_slice %arg13[%mul3A_286, %dma_wait3A_1163] : memref<10240x64xf32, #tpu.memory_space<vmem_shared>> -> memref<8x64xf32, #tpu.memory_space<vmem_shared>>
      tpu.wait_dma2 semaphore(%run_scoped3A : memref<!tpu.dma_semaphore, #tpu.memory_space<semaphore_mem>>) src(%arg11 : memref<8x64xf32, #tpu.memory_space<vmem>>) dst(%dma_wait3A_1164 : memref<8x64xf32, #tpu.memory_space<vmem_shared>>)
      tpu.yield
    }) : () -> ()
    %mul3A_287 = arith.constant 80 : i32
    %mul3A_288 = arith.muli %arg1, %mul3A_287 : i32
    %add3A_289 = arith.constant 45 : i32
    %add3A_290 = arith.addi %mul3A_288, %add3A_289 : i32
    %mul3A_291 = arith.constant 8 : i32
    %mul3A_292 = arith.muli %add3A_290, %mul3A_291 : i32
    "tpu.region"() ({
      %run_scoped3A = tpu.sem_alloc : memref<!tpu.dma_semaphore, #tpu.memory_space<semaphore_mem>>
      %dma_start3A_1157 = arith.constant 0 : i32
      %dma_start3A_1158 = tpu.memref_slice %arg13[%mul3A_292, %dma_start3A_1157] : memref<10240x64xf32, #tpu.memory_space<vmem_shared>> -> memref<8x64xf32, #tpu.memory_space<vmem_shared>>
      %dma_start3A_1159 = arith.constant 0 : i32
      %dma_start3A_1160 = tpu.memref_slice %arg13[%mul3A_292, %dma_start3A_1159] : memref<10240x64xf32, #tpu.memory_space<vmem_shared>> -> memref<8x64xf32, #tpu.memory_space<vmem_shared>>
      tpu.enqueue_dma source(%arg11 : memref<8x64xf32, #tpu.memory_space<vmem>>) target(%dma_start3A_1160 : memref<8x64xf32, #tpu.memory_space<vmem_shared>>) target_semaphore(%run_scoped3A : memref<!tpu.dma_semaphore, #tpu.memory_space<semaphore_mem>>)
      %dma_wait3A_1161 = arith.constant 0 : i32
      %dma_wait3A_1162 = tpu.memref_slice %arg13[%mul3A_292, %dma_wait3A_1161] : memref<10240x64xf32, #tpu.memory_space<vmem_shared>> -> memref<8x64xf32, #tpu.memory_space<vmem_shared>>
      %dma_wait3A_1163 = arith.constant 0 : i32
      %dma_wait3A_1164 = tpu.memref_slice %arg13[%mul3A_292, %dma_wait3A_1163] : memref<10240x64xf32, #tpu.memory_space<vmem_shared>> -> memref<8x64xf32, #tpu.memory_space<vmem_shared>>
      tpu.wait_dma2 semaphore(%run_scoped3A : memref<!tpu.dma_semaphore, #tpu.memory_space<semaphore_mem>>) src(%arg11 : memref<8x64xf32, #tpu.memory_space<vmem>>) dst(%dma_wait3A_1164 : memref<8x64xf32, #tpu.memory_space<vmem_shared>>)
      tpu.yield
    }) : () -> ()
    %mul3A_293 = arith.constant 80 : i32
    %mul3A_294 = arith.muli %arg1, %mul3A_293 : i32
    %add3A_295 = arith.constant 46 : i32
    %add3A_296 = arith.addi %mul3A_294, %add3A_295 : i32
    %mul3A_297 = arith.constant 8 : i32
    %mul3A_298 = arith.muli %add3A_296, %mul3A_297 : i32
    "tpu.region"() ({
      %run_scoped3A = tpu.sem_alloc : memref<!tpu.dma_semaphore, #tpu.memory_space<semaphore_mem>>
      %dma_start3A_1157 = arith.constant 0 : i32
      %dma_start3A_1158 = tpu.memref_slice %arg13[%mul3A_298, %dma_start3A_1157] : memref<10240x64xf32, #tpu.memory_space<vmem_shared>> -> memref<8x64xf32, #tpu.memory_space<vmem_shared>>
      %dma_start3A_1159 = arith.constant 0 : i32
      %dma_start3A_1160 = tpu.memref_slice %arg13[%mul3A_298, %dma_start3A_1159] : memref<10240x64xf32, #tpu.memory_space<vmem_shared>> -> memref<8x64xf32, #tpu.memory_space<vmem_shared>>
      tpu.enqueue_dma source(%arg11 : memref<8x64xf32, #tpu.memory_space<vmem>>) target(%dma_start3A_1160 : memref<8x64xf32, #tpu.memory_space<vmem_shared>>) target_semaphore(%run_scoped3A : memref<!tpu.dma_semaphore, #tpu.memory_space<semaphore_mem>>)
      %dma_wait3A_1161 = arith.constant 0 : i32
      %dma_wait3A_1162 = tpu.memref_slice %arg13[%mul3A_298, %dma_wait3A_1161] : memref<10240x64xf32, #tpu.memory_space<vmem_shared>> -> memref<8x64xf32, #tpu.memory_space<vmem_shared>>
      %dma_wait3A_1163 = arith.constant 0 : i32
      %dma_wait3A_1164 = tpu.memref_slice %arg13[%mul3A_298, %dma_wait3A_1163] : memref<10240x64xf32, #tpu.memory_space<vmem_shared>> -> memref<8x64xf32, #tpu.memory_space<vmem_shared>>
      tpu.wait_dma2 semaphore(%run_scoped3A : memref<!tpu.dma_semaphore, #tpu.memory_space<semaphore_mem>>) src(%arg11 : memref<8x64xf32, #tpu.memory_space<vmem>>) dst(%dma_wait3A_1164 : memref<8x64xf32, #tpu.memory_space<vmem_shared>>)
      tpu.yield
    }) : () -> ()
    %mul3A_299 = arith.constant 80 : i32
    %mul3A_300 = arith.muli %arg1, %mul3A_299 : i32
    %add3A_301 = arith.constant 47 : i32
    %add3A_302 = arith.addi %mul3A_300, %add3A_301 : i32
    %mul3A_303 = arith.constant 8 : i32
    %mul3A_304 = arith.muli %add3A_302, %mul3A_303 : i32
    "tpu.region"() ({
      %run_scoped3A = tpu.sem_alloc : memref<!tpu.dma_semaphore, #tpu.memory_space<semaphore_mem>>
      %dma_start3A_1157 = arith.constant 0 : i32
      %dma_start3A_1158 = tpu.memref_slice %arg13[%mul3A_304, %dma_start3A_1157] : memref<10240x64xf32, #tpu.memory_space<vmem_shared>> -> memref<8x64xf32, #tpu.memory_space<vmem_shared>>
      %dma_start3A_1159 = arith.constant 0 : i32
      %dma_start3A_1160 = tpu.memref_slice %arg13[%mul3A_304, %dma_start3A_1159] : memref<10240x64xf32, #tpu.memory_space<vmem_shared>> -> memref<8x64xf32, #tpu.memory_space<vmem_shared>>
      tpu.enqueue_dma source(%arg11 : memref<8x64xf32, #tpu.memory_space<vmem>>) target(%dma_start3A_1160 : memref<8x64xf32, #tpu.memory_space<vmem_shared>>) target_semaphore(%run_scoped3A : memref<!tpu.dma_semaphore, #tpu.memory_space<semaphore_mem>>)
      %dma_wait3A_1161 = arith.constant 0 : i32
      %dma_wait3A_1162 = tpu.memref_slice %arg13[%mul3A_304, %dma_wait3A_1161] : memref<10240x64xf32, #tpu.memory_space<vmem_shared>> -> memref<8x64xf32, #tpu.memory_space<vmem_shared>>
      %dma_wait3A_1163 = arith.constant 0 : i32
      %dma_wait3A_1164 = tpu.memref_slice %arg13[%mul3A_304, %dma_wait3A_1163] : memref<10240x64xf32, #tpu.memory_space<vmem_shared>> -> memref<8x64xf32, #tpu.memory_space<vmem_shared>>
      tpu.wait_dma2 semaphore(%run_scoped3A : memref<!tpu.dma_semaphore, #tpu.memory_space<semaphore_mem>>) src(%arg11 : memref<8x64xf32, #tpu.memory_space<vmem>>) dst(%dma_wait3A_1164 : memref<8x64xf32, #tpu.memory_space<vmem_shared>>)
      tpu.yield
    }) : () -> ()
    %mul3A_305 = arith.constant 80 : i32
    %mul3A_306 = arith.muli %arg1, %mul3A_305 : i32
    %add3A_307 = arith.constant 48 : i32
    %add3A_308 = arith.addi %mul3A_306, %add3A_307 : i32
    %mul3A_309 = arith.constant 8 : i32
    %mul3A_310 = arith.muli %add3A_308, %mul3A_309 : i32
    "tpu.region"() ({
      %run_scoped3A = tpu.sem_alloc : memref<!tpu.dma_semaphore, #tpu.memory_space<semaphore_mem>>
      %dma_start3A_1157 = arith.constant 0 : i32
      %dma_start3A_1158 = tpu.memref_slice %arg13[%mul3A_310, %dma_start3A_1157] : memref<10240x64xf32, #tpu.memory_space<vmem_shared>> -> memref<8x64xf32, #tpu.memory_space<vmem_shared>>
      %dma_start3A_1159 = arith.constant 0 : i32
      %dma_start3A_1160 = tpu.memref_slice %arg13[%mul3A_310, %dma_start3A_1159] : memref<10240x64xf32, #tpu.memory_space<vmem_shared>> -> memref<8x64xf32, #tpu.memory_space<vmem_shared>>
      tpu.enqueue_dma source(%arg11 : memref<8x64xf32, #tpu.memory_space<vmem>>) target(%dma_start3A_1160 : memref<8x64xf32, #tpu.memory_space<vmem_shared>>) target_semaphore(%run_scoped3A : memref<!tpu.dma_semaphore, #tpu.memory_space<semaphore_mem>>)
      %dma_wait3A_1161 = arith.constant 0 : i32
      %dma_wait3A_1162 = tpu.memref_slice %arg13[%mul3A_310, %dma_wait3A_1161] : memref<10240x64xf32, #tpu.memory_space<vmem_shared>> -> memref<8x64xf32, #tpu.memory_space<vmem_shared>>
      %dma_wait3A_1163 = arith.constant 0 : i32
      %dma_wait3A_1164 = tpu.memref_slice %arg13[%mul3A_310, %dma_wait3A_1163] : memref<10240x64xf32, #tpu.memory_space<vmem_shared>> -> memref<8x64xf32, #tpu.memory_space<vmem_shared>>
      tpu.wait_dma2 semaphore(%run_scoped3A : memref<!tpu.dma_semaphore, #tpu.memory_space<semaphore_mem>>) src(%arg11 : memref<8x64xf32, #tpu.memory_space<vmem>>) dst(%dma_wait3A_1164 : memref<8x64xf32, #tpu.memory_space<vmem_shared>>)
      tpu.yield
    }) : () -> ()
    %mul3A_311 = arith.constant 80 : i32
    %mul3A_312 = arith.muli %arg1, %mul3A_311 : i32
    %add3A_313 = arith.constant 49 : i32
    %add3A_314 = arith.addi %mul3A_312, %add3A_313 : i32
    %mul3A_315 = arith.constant 8 : i32
    %mul3A_316 = arith.muli %add3A_314, %mul3A_315 : i32
    "tpu.region"() ({
      %run_scoped3A = tpu.sem_alloc : memref<!tpu.dma_semaphore, #tpu.memory_space<semaphore_mem>>
      %dma_start3A_1157 = arith.constant 0 : i32
      %dma_start3A_1158 = tpu.memref_slice %arg13[%mul3A_316, %dma_start3A_1157] : memref<10240x64xf32, #tpu.memory_space<vmem_shared>> -> memref<8x64xf32, #tpu.memory_space<vmem_shared>>
      %dma_start3A_1159 = arith.constant 0 : i32
      %dma_start3A_1160 = tpu.memref_slice %arg13[%mul3A_316, %dma_start3A_1159] : memref<10240x64xf32, #tpu.memory_space<vmem_shared>> -> memref<8x64xf32, #tpu.memory_space<vmem_shared>>
      tpu.enqueue_dma source(%arg11 : memref<8x64xf32, #tpu.memory_space<vmem>>) target(%dma_start3A_1160 : memref<8x64xf32, #tpu.memory_space<vmem_shared>>) target_semaphore(%run_scoped3A : memref<!tpu.dma_semaphore, #tpu.memory_space<semaphore_mem>>)
      %dma_wait3A_1161 = arith.constant 0 : i32
      %dma_wait3A_1162 = tpu.memref_slice %arg13[%mul3A_316, %dma_wait3A_1161] : memref<10240x64xf32, #tpu.memory_space<vmem_shared>> -> memref<8x64xf32, #tpu.memory_space<vmem_shared>>
      %dma_wait3A_1163 = arith.constant 0 : i32
      %dma_wait3A_1164 = tpu.memref_slice %arg13[%mul3A_316, %dma_wait3A_1163] : memref<10240x64xf32, #tpu.memory_space<vmem_shared>> -> memref<8x64xf32, #tpu.memory_space<vmem_shared>>
      tpu.wait_dma2 semaphore(%run_scoped3A : memref<!tpu.dma_semaphore, #tpu.memory_space<semaphore_mem>>) src(%arg11 : memref<8x64xf32, #tpu.memory_space<vmem>>) dst(%dma_wait3A_1164 : memref<8x64xf32, #tpu.memory_space<vmem_shared>>)
      tpu.yield
    }) : () -> ()
    %mul3A_317 = arith.constant 80 : i32
    %mul3A_318 = arith.muli %arg1, %mul3A_317 : i32
    %add3A_319 = arith.constant 50 : i32
    %add3A_320 = arith.addi %mul3A_318, %add3A_319 : i32
    %mul3A_321 = arith.constant 8 : i32
    %mul3A_322 = arith.muli %add3A_320, %mul3A_321 : i32
    "tpu.region"() ({
      %run_scoped3A = tpu.sem_alloc : memref<!tpu.dma_semaphore, #tpu.memory_space<semaphore_mem>>
      %dma_start3A_1157 = arith.constant 0 : i32
      %dma_start3A_1158 = tpu.memref_slice %arg13[%mul3A_322, %dma_start3A_1157] : memref<10240x64xf32, #tpu.memory_space<vmem_shared>> -> memref<8x64xf32, #tpu.memory_space<vmem_shared>>
      %dma_start3A_1159 = arith.constant 0 : i32
      %dma_start3A_1160 = tpu.memref_slice %arg13[%mul3A_322, %dma_start3A_1159] : memref<10240x64xf32, #tpu.memory_space<vmem_shared>> -> memref<8x64xf32, #tpu.memory_space<vmem_shared>>
      tpu.enqueue_dma source(%arg11 : memref<8x64xf32, #tpu.memory_space<vmem>>) target(%dma_start3A_1160 : memref<8x64xf32, #tpu.memory_space<vmem_shared>>) target_semaphore(%run_scoped3A : memref<!tpu.dma_semaphore, #tpu.memory_space<semaphore_mem>>)
      %dma_wait3A_1161 = arith.constant 0 : i32
      %dma_wait3A_1162 = tpu.memref_slice %arg13[%mul3A_322, %dma_wait3A_1161] : memref<10240x64xf32, #tpu.memory_space<vmem_shared>> -> memref<8x64xf32, #tpu.memory_space<vmem_shared>>
      %dma_wait3A_1163 = arith.constant 0 : i32
      %dma_wait3A_1164 = tpu.memref_slice %arg13[%mul3A_322, %dma_wait3A_1163] : memref<10240x64xf32, #tpu.memory_space<vmem_shared>> -> memref<8x64xf32, #tpu.memory_space<vmem_shared>>
      tpu.wait_dma2 semaphore(%run_scoped3A : memref<!tpu.dma_semaphore, #tpu.memory_space<semaphore_mem>>) src(%arg11 : memref<8x64xf32, #tpu.memory_space<vmem>>) dst(%dma_wait3A_1164 : memref<8x64xf32, #tpu.memory_space<vmem_shared>>)
      tpu.yield
    }) : () -> ()
    %mul3A_323 = arith.constant 80 : i32
    %mul3A_324 = arith.muli %arg1, %mul3A_323 : i32
    %add3A_325 = arith.constant 51 : i32
    %add3A_326 = arith.addi %mul3A_324, %add3A_325 : i32
    %mul3A_327 = arith.constant 8 : i32
    %mul3A_328 = arith.muli %add3A_326, %mul3A_327 : i32
    "tpu.region"() ({
      %run_scoped3A = tpu.sem_alloc : memref<!tpu.dma_semaphore, #tpu.memory_space<semaphore_mem>>
      %dma_start3A_1157 = arith.constant 0 : i32
      %dma_start3A_1158 = tpu.memref_slice %arg13[%mul3A_328, %dma_start3A_1157] : memref<10240x64xf32, #tpu.memory_space<vmem_shared>> -> memref<8x64xf32, #tpu.memory_space<vmem_shared>>
      %dma_start3A_1159 = arith.constant 0 : i32
      %dma_start3A_1160 = tpu.memref_slice %arg13[%mul3A_328, %dma_start3A_1159] : memref<10240x64xf32, #tpu.memory_space<vmem_shared>> -> memref<8x64xf32, #tpu.memory_space<vmem_shared>>
      tpu.enqueue_dma source(%arg11 : memref<8x64xf32, #tpu.memory_space<vmem>>) target(%dma_start3A_1160 : memref<8x64xf32, #tpu.memory_space<vmem_shared>>) target_semaphore(%run_scoped3A : memref<!tpu.dma_semaphore, #tpu.memory_space<semaphore_mem>>)
      %dma_wait3A_1161 = arith.constant 0 : i32
      %dma_wait3A_1162 = tpu.memref_slice %arg13[%mul3A_328, %dma_wait3A_1161] : memref<10240x64xf32, #tpu.memory_space<vmem_shared>> -> memref<8x64xf32, #tpu.memory_space<vmem_shared>>
      %dma_wait3A_1163 = arith.constant 0 : i32
      %dma_wait3A_1164 = tpu.memref_slice %arg13[%mul3A_328, %dma_wait3A_1163] : memref<10240x64xf32, #tpu.memory_space<vmem_shared>> -> memref<8x64xf32, #tpu.memory_space<vmem_shared>>
      tpu.wait_dma2 semaphore(%run_scoped3A : memref<!tpu.dma_semaphore, #tpu.memory_space<semaphore_mem>>) src(%arg11 : memref<8x64xf32, #tpu.memory_space<vmem>>) dst(%dma_wait3A_1164 : memref<8x64xf32, #tpu.memory_space<vmem_shared>>)
      tpu.yield
    }) : () -> ()
    %mul3A_329 = arith.constant 80 : i32
    %mul3A_330 = arith.muli %arg1, %mul3A_329 : i32
    %add3A_331 = arith.constant 52 : i32
    %add3A_332 = arith.addi %mul3A_330, %add3A_331 : i32
    %mul3A_333 = arith.constant 8 : i32
    %mul3A_334 = arith.muli %add3A_332, %mul3A_333 : i32
    "tpu.region"() ({
      %run_scoped3A = tpu.sem_alloc : memref<!tpu.dma_semaphore, #tpu.memory_space<semaphore_mem>>
      %dma_start3A_1157 = arith.constant 0 : i32
      %dma_start3A_1158 = tpu.memref_slice %arg13[%mul3A_334, %dma_start3A_1157] : memref<10240x64xf32, #tpu.memory_space<vmem_shared>> -> memref<8x64xf32, #tpu.memory_space<vmem_shared>>
      %dma_start3A_1159 = arith.constant 0 : i32
      %dma_start3A_1160 = tpu.memref_slice %arg13[%mul3A_334, %dma_start3A_1159] : memref<10240x64xf32, #tpu.memory_space<vmem_shared>> -> memref<8x64xf32, #tpu.memory_space<vmem_shared>>
      tpu.enqueue_dma source(%arg11 : memref<8x64xf32, #tpu.memory_space<vmem>>) target(%dma_start3A_1160 : memref<8x64xf32, #tpu.memory_space<vmem_shared>>) target_semaphore(%run_scoped3A : memref<!tpu.dma_semaphore, #tpu.memory_space<semaphore_mem>>)
      %dma_wait3A_1161 = arith.constant 0 : i32
      %dma_wait3A_1162 = tpu.memref_slice %arg13[%mul3A_334, %dma_wait3A_1161] : memref<10240x64xf32, #tpu.memory_space<vmem_shared>> -> memref<8x64xf32, #tpu.memory_space<vmem_shared>>
      %dma_wait3A_1163 = arith.constant 0 : i32
      %dma_wait3A_1164 = tpu.memref_slice %arg13[%mul3A_334, %dma_wait3A_1163] : memref<10240x64xf32, #tpu.memory_space<vmem_shared>> -> memref<8x64xf32, #tpu.memory_space<vmem_shared>>
      tpu.wait_dma2 semaphore(%run_scoped3A : memref<!tpu.dma_semaphore, #tpu.memory_space<semaphore_mem>>) src(%arg11 : memref<8x64xf32, #tpu.memory_space<vmem>>) dst(%dma_wait3A_1164 : memref<8x64xf32, #tpu.memory_space<vmem_shared>>)
      tpu.yield
    }) : () -> ()
    %mul3A_335 = arith.constant 80 : i32
    %mul3A_336 = arith.muli %arg1, %mul3A_335 : i32
    %add3A_337 = arith.constant 53 : i32
    %add3A_338 = arith.addi %mul3A_336, %add3A_337 : i32
    %mul3A_339 = arith.constant 8 : i32
    %mul3A_340 = arith.muli %add3A_338, %mul3A_339 : i32
    "tpu.region"() ({
      %run_scoped3A = tpu.sem_alloc : memref<!tpu.dma_semaphore, #tpu.memory_space<semaphore_mem>>
      %dma_start3A_1157 = arith.constant 0 : i32
      %dma_start3A_1158 = tpu.memref_slice %arg13[%mul3A_340, %dma_start3A_1157] : memref<10240x64xf32, #tpu.memory_space<vmem_shared>> -> memref<8x64xf32, #tpu.memory_space<vmem_shared>>
      %dma_start3A_1159 = arith.constant 0 : i32
      %dma_start3A_1160 = tpu.memref_slice %arg13[%mul3A_340, %dma_start3A_1159] : memref<10240x64xf32, #tpu.memory_space<vmem_shared>> -> memref<8x64xf32, #tpu.memory_space<vmem_shared>>
      tpu.enqueue_dma source(%arg11 : memref<8x64xf32, #tpu.memory_space<vmem>>) target(%dma_start3A_1160 : memref<8x64xf32, #tpu.memory_space<vmem_shared>>) target_semaphore(%run_scoped3A : memref<!tpu.dma_semaphore, #tpu.memory_space<semaphore_mem>>)
      %dma_wait3A_1161 = arith.constant 0 : i32
      %dma_wait3A_1162 = tpu.memref_slice %arg13[%mul3A_340, %dma_wait3A_1161] : memref<10240x64xf32, #tpu.memory_space<vmem_shared>> -> memref<8x64xf32, #tpu.memory_space<vmem_shared>>
      %dma_wait3A_1163 = arith.constant 0 : i32
      %dma_wait3A_1164 = tpu.memref_slice %arg13[%mul3A_340, %dma_wait3A_1163] : memref<10240x64xf32, #tpu.memory_space<vmem_shared>> -> memref<8x64xf32, #tpu.memory_space<vmem_shared>>
      tpu.wait_dma2 semaphore(%run_scoped3A : memref<!tpu.dma_semaphore, #tpu.memory_space<semaphore_mem>>) src(%arg11 : memref<8x64xf32, #tpu.memory_space<vmem>>) dst(%dma_wait3A_1164 : memref<8x64xf32, #tpu.memory_space<vmem_shared>>)
      tpu.yield
    }) : () -> ()
    %mul3A_341 = arith.constant 80 : i32
    %mul3A_342 = arith.muli %arg1, %mul3A_341 : i32
    %add3A_343 = arith.constant 54 : i32
    %add3A_344 = arith.addi %mul3A_342, %add3A_343 : i32
    %mul3A_345 = arith.constant 8 : i32
    %mul3A_346 = arith.muli %add3A_344, %mul3A_345 : i32
    "tpu.region"() ({
      %run_scoped3A = tpu.sem_alloc : memref<!tpu.dma_semaphore, #tpu.memory_space<semaphore_mem>>
      %dma_start3A_1157 = arith.constant 0 : i32
      %dma_start3A_1158 = tpu.memref_slice %arg13[%mul3A_346, %dma_start3A_1157] : memref<10240x64xf32, #tpu.memory_space<vmem_shared>> -> memref<8x64xf32, #tpu.memory_space<vmem_shared>>
      %dma_start3A_1159 = arith.constant 0 : i32
      %dma_start3A_1160 = tpu.memref_slice %arg13[%mul3A_346, %dma_start3A_1159] : memref<10240x64xf32, #tpu.memory_space<vmem_shared>> -> memref<8x64xf32, #tpu.memory_space<vmem_shared>>
      tpu.enqueue_dma source(%arg11 : memref<8x64xf32, #tpu.memory_space<vmem>>) target(%dma_start3A_1160 : memref<8x64xf32, #tpu.memory_space<vmem_shared>>) target_semaphore(%run_scoped3A : memref<!tpu.dma_semaphore, #tpu.memory_space<semaphore_mem>>)
      %dma_wait3A_1161 = arith.constant 0 : i32
      %dma_wait3A_1162 = tpu.memref_slice %arg13[%mul3A_346, %dma_wait3A_1161] : memref<10240x64xf32, #tpu.memory_space<vmem_shared>> -> memref<8x64xf32, #tpu.memory_space<vmem_shared>>
      %dma_wait3A_1163 = arith.constant 0 : i32
      %dma_wait3A_1164 = tpu.memref_slice %arg13[%mul3A_346, %dma_wait3A_1163] : memref<10240x64xf32, #tpu.memory_space<vmem_shared>> -> memref<8x64xf32, #tpu.memory_space<vmem_shared>>
      tpu.wait_dma2 semaphore(%run_scoped3A : memref<!tpu.dma_semaphore, #tpu.memory_space<semaphore_mem>>) src(%arg11 : memref<8x64xf32, #tpu.memory_space<vmem>>) dst(%dma_wait3A_1164 : memref<8x64xf32, #tpu.memory_space<vmem_shared>>)
      tpu.yield
    }) : () -> ()
    %mul3A_347 = arith.constant 80 : i32
    %mul3A_348 = arith.muli %arg1, %mul3A_347 : i32
    %add3A_349 = arith.constant 55 : i32
    %add3A_350 = arith.addi %mul3A_348, %add3A_349 : i32
    %mul3A_351 = arith.constant 8 : i32
    %mul3A_352 = arith.muli %add3A_350, %mul3A_351 : i32
    "tpu.region"() ({
      %run_scoped3A = tpu.sem_alloc : memref<!tpu.dma_semaphore, #tpu.memory_space<semaphore_mem>>
      %dma_start3A_1157 = arith.constant 0 : i32
      %dma_start3A_1158 = tpu.memref_slice %arg13[%mul3A_352, %dma_start3A_1157] : memref<10240x64xf32, #tpu.memory_space<vmem_shared>> -> memref<8x64xf32, #tpu.memory_space<vmem_shared>>
      %dma_start3A_1159 = arith.constant 0 : i32
      %dma_start3A_1160 = tpu.memref_slice %arg13[%mul3A_352, %dma_start3A_1159] : memref<10240x64xf32, #tpu.memory_space<vmem_shared>> -> memref<8x64xf32, #tpu.memory_space<vmem_shared>>
      tpu.enqueue_dma source(%arg11 : memref<8x64xf32, #tpu.memory_space<vmem>>) target(%dma_start3A_1160 : memref<8x64xf32, #tpu.memory_space<vmem_shared>>) target_semaphore(%run_scoped3A : memref<!tpu.dma_semaphore, #tpu.memory_space<semaphore_mem>>)
      %dma_wait3A_1161 = arith.constant 0 : i32
      %dma_wait3A_1162 = tpu.memref_slice %arg13[%mul3A_352, %dma_wait3A_1161] : memref<10240x64xf32, #tpu.memory_space<vmem_shared>> -> memref<8x64xf32, #tpu.memory_space<vmem_shared>>
      %dma_wait3A_1163 = arith.constant 0 : i32
      %dma_wait3A_1164 = tpu.memref_slice %arg13[%mul3A_352, %dma_wait3A_1163] : memref<10240x64xf32, #tpu.memory_space<vmem_shared>> -> memref<8x64xf32, #tpu.memory_space<vmem_shared>>
      tpu.wait_dma2 semaphore(%run_scoped3A : memref<!tpu.dma_semaphore, #tpu.memory_space<semaphore_mem>>) src(%arg11 : memref<8x64xf32, #tpu.memory_space<vmem>>) dst(%dma_wait3A_1164 : memref<8x64xf32, #tpu.memory_space<vmem_shared>>)
      tpu.yield
    }) : () -> ()
    %mul3A_353 = arith.constant 80 : i32
    %mul3A_354 = arith.muli %arg1, %mul3A_353 : i32
    %add3A_355 = arith.constant 56 : i32
    %add3A_356 = arith.addi %mul3A_354, %add3A_355 : i32
    %mul3A_357 = arith.constant 8 : i32
    %mul3A_358 = arith.muli %add3A_356, %mul3A_357 : i32
    "tpu.region"() ({
      %run_scoped3A = tpu.sem_alloc : memref<!tpu.dma_semaphore, #tpu.memory_space<semaphore_mem>>
      %dma_start3A_1157 = arith.constant 0 : i32
      %dma_start3A_1158 = tpu.memref_slice %arg13[%mul3A_358, %dma_start3A_1157] : memref<10240x64xf32, #tpu.memory_space<vmem_shared>> -> memref<8x64xf32, #tpu.memory_space<vmem_shared>>
      %dma_start3A_1159 = arith.constant 0 : i32
      %dma_start3A_1160 = tpu.memref_slice %arg13[%mul3A_358, %dma_start3A_1159] : memref<10240x64xf32, #tpu.memory_space<vmem_shared>> -> memref<8x64xf32, #tpu.memory_space<vmem_shared>>
      tpu.enqueue_dma source(%arg11 : memref<8x64xf32, #tpu.memory_space<vmem>>) target(%dma_start3A_1160 : memref<8x64xf32, #tpu.memory_space<vmem_shared>>) target_semaphore(%run_scoped3A : memref<!tpu.dma_semaphore, #tpu.memory_space<semaphore_mem>>)
      %dma_wait3A_1161 = arith.constant 0 : i32
      %dma_wait3A_1162 = tpu.memref_slice %arg13[%mul3A_358, %dma_wait3A_1161] : memref<10240x64xf32, #tpu.memory_space<vmem_shared>> -> memref<8x64xf32, #tpu.memory_space<vmem_shared>>
      %dma_wait3A_1163 = arith.constant 0 : i32
      %dma_wait3A_1164 = tpu.memref_slice %arg13[%mul3A_358, %dma_wait3A_1163] : memref<10240x64xf32, #tpu.memory_space<vmem_shared>> -> memref<8x64xf32, #tpu.memory_space<vmem_shared>>
      tpu.wait_dma2 semaphore(%run_scoped3A : memref<!tpu.dma_semaphore, #tpu.memory_space<semaphore_mem>>) src(%arg11 : memref<8x64xf32, #tpu.memory_space<vmem>>) dst(%dma_wait3A_1164 : memref<8x64xf32, #tpu.memory_space<vmem_shared>>)
      tpu.yield
    }) : () -> ()
    %mul3A_359 = arith.constant 80 : i32
    %mul3A_360 = arith.muli %arg1, %mul3A_359 : i32
    %add3A_361 = arith.constant 57 : i32
    %add3A_362 = arith.addi %mul3A_360, %add3A_361 : i32
    %mul3A_363 = arith.constant 8 : i32
    %mul3A_364 = arith.muli %add3A_362, %mul3A_363 : i32
    "tpu.region"() ({
      %run_scoped3A = tpu.sem_alloc : memref<!tpu.dma_semaphore, #tpu.memory_space<semaphore_mem>>
      %dma_start3A_1157 = arith.constant 0 : i32
      %dma_start3A_1158 = tpu.memref_slice %arg13[%mul3A_364, %dma_start3A_1157] : memref<10240x64xf32, #tpu.memory_space<vmem_shared>> -> memref<8x64xf32, #tpu.memory_space<vmem_shared>>
      %dma_start3A_1159 = arith.constant 0 : i32
      %dma_start3A_1160 = tpu.memref_slice %arg13[%mul3A_364, %dma_start3A_1159] : memref<10240x64xf32, #tpu.memory_space<vmem_shared>> -> memref<8x64xf32, #tpu.memory_space<vmem_shared>>
      tpu.enqueue_dma source(%arg11 : memref<8x64xf32, #tpu.memory_space<vmem>>) target(%dma_start3A_1160 : memref<8x64xf32, #tpu.memory_space<vmem_shared>>) target_semaphore(%run_scoped3A : memref<!tpu.dma_semaphore, #tpu.memory_space<semaphore_mem>>)
      %dma_wait3A_1161 = arith.constant 0 : i32
      %dma_wait3A_1162 = tpu.memref_slice %arg13[%mul3A_364, %dma_wait3A_1161] : memref<10240x64xf32, #tpu.memory_space<vmem_shared>> -> memref<8x64xf32, #tpu.memory_space<vmem_shared>>
      %dma_wait3A_1163 = arith.constant 0 : i32
      %dma_wait3A_1164 = tpu.memref_slice %arg13[%mul3A_364, %dma_wait3A_1163] : memref<10240x64xf32, #tpu.memory_space<vmem_shared>> -> memref<8x64xf32, #tpu.memory_space<vmem_shared>>
      tpu.wait_dma2 semaphore(%run_scoped3A : memref<!tpu.dma_semaphore, #tpu.memory_space<semaphore_mem>>) src(%arg11 : memref<8x64xf32, #tpu.memory_space<vmem>>) dst(%dma_wait3A_1164 : memref<8x64xf32, #tpu.memory_space<vmem_shared>>)
      tpu.yield
    }) : () -> ()
    %mul3A_365 = arith.constant 80 : i32
    %mul3A_366 = arith.muli %arg1, %mul3A_365 : i32
    %add3A_367 = arith.constant 58 : i32
    %add3A_368 = arith.addi %mul3A_366, %add3A_367 : i32
    %mul3A_369 = arith.constant 8 : i32
    %mul3A_370 = arith.muli %add3A_368, %mul3A_369 : i32
    "tpu.region"() ({
      %run_scoped3A = tpu.sem_alloc : memref<!tpu.dma_semaphore, #tpu.memory_space<semaphore_mem>>
      %dma_start3A_1157 = arith.constant 0 : i32
      %dma_start3A_1158 = tpu.memref_slice %arg13[%mul3A_370, %dma_start3A_1157] : memref<10240x64xf32, #tpu.memory_space<vmem_shared>> -> memref<8x64xf32, #tpu.memory_space<vmem_shared>>
      %dma_start3A_1159 = arith.constant 0 : i32
      %dma_start3A_1160 = tpu.memref_slice %arg13[%mul3A_370, %dma_start3A_1159] : memref<10240x64xf32, #tpu.memory_space<vmem_shared>> -> memref<8x64xf32, #tpu.memory_space<vmem_shared>>
      tpu.enqueue_dma source(%arg11 : memref<8x64xf32, #tpu.memory_space<vmem>>) target(%dma_start3A_1160 : memref<8x64xf32, #tpu.memory_space<vmem_shared>>) target_semaphore(%run_scoped3A : memref<!tpu.dma_semaphore, #tpu.memory_space<semaphore_mem>>)
      %dma_wait3A_1161 = arith.constant 0 : i32
      %dma_wait3A_1162 = tpu.memref_slice %arg13[%mul3A_370, %dma_wait3A_1161] : memref<10240x64xf32, #tpu.memory_space<vmem_shared>> -> memref<8x64xf32, #tpu.memory_space<vmem_shared>>
      %dma_wait3A_1163 = arith.constant 0 : i32
      %dma_wait3A_1164 = tpu.memref_slice %arg13[%mul3A_370, %dma_wait3A_1163] : memref<10240x64xf32, #tpu.memory_space<vmem_shared>> -> memref<8x64xf32, #tpu.memory_space<vmem_shared>>
      tpu.wait_dma2 semaphore(%run_scoped3A : memref<!tpu.dma_semaphore, #tpu.memory_space<semaphore_mem>>) src(%arg11 : memref<8x64xf32, #tpu.memory_space<vmem>>) dst(%dma_wait3A_1164 : memref<8x64xf32, #tpu.memory_space<vmem_shared>>)
      tpu.yield
    }) : () -> ()
    %mul3A_371 = arith.constant 80 : i32
    %mul3A_372 = arith.muli %arg1, %mul3A_371 : i32
    %add3A_373 = arith.constant 59 : i32
    %add3A_374 = arith.addi %mul3A_372, %add3A_373 : i32
    %mul3A_375 = arith.constant 8 : i32
    %mul3A_376 = arith.muli %add3A_374, %mul3A_375 : i32
    "tpu.region"() ({
      %run_scoped3A = tpu.sem_alloc : memref<!tpu.dma_semaphore, #tpu.memory_space<semaphore_mem>>
      %dma_start3A_1157 = arith.constant 0 : i32
      %dma_start3A_1158 = tpu.memref_slice %arg13[%mul3A_376, %dma_start3A_1157] : memref<10240x64xf32, #tpu.memory_space<vmem_shared>> -> memref<8x64xf32, #tpu.memory_space<vmem_shared>>
      %dma_start3A_1159 = arith.constant 0 : i32
      %dma_start3A_1160 = tpu.memref_slice %arg13[%mul3A_376, %dma_start3A_1159] : memref<10240x64xf32, #tpu.memory_space<vmem_shared>> -> memref<8x64xf32, #tpu.memory_space<vmem_shared>>
      tpu.enqueue_dma source(%arg11 : memref<8x64xf32, #tpu.memory_space<vmem>>) target(%dma_start3A_1160 : memref<8x64xf32, #tpu.memory_space<vmem_shared>>) target_semaphore(%run_scoped3A : memref<!tpu.dma_semaphore, #tpu.memory_space<semaphore_mem>>)
      %dma_wait3A_1161 = arith.constant 0 : i32
      %dma_wait3A_1162 = tpu.memref_slice %arg13[%mul3A_376, %dma_wait3A_1161] : memref<10240x64xf32, #tpu.memory_space<vmem_shared>> -> memref<8x64xf32, #tpu.memory_space<vmem_shared>>
      %dma_wait3A_1163 = arith.constant 0 : i32
      %dma_wait3A_1164 = tpu.memref_slice %arg13[%mul3A_376, %dma_wait3A_1163] : memref<10240x64xf32, #tpu.memory_space<vmem_shared>> -> memref<8x64xf32, #tpu.memory_space<vmem_shared>>
      tpu.wait_dma2 semaphore(%run_scoped3A : memref<!tpu.dma_semaphore, #tpu.memory_space<semaphore_mem>>) src(%arg11 : memref<8x64xf32, #tpu.memory_space<vmem>>) dst(%dma_wait3A_1164 : memref<8x64xf32, #tpu.memory_space<vmem_shared>>)
      tpu.yield
    }) : () -> ()
    %mul3A_377 = arith.constant 80 : i32
    %mul3A_378 = arith.muli %arg1, %mul3A_377 : i32
    %add3A_379 = arith.constant 60 : i32
    %add3A_380 = arith.addi %mul3A_378, %add3A_379 : i32
    %mul3A_381 = arith.constant 8 : i32
    %mul3A_382 = arith.muli %add3A_380, %mul3A_381 : i32
    "tpu.region"() ({
      %run_scoped3A = tpu.sem_alloc : memref<!tpu.dma_semaphore, #tpu.memory_space<semaphore_mem>>
      %dma_start3A_1157 = arith.constant 0 : i32
      %dma_start3A_1158 = tpu.memref_slice %arg13[%mul3A_382, %dma_start3A_1157] : memref<10240x64xf32, #tpu.memory_space<vmem_shared>> -> memref<8x64xf32, #tpu.memory_space<vmem_shared>>
      %dma_start3A_1159 = arith.constant 0 : i32
      %dma_start3A_1160 = tpu.memref_slice %arg13[%mul3A_382, %dma_start3A_1159] : memref<10240x64xf32, #tpu.memory_space<vmem_shared>> -> memref<8x64xf32, #tpu.memory_space<vmem_shared>>
      tpu.enqueue_dma source(%arg11 : memref<8x64xf32, #tpu.memory_space<vmem>>) target(%dma_start3A_1160 : memref<8x64xf32, #tpu.memory_space<vmem_shared>>) target_semaphore(%run_scoped3A : memref<!tpu.dma_semaphore, #tpu.memory_space<semaphore_mem>>)
      %dma_wait3A_1161 = arith.constant 0 : i32
      %dma_wait3A_1162 = tpu.memref_slice %arg13[%mul3A_382, %dma_wait3A_1161] : memref<10240x64xf32, #tpu.memory_space<vmem_shared>> -> memref<8x64xf32, #tpu.memory_space<vmem_shared>>
      %dma_wait3A_1163 = arith.constant 0 : i32
      %dma_wait3A_1164 = tpu.memref_slice %arg13[%mul3A_382, %dma_wait3A_1163] : memref<10240x64xf32, #tpu.memory_space<vmem_shared>> -> memref<8x64xf32, #tpu.memory_space<vmem_shared>>
      tpu.wait_dma2 semaphore(%run_scoped3A : memref<!tpu.dma_semaphore, #tpu.memory_space<semaphore_mem>>) src(%arg11 : memref<8x64xf32, #tpu.memory_space<vmem>>) dst(%dma_wait3A_1164 : memref<8x64xf32, #tpu.memory_space<vmem_shared>>)
      tpu.yield
    }) : () -> ()
    %mul3A_383 = arith.constant 80 : i32
    %mul3A_384 = arith.muli %arg1, %mul3A_383 : i32
    %add3A_385 = arith.constant 61 : i32
    %add3A_386 = arith.addi %mul3A_384, %add3A_385 : i32
    %mul3A_387 = arith.constant 8 : i32
    %mul3A_388 = arith.muli %add3A_386, %mul3A_387 : i32
    "tpu.region"() ({
      %run_scoped3A = tpu.sem_alloc : memref<!tpu.dma_semaphore, #tpu.memory_space<semaphore_mem>>
      %dma_start3A_1157 = arith.constant 0 : i32
      %dma_start3A_1158 = tpu.memref_slice %arg13[%mul3A_388, %dma_start3A_1157] : memref<10240x64xf32, #tpu.memory_space<vmem_shared>> -> memref<8x64xf32, #tpu.memory_space<vmem_shared>>
      %dma_start3A_1159 = arith.constant 0 : i32
      %dma_start3A_1160 = tpu.memref_slice %arg13[%mul3A_388, %dma_start3A_1159] : memref<10240x64xf32, #tpu.memory_space<vmem_shared>> -> memref<8x64xf32, #tpu.memory_space<vmem_shared>>
      tpu.enqueue_dma source(%arg11 : memref<8x64xf32, #tpu.memory_space<vmem>>) target(%dma_start3A_1160 : memref<8x64xf32, #tpu.memory_space<vmem_shared>>) target_semaphore(%run_scoped3A : memref<!tpu.dma_semaphore, #tpu.memory_space<semaphore_mem>>)
      %dma_wait3A_1161 = arith.constant 0 : i32
      %dma_wait3A_1162 = tpu.memref_slice %arg13[%mul3A_388, %dma_wait3A_1161] : memref<10240x64xf32, #tpu.memory_space<vmem_shared>> -> memref<8x64xf32, #tpu.memory_space<vmem_shared>>
      %dma_wait3A_1163 = arith.constant 0 : i32
      %dma_wait3A_1164 = tpu.memref_slice %arg13[%mul3A_388, %dma_wait3A_1163] : memref<10240x64xf32, #tpu.memory_space<vmem_shared>> -> memref<8x64xf32, #tpu.memory_space<vmem_shared>>
      tpu.wait_dma2 semaphore(%run_scoped3A : memref<!tpu.dma_semaphore, #tpu.memory_space<semaphore_mem>>) src(%arg11 : memref<8x64xf32, #tpu.memory_space<vmem>>) dst(%dma_wait3A_1164 : memref<8x64xf32, #tpu.memory_space<vmem_shared>>)
      tpu.yield
    }) : () -> ()
    %mul3A_389 = arith.constant 80 : i32
    %mul3A_390 = arith.muli %arg1, %mul3A_389 : i32
    %add3A_391 = arith.constant 62 : i32
    %add3A_392 = arith.addi %mul3A_390, %add3A_391 : i32
    %mul3A_393 = arith.constant 8 : i32
    %mul3A_394 = arith.muli %add3A_392, %mul3A_393 : i32
    "tpu.region"() ({
      %run_scoped3A = tpu.sem_alloc : memref<!tpu.dma_semaphore, #tpu.memory_space<semaphore_mem>>
      %dma_start3A_1157 = arith.constant 0 : i32
      %dma_start3A_1158 = tpu.memref_slice %arg13[%mul3A_394, %dma_start3A_1157] : memref<10240x64xf32, #tpu.memory_space<vmem_shared>> -> memref<8x64xf32, #tpu.memory_space<vmem_shared>>
      %dma_start3A_1159 = arith.constant 0 : i32
      %dma_start3A_1160 = tpu.memref_slice %arg13[%mul3A_394, %dma_start3A_1159] : memref<10240x64xf32, #tpu.memory_space<vmem_shared>> -> memref<8x64xf32, #tpu.memory_space<vmem_shared>>
      tpu.enqueue_dma source(%arg11 : memref<8x64xf32, #tpu.memory_space<vmem>>) target(%dma_start3A_1160 : memref<8x64xf32, #tpu.memory_space<vmem_shared>>) target_semaphore(%run_scoped3A : memref<!tpu.dma_semaphore, #tpu.memory_space<semaphore_mem>>)
      %dma_wait3A_1161 = arith.constant 0 : i32
      %dma_wait3A_1162 = tpu.memref_slice %arg13[%mul3A_394, %dma_wait3A_1161] : memref<10240x64xf32, #tpu.memory_space<vmem_shared>> -> memref<8x64xf32, #tpu.memory_space<vmem_shared>>
      %dma_wait3A_1163 = arith.constant 0 : i32
      %dma_wait3A_1164 = tpu.memref_slice %arg13[%mul3A_394, %dma_wait3A_1163] : memref<10240x64xf32, #tpu.memory_space<vmem_shared>> -> memref<8x64xf32, #tpu.memory_space<vmem_shared>>
      tpu.wait_dma2 semaphore(%run_scoped3A : memref<!tpu.dma_semaphore, #tpu.memory_space<semaphore_mem>>) src(%arg11 : memref<8x64xf32, #tpu.memory_space<vmem>>) dst(%dma_wait3A_1164 : memref<8x64xf32, #tpu.memory_space<vmem_shared>>)
      tpu.yield
    }) : () -> ()
    %mul3A_395 = arith.constant 80 : i32
    %mul3A_396 = arith.muli %arg1, %mul3A_395 : i32
    %add3A_397 = arith.constant 63 : i32
    %add3A_398 = arith.addi %mul3A_396, %add3A_397 : i32
    %mul3A_399 = arith.constant 8 : i32
    %mul3A_400 = arith.muli %add3A_398, %mul3A_399 : i32
    "tpu.region"() ({
      %run_scoped3A = tpu.sem_alloc : memref<!tpu.dma_semaphore, #tpu.memory_space<semaphore_mem>>
      %dma_start3A_1157 = arith.constant 0 : i32
      %dma_start3A_1158 = tpu.memref_slice %arg13[%mul3A_400, %dma_start3A_1157] : memref<10240x64xf32, #tpu.memory_space<vmem_shared>> -> memref<8x64xf32, #tpu.memory_space<vmem_shared>>
      %dma_start3A_1159 = arith.constant 0 : i32
      %dma_start3A_1160 = tpu.memref_slice %arg13[%mul3A_400, %dma_start3A_1159] : memref<10240x64xf32, #tpu.memory_space<vmem_shared>> -> memref<8x64xf32, #tpu.memory_space<vmem_shared>>
      tpu.enqueue_dma source(%arg11 : memref<8x64xf32, #tpu.memory_space<vmem>>) target(%dma_start3A_1160 : memref<8x64xf32, #tpu.memory_space<vmem_shared>>) target_semaphore(%run_scoped3A : memref<!tpu.dma_semaphore, #tpu.memory_space<semaphore_mem>>)
      %dma_wait3A_1161 = arith.constant 0 : i32
      %dma_wait3A_1162 = tpu.memref_slice %arg13[%mul3A_400, %dma_wait3A_1161] : memref<10240x64xf32, #tpu.memory_space<vmem_shared>> -> memref<8x64xf32, #tpu.memory_space<vmem_shared>>
      %dma_wait3A_1163 = arith.constant 0 : i32
      %dma_wait3A_1164 = tpu.memref_slice %arg13[%mul3A_400, %dma_wait3A_1163] : memref<10240x64xf32, #tpu.memory_space<vmem_shared>> -> memref<8x64xf32, #tpu.memory_space<vmem_shared>>
      tpu.wait_dma2 semaphore(%run_scoped3A : memref<!tpu.dma_semaphore, #tpu.memory_space<semaphore_mem>>) src(%arg11 : memref<8x64xf32, #tpu.memory_space<vmem>>) dst(%dma_wait3A_1164 : memref<8x64xf32, #tpu.memory_space<vmem_shared>>)
      tpu.yield
    }) : () -> ()
    %mul3A_401 = arith.constant 80 : i32
    %mul3A_402 = arith.muli %arg1, %mul3A_401 : i32
    %add3A_403 = arith.constant 64 : i32
    %add3A_404 = arith.addi %mul3A_402, %add3A_403 : i32
    %mul3A_405 = arith.constant 8 : i32
    %mul3A_406 = arith.muli %add3A_404, %mul3A_405 : i32
    "tpu.region"() ({
      %run_scoped3A = tpu.sem_alloc : memref<!tpu.dma_semaphore, #tpu.memory_space<semaphore_mem>>
      %dma_start3A_1157 = arith.constant 0 : i32
      %dma_start3A_1158 = tpu.memref_slice %arg13[%mul3A_406, %dma_start3A_1157] : memref<10240x64xf32, #tpu.memory_space<vmem_shared>> -> memref<8x64xf32, #tpu.memory_space<vmem_shared>>
      %dma_start3A_1159 = arith.constant 0 : i32
      %dma_start3A_1160 = tpu.memref_slice %arg13[%mul3A_406, %dma_start3A_1159] : memref<10240x64xf32, #tpu.memory_space<vmem_shared>> -> memref<8x64xf32, #tpu.memory_space<vmem_shared>>
      tpu.enqueue_dma source(%arg11 : memref<8x64xf32, #tpu.memory_space<vmem>>) target(%dma_start3A_1160 : memref<8x64xf32, #tpu.memory_space<vmem_shared>>) target_semaphore(%run_scoped3A : memref<!tpu.dma_semaphore, #tpu.memory_space<semaphore_mem>>)
      %dma_wait3A_1161 = arith.constant 0 : i32
      %dma_wait3A_1162 = tpu.memref_slice %arg13[%mul3A_406, %dma_wait3A_1161] : memref<10240x64xf32, #tpu.memory_space<vmem_shared>> -> memref<8x64xf32, #tpu.memory_space<vmem_shared>>
      %dma_wait3A_1163 = arith.constant 0 : i32
      %dma_wait3A_1164 = tpu.memref_slice %arg13[%mul3A_406, %dma_wait3A_1163] : memref<10240x64xf32, #tpu.memory_space<vmem_shared>> -> memref<8x64xf32, #tpu.memory_space<vmem_shared>>
      tpu.wait_dma2 semaphore(%run_scoped3A : memref<!tpu.dma_semaphore, #tpu.memory_space<semaphore_mem>>) src(%arg11 : memref<8x64xf32, #tpu.memory_space<vmem>>) dst(%dma_wait3A_1164 : memref<8x64xf32, #tpu.memory_space<vmem_shared>>)
      tpu.yield
    }) : () -> ()
    %mul3A_407 = arith.constant 80 : i32
    %mul3A_408 = arith.muli %arg1, %mul3A_407 : i32
    %add3A_409 = arith.constant 65 : i32
    %add3A_410 = arith.addi %mul3A_408, %add3A_409 : i32
    %mul3A_411 = arith.constant 8 : i32
    %mul3A_412 = arith.muli %add3A_410, %mul3A_411 : i32
    "tpu.region"() ({
      %run_scoped3A = tpu.sem_alloc : memref<!tpu.dma_semaphore, #tpu.memory_space<semaphore_mem>>
      %dma_start3A_1157 = arith.constant 0 : i32
      %dma_start3A_1158 = tpu.memref_slice %arg13[%mul3A_412, %dma_start3A_1157] : memref<10240x64xf32, #tpu.memory_space<vmem_shared>> -> memref<8x64xf32, #tpu.memory_space<vmem_shared>>
      %dma_start3A_1159 = arith.constant 0 : i32
      %dma_start3A_1160 = tpu.memref_slice %arg13[%mul3A_412, %dma_start3A_1159] : memref<10240x64xf32, #tpu.memory_space<vmem_shared>> -> memref<8x64xf32, #tpu.memory_space<vmem_shared>>
      tpu.enqueue_dma source(%arg11 : memref<8x64xf32, #tpu.memory_space<vmem>>) target(%dma_start3A_1160 : memref<8x64xf32, #tpu.memory_space<vmem_shared>>) target_semaphore(%run_scoped3A : memref<!tpu.dma_semaphore, #tpu.memory_space<semaphore_mem>>)
      %dma_wait3A_1161 = arith.constant 0 : i32
      %dma_wait3A_1162 = tpu.memref_slice %arg13[%mul3A_412, %dma_wait3A_1161] : memref<10240x64xf32, #tpu.memory_space<vmem_shared>> -> memref<8x64xf32, #tpu.memory_space<vmem_shared>>
      %dma_wait3A_1163 = arith.constant 0 : i32
      %dma_wait3A_1164 = tpu.memref_slice %arg13[%mul3A_412, %dma_wait3A_1163] : memref<10240x64xf32, #tpu.memory_space<vmem_shared>> -> memref<8x64xf32, #tpu.memory_space<vmem_shared>>
      tpu.wait_dma2 semaphore(%run_scoped3A : memref<!tpu.dma_semaphore, #tpu.memory_space<semaphore_mem>>) src(%arg11 : memref<8x64xf32, #tpu.memory_space<vmem>>) dst(%dma_wait3A_1164 : memref<8x64xf32, #tpu.memory_space<vmem_shared>>)
      tpu.yield
    }) : () -> ()
    %mul3A_413 = arith.constant 80 : i32
    %mul3A_414 = arith.muli %arg1, %mul3A_413 : i32
    %add3A_415 = arith.constant 66 : i32
    %add3A_416 = arith.addi %mul3A_414, %add3A_415 : i32
    %mul3A_417 = arith.constant 8 : i32
    %mul3A_418 = arith.muli %add3A_416, %mul3A_417 : i32
    "tpu.region"() ({
      %run_scoped3A = tpu.sem_alloc : memref<!tpu.dma_semaphore, #tpu.memory_space<semaphore_mem>>
      %dma_start3A_1157 = arith.constant 0 : i32
      %dma_start3A_1158 = tpu.memref_slice %arg13[%mul3A_418, %dma_start3A_1157] : memref<10240x64xf32, #tpu.memory_space<vmem_shared>> -> memref<8x64xf32, #tpu.memory_space<vmem_shared>>
      %dma_start3A_1159 = arith.constant 0 : i32
      %dma_start3A_1160 = tpu.memref_slice %arg13[%mul3A_418, %dma_start3A_1159] : memref<10240x64xf32, #tpu.memory_space<vmem_shared>> -> memref<8x64xf32, #tpu.memory_space<vmem_shared>>
      tpu.enqueue_dma source(%arg11 : memref<8x64xf32, #tpu.memory_space<vmem>>) target(%dma_start3A_1160 : memref<8x64xf32, #tpu.memory_space<vmem_shared>>) target_semaphore(%run_scoped3A : memref<!tpu.dma_semaphore, #tpu.memory_space<semaphore_mem>>)
      %dma_wait3A_1161 = arith.constant 0 : i32
      %dma_wait3A_1162 = tpu.memref_slice %arg13[%mul3A_418, %dma_wait3A_1161] : memref<10240x64xf32, #tpu.memory_space<vmem_shared>> -> memref<8x64xf32, #tpu.memory_space<vmem_shared>>
      %dma_wait3A_1163 = arith.constant 0 : i32
      %dma_wait3A_1164 = tpu.memref_slice %arg13[%mul3A_418, %dma_wait3A_1163] : memref<10240x64xf32, #tpu.memory_space<vmem_shared>> -> memref<8x64xf32, #tpu.memory_space<vmem_shared>>
      tpu.wait_dma2 semaphore(%run_scoped3A : memref<!tpu.dma_semaphore, #tpu.memory_space<semaphore_mem>>) src(%arg11 : memref<8x64xf32, #tpu.memory_space<vmem>>) dst(%dma_wait3A_1164 : memref<8x64xf32, #tpu.memory_space<vmem_shared>>)
      tpu.yield
    }) : () -> ()
    %mul3A_419 = arith.constant 80 : i32
    %mul3A_420 = arith.muli %arg1, %mul3A_419 : i32
    %add3A_421 = arith.constant 67 : i32
    %add3A_422 = arith.addi %mul3A_420, %add3A_421 : i32
    %mul3A_423 = arith.constant 8 : i32
    %mul3A_424 = arith.muli %add3A_422, %mul3A_423 : i32
    "tpu.region"() ({
      %run_scoped3A = tpu.sem_alloc : memref<!tpu.dma_semaphore, #tpu.memory_space<semaphore_mem>>
      %dma_start3A_1157 = arith.constant 0 : i32
      %dma_start3A_1158 = tpu.memref_slice %arg13[%mul3A_424, %dma_start3A_1157] : memref<10240x64xf32, #tpu.memory_space<vmem_shared>> -> memref<8x64xf32, #tpu.memory_space<vmem_shared>>
      %dma_start3A_1159 = arith.constant 0 : i32
      %dma_start3A_1160 = tpu.memref_slice %arg13[%mul3A_424, %dma_start3A_1159] : memref<10240x64xf32, #tpu.memory_space<vmem_shared>> -> memref<8x64xf32, #tpu.memory_space<vmem_shared>>
      tpu.enqueue_dma source(%arg11 : memref<8x64xf32, #tpu.memory_space<vmem>>) target(%dma_start3A_1160 : memref<8x64xf32, #tpu.memory_space<vmem_shared>>) target_semaphore(%run_scoped3A : memref<!tpu.dma_semaphore, #tpu.memory_space<semaphore_mem>>)
      %dma_wait3A_1161 = arith.constant 0 : i32
      %dma_wait3A_1162 = tpu.memref_slice %arg13[%mul3A_424, %dma_wait3A_1161] : memref<10240x64xf32, #tpu.memory_space<vmem_shared>> -> memref<8x64xf32, #tpu.memory_space<vmem_shared>>
      %dma_wait3A_1163 = arith.constant 0 : i32
      %dma_wait3A_1164 = tpu.memref_slice %arg13[%mul3A_424, %dma_wait3A_1163] : memref<10240x64xf32, #tpu.memory_space<vmem_shared>> -> memref<8x64xf32, #tpu.memory_space<vmem_shared>>
      tpu.wait_dma2 semaphore(%run_scoped3A : memref<!tpu.dma_semaphore, #tpu.memory_space<semaphore_mem>>) src(%arg11 : memref<8x64xf32, #tpu.memory_space<vmem>>) dst(%dma_wait3A_1164 : memref<8x64xf32, #tpu.memory_space<vmem_shared>>)
      tpu.yield
    }) : () -> ()
    %mul3A_425 = arith.constant 80 : i32
    %mul3A_426 = arith.muli %arg1, %mul3A_425 : i32
    %add3A_427 = arith.constant 68 : i32
    %add3A_428 = arith.addi %mul3A_426, %add3A_427 : i32
    %mul3A_429 = arith.constant 8 : i32
    %mul3A_430 = arith.muli %add3A_428, %mul3A_429 : i32
    "tpu.region"() ({
      %run_scoped3A = tpu.sem_alloc : memref<!tpu.dma_semaphore, #tpu.memory_space<semaphore_mem>>
      %dma_start3A_1157 = arith.constant 0 : i32
      %dma_start3A_1158 = tpu.memref_slice %arg13[%mul3A_430, %dma_start3A_1157] : memref<10240x64xf32, #tpu.memory_space<vmem_shared>> -> memref<8x64xf32, #tpu.memory_space<vmem_shared>>
      %dma_start3A_1159 = arith.constant 0 : i32
      %dma_start3A_1160 = tpu.memref_slice %arg13[%mul3A_430, %dma_start3A_1159] : memref<10240x64xf32, #tpu.memory_space<vmem_shared>> -> memref<8x64xf32, #tpu.memory_space<vmem_shared>>
      tpu.enqueue_dma source(%arg11 : memref<8x64xf32, #tpu.memory_space<vmem>>) target(%dma_start3A_1160 : memref<8x64xf32, #tpu.memory_space<vmem_shared>>) target_semaphore(%run_scoped3A : memref<!tpu.dma_semaphore, #tpu.memory_space<semaphore_mem>>)
      %dma_wait3A_1161 = arith.constant 0 : i32
      %dma_wait3A_1162 = tpu.memref_slice %arg13[%mul3A_430, %dma_wait3A_1161] : memref<10240x64xf32, #tpu.memory_space<vmem_shared>> -> memref<8x64xf32, #tpu.memory_space<vmem_shared>>
      %dma_wait3A_1163 = arith.constant 0 : i32
      %dma_wait3A_1164 = tpu.memref_slice %arg13[%mul3A_430, %dma_wait3A_1163] : memref<10240x64xf32, #tpu.memory_space<vmem_shared>> -> memref<8x64xf32, #tpu.memory_space<vmem_shared>>
      tpu.wait_dma2 semaphore(%run_scoped3A : memref<!tpu.dma_semaphore, #tpu.memory_space<semaphore_mem>>) src(%arg11 : memref<8x64xf32, #tpu.memory_space<vmem>>) dst(%dma_wait3A_1164 : memref<8x64xf32, #tpu.memory_space<vmem_shared>>)
      tpu.yield
    }) : () -> ()
    %mul3A_431 = arith.constant 80 : i32
    %mul3A_432 = arith.muli %arg1, %mul3A_431 : i32
    %add3A_433 = arith.constant 69 : i32
    %add3A_434 = arith.addi %mul3A_432, %add3A_433 : i32
    %mul3A_435 = arith.constant 8 : i32
    %mul3A_436 = arith.muli %add3A_434, %mul3A_435 : i32
    "tpu.region"() ({
      %run_scoped3A = tpu.sem_alloc : memref<!tpu.dma_semaphore, #tpu.memory_space<semaphore_mem>>
      %dma_start3A_1157 = arith.constant 0 : i32
      %dma_start3A_1158 = tpu.memref_slice %arg13[%mul3A_436, %dma_start3A_1157] : memref<10240x64xf32, #tpu.memory_space<vmem_shared>> -> memref<8x64xf32, #tpu.memory_space<vmem_shared>>
      %dma_start3A_1159 = arith.constant 0 : i32
      %dma_start3A_1160 = tpu.memref_slice %arg13[%mul3A_436, %dma_start3A_1159] : memref<10240x64xf32, #tpu.memory_space<vmem_shared>> -> memref<8x64xf32, #tpu.memory_space<vmem_shared>>
      tpu.enqueue_dma source(%arg11 : memref<8x64xf32, #tpu.memory_space<vmem>>) target(%dma_start3A_1160 : memref<8x64xf32, #tpu.memory_space<vmem_shared>>) target_semaphore(%run_scoped3A : memref<!tpu.dma_semaphore, #tpu.memory_space<semaphore_mem>>)
      %dma_wait3A_1161 = arith.constant 0 : i32
      %dma_wait3A_1162 = tpu.memref_slice %arg13[%mul3A_436, %dma_wait3A_1161] : memref<10240x64xf32, #tpu.memory_space<vmem_shared>> -> memref<8x64xf32, #tpu.memory_space<vmem_shared>>
      %dma_wait3A_1163 = arith.constant 0 : i32
      %dma_wait3A_1164 = tpu.memref_slice %arg13[%mul3A_436, %dma_wait3A_1163] : memref<10240x64xf32, #tpu.memory_space<vmem_shared>> -> memref<8x64xf32, #tpu.memory_space<vmem_shared>>
      tpu.wait_dma2 semaphore(%run_scoped3A : memref<!tpu.dma_semaphore, #tpu.memory_space<semaphore_mem>>) src(%arg11 : memref<8x64xf32, #tpu.memory_space<vmem>>) dst(%dma_wait3A_1164 : memref<8x64xf32, #tpu.memory_space<vmem_shared>>)
      tpu.yield
    }) : () -> ()
    %mul3A_437 = arith.constant 80 : i32
    %mul3A_438 = arith.muli %arg1, %mul3A_437 : i32
    %add3A_439 = arith.constant 70 : i32
    %add3A_440 = arith.addi %mul3A_438, %add3A_439 : i32
    %mul3A_441 = arith.constant 8 : i32
    %mul3A_442 = arith.muli %add3A_440, %mul3A_441 : i32
    "tpu.region"() ({
      %run_scoped3A = tpu.sem_alloc : memref<!tpu.dma_semaphore, #tpu.memory_space<semaphore_mem>>
      %dma_start3A_1157 = arith.constant 0 : i32
      %dma_start3A_1158 = tpu.memref_slice %arg13[%mul3A_442, %dma_start3A_1157] : memref<10240x64xf32, #tpu.memory_space<vmem_shared>> -> memref<8x64xf32, #tpu.memory_space<vmem_shared>>
      %dma_start3A_1159 = arith.constant 0 : i32
      %dma_start3A_1160 = tpu.memref_slice %arg13[%mul3A_442, %dma_start3A_1159] : memref<10240x64xf32, #tpu.memory_space<vmem_shared>> -> memref<8x64xf32, #tpu.memory_space<vmem_shared>>
      tpu.enqueue_dma source(%arg11 : memref<8x64xf32, #tpu.memory_space<vmem>>) target(%dma_start3A_1160 : memref<8x64xf32, #tpu.memory_space<vmem_shared>>) target_semaphore(%run_scoped3A : memref<!tpu.dma_semaphore, #tpu.memory_space<semaphore_mem>>)
      %dma_wait3A_1161 = arith.constant 0 : i32
      %dma_wait3A_1162 = tpu.memref_slice %arg13[%mul3A_442, %dma_wait3A_1161] : memref<10240x64xf32, #tpu.memory_space<vmem_shared>> -> memref<8x64xf32, #tpu.memory_space<vmem_shared>>
      %dma_wait3A_1163 = arith.constant 0 : i32
      %dma_wait3A_1164 = tpu.memref_slice %arg13[%mul3A_442, %dma_wait3A_1163] : memref<10240x64xf32, #tpu.memory_space<vmem_shared>> -> memref<8x64xf32, #tpu.memory_space<vmem_shared>>
      tpu.wait_dma2 semaphore(%run_scoped3A : memref<!tpu.dma_semaphore, #tpu.memory_space<semaphore_mem>>) src(%arg11 : memref<8x64xf32, #tpu.memory_space<vmem>>) dst(%dma_wait3A_1164 : memref<8x64xf32, #tpu.memory_space<vmem_shared>>)
      tpu.yield
    }) : () -> ()
    %mul3A_443 = arith.constant 80 : i32
    %mul3A_444 = arith.muli %arg1, %mul3A_443 : i32
    %add3A_445 = arith.constant 71 : i32
    %add3A_446 = arith.addi %mul3A_444, %add3A_445 : i32
    %mul3A_447 = arith.constant 8 : i32
    %mul3A_448 = arith.muli %add3A_446, %mul3A_447 : i32
    "tpu.region"() ({
      %run_scoped3A = tpu.sem_alloc : memref<!tpu.dma_semaphore, #tpu.memory_space<semaphore_mem>>
      %dma_start3A_1157 = arith.constant 0 : i32
      %dma_start3A_1158 = tpu.memref_slice %arg13[%mul3A_448, %dma_start3A_1157] : memref<10240x64xf32, #tpu.memory_space<vmem_shared>> -> memref<8x64xf32, #tpu.memory_space<vmem_shared>>
      %dma_start3A_1159 = arith.constant 0 : i32
      %dma_start3A_1160 = tpu.memref_slice %arg13[%mul3A_448, %dma_start3A_1159] : memref<10240x64xf32, #tpu.memory_space<vmem_shared>> -> memref<8x64xf32, #tpu.memory_space<vmem_shared>>
      tpu.enqueue_dma source(%arg11 : memref<8x64xf32, #tpu.memory_space<vmem>>) target(%dma_start3A_1160 : memref<8x64xf32, #tpu.memory_space<vmem_shared>>) target_semaphore(%run_scoped3A : memref<!tpu.dma_semaphore, #tpu.memory_space<semaphore_mem>>)
      %dma_wait3A_1161 = arith.constant 0 : i32
      %dma_wait3A_1162 = tpu.memref_slice %arg13[%mul3A_448, %dma_wait3A_1161] : memref<10240x64xf32, #tpu.memory_space<vmem_shared>> -> memref<8x64xf32, #tpu.memory_space<vmem_shared>>
      %dma_wait3A_1163 = arith.constant 0 : i32
      %dma_wait3A_1164 = tpu.memref_slice %arg13[%mul3A_448, %dma_wait3A_1163] : memref<10240x64xf32, #tpu.memory_space<vmem_shared>> -> memref<8x64xf32, #tpu.memory_space<vmem_shared>>
      tpu.wait_dma2 semaphore(%run_scoped3A : memref<!tpu.dma_semaphore, #tpu.memory_space<semaphore_mem>>) src(%arg11 : memref<8x64xf32, #tpu.memory_space<vmem>>) dst(%dma_wait3A_1164 : memref<8x64xf32, #tpu.memory_space<vmem_shared>>)
      tpu.yield
    }) : () -> ()
    %mul3A_449 = arith.constant 80 : i32
    %mul3A_450 = arith.muli %arg1, %mul3A_449 : i32
    %add3A_451 = arith.constant 72 : i32
    %add3A_452 = arith.addi %mul3A_450, %add3A_451 : i32
    %mul3A_453 = arith.constant 8 : i32
    %mul3A_454 = arith.muli %add3A_452, %mul3A_453 : i32
    "tpu.region"() ({
      %run_scoped3A = tpu.sem_alloc : memref<!tpu.dma_semaphore, #tpu.memory_space<semaphore_mem>>
      %dma_start3A_1157 = arith.constant 0 : i32
      %dma_start3A_1158 = tpu.memref_slice %arg13[%mul3A_454, %dma_start3A_1157] : memref<10240x64xf32, #tpu.memory_space<vmem_shared>> -> memref<8x64xf32, #tpu.memory_space<vmem_shared>>
      %dma_start3A_1159 = arith.constant 0 : i32
      %dma_start3A_1160 = tpu.memref_slice %arg13[%mul3A_454, %dma_start3A_1159] : memref<10240x64xf32, #tpu.memory_space<vmem_shared>> -> memref<8x64xf32, #tpu.memory_space<vmem_shared>>
      tpu.enqueue_dma source(%arg11 : memref<8x64xf32, #tpu.memory_space<vmem>>) target(%dma_start3A_1160 : memref<8x64xf32, #tpu.memory_space<vmem_shared>>) target_semaphore(%run_scoped3A : memref<!tpu.dma_semaphore, #tpu.memory_space<semaphore_mem>>)
      %dma_wait3A_1161 = arith.constant 0 : i32
      %dma_wait3A_1162 = tpu.memref_slice %arg13[%mul3A_454, %dma_wait3A_1161] : memref<10240x64xf32, #tpu.memory_space<vmem_shared>> -> memref<8x64xf32, #tpu.memory_space<vmem_shared>>
      %dma_wait3A_1163 = arith.constant 0 : i32
      %dma_wait3A_1164 = tpu.memref_slice %arg13[%mul3A_454, %dma_wait3A_1163] : memref<10240x64xf32, #tpu.memory_space<vmem_shared>> -> memref<8x64xf32, #tpu.memory_space<vmem_shared>>
      tpu.wait_dma2 semaphore(%run_scoped3A : memref<!tpu.dma_semaphore, #tpu.memory_space<semaphore_mem>>) src(%arg11 : memref<8x64xf32, #tpu.memory_space<vmem>>) dst(%dma_wait3A_1164 : memref<8x64xf32, #tpu.memory_space<vmem_shared>>)
      tpu.yield
    }) : () -> ()
    %mul3A_455 = arith.constant 80 : i32
    %mul3A_456 = arith.muli %arg1, %mul3A_455 : i32
    %add3A_457 = arith.constant 73 : i32
    %add3A_458 = arith.addi %mul3A_456, %add3A_457 : i32
    %mul3A_459 = arith.constant 8 : i32
    %mul3A_460 = arith.muli %add3A_458, %mul3A_459 : i32
    "tpu.region"() ({
      %run_scoped3A = tpu.sem_alloc : memref<!tpu.dma_semaphore, #tpu.memory_space<semaphore_mem>>
      %dma_start3A_1157 = arith.constant 0 : i32
      %dma_start3A_1158 = tpu.memref_slice %arg13[%mul3A_460, %dma_start3A_1157] : memref<10240x64xf32, #tpu.memory_space<vmem_shared>> -> memref<8x64xf32, #tpu.memory_space<vmem_shared>>
      %dma_start3A_1159 = arith.constant 0 : i32
      %dma_start3A_1160 = tpu.memref_slice %arg13[%mul3A_460, %dma_start3A_1159] : memref<10240x64xf32, #tpu.memory_space<vmem_shared>> -> memref<8x64xf32, #tpu.memory_space<vmem_shared>>
      tpu.enqueue_dma source(%arg11 : memref<8x64xf32, #tpu.memory_space<vmem>>) target(%dma_start3A_1160 : memref<8x64xf32, #tpu.memory_space<vmem_shared>>) target_semaphore(%run_scoped3A : memref<!tpu.dma_semaphore, #tpu.memory_space<semaphore_mem>>)
      %dma_wait3A_1161 = arith.constant 0 : i32
      %dma_wait3A_1162 = tpu.memref_slice %arg13[%mul3A_460, %dma_wait3A_1161] : memref<10240x64xf32, #tpu.memory_space<vmem_shared>> -> memref<8x64xf32, #tpu.memory_space<vmem_shared>>
      %dma_wait3A_1163 = arith.constant 0 : i32
      %dma_wait3A_1164 = tpu.memref_slice %arg13[%mul3A_460, %dma_wait3A_1163] : memref<10240x64xf32, #tpu.memory_space<vmem_shared>> -> memref<8x64xf32, #tpu.memory_space<vmem_shared>>
      tpu.wait_dma2 semaphore(%run_scoped3A : memref<!tpu.dma_semaphore, #tpu.memory_space<semaphore_mem>>) src(%arg11 : memref<8x64xf32, #tpu.memory_space<vmem>>) dst(%dma_wait3A_1164 : memref<8x64xf32, #tpu.memory_space<vmem_shared>>)
      tpu.yield
    }) : () -> ()
    %mul3A_461 = arith.constant 80 : i32
    %mul3A_462 = arith.muli %arg1, %mul3A_461 : i32
    %add3A_463 = arith.constant 74 : i32
    %add3A_464 = arith.addi %mul3A_462, %add3A_463 : i32
    %mul3A_465 = arith.constant 8 : i32
    %mul3A_466 = arith.muli %add3A_464, %mul3A_465 : i32
    "tpu.region"() ({
      %run_scoped3A = tpu.sem_alloc : memref<!tpu.dma_semaphore, #tpu.memory_space<semaphore_mem>>
      %dma_start3A_1157 = arith.constant 0 : i32
      %dma_start3A_1158 = tpu.memref_slice %arg13[%mul3A_466, %dma_start3A_1157] : memref<10240x64xf32, #tpu.memory_space<vmem_shared>> -> memref<8x64xf32, #tpu.memory_space<vmem_shared>>
      %dma_start3A_1159 = arith.constant 0 : i32
      %dma_start3A_1160 = tpu.memref_slice %arg13[%mul3A_466, %dma_start3A_1159] : memref<10240x64xf32, #tpu.memory_space<vmem_shared>> -> memref<8x64xf32, #tpu.memory_space<vmem_shared>>
      tpu.enqueue_dma source(%arg11 : memref<8x64xf32, #tpu.memory_space<vmem>>) target(%dma_start3A_1160 : memref<8x64xf32, #tpu.memory_space<vmem_shared>>) target_semaphore(%run_scoped3A : memref<!tpu.dma_semaphore, #tpu.memory_space<semaphore_mem>>)
      %dma_wait3A_1161 = arith.constant 0 : i32
      %dma_wait3A_1162 = tpu.memref_slice %arg13[%mul3A_466, %dma_wait3A_1161] : memref<10240x64xf32, #tpu.memory_space<vmem_shared>> -> memref<8x64xf32, #tpu.memory_space<vmem_shared>>
      %dma_wait3A_1163 = arith.constant 0 : i32
      %dma_wait3A_1164 = tpu.memref_slice %arg13[%mul3A_466, %dma_wait3A_1163] : memref<10240x64xf32, #tpu.memory_space<vmem_shared>> -> memref<8x64xf32, #tpu.memory_space<vmem_shared>>
      tpu.wait_dma2 semaphore(%run_scoped3A : memref<!tpu.dma_semaphore, #tpu.memory_space<semaphore_mem>>) src(%arg11 : memref<8x64xf32, #tpu.memory_space<vmem>>) dst(%dma_wait3A_1164 : memref<8x64xf32, #tpu.memory_space<vmem_shared>>)
      tpu.yield
    }) : () -> ()
    %mul3A_467 = arith.constant 80 : i32
    %mul3A_468 = arith.muli %arg1, %mul3A_467 : i32
    %add3A_469 = arith.constant 75 : i32
    %add3A_470 = arith.addi %mul3A_468, %add3A_469 : i32
    %mul3A_471 = arith.constant 8 : i32
    %mul3A_472 = arith.muli %add3A_470, %mul3A_471 : i32
    "tpu.region"() ({
      %run_scoped3A = tpu.sem_alloc : memref<!tpu.dma_semaphore, #tpu.memory_space<semaphore_mem>>
      %dma_start3A_1157 = arith.constant 0 : i32
      %dma_start3A_1158 = tpu.memref_slice %arg13[%mul3A_472, %dma_start3A_1157] : memref<10240x64xf32, #tpu.memory_space<vmem_shared>> -> memref<8x64xf32, #tpu.memory_space<vmem_shared>>
      %dma_start3A_1159 = arith.constant 0 : i32
      %dma_start3A_1160 = tpu.memref_slice %arg13[%mul3A_472, %dma_start3A_1159] : memref<10240x64xf32, #tpu.memory_space<vmem_shared>> -> memref<8x64xf32, #tpu.memory_space<vmem_shared>>
      tpu.enqueue_dma source(%arg11 : memref<8x64xf32, #tpu.memory_space<vmem>>) target(%dma_start3A_1160 : memref<8x64xf32, #tpu.memory_space<vmem_shared>>) target_semaphore(%run_scoped3A : memref<!tpu.dma_semaphore, #tpu.memory_space<semaphore_mem>>)
      %dma_wait3A_1161 = arith.constant 0 : i32
      %dma_wait3A_1162 = tpu.memref_slice %arg13[%mul3A_472, %dma_wait3A_1161] : memref<10240x64xf32, #tpu.memory_space<vmem_shared>> -> memref<8x64xf32, #tpu.memory_space<vmem_shared>>
      %dma_wait3A_1163 = arith.constant 0 : i32
      %dma_wait3A_1164 = tpu.memref_slice %arg13[%mul3A_472, %dma_wait3A_1163] : memref<10240x64xf32, #tpu.memory_space<vmem_shared>> -> memref<8x64xf32, #tpu.memory_space<vmem_shared>>
      tpu.wait_dma2 semaphore(%run_scoped3A : memref<!tpu.dma_semaphore, #tpu.memory_space<semaphore_mem>>) src(%arg11 : memref<8x64xf32, #tpu.memory_space<vmem>>) dst(%dma_wait3A_1164 : memref<8x64xf32, #tpu.memory_space<vmem_shared>>)
      tpu.yield
    }) : () -> ()
    %mul3A_473 = arith.constant 80 : i32
    %mul3A_474 = arith.muli %arg1, %mul3A_473 : i32
    %add3A_475 = arith.constant 76 : i32
    %add3A_476 = arith.addi %mul3A_474, %add3A_475 : i32
    %mul3A_477 = arith.constant 8 : i32
    %mul3A_478 = arith.muli %add3A_476, %mul3A_477 : i32
    "tpu.region"() ({
      %run_scoped3A = tpu.sem_alloc : memref<!tpu.dma_semaphore, #tpu.memory_space<semaphore_mem>>
      %dma_start3A_1157 = arith.constant 0 : i32
      %dma_start3A_1158 = tpu.memref_slice %arg13[%mul3A_478, %dma_start3A_1157] : memref<10240x64xf32, #tpu.memory_space<vmem_shared>> -> memref<8x64xf32, #tpu.memory_space<vmem_shared>>
      %dma_start3A_1159 = arith.constant 0 : i32
      %dma_start3A_1160 = tpu.memref_slice %arg13[%mul3A_478, %dma_start3A_1159] : memref<10240x64xf32, #tpu.memory_space<vmem_shared>> -> memref<8x64xf32, #tpu.memory_space<vmem_shared>>
      tpu.enqueue_dma source(%arg11 : memref<8x64xf32, #tpu.memory_space<vmem>>) target(%dma_start3A_1160 : memref<8x64xf32, #tpu.memory_space<vmem_shared>>) target_semaphore(%run_scoped3A : memref<!tpu.dma_semaphore, #tpu.memory_space<semaphore_mem>>)
      %dma_wait3A_1161 = arith.constant 0 : i32
      %dma_wait3A_1162 = tpu.memref_slice %arg13[%mul3A_478, %dma_wait3A_1161] : memref<10240x64xf32, #tpu.memory_space<vmem_shared>> -> memref<8x64xf32, #tpu.memory_space<vmem_shared>>
      %dma_wait3A_1163 = arith.constant 0 : i32
      %dma_wait3A_1164 = tpu.memref_slice %arg13[%mul3A_478, %dma_wait3A_1163] : memref<10240x64xf32, #tpu.memory_space<vmem_shared>> -> memref<8x64xf32, #tpu.memory_space<vmem_shared>>
      tpu.wait_dma2 semaphore(%run_scoped3A : memref<!tpu.dma_semaphore, #tpu.memory_space<semaphore_mem>>) src(%arg11 : memref<8x64xf32, #tpu.memory_space<vmem>>) dst(%dma_wait3A_1164 : memref<8x64xf32, #tpu.memory_space<vmem_shared>>)
      tpu.yield
    }) : () -> ()
    %mul3A_479 = arith.constant 80 : i32
    %mul3A_480 = arith.muli %arg1, %mul3A_479 : i32
    %add3A_481 = arith.constant 77 : i32
    %add3A_482 = arith.addi %mul3A_480, %add3A_481 : i32
    %mul3A_483 = arith.constant 8 : i32
    %mul3A_484 = arith.muli %add3A_482, %mul3A_483 : i32
    "tpu.region"() ({
      %run_scoped3A = tpu.sem_alloc : memref<!tpu.dma_semaphore, #tpu.memory_space<semaphore_mem>>
      %dma_start3A_1157 = arith.constant 0 : i32
      %dma_start3A_1158 = tpu.memref_slice %arg13[%mul3A_484, %dma_start3A_1157] : memref<10240x64xf32, #tpu.memory_space<vmem_shared>> -> memref<8x64xf32, #tpu.memory_space<vmem_shared>>
      %dma_start3A_1159 = arith.constant 0 : i32
      %dma_start3A_1160 = tpu.memref_slice %arg13[%mul3A_484, %dma_start3A_1159] : memref<10240x64xf32, #tpu.memory_space<vmem_shared>> -> memref<8x64xf32, #tpu.memory_space<vmem_shared>>
      tpu.enqueue_dma source(%arg11 : memref<8x64xf32, #tpu.memory_space<vmem>>) target(%dma_start3A_1160 : memref<8x64xf32, #tpu.memory_space<vmem_shared>>) target_semaphore(%run_scoped3A : memref<!tpu.dma_semaphore, #tpu.memory_space<semaphore_mem>>)
      %dma_wait3A_1161 = arith.constant 0 : i32
      %dma_wait3A_1162 = tpu.memref_slice %arg13[%mul3A_484, %dma_wait3A_1161] : memref<10240x64xf32, #tpu.memory_space<vmem_shared>> -> memref<8x64xf32, #tpu.memory_space<vmem_shared>>
      %dma_wait3A_1163 = arith.constant 0 : i32
      %dma_wait3A_1164 = tpu.memref_slice %arg13[%mul3A_484, %dma_wait3A_1163] : memref<10240x64xf32, #tpu.memory_space<vmem_shared>> -> memref<8x64xf32, #tpu.memory_space<vmem_shared>>
      tpu.wait_dma2 semaphore(%run_scoped3A : memref<!tpu.dma_semaphore, #tpu.memory_space<semaphore_mem>>) src(%arg11 : memref<8x64xf32, #tpu.memory_space<vmem>>) dst(%dma_wait3A_1164 : memref<8x64xf32, #tpu.memory_space<vmem_shared>>)
      tpu.yield
    }) : () -> ()
    %mul3A_485 = arith.constant 80 : i32
    %mul3A_486 = arith.muli %arg1, %mul3A_485 : i32
    %add3A_487 = arith.constant 78 : i32
    %add3A_488 = arith.addi %mul3A_486, %add3A_487 : i32
    %mul3A_489 = arith.constant 8 : i32
    %mul3A_490 = arith.muli %add3A_488, %mul3A_489 : i32
    "tpu.region"() ({
      %run_scoped3A = tpu.sem_alloc : memref<!tpu.dma_semaphore, #tpu.memory_space<semaphore_mem>>
      %dma_start3A_1157 = arith.constant 0 : i32
      %dma_start3A_1158 = tpu.memref_slice %arg13[%mul3A_490, %dma_start3A_1157] : memref<10240x64xf32, #tpu.memory_space<vmem_shared>> -> memref<8x64xf32, #tpu.memory_space<vmem_shared>>
      %dma_start3A_1159 = arith.constant 0 : i32
      %dma_start3A_1160 = tpu.memref_slice %arg13[%mul3A_490, %dma_start3A_1159] : memref<10240x64xf32, #tpu.memory_space<vmem_shared>> -> memref<8x64xf32, #tpu.memory_space<vmem_shared>>
      tpu.enqueue_dma source(%arg11 : memref<8x64xf32, #tpu.memory_space<vmem>>) target(%dma_start3A_1160 : memref<8x64xf32, #tpu.memory_space<vmem_shared>>) target_semaphore(%run_scoped3A : memref<!tpu.dma_semaphore, #tpu.memory_space<semaphore_mem>>)
      %dma_wait3A_1161 = arith.constant 0 : i32
      %dma_wait3A_1162 = tpu.memref_slice %arg13[%mul3A_490, %dma_wait3A_1161] : memref<10240x64xf32, #tpu.memory_space<vmem_shared>> -> memref<8x64xf32, #tpu.memory_space<vmem_shared>>
      %dma_wait3A_1163 = arith.constant 0 : i32
      %dma_wait3A_1164 = tpu.memref_slice %arg13[%mul3A_490, %dma_wait3A_1163] : memref<10240x64xf32, #tpu.memory_space<vmem_shared>> -> memref<8x64xf32, #tpu.memory_space<vmem_shared>>
      tpu.wait_dma2 semaphore(%run_scoped3A : memref<!tpu.dma_semaphore, #tpu.memory_space<semaphore_mem>>) src(%arg11 : memref<8x64xf32, #tpu.memory_space<vmem>>) dst(%dma_wait3A_1164 : memref<8x64xf32, #tpu.memory_space<vmem_shared>>)
      tpu.yield
    }) : () -> ()
    %mul3A_491 = arith.constant 80 : i32
    %mul3A_492 = arith.muli %arg1, %mul3A_491 : i32
    %add3A_493 = arith.constant 79 : i32
    %add3A_494 = arith.addi %mul3A_492, %add3A_493 : i32
    %mul3A_495 = arith.constant 8 : i32
    %mul3A_496 = arith.muli %add3A_494, %mul3A_495 : i32
    "tpu.region"() ({
      %run_scoped3A = tpu.sem_alloc : memref<!tpu.dma_semaphore, #tpu.memory_space<semaphore_mem>>
      %dma_start3A_1157 = arith.constant 0 : i32
      %dma_start3A_1158 = tpu.memref_slice %arg13[%mul3A_496, %dma_start3A_1157] : memref<10240x64xf32, #tpu.memory_space<vmem_shared>> -> memref<8x64xf32, #tpu.memory_space<vmem_shared>>
      %dma_start3A_1159 = arith.constant 0 : i32
      %dma_start3A_1160 = tpu.memref_slice %arg13[%mul3A_496, %dma_start3A_1159] : memref<10240x64xf32, #tpu.memory_space<vmem_shared>> -> memref<8x64xf32, #tpu.memory_space<vmem_shared>>
      tpu.enqueue_dma source(%arg11 : memref<8x64xf32, #tpu.memory_space<vmem>>) target(%dma_start3A_1160 : memref<8x64xf32, #tpu.memory_space<vmem_shared>>) target_semaphore(%run_scoped3A : memref<!tpu.dma_semaphore, #tpu.memory_space<semaphore_mem>>)
      %dma_wait3A_1161 = arith.constant 0 : i32
      %dma_wait3A_1162 = tpu.memref_slice %arg13[%mul3A_496, %dma_wait3A_1161] : memref<10240x64xf32, #tpu.memory_space<vmem_shared>> -> memref<8x64xf32, #tpu.memory_space<vmem_shared>>
      %dma_wait3A_1163 = arith.constant 0 : i32
      %dma_wait3A_1164 = tpu.memref_slice %arg13[%mul3A_496, %dma_wait3A_1163] : memref<10240x64xf32, #tpu.memory_space<vmem_shared>> -> memref<8x64xf32, #tpu.memory_space<vmem_shared>>
      tpu.wait_dma2 semaphore(%run_scoped3A : memref<!tpu.dma_semaphore, #tpu.memory_space<semaphore_mem>>) src(%arg11 : memref<8x64xf32, #tpu.memory_space<vmem>>) dst(%dma_wait3A_1164 : memref<8x64xf32, #tpu.memory_space<vmem_shared>>)
      tpu.yield
    }) : () -> ()
    %barrier3A = arith.constant 0 : index
    tpu.barrier barrier_id(%barrier3A)
    %dma_wait3A = arith.constant 0 : i32
    %dma_wait3A_497 = arith.constant 0 : i32
    %dma_wait3A_498 = tpu.memref_slice %arg8[%dma_wait3A, %dma_wait3A_497] : memref<2x4096xi32, #tpu.memory_space<vmem>> -> memref<1x4096xi32, #tpu.memory_space<vmem>>
    %dma_wait3A_499 = tpu.memref_squeeze %dma_wait3A_498 : memref<1x4096xi32, #tpu.memory_space<vmem>> -> memref<4096xi32, #tpu.memory_space<vmem>>
    %dma_wait3A_500 = arith.constant 0 : i32
    %dma_wait3A_501 = tpu.memref_slice %arg2[%dma_wait3A_500] : memref<320000xi32, #tpu.memory_space<hbm>> -> memref<4096xi32, #tpu.memory_space<hbm>>
    %dma_wait3A_502 = arith.constant 0 : i32
    %dma_wait3A_503 = tpu.memref_slice %arg8[%dma_wait3A, %dma_wait3A_502] : memref<2x4096xi32, #tpu.memory_space<vmem>> -> memref<1x4096xi32, #tpu.memory_space<vmem>>
    %dma_wait3A_504 = tpu.memref_squeeze %dma_wait3A_503 : memref<1x4096xi32, #tpu.memory_space<vmem>> -> memref<4096xi32, #tpu.memory_space<vmem>>
    %dma_wait3A_505 = arith.constant 0 : i32
    %dma_wait3A_506 = tpu.memref_slice %arg2[%dma_wait3A_505] : memref<320000xi32, #tpu.memory_space<hbm>> -> memref<4096xi32, #tpu.memory_space<hbm>>
    tpu.wait_dma2 semaphore(%arg22 : memref<!tpu.dma_semaphore, #tpu.memory_space<semaphore_mem>>) src(%dma_wait3A_506 : memref<4096xi32, #tpu.memory_space<hbm>>) dst(%dma_wait3A_504 : memref<4096xi32, #tpu.memory_space<vmem>>)
    %dma_wait3A_507 = arith.constant 0 : i32
    %dma_wait3A_508 = arith.constant 0 : i32
    %dma_wait3A_509 = arith.constant 0 : i32
    %dma_wait3A_510 = tpu.memref_slice %arg9[%dma_wait3A_507, %dma_wait3A_508, %dma_wait3A_509] : memref<2x32x128xi32, #tpu.memory_space<vmem>> -> memref<1x32x128xi32, #tpu.memory_space<vmem>>
    %dma_wait3A_511 = tpu.memref_squeeze %dma_wait3A_510 : memref<1x32x128xi32, #tpu.memory_space<vmem>> -> memref<32x128xi32, #tpu.memory_space<vmem>>
    %dma_wait3A_512 = arith.constant 0 : i32
    %dma_wait3A_513 = arith.constant 0 : i32
    %dma_wait3A_514 = tpu.memref_slice %arg3[%dma_wait3A_512, %dma_wait3A_513] : memref<2400x128xi32, #tpu.memory_space<hbm>> -> memref<32x128xi32, #tpu.memory_space<hbm>>
    %dma_wait3A_515 = arith.constant 0 : i32
    %dma_wait3A_516 = arith.constant 0 : i32
    %dma_wait3A_517 = tpu.memref_slice %arg9[%dma_wait3A_507, %dma_wait3A_515, %dma_wait3A_516] : memref<2x32x128xi32, #tpu.memory_space<vmem>> -> memref<1x32x128xi32, #tpu.memory_space<vmem>>
    %dma_wait3A_518 = tpu.memref_squeeze %dma_wait3A_517 : memref<1x32x128xi32, #tpu.memory_space<vmem>> -> memref<32x128xi32, #tpu.memory_space<vmem>>
    %dma_wait3A_519 = arith.constant 0 : i32
    %dma_wait3A_520 = arith.constant 0 : i32
    %dma_wait3A_521 = tpu.memref_slice %arg3[%dma_wait3A_519, %dma_wait3A_520] : memref<2400x128xi32, #tpu.memory_space<hbm>> -> memref<32x128xi32, #tpu.memory_space<hbm>>
    tpu.wait_dma2 semaphore(%arg24 : memref<!tpu.dma_semaphore, #tpu.memory_space<semaphore_mem>>) src(%dma_wait3A_521 : memref<32x128xi32, #tpu.memory_space<hbm>>) dst(%dma_wait3A_518 : memref<32x128xi32, #tpu.memory_space<vmem>>)
    %lt3A_522 = arith.constant 15 : i32
    %lt3A_523 = arith.cmpi slt, %arg1, %lt3A_522 : i32
    %convert_element_type3A_524 = arith.extui %lt3A_523 : i1 to i32
    %cond3A_525 = arith.constant 0 : i32
    %cond3A_526 = arith.cmpi ne, %convert_element_type3A_524, %cond3A_525 : i32
    scf.if %cond3A_526 {
      %add3A_1157 = arith.constant 4096 : i32
      %add3A_1158 = arith.addi %mul3A_0, %add3A_1157 : i32
      %dma_start3A_1159 = arith.constant 1 : i32
      %dma_start3A_1160 = arith.constant 0 : i32
      %dma_start3A_1161 = tpu.memref_slice %arg8[%dma_start3A_1159, %dma_start3A_1160] : memref<2x4096xi32, #tpu.memory_space<vmem>> -> memref<1x4096xi32, #tpu.memory_space<vmem>>
      %dma_start3A_1162 = tpu.memref_squeeze %dma_start3A_1161 : memref<1x4096xi32, #tpu.memory_space<vmem>> -> memref<4096xi32, #tpu.memory_space<vmem>>
      %dma_start3A_1163 = tpu.memref_slice %arg2[%add3A_1158] : memref<320000xi32, #tpu.memory_space<hbm>> -> memref<4096xi32, #tpu.memory_space<hbm>>
      %dma_start3A_1164 = arith.constant 0 : i32
      %dma_start3A_1165 = tpu.memref_slice %arg8[%dma_start3A_1159, %dma_start3A_1164] : memref<2x4096xi32, #tpu.memory_space<vmem>> -> memref<1x4096xi32, #tpu.memory_space<vmem>>
      %dma_start3A_1166 = tpu.memref_squeeze %dma_start3A_1165 : memref<1x4096xi32, #tpu.memory_space<vmem>> -> memref<4096xi32, #tpu.memory_space<vmem>>
      %dma_start3A_1167 = tpu.memref_slice %arg2[%add3A_1158] : memref<320000xi32, #tpu.memory_space<hbm>> -> memref<4096xi32, #tpu.memory_space<hbm>>
      tpu.enqueue_dma source(%dma_start3A_1167 : memref<4096xi32, #tpu.memory_space<hbm>>) target(%dma_start3A_1166 : memref<4096xi32, #tpu.memory_space<vmem>>) target_semaphore(%arg23 : memref<!tpu.dma_semaphore, #tpu.memory_space<semaphore_mem>>)
      %mul3A_1168 = arith.constant 160 : i32
      %mul3A_1169 = arith.muli %arg1, %mul3A_1168 : i32
      %add3A_1170 = arith.constant 32 : i32
      %add3A_1171 = arith.addi %mul3A_1169, %add3A_1170 : i32
      %dma_start3A_1172 = arith.constant 1 : i32
      %dma_start3A_1173 = arith.constant 0 : i32
      %dma_start3A_1174 = arith.constant 0 : i32
      %dma_start3A_1175 = tpu.memref_slice %arg9[%dma_start3A_1172, %dma_start3A_1173, %dma_start3A_1174] : memref<2x32x128xi32, #tpu.memory_space<vmem>> -> memref<1x32x128xi32, #tpu.memory_space<vmem>>
      %dma_start3A_1176 = tpu.memref_squeeze %dma_start3A_1175 : memref<1x32x128xi32, #tpu.memory_space<vmem>> -> memref<32x128xi32, #tpu.memory_space<vmem>>
      %dma_start3A_1177 = arith.constant 0 : i32
      %dma_start3A_1178 = tpu.memref_slice %arg3[%add3A_1171, %dma_start3A_1177] : memref<2400x128xi32, #tpu.memory_space<hbm>> -> memref<32x128xi32, #tpu.memory_space<hbm>>
      %dma_start3A_1179 = arith.constant 0 : i32
      %dma_start3A_1180 = arith.constant 0 : i32
      %dma_start3A_1181 = tpu.memref_slice %arg9[%dma_start3A_1172, %dma_start3A_1179, %dma_start3A_1180] : memref<2x32x128xi32, #tpu.memory_space<vmem>> -> memref<1x32x128xi32, #tpu.memory_space<vmem>>
      %dma_start3A_1182 = tpu.memref_squeeze %dma_start3A_1181 : memref<1x32x128xi32, #tpu.memory_space<vmem>> -> memref<32x128xi32, #tpu.memory_space<vmem>>
      %dma_start3A_1183 = arith.constant 0 : i32
      %dma_start3A_1184 = tpu.memref_slice %arg3[%add3A_1171, %dma_start3A_1183] : memref<2400x128xi32, #tpu.memory_space<hbm>> -> memref<32x128xi32, #tpu.memory_space<hbm>>
      tpu.enqueue_dma source(%dma_start3A_1184 : memref<32x128xi32, #tpu.memory_space<hbm>>) target(%dma_start3A_1182 : memref<32x128xi32, #tpu.memory_space<vmem>>) target_semaphore(%arg25 : memref<!tpu.dma_semaphore, #tpu.memory_space<semaphore_mem>>)
    } else {
    }
    %ge3A_527 = arith.constant 15 : i32
    %ge3A_528 = arith.cmpi sge, %arg1, %ge3A_527 : i32
    %convert_element_type3A_529 = arith.extui %ge3A_528 : i1 to i32
    %cond3A_530 = arith.constant 0 : i32
    %cond3A_531 = arith.cmpi ne, %convert_element_type3A_529, %cond3A_530 : i32
    scf.if %cond3A_531 {
      %sub3A = arith.constant 15 : i32
      %sub3A_1157 = arith.subi %arg1, %sub3A : i32
      %mul3A_1158 = arith.constant 20480 : i32
      %mul3A_1159 = arith.muli %sub3A_1157, %mul3A_1158 : i32
      %add3A_1160 = arith.constant 4096 : i32
      %add3A_1161 = arith.addi %mul3A_1159, %add3A_1160 : i32
      %dma_start3A_1162 = arith.constant 1 : i32
      %dma_start3A_1163 = arith.constant 0 : i32
      %dma_start3A_1164 = tpu.memref_slice %arg8[%dma_start3A_1162, %dma_start3A_1163] : memref<2x4096xi32, #tpu.memory_space<vmem>> -> memref<1x4096xi32, #tpu.memory_space<vmem>>
      %dma_start3A_1165 = tpu.memref_squeeze %dma_start3A_1164 : memref<1x4096xi32, #tpu.memory_space<vmem>> -> memref<4096xi32, #tpu.memory_space<vmem>>
      %dma_start3A_1166 = tpu.memref_slice %arg4[%add3A_1161] : memref<20480xi32, #tpu.memory_space<hbm>> -> memref<4096xi32, #tpu.memory_space<hbm>>
      %dma_start3A_1167 = arith.constant 0 : i32
      %dma_start3A_1168 = tpu.memref_slice %arg8[%dma_start3A_1162, %dma_start3A_1167] : memref<2x4096xi32, #tpu.memory_space<vmem>> -> memref<1x4096xi32, #tpu.memory_space<vmem>>
      %dma_start3A_1169 = tpu.memref_squeeze %dma_start3A_1168 : memref<1x4096xi32, #tpu.memory_space<vmem>> -> memref<4096xi32, #tpu.memory_space<vmem>>
      %dma_start3A_1170 = tpu.memref_slice %arg4[%add3A_1161] : memref<20480xi32, #tpu.memory_space<hbm>> -> memref<4096xi32, #tpu.memory_space<hbm>>
      tpu.enqueue_dma source(%dma_start3A_1170 : memref<4096xi32, #tpu.memory_space<hbm>>) target(%dma_start3A_1169 : memref<4096xi32, #tpu.memory_space<vmem>>) target_semaphore(%arg23 : memref<!tpu.dma_semaphore, #tpu.memory_space<semaphore_mem>>)
      %mul3A_1171 = arith.constant 160 : i32
      %mul3A_1172 = arith.muli %sub3A_1157, %mul3A_1171 : i32
      %add3A_1173 = arith.constant 32 : i32
      %add3A_1174 = arith.addi %mul3A_1172, %add3A_1173 : i32
      %dma_start3A_1175 = arith.constant 1 : i32
      %dma_start3A_1176 = arith.constant 0 : i32
      %dma_start3A_1177 = arith.constant 0 : i32
      %dma_start3A_1178 = tpu.memref_slice %arg9[%dma_start3A_1175, %dma_start3A_1176, %dma_start3A_1177] : memref<2x32x128xi32, #tpu.memory_space<vmem>> -> memref<1x32x128xi32, #tpu.memory_space<vmem>>
      %dma_start3A_1179 = tpu.memref_squeeze %dma_start3A_1178 : memref<1x32x128xi32, #tpu.memory_space<vmem>> -> memref<32x128xi32, #tpu.memory_space<vmem>>
      %dma_start3A_1180 = arith.constant 0 : i32
      %dma_start3A_1181 = tpu.memref_slice %arg5[%add3A_1174, %dma_start3A_1180] : memref<160x128xi32, #tpu.memory_space<hbm>> -> memref<32x128xi32, #tpu.memory_space<hbm>>
      %dma_start3A_1182 = arith.constant 0 : i32
      %dma_start3A_1183 = arith.constant 0 : i32
      %dma_start3A_1184 = tpu.memref_slice %arg9[%dma_start3A_1175, %dma_start3A_1182, %dma_start3A_1183] : memref<2x32x128xi32, #tpu.memory_space<vmem>> -> memref<1x32x128xi32, #tpu.memory_space<vmem>>
      %dma_start3A_1185 = tpu.memref_squeeze %dma_start3A_1184 : memref<1x32x128xi32, #tpu.memory_space<vmem>> -> memref<32x128xi32, #tpu.memory_space<vmem>>
      %dma_start3A_1186 = arith.constant 0 : i32
      %dma_start3A_1187 = tpu.memref_slice %arg5[%add3A_1174, %dma_start3A_1186] : memref<160x128xi32, #tpu.memory_space<hbm>> -> memref<32x128xi32, #tpu.memory_space<hbm>>
      tpu.enqueue_dma source(%dma_start3A_1187 : memref<32x128xi32, #tpu.memory_space<hbm>>) target(%dma_start3A_1185 : memref<32x128xi32, #tpu.memory_space<vmem>>) target_semaphore(%arg25 : memref<!tpu.dma_semaphore, #tpu.memory_space<semaphore_mem>>)
    } else {
    }
    %multiple_of3A = arith.constant 0 : i32
    %multiple_of3A_532 = tpu.assume_multiple %multiple_of3A, 128 : i32
    %dma_start3A = arith.constant 0 : i32
    %dma_start3A_533 = arith.constant 0 : i32
    %dma_start3A_534 = arith.constant 0 : i32
    %dma_start3A_535 = arith.constant 0 : i32
    %dma_start3A_536 = tpu.memref_slice %arg10[%dma_start3A_533, %dma_start3A_534, %dma_start3A_535] : memref<4x128x64xf32, #tpu.memory_space<vmem>> -> memref<1x128x64xf32, #tpu.memory_space<vmem>>
    %dma_start3A_537 = tpu.memref_squeeze %dma_start3A_536 : memref<1x128x64xf32, #tpu.memory_space<vmem>> -> memref<128x64xf32, #tpu.memory_space<vmem>>
    %dma_start3A_538 = tpu.memref_slice %arg8[%dma_start3A, %multiple_of3A_532] : memref<2x4096xi32, #tpu.memory_space<vmem>> -> memref<1x128xi32, #tpu.memory_space<vmem>>
    %dma_start3A_539 = tpu.memref_squeeze %dma_start3A_538 : memref<1x128xi32, #tpu.memory_space<vmem>> -> memref<128xi32, #tpu.memory_space<vmem>>
    %dma_start3A_540 = arith.constant 0 : i32
    %dma_start3A_541 = arith.constant 0 : i32
    %dma_start3A_542 = tpu.memref_slice %arg12[%dma_start3A_540, %dma_start3A_541] : memref<10000x64xf32, #tpu.memory_space<vmem_shared>> -> memref<10000x64xf32, #tpu.memory_space<vmem_shared>>
    tpu.enqueue_indirect_dma source(%dma_start3A_542 : memref<10000x64xf32, #tpu.memory_space<vmem_shared>>) target(%dma_start3A_537 : memref<128x64xf32, #tpu.memory_space<vmem>>) offsets(%dma_start3A_539 : memref<128xi32, #tpu.memory_space<vmem>>) semaphore(%arg14 : memref<!tpu.dma_semaphore, #tpu.memory_space<semaphore_mem>>)
    %multiple_of3A_543 = arith.constant 128 : i32
    %multiple_of3A_544 = tpu.assume_multiple %multiple_of3A_543, 128 : i32
    %dma_start3A_545 = arith.constant 0 : i32
    %dma_start3A_546 = arith.constant 1 : i32
    %dma_start3A_547 = arith.constant 0 : i32
    %dma_start3A_548 = arith.constant 0 : i32
    %dma_start3A_549 = tpu.memref_slice %arg10[%dma_start3A_546, %dma_start3A_547, %dma_start3A_548] : memref<4x128x64xf32, #tpu.memory_space<vmem>> -> memref<1x128x64xf32, #tpu.memory_space<vmem>>
    %dma_start3A_550 = tpu.memref_squeeze %dma_start3A_549 : memref<1x128x64xf32, #tpu.memory_space<vmem>> -> memref<128x64xf32, #tpu.memory_space<vmem>>
    %dma_start3A_551 = tpu.memref_slice %arg8[%dma_start3A_545, %multiple_of3A_544] : memref<2x4096xi32, #tpu.memory_space<vmem>> -> memref<1x128xi32, #tpu.memory_space<vmem>>
    %dma_start3A_552 = tpu.memref_squeeze %dma_start3A_551 : memref<1x128xi32, #tpu.memory_space<vmem>> -> memref<128xi32, #tpu.memory_space<vmem>>
    %dma_start3A_553 = arith.constant 0 : i32
    %dma_start3A_554 = arith.constant 0 : i32
    %dma_start3A_555 = tpu.memref_slice %arg12[%dma_start3A_553, %dma_start3A_554] : memref<10000x64xf32, #tpu.memory_space<vmem_shared>> -> memref<10000x64xf32, #tpu.memory_space<vmem_shared>>
    tpu.enqueue_indirect_dma source(%dma_start3A_555 : memref<10000x64xf32, #tpu.memory_space<vmem_shared>>) target(%dma_start3A_550 : memref<128x64xf32, #tpu.memory_space<vmem>>) offsets(%dma_start3A_552 : memref<128xi32, #tpu.memory_space<vmem>>) semaphore(%arg15 : memref<!tpu.dma_semaphore, #tpu.memory_space<semaphore_mem>>)
    %multiple_of3A_556 = arith.constant 256 : i32
    %multiple_of3A_557 = tpu.assume_multiple %multiple_of3A_556, 128 : i32
    %dma_start3A_558 = arith.constant 0 : i32
    %dma_start3A_559 = arith.constant 2 : i32
    %dma_start3A_560 = arith.constant 0 : i32
    %dma_start3A_561 = arith.constant 0 : i32
    %dma_start3A_562 = tpu.memref_slice %arg10[%dma_start3A_559, %dma_start3A_560, %dma_start3A_561] : memref<4x128x64xf32, #tpu.memory_space<vmem>> -> memref<1x128x64xf32, #tpu.memory_space<vmem>>
    %dma_start3A_563 = tpu.memref_squeeze %dma_start3A_562 : memref<1x128x64xf32, #tpu.memory_space<vmem>> -> memref<128x64xf32, #tpu.memory_space<vmem>>
    %dma_start3A_564 = tpu.memref_slice %arg8[%dma_start3A_558, %multiple_of3A_557] : memref<2x4096xi32, #tpu.memory_space<vmem>> -> memref<1x128xi32, #tpu.memory_space<vmem>>
    %dma_start3A_565 = tpu.memref_squeeze %dma_start3A_564 : memref<1x128xi32, #tpu.memory_space<vmem>> -> memref<128xi32, #tpu.memory_space<vmem>>
    %dma_start3A_566 = arith.constant 0 : i32
    %dma_start3A_567 = arith.constant 0 : i32
    %dma_start3A_568 = tpu.memref_slice %arg12[%dma_start3A_566, %dma_start3A_567] : memref<10000x64xf32, #tpu.memory_space<vmem_shared>> -> memref<10000x64xf32, #tpu.memory_space<vmem_shared>>
    tpu.enqueue_indirect_dma source(%dma_start3A_568 : memref<10000x64xf32, #tpu.memory_space<vmem_shared>>) target(%dma_start3A_563 : memref<128x64xf32, #tpu.memory_space<vmem>>) offsets(%dma_start3A_565 : memref<128xi32, #tpu.memory_space<vmem>>) semaphore(%arg16 : memref<!tpu.dma_semaphore, #tpu.memory_space<semaphore_mem>>)
    %scan3A_569 = arith.constant 0 : i32
    %scan3A_570 = arith.constant 0 : i32
    %scan3A_571 = arith.constant 8 : i32
    %scan3A_572 = arith.addi %scan3A_570, %scan3A_571 : i32
    %scan3A_573 = arith.constant 1 : i32
    %scan3A_574 = scf.for %scan3A_1157 = %scan3A_570 to %scan3A_572 step %scan3A_573 iter_args(%scan3A_1158 = %scan3A_569) -> (i32)  : i32 {
      %mul3A_1159 = arith.constant 4 : i32
      %mul3A_1160 = arith.muli %scan3A_1157, %mul3A_1159 : i32
      %add3A_1161 = arith.constant 0 : i32
      %add3A_1162 = arith.addi %mul3A_1160, %add3A_1161 : i32
      %dma_wait3A_1163 = arith.constant 0 : i32
      %dma_wait3A_1164 = arith.constant 0 : i32
      %dma_wait3A_1165 = arith.constant 0 : i32
      %dma_wait3A_1166 = arith.constant 0 : i32
      %dma_wait3A_1167 = tpu.memref_slice %arg10[%dma_wait3A_1164, %dma_wait3A_1165, %dma_wait3A_1166] : memref<4x128x64xf32, #tpu.memory_space<vmem>> -> memref<1x128x64xf32, #tpu.memory_space<vmem>>
      %dma_wait3A_1168 = tpu.memref_squeeze %dma_wait3A_1167 : memref<1x128x64xf32, #tpu.memory_space<vmem>> -> memref<128x64xf32, #tpu.memory_space<vmem>>
      %dma_wait3A_1169 = arith.constant 0 : i32
      %dma_wait3A_1170 = tpu.memref_slice %arg8[%dma_wait3A_1163, %dma_wait3A_1169] : memref<2x4096xi32, #tpu.memory_space<vmem>> -> memref<1x128xi32, #tpu.memory_space<vmem>>
      %dma_wait3A_1171 = tpu.memref_squeeze %dma_wait3A_1170 : memref<1x128xi32, #tpu.memory_space<vmem>> -> memref<128xi32, #tpu.memory_space<vmem>>
      %dma_wait3A_1172 = arith.constant 0 : i32
      %dma_wait3A_1173 = arith.constant 0 : i32
      %dma_wait3A_1174 = tpu.memref_slice %arg12[%dma_wait3A_1172, %dma_wait3A_1173] : memref<10000x64xf32, #tpu.memory_space<vmem_shared>> -> memref<10000x64xf32, #tpu.memory_space<vmem_shared>>
      tpu.wait_indirect_dma semaphore(%arg14 : memref<!tpu.dma_semaphore, #tpu.memory_space<semaphore_mem>>) src(%dma_wait3A_1174 : memref<10000x64xf32, #tpu.memory_space<vmem_shared>>) dst(%dma_wait3A_1168 : memref<128x64xf32, #tpu.memory_space<vmem>>)
      %dma_start3A_1175 = arith.constant 0 : i32
      %dma_start3A_1176 = arith.constant 0 : i32
      %dma_start3A_1177 = arith.constant 0 : i32
      %dma_start3A_1178 = arith.constant 0 : i32
      %dma_start3A_1179 = tpu.memref_slice %arg10[%dma_start3A_1175, %dma_start3A_1177, %dma_start3A_1178] : memref<4x128x64xf32, #tpu.memory_space<vmem>> -> memref<1x128x64xf32, #tpu.memory_space<vmem>>
      %dma_start3A_1180 = tpu.memref_squeeze %dma_start3A_1179 : memref<1x128x64xf32, #tpu.memory_space<vmem>> -> memref<128x64xf32, #tpu.memory_space<vmem>>
      %dma_start3A_1181 = arith.constant 0 : i32
      %dma_start3A_1182 = tpu.memref_slice %arg9[%dma_start3A_1176, %add3A_1162, %dma_start3A_1181] : memref<2x32x128xi32, #tpu.memory_space<vmem>> -> memref<1x1x128xi32, #tpu.memory_space<vmem>>
      %dma_start3A_1183 = tpu.memref_squeeze %dma_start3A_1182 : memref<1x1x128xi32, #tpu.memory_space<vmem>> -> memref<128xi32, #tpu.memory_space<vmem>>
      %dma_start3A_1184 = arith.constant 0 : i32
      %dma_start3A_1185 = arith.constant 0 : i32
      %dma_start3A_1186 = tpu.memref_slice %arg13[%dma_start3A_1184, %dma_start3A_1185] : memref<10240x64xf32, #tpu.memory_space<vmem_shared>> -> memref<10240x64xf32, #tpu.memory_space<vmem_shared>>
      tpu.enqueue_indirect_dma source(%dma_start3A_1180 : memref<128x64xf32, #tpu.memory_space<vmem>>) target(%dma_start3A_1186 : memref<10240x64xf32, #tpu.memory_space<vmem_shared>>) offsets(%dma_start3A_1183 : memref<128xi32, #tpu.memory_space<vmem>>) semaphore(%arg18 : memref<!tpu.dma_semaphore, #tpu.memory_space<semaphore_mem>>) {add = true}
      %add3A_1187 = arith.constant 4 : i32
      %add3A_1188 = arith.addi %add3A_1162, %add3A_1187 : i32
      %sub3A = arith.constant 1 : i32
      %sub3A_1189 = arith.subi %add3A_1188, %sub3A : i32
      %lt3A_1190 = arith.constant 32 : i32
      %lt3A_1191 = arith.cmpi slt, %sub3A_1189, %lt3A_1190 : i32
      %convert_element_type3A_1192 = arith.extui %lt3A_1191 : i1 to i32
      %cond3A_1193 = arith.constant 0 : i32
      %cond3A_1194 = arith.cmpi ne, %convert_element_type3A_1192, %cond3A_1193 : i32
      scf.if %cond3A_1194 {
        %ge3A_1301 = arith.constant 4 : i32
        %ge3A_1302 = arith.cmpi sge, %sub3A_1189, %ge3A_1301 : i32
        %convert_element_type3A_1303 = arith.extui %ge3A_1302 : i1 to i32
        %cond3A_1304 = arith.constant 0 : i32
        %cond3A_1305 = arith.cmpi ne, %convert_element_type3A_1303, %cond3A_1304 : i32
        scf.if %cond3A_1305 {
          %dma_wait3A_1320 = arith.constant 3 : i32
          %dma_wait3A_1321 = arith.constant 0 : i32
          %dma_wait3A_1322 = arith.constant 0 : i32
          %dma_wait3A_1323 = arith.constant 0 : i32
          %dma_wait3A_1324 = arith.constant 0 : i32
          %dma_wait3A_1325 = tpu.memref_slice %arg10[%dma_wait3A_1320, %dma_wait3A_1323, %dma_wait3A_1324] : memref<4x128x64xf32, #tpu.memory_space<vmem>> -> memref<1x128x64xf32, #tpu.memory_space<vmem>>
          %dma_wait3A_1326 = tpu.memref_squeeze %dma_wait3A_1325 : memref<1x128x64xf32, #tpu.memory_space<vmem>> -> memref<128x64xf32, #tpu.memory_space<vmem>>
          %dma_wait3A_1327 = arith.constant 0 : i32
          %dma_wait3A_1328 = tpu.memref_slice %arg9[%dma_wait3A_1321, %dma_wait3A_1322, %dma_wait3A_1327] : memref<2x32x128xi32, #tpu.memory_space<vmem>> -> memref<1x1x128xi32, #tpu.memory_space<vmem>>
          %dma_wait3A_1329 = tpu.memref_squeeze %dma_wait3A_1328 : memref<1x1x128xi32, #tpu.memory_space<vmem>> -> memref<128xi32, #tpu.memory_space<vmem>>
          %dma_wait3A_1330 = arith.constant 0 : i32
          %dma_wait3A_1331 = arith.constant 0 : i32
          %dma_wait3A_1332 = tpu.memref_slice %arg13[%dma_wait3A_1330, %dma_wait3A_1331] : memref<10240x64xf32, #tpu.memory_space<vmem_shared>> -> memref<10240x64xf32, #tpu.memory_space<vmem_shared>>
          tpu.wait_indirect_dma semaphore(%arg21 : memref<!tpu.dma_semaphore, #tpu.memory_space<semaphore_mem>>) src(%dma_wait3A_1326 : memref<128x64xf32, #tpu.memory_space<vmem>>) dst(%dma_wait3A_1332 : memref<10240x64xf32, #tpu.memory_space<vmem_shared>>)
        } else {
        }
        %mul3A_1306 = arith.constant 128 : i32
        %mul3A_1307 = arith.muli %sub3A_1189, %mul3A_1306 : i32
        %multiple_of3A_1308 = tpu.assume_multiple %mul3A_1307, 128 : i32
        %dma_start3A_1309 = arith.constant 0 : i32
        %dma_start3A_1310 = arith.constant 3 : i32
        %dma_start3A_1311 = arith.constant 0 : i32
        %dma_start3A_1312 = arith.constant 0 : i32
        %dma_start3A_1313 = tpu.memref_slice %arg10[%dma_start3A_1310, %dma_start3A_1311, %dma_start3A_1312] : memref<4x128x64xf32, #tpu.memory_space<vmem>> -> memref<1x128x64xf32, #tpu.memory_space<vmem>>
        %dma_start3A_1314 = tpu.memref_squeeze %dma_start3A_1313 : memref<1x128x64xf32, #tpu.memory_space<vmem>> -> memref<128x64xf32, #tpu.memory_space<vmem>>
        %dma_start3A_1315 = tpu.memref_slice %arg8[%dma_start3A_1309, %multiple_of3A_1308] : memref<2x4096xi32, #tpu.memory_space<vmem>> -> memref<1x128xi32, #tpu.memory_space<vmem>>
        %dma_start3A_1316 = tpu.memref_squeeze %dma_start3A_1315 : memref<1x128xi32, #tpu.memory_space<vmem>> -> memref<128xi32, #tpu.memory_space<vmem>>
        %dma_start3A_1317 = arith.constant 0 : i32
        %dma_start3A_1318 = arith.constant 0 : i32
        %dma_start3A_1319 = tpu.memref_slice %arg12[%dma_start3A_1317, %dma_start3A_1318] : memref<10000x64xf32, #tpu.memory_space<vmem_shared>> -> memref<10000x64xf32, #tpu.memory_space<vmem_shared>>
        tpu.enqueue_indirect_dma source(%dma_start3A_1319 : memref<10000x64xf32, #tpu.memory_space<vmem_shared>>) target(%dma_start3A_1314 : memref<128x64xf32, #tpu.memory_space<vmem>>) offsets(%dma_start3A_1316 : memref<128xi32, #tpu.memory_space<vmem>>) semaphore(%arg17 : memref<!tpu.dma_semaphore, #tpu.memory_space<semaphore_mem>>)
      } else {
      }
      %add3A_1195 = arith.constant 1 : i32
      %add3A_1196 = arith.addi %mul3A_1160, %add3A_1195 : i32
      %dma_wait3A_1197 = arith.constant 0 : i32
      %dma_wait3A_1198 = arith.constant 1 : i32
      %dma_wait3A_1199 = arith.constant 0 : i32
      %dma_wait3A_1200 = arith.constant 0 : i32
      %dma_wait3A_1201 = tpu.memref_slice %arg10[%dma_wait3A_1198, %dma_wait3A_1199, %dma_wait3A_1200] : memref<4x128x64xf32, #tpu.memory_space<vmem>> -> memref<1x128x64xf32, #tpu.memory_space<vmem>>
      %dma_wait3A_1202 = tpu.memref_squeeze %dma_wait3A_1201 : memref<1x128x64xf32, #tpu.memory_space<vmem>> -> memref<128x64xf32, #tpu.memory_space<vmem>>
      %dma_wait3A_1203 = arith.constant 0 : i32
      %dma_wait3A_1204 = tpu.memref_slice %arg8[%dma_wait3A_1197, %dma_wait3A_1203] : memref<2x4096xi32, #tpu.memory_space<vmem>> -> memref<1x128xi32, #tpu.memory_space<vmem>>
      %dma_wait3A_1205 = tpu.memref_squeeze %dma_wait3A_1204 : memref<1x128xi32, #tpu.memory_space<vmem>> -> memref<128xi32, #tpu.memory_space<vmem>>
      %dma_wait3A_1206 = arith.constant 0 : i32
      %dma_wait3A_1207 = arith.constant 0 : i32
      %dma_wait3A_1208 = tpu.memref_slice %arg12[%dma_wait3A_1206, %dma_wait3A_1207] : memref<10000x64xf32, #tpu.memory_space<vmem_shared>> -> memref<10000x64xf32, #tpu.memory_space<vmem_shared>>
      tpu.wait_indirect_dma semaphore(%arg15 : memref<!tpu.dma_semaphore, #tpu.memory_space<semaphore_mem>>) src(%dma_wait3A_1208 : memref<10000x64xf32, #tpu.memory_space<vmem_shared>>) dst(%dma_wait3A_1202 : memref<128x64xf32, #tpu.memory_space<vmem>>)
      %dma_start3A_1209 = arith.constant 1 : i32
      %dma_start3A_1210 = arith.constant 0 : i32
      %dma_start3A_1211 = arith.constant 0 : i32
      %dma_start3A_1212 = arith.constant 0 : i32
      %dma_start3A_1213 = tpu.memref_slice %arg10[%dma_start3A_1209, %dma_start3A_1211, %dma_start3A_1212] : memref<4x128x64xf32, #tpu.memory_space<vmem>> -> memref<1x128x64xf32, #tpu.memory_space<vmem>>
      %dma_start3A_1214 = tpu.memref_squeeze %dma_start3A_1213 : memref<1x128x64xf32, #tpu.memory_space<vmem>> -> memref<128x64xf32, #tpu.memory_space<vmem>>
      %dma_start3A_1215 = arith.constant 0 : i32
      %dma_start3A_1216 = tpu.memref_slice %arg9[%dma_start3A_1210, %add3A_1196, %dma_start3A_1215] : memref<2x32x128xi32, #tpu.memory_space<vmem>> -> memref<1x1x128xi32, #tpu.memory_space<vmem>>
      %dma_start3A_1217 = tpu.memref_squeeze %dma_start3A_1216 : memref<1x1x128xi32, #tpu.memory_space<vmem>> -> memref<128xi32, #tpu.memory_space<vmem>>
      %dma_start3A_1218 = arith.constant 0 : i32
      %dma_start3A_1219 = arith.constant 0 : i32
      %dma_start3A_1220 = tpu.memref_slice %arg13[%dma_start3A_1218, %dma_start3A_1219] : memref<10240x64xf32, #tpu.memory_space<vmem_shared>> -> memref<10240x64xf32, #tpu.memory_space<vmem_shared>>
      tpu.enqueue_indirect_dma source(%dma_start3A_1214 : memref<128x64xf32, #tpu.memory_space<vmem>>) target(%dma_start3A_1220 : memref<10240x64xf32, #tpu.memory_space<vmem_shared>>) offsets(%dma_start3A_1217 : memref<128xi32, #tpu.memory_space<vmem>>) semaphore(%arg19 : memref<!tpu.dma_semaphore, #tpu.memory_space<semaphore_mem>>) {add = true}
      %add3A_1221 = arith.constant 4 : i32
      %add3A_1222 = arith.addi %add3A_1196, %add3A_1221 : i32
      %sub3A_1223 = arith.constant 1 : i32
      %sub3A_1224 = arith.subi %add3A_1222, %sub3A_1223 : i32
      %lt3A_1225 = arith.constant 32 : i32
      %lt3A_1226 = arith.cmpi slt, %sub3A_1224, %lt3A_1225 : i32
      %convert_element_type3A_1227 = arith.extui %lt3A_1226 : i1 to i32
      %cond3A_1228 = arith.constant 0 : i32
      %cond3A_1229 = arith.cmpi ne, %convert_element_type3A_1227, %cond3A_1228 : i32
      scf.if %cond3A_1229 {
        %ge3A_1301 = arith.constant 4 : i32
        %ge3A_1302 = arith.cmpi sge, %sub3A_1224, %ge3A_1301 : i32
        %convert_element_type3A_1303 = arith.extui %ge3A_1302 : i1 to i32
        %cond3A_1304 = arith.constant 0 : i32
        %cond3A_1305 = arith.cmpi ne, %convert_element_type3A_1303, %cond3A_1304 : i32
        scf.if %cond3A_1305 {
          %dma_wait3A_1320 = arith.constant 0 : i32
          %dma_wait3A_1321 = arith.constant 0 : i32
          %dma_wait3A_1322 = arith.constant 0 : i32
          %dma_wait3A_1323 = arith.constant 0 : i32
          %dma_wait3A_1324 = arith.constant 0 : i32
          %dma_wait3A_1325 = tpu.memref_slice %arg10[%dma_wait3A_1320, %dma_wait3A_1323, %dma_wait3A_1324] : memref<4x128x64xf32, #tpu.memory_space<vmem>> -> memref<1x128x64xf32, #tpu.memory_space<vmem>>
          %dma_wait3A_1326 = tpu.memref_squeeze %dma_wait3A_1325 : memref<1x128x64xf32, #tpu.memory_space<vmem>> -> memref<128x64xf32, #tpu.memory_space<vmem>>
          %dma_wait3A_1327 = arith.constant 0 : i32
          %dma_wait3A_1328 = tpu.memref_slice %arg9[%dma_wait3A_1321, %dma_wait3A_1322, %dma_wait3A_1327] : memref<2x32x128xi32, #tpu.memory_space<vmem>> -> memref<1x1x128xi32, #tpu.memory_space<vmem>>
          %dma_wait3A_1329 = tpu.memref_squeeze %dma_wait3A_1328 : memref<1x1x128xi32, #tpu.memory_space<vmem>> -> memref<128xi32, #tpu.memory_space<vmem>>
          %dma_wait3A_1330 = arith.constant 0 : i32
          %dma_wait3A_1331 = arith.constant 0 : i32
          %dma_wait3A_1332 = tpu.memref_slice %arg13[%dma_wait3A_1330, %dma_wait3A_1331] : memref<10240x64xf32, #tpu.memory_space<vmem_shared>> -> memref<10240x64xf32, #tpu.memory_space<vmem_shared>>
          tpu.wait_indirect_dma semaphore(%arg18 : memref<!tpu.dma_semaphore, #tpu.memory_space<semaphore_mem>>) src(%dma_wait3A_1326 : memref<128x64xf32, #tpu.memory_space<vmem>>) dst(%dma_wait3A_1332 : memref<10240x64xf32, #tpu.memory_space<vmem_shared>>)
        } else {
        }
        %mul3A_1306 = arith.constant 128 : i32
        %mul3A_1307 = arith.muli %sub3A_1224, %mul3A_1306 : i32
        %multiple_of3A_1308 = tpu.assume_multiple %mul3A_1307, 128 : i32
        %dma_start3A_1309 = arith.constant 0 : i32
        %dma_start3A_1310 = arith.constant 0 : i32
        %dma_start3A_1311 = arith.constant 0 : i32
        %dma_start3A_1312 = arith.constant 0 : i32
        %dma_start3A_1313 = tpu.memref_slice %arg10[%dma_start3A_1310, %dma_start3A_1311, %dma_start3A_1312] : memref<4x128x64xf32, #tpu.memory_space<vmem>> -> memref<1x128x64xf32, #tpu.memory_space<vmem>>
        %dma_start3A_1314 = tpu.memref_squeeze %dma_start3A_1313 : memref<1x128x64xf32, #tpu.memory_space<vmem>> -> memref<128x64xf32, #tpu.memory_space<vmem>>
        %dma_start3A_1315 = tpu.memref_slice %arg8[%dma_start3A_1309, %multiple_of3A_1308] : memref<2x4096xi32, #tpu.memory_space<vmem>> -> memref<1x128xi32, #tpu.memory_space<vmem>>
        %dma_start3A_1316 = tpu.memref_squeeze %dma_start3A_1315 : memref<1x128xi32, #tpu.memory_space<vmem>> -> memref<128xi32, #tpu.memory_space<vmem>>
        %dma_start3A_1317 = arith.constant 0 : i32
        %dma_start3A_1318 = arith.constant 0 : i32
        %dma_start3A_1319 = tpu.memref_slice %arg12[%dma_start3A_1317, %dma_start3A_1318] : memref<10000x64xf32, #tpu.memory_space<vmem_shared>> -> memref<10000x64xf32, #tpu.memory_space<vmem_shared>>
        tpu.enqueue_indirect_dma source(%dma_start3A_1319 : memref<10000x64xf32, #tpu.memory_space<vmem_shared>>) target(%dma_start3A_1314 : memref<128x64xf32, #tpu.memory_space<vmem>>) offsets(%dma_start3A_1316 : memref<128xi32, #tpu.memory_space<vmem>>) semaphore(%arg14 : memref<!tpu.dma_semaphore, #tpu.memory_space<semaphore_mem>>)
      } else {
      }
      %add3A_1230 = arith.constant 2 : i32
      %add3A_1231 = arith.addi %mul3A_1160, %add3A_1230 : i32
      %dma_wait3A_1232 = arith.constant 0 : i32
      %dma_wait3A_1233 = arith.constant 2 : i32
      %dma_wait3A_1234 = arith.constant 0 : i32
      %dma_wait3A_1235 = arith.constant 0 : i32
      %dma_wait3A_1236 = tpu.memref_slice %arg10[%dma_wait3A_1233, %dma_wait3A_1234, %dma_wait3A_1235] : memref<4x128x64xf32, #tpu.memory_space<vmem>> -> memref<1x128x64xf32, #tpu.memory_space<vmem>>
      %dma_wait3A_1237 = tpu.memref_squeeze %dma_wait3A_1236 : memref<1x128x64xf32, #tpu.memory_space<vmem>> -> memref<128x64xf32, #tpu.memory_space<vmem>>
      %dma_wait3A_1238 = arith.constant 0 : i32
      %dma_wait3A_1239 = tpu.memref_slice %arg8[%dma_wait3A_1232, %dma_wait3A_1238] : memref<2x4096xi32, #tpu.memory_space<vmem>> -> memref<1x128xi32, #tpu.memory_space<vmem>>
      %dma_wait3A_1240 = tpu.memref_squeeze %dma_wait3A_1239 : memref<1x128xi32, #tpu.memory_space<vmem>> -> memref<128xi32, #tpu.memory_space<vmem>>
      %dma_wait3A_1241 = arith.constant 0 : i32
      %dma_wait3A_1242 = arith.constant 0 : i32
      %dma_wait3A_1243 = tpu.memref_slice %arg12[%dma_wait3A_1241, %dma_wait3A_1242] : memref<10000x64xf32, #tpu.memory_space<vmem_shared>> -> memref<10000x64xf32, #tpu.memory_space<vmem_shared>>
      tpu.wait_indirect_dma semaphore(%arg16 : memref<!tpu.dma_semaphore, #tpu.memory_space<semaphore_mem>>) src(%dma_wait3A_1243 : memref<10000x64xf32, #tpu.memory_space<vmem_shared>>) dst(%dma_wait3A_1237 : memref<128x64xf32, #tpu.memory_space<vmem>>)
      %dma_start3A_1244 = arith.constant 2 : i32
      %dma_start3A_1245 = arith.constant 0 : i32
      %dma_start3A_1246 = arith.constant 0 : i32
      %dma_start3A_1247 = arith.constant 0 : i32
      %dma_start3A_1248 = tpu.memref_slice %arg10[%dma_start3A_1244, %dma_start3A_1246, %dma_start3A_1247] : memref<4x128x64xf32, #tpu.memory_space<vmem>> -> memref<1x128x64xf32, #tpu.memory_space<vmem>>
      %dma_start3A_1249 = tpu.memref_squeeze %dma_start3A_1248 : memref<1x128x64xf32, #tpu.memory_space<vmem>> -> memref<128x64xf32, #tpu.memory_space<vmem>>
      %dma_start3A_1250 = arith.constant 0 : i32
      %dma_start3A_1251 = tpu.memref_slice %arg9[%dma_start3A_1245, %add3A_1231, %dma_start3A_1250] : memref<2x32x128xi32, #tpu.memory_space<vmem>> -> memref<1x1x128xi32, #tpu.memory_space<vmem>>
      %dma_start3A_1252 = tpu.memref_squeeze %dma_start3A_1251 : memref<1x1x128xi32, #tpu.memory_space<vmem>> -> memref<128xi32, #tpu.memory_space<vmem>>
      %dma_start3A_1253 = arith.constant 0 : i32
      %dma_start3A_1254 = arith.constant 0 : i32
      %dma_start3A_1255 = tpu.memref_slice %arg13[%dma_start3A_1253, %dma_start3A_1254] : memref<10240x64xf32, #tpu.memory_space<vmem_shared>> -> memref<10240x64xf32, #tpu.memory_space<vmem_shared>>
      tpu.enqueue_indirect_dma source(%dma_start3A_1249 : memref<128x64xf32, #tpu.memory_space<vmem>>) target(%dma_start3A_1255 : memref<10240x64xf32, #tpu.memory_space<vmem_shared>>) offsets(%dma_start3A_1252 : memref<128xi32, #tpu.memory_space<vmem>>) semaphore(%arg20 : memref<!tpu.dma_semaphore, #tpu.memory_space<semaphore_mem>>) {add = true}
      %add3A_1256 = arith.constant 4 : i32
      %add3A_1257 = arith.addi %add3A_1231, %add3A_1256 : i32
      %sub3A_1258 = arith.constant 1 : i32
      %sub3A_1259 = arith.subi %add3A_1257, %sub3A_1258 : i32
      %lt3A_1260 = arith.constant 32 : i32
      %lt3A_1261 = arith.cmpi slt, %sub3A_1259, %lt3A_1260 : i32
      %convert_element_type3A_1262 = arith.extui %lt3A_1261 : i1 to i32
      %cond3A_1263 = arith.constant 0 : i32
      %cond3A_1264 = arith.cmpi ne, %convert_element_type3A_1262, %cond3A_1263 : i32
      scf.if %cond3A_1264 {
        %ge3A_1301 = arith.constant 4 : i32
        %ge3A_1302 = arith.cmpi sge, %sub3A_1259, %ge3A_1301 : i32
        %convert_element_type3A_1303 = arith.extui %ge3A_1302 : i1 to i32
        %cond3A_1304 = arith.constant 0 : i32
        %cond3A_1305 = arith.cmpi ne, %convert_element_type3A_1303, %cond3A_1304 : i32
        scf.if %cond3A_1305 {
          %dma_wait3A_1320 = arith.constant 1 : i32
          %dma_wait3A_1321 = arith.constant 0 : i32
          %dma_wait3A_1322 = arith.constant 0 : i32
          %dma_wait3A_1323 = arith.constant 0 : i32
          %dma_wait3A_1324 = arith.constant 0 : i32
          %dma_wait3A_1325 = tpu.memref_slice %arg10[%dma_wait3A_1320, %dma_wait3A_1323, %dma_wait3A_1324] : memref<4x128x64xf32, #tpu.memory_space<vmem>> -> memref<1x128x64xf32, #tpu.memory_space<vmem>>
          %dma_wait3A_1326 = tpu.memref_squeeze %dma_wait3A_1325 : memref<1x128x64xf32, #tpu.memory_space<vmem>> -> memref<128x64xf32, #tpu.memory_space<vmem>>
          %dma_wait3A_1327 = arith.constant 0 : i32
          %dma_wait3A_1328 = tpu.memref_slice %arg9[%dma_wait3A_1321, %dma_wait3A_1322, %dma_wait3A_1327] : memref<2x32x128xi32, #tpu.memory_space<vmem>> -> memref<1x1x128xi32, #tpu.memory_space<vmem>>
          %dma_wait3A_1329 = tpu.memref_squeeze %dma_wait3A_1328 : memref<1x1x128xi32, #tpu.memory_space<vmem>> -> memref<128xi32, #tpu.memory_space<vmem>>
          %dma_wait3A_1330 = arith.constant 0 : i32
          %dma_wait3A_1331 = arith.constant 0 : i32
          %dma_wait3A_1332 = tpu.memref_slice %arg13[%dma_wait3A_1330, %dma_wait3A_1331] : memref<10240x64xf32, #tpu.memory_space<vmem_shared>> -> memref<10240x64xf32, #tpu.memory_space<vmem_shared>>
          tpu.wait_indirect_dma semaphore(%arg19 : memref<!tpu.dma_semaphore, #tpu.memory_space<semaphore_mem>>) src(%dma_wait3A_1326 : memref<128x64xf32, #tpu.memory_space<vmem>>) dst(%dma_wait3A_1332 : memref<10240x64xf32, #tpu.memory_space<vmem_shared>>)
        } else {
        }
        %mul3A_1306 = arith.constant 128 : i32
        %mul3A_1307 = arith.muli %sub3A_1259, %mul3A_1306 : i32
        %multiple_of3A_1308 = tpu.assume_multiple %mul3A_1307, 128 : i32
        %dma_start3A_1309 = arith.constant 0 : i32
        %dma_start3A_1310 = arith.constant 1 : i32
        %dma_start3A_1311 = arith.constant 0 : i32
        %dma_start3A_1312 = arith.constant 0 : i32
        %dma_start3A_1313 = tpu.memref_slice %arg10[%dma_start3A_1310, %dma_start3A_1311, %dma_start3A_1312] : memref<4x128x64xf32, #tpu.memory_space<vmem>> -> memref<1x128x64xf32, #tpu.memory_space<vmem>>
        %dma_start3A_1314 = tpu.memref_squeeze %dma_start3A_1313 : memref<1x128x64xf32, #tpu.memory_space<vmem>> -> memref<128x64xf32, #tpu.memory_space<vmem>>
        %dma_start3A_1315 = tpu.memref_slice %arg8[%dma_start3A_1309, %multiple_of3A_1308] : memref<2x4096xi32, #tpu.memory_space<vmem>> -> memref<1x128xi32, #tpu.memory_space<vmem>>
        %dma_start3A_1316 = tpu.memref_squeeze %dma_start3A_1315 : memref<1x128xi32, #tpu.memory_space<vmem>> -> memref<128xi32, #tpu.memory_space<vmem>>
        %dma_start3A_1317 = arith.constant 0 : i32
        %dma_start3A_1318 = arith.constant 0 : i32
        %dma_start3A_1319 = tpu.memref_slice %arg12[%dma_start3A_1317, %dma_start3A_1318] : memref<10000x64xf32, #tpu.memory_space<vmem_shared>> -> memref<10000x64xf32, #tpu.memory_space<vmem_shared>>
        tpu.enqueue_indirect_dma source(%dma_start3A_1319 : memref<10000x64xf32, #tpu.memory_space<vmem_shared>>) target(%dma_start3A_1314 : memref<128x64xf32, #tpu.memory_space<vmem>>) offsets(%dma_start3A_1316 : memref<128xi32, #tpu.memory_space<vmem>>) semaphore(%arg15 : memref<!tpu.dma_semaphore, #tpu.memory_space<semaphore_mem>>)
      } else {
      }
      %add3A_1265 = arith.constant 3 : i32
      %add3A_1266 = arith.addi %mul3A_1160, %add3A_1265 : i32
      %dma_wait3A_1267 = arith.constant 0 : i32
      %dma_wait3A_1268 = arith.constant 3 : i32
      %dma_wait3A_1269 = arith.constant 0 : i32
      %dma_wait3A_1270 = arith.constant 0 : i32
      %dma_wait3A_1271 = tpu.memref_slice %arg10[%dma_wait3A_1268, %dma_wait3A_1269, %dma_wait3A_1270] : memref<4x128x64xf32, #tpu.memory_space<vmem>> -> memref<1x128x64xf32, #tpu.memory_space<vmem>>
      %dma_wait3A_1272 = tpu.memref_squeeze %dma_wait3A_1271 : memref<1x128x64xf32, #tpu.memory_space<vmem>> -> memref<128x64xf32, #tpu.memory_space<vmem>>
      %dma_wait3A_1273 = arith.constant 0 : i32
      %dma_wait3A_1274 = tpu.memref_slice %arg8[%dma_wait3A_1267, %dma_wait3A_1273] : memref<2x4096xi32, #tpu.memory_space<vmem>> -> memref<1x128xi32, #tpu.memory_space<vmem>>
      %dma_wait3A_1275 = tpu.memref_squeeze %dma_wait3A_1274 : memref<1x128xi32, #tpu.memory_space<vmem>> -> memref<128xi32, #tpu.memory_space<vmem>>
      %dma_wait3A_1276 = arith.constant 0 : i32
      %dma_wait3A_1277 = arith.constant 0 : i32
      %dma_wait3A_1278 = tpu.memref_slice %arg12[%dma_wait3A_1276, %dma_wait3A_1277] : memref<10000x64xf32, #tpu.memory_space<vmem_shared>> -> memref<10000x64xf32, #tpu.memory_space<vmem_shared>>
      tpu.wait_indirect_dma semaphore(%arg17 : memref<!tpu.dma_semaphore, #tpu.memory_space<semaphore_mem>>) src(%dma_wait3A_1278 : memref<10000x64xf32, #tpu.memory_space<vmem_shared>>) dst(%dma_wait3A_1272 : memref<128x64xf32, #tpu.memory_space<vmem>>)
      %dma_start3A_1279 = arith.constant 3 : i32
      %dma_start3A_1280 = arith.constant 0 : i32
      %dma_start3A_1281 = arith.constant 0 : i32
      %dma_start3A_1282 = arith.constant 0 : i32
      %dma_start3A_1283 = tpu.memref_slice %arg10[%dma_start3A_1279, %dma_start3A_1281, %dma_start3A_1282] : memref<4x128x64xf32, #tpu.memory_space<vmem>> -> memref<1x128x64xf32, #tpu.memory_space<vmem>>
      %dma_start3A_1284 = tpu.memref_squeeze %dma_start3A_1283 : memref<1x128x64xf32, #tpu.memory_space<vmem>> -> memref<128x64xf32, #tpu.memory_space<vmem>>
      %dma_start3A_1285 = arith.constant 0 : i32
      %dma_start3A_1286 = tpu.memref_slice %arg9[%dma_start3A_1280, %add3A_1266, %dma_start3A_1285] : memref<2x32x128xi32, #tpu.memory_space<vmem>> -> memref<1x1x128xi32, #tpu.memory_space<vmem>>
      %dma_start3A_1287 = tpu.memref_squeeze %dma_start3A_1286 : memref<1x1x128xi32, #tpu.memory_space<vmem>> -> memref<128xi32, #tpu.memory_space<vmem>>
      %dma_start3A_1288 = arith.constant 0 : i32
      %dma_start3A_1289 = arith.constant 0 : i32
      %dma_start3A_1290 = tpu.memref_slice %arg13[%dma_start3A_1288, %dma_start3A_1289] : memref<10240x64xf32, #tpu.memory_space<vmem_shared>> -> memref<10240x64xf32, #tpu.memory_space<vmem_shared>>
      tpu.enqueue_indirect_dma source(%dma_start3A_1284 : memref<128x64xf32, #tpu.memory_space<vmem>>) target(%dma_start3A_1290 : memref<10240x64xf32, #tpu.memory_space<vmem_shared>>) offsets(%dma_start3A_1287 : memref<128xi32, #tpu.memory_space<vmem>>) semaphore(%arg21 : memref<!tpu.dma_semaphore, #tpu.memory_space<semaphore_mem>>) {add = true}
      %add3A_1291 = arith.constant 4 : i32
      %add3A_1292 = arith.addi %add3A_1266, %add3A_1291 : i32
      %sub3A_1293 = arith.constant 1 : i32
      %sub3A_1294 = arith.subi %add3A_1292, %sub3A_1293 : i32
      %lt3A_1295 = arith.constant 32 : i32
      %lt3A_1296 = arith.cmpi slt, %sub3A_1294, %lt3A_1295 : i32
      %convert_element_type3A_1297 = arith.extui %lt3A_1296 : i1 to i32
      %cond3A_1298 = arith.constant 0 : i32
      %cond3A_1299 = arith.cmpi ne, %convert_element_type3A_1297, %cond3A_1298 : i32
      scf.if %cond3A_1299 {
        %ge3A_1301 = arith.constant 4 : i32
        %ge3A_1302 = arith.cmpi sge, %sub3A_1294, %ge3A_1301 : i32
        %convert_element_type3A_1303 = arith.extui %ge3A_1302 : i1 to i32
        %cond3A_1304 = arith.constant 0 : i32
        %cond3A_1305 = arith.cmpi ne, %convert_element_type3A_1303, %cond3A_1304 : i32
        scf.if %cond3A_1305 {
          %dma_wait3A_1320 = arith.constant 2 : i32
          %dma_wait3A_1321 = arith.constant 0 : i32
          %dma_wait3A_1322 = arith.constant 0 : i32
          %dma_wait3A_1323 = arith.constant 0 : i32
          %dma_wait3A_1324 = arith.constant 0 : i32
          %dma_wait3A_1325 = tpu.memref_slice %arg10[%dma_wait3A_1320, %dma_wait3A_1323, %dma_wait3A_1324] : memref<4x128x64xf32, #tpu.memory_space<vmem>> -> memref<1x128x64xf32, #tpu.memory_space<vmem>>
          %dma_wait3A_1326 = tpu.memref_squeeze %dma_wait3A_1325 : memref<1x128x64xf32, #tpu.memory_space<vmem>> -> memref<128x64xf32, #tpu.memory_space<vmem>>
          %dma_wait3A_1327 = arith.constant 0 : i32
          %dma_wait3A_1328 = tpu.memref_slice %arg9[%dma_wait3A_1321, %dma_wait3A_1322, %dma_wait3A_1327] : memref<2x32x128xi32, #tpu.memory_space<vmem>> -> memref<1x1x128xi32, #tpu.memory_space<vmem>>
          %dma_wait3A_1329 = tpu.memref_squeeze %dma_wait3A_1328 : memref<1x1x128xi32, #tpu.memory_space<vmem>> -> memref<128xi32, #tpu.memory_space<vmem>>
          %dma_wait3A_1330 = arith.constant 0 : i32
          %dma_wait3A_1331 = arith.constant 0 : i32
          %dma_wait3A_1332 = tpu.memref_slice %arg13[%dma_wait3A_1330, %dma_wait3A_1331] : memref<10240x64xf32, #tpu.memory_space<vmem_shared>> -> memref<10240x64xf32, #tpu.memory_space<vmem_shared>>
          tpu.wait_indirect_dma semaphore(%arg20 : memref<!tpu.dma_semaphore, #tpu.memory_space<semaphore_mem>>) src(%dma_wait3A_1326 : memref<128x64xf32, #tpu.memory_space<vmem>>) dst(%dma_wait3A_1332 : memref<10240x64xf32, #tpu.memory_space<vmem_shared>>)
        } else {
        }
        %mul3A_1306 = arith.constant 128 : i32
        %mul3A_1307 = arith.muli %sub3A_1294, %mul3A_1306 : i32
        %multiple_of3A_1308 = tpu.assume_multiple %mul3A_1307, 128 : i32
        %dma_start3A_1309 = arith.constant 0 : i32
        %dma_start3A_1310 = arith.constant 2 : i32
        %dma_start3A_1311 = arith.constant 0 : i32
        %dma_start3A_1312 = arith.constant 0 : i32
        %dma_start3A_1313 = tpu.memref_slice %arg10[%dma_start3A_1310, %dma_start3A_1311, %dma_start3A_1312] : memref<4x128x64xf32, #tpu.memory_space<vmem>> -> memref<1x128x64xf32, #tpu.memory_space<vmem>>
        %dma_start3A_1314 = tpu.memref_squeeze %dma_start3A_1313 : memref<1x128x64xf32, #tpu.memory_space<vmem>> -> memref<128x64xf32, #tpu.memory_space<vmem>>
        %dma_start3A_1315 = tpu.memref_slice %arg8[%dma_start3A_1309, %multiple_of3A_1308] : memref<2x4096xi32, #tpu.memory_space<vmem>> -> memref<1x128xi32, #tpu.memory_space<vmem>>
        %dma_start3A_1316 = tpu.memref_squeeze %dma_start3A_1315 : memref<1x128xi32, #tpu.memory_space<vmem>> -> memref<128xi32, #tpu.memory_space<vmem>>
        %dma_start3A_1317 = arith.constant 0 : i32
        %dma_start3A_1318 = arith.constant 0 : i32
        %dma_start3A_1319 = tpu.memref_slice %arg12[%dma_start3A_1317, %dma_start3A_1318] : memref<10000x64xf32, #tpu.memory_space<vmem_shared>> -> memref<10000x64xf32, #tpu.memory_space<vmem_shared>>
        tpu.enqueue_indirect_dma source(%dma_start3A_1319 : memref<10000x64xf32, #tpu.memory_space<vmem_shared>>) target(%dma_start3A_1314 : memref<128x64xf32, #tpu.memory_space<vmem>>) offsets(%dma_start3A_1316 : memref<128xi32, #tpu.memory_space<vmem>>) semaphore(%arg16 : memref<!tpu.dma_semaphore, #tpu.memory_space<semaphore_mem>>)
      } else {
      }
      %scan3A_1300 = arith.constant 0 : i32
      scf.yield %scan3A_1300 : i32
    }
    %scan3A_575 = arith.constant 8 : i32
    %dma_wait3A_576 = arith.constant 0 : i32
    %dma_wait3A_577 = arith.constant 0 : i32
    %dma_wait3A_578 = arith.constant 0 : i32
    %dma_wait3A_579 = arith.constant 0 : i32
    %dma_wait3A_580 = arith.constant 0 : i32
    %dma_wait3A_581 = tpu.memref_slice %arg10[%dma_wait3A_576, %dma_wait3A_579, %dma_wait3A_580] : memref<4x128x64xf32, #tpu.memory_space<vmem>> -> memref<1x128x64xf32, #tpu.memory_space<vmem>>
    %dma_wait3A_582 = tpu.memref_squeeze %dma_wait3A_581 : memref<1x128x64xf32, #tpu.memory_space<vmem>> -> memref<128x64xf32, #tpu.memory_space<vmem>>
    %dma_wait3A_583 = arith.constant 0 : i32
    %dma_wait3A_584 = tpu.memref_slice %arg9[%dma_wait3A_577, %dma_wait3A_578, %dma_wait3A_583] : memref<2x32x128xi32, #tpu.memory_space<vmem>> -> memref<1x1x128xi32, #tpu.memory_space<vmem>>
    %dma_wait3A_585 = tpu.memref_squeeze %dma_wait3A_584 : memref<1x1x128xi32, #tpu.memory_space<vmem>> -> memref<128xi32, #tpu.memory_space<vmem>>
    %dma_wait3A_586 = arith.constant 0 : i32
    %dma_wait3A_587 = arith.constant 0 : i32
    %dma_wait3A_588 = tpu.memref_slice %arg13[%dma_wait3A_586, %dma_wait3A_587] : memref<10240x64xf32, #tpu.memory_space<vmem_shared>> -> memref<10240x64xf32, #tpu.memory_space<vmem_shared>>
    tpu.wait_indirect_dma semaphore(%arg18 : memref<!tpu.dma_semaphore, #tpu.memory_space<semaphore_mem>>) src(%dma_wait3A_582 : memref<128x64xf32, #tpu.memory_space<vmem>>) dst(%dma_wait3A_588 : memref<10240x64xf32, #tpu.memory_space<vmem_shared>>)
    %dma_wait3A_589 = arith.constant 1 : i32
    %dma_wait3A_590 = arith.constant 0 : i32
    %dma_wait3A_591 = arith.constant 0 : i32
    %dma_wait3A_592 = arith.constant 0 : i32
    %dma_wait3A_593 = arith.constant 0 : i32
    %dma_wait3A_594 = tpu.memref_slice %arg10[%dma_wait3A_589, %dma_wait3A_592, %dma_wait3A_593] : memref<4x128x64xf32, #tpu.memory_space<vmem>> -> memref<1x128x64xf32, #tpu.memory_space<vmem>>
    %dma_wait3A_595 = tpu.memref_squeeze %dma_wait3A_594 : memref<1x128x64xf32, #tpu.memory_space<vmem>> -> memref<128x64xf32, #tpu.memory_space<vmem>>
    %dma_wait3A_596 = arith.constant 0 : i32
    %dma_wait3A_597 = tpu.memref_slice %arg9[%dma_wait3A_590, %dma_wait3A_591, %dma_wait3A_596] : memref<2x32x128xi32, #tpu.memory_space<vmem>> -> memref<1x1x128xi32, #tpu.memory_space<vmem>>
    %dma_wait3A_598 = tpu.memref_squeeze %dma_wait3A_597 : memref<1x1x128xi32, #tpu.memory_space<vmem>> -> memref<128xi32, #tpu.memory_space<vmem>>
    %dma_wait3A_599 = arith.constant 0 : i32
    %dma_wait3A_600 = arith.constant 0 : i32
    %dma_wait3A_601 = tpu.memref_slice %arg13[%dma_wait3A_599, %dma_wait3A_600] : memref<10240x64xf32, #tpu.memory_space<vmem_shared>> -> memref<10240x64xf32, #tpu.memory_space<vmem_shared>>
    tpu.wait_indirect_dma semaphore(%arg19 : memref<!tpu.dma_semaphore, #tpu.memory_space<semaphore_mem>>) src(%dma_wait3A_595 : memref<128x64xf32, #tpu.memory_space<vmem>>) dst(%dma_wait3A_601 : memref<10240x64xf32, #tpu.memory_space<vmem_shared>>)
    %dma_wait3A_602 = arith.constant 2 : i32
    %dma_wait3A_603 = arith.constant 0 : i32
    %dma_wait3A_604 = arith.constant 0 : i32
    %dma_wait3A_605 = arith.constant 0 : i32
    %dma_wait3A_606 = arith.constant 0 : i32
    %dma_wait3A_607 = tpu.memref_slice %arg10[%dma_wait3A_602, %dma_wait3A_605, %dma_wait3A_606] : memref<4x128x64xf32, #tpu.memory_space<vmem>> -> memref<1x128x64xf32, #tpu.memory_space<vmem>>
    %dma_wait3A_608 = tpu.memref_squeeze %dma_wait3A_607 : memref<1x128x64xf32, #tpu.memory_space<vmem>> -> memref<128x64xf32, #tpu.memory_space<vmem>>
    %dma_wait3A_609 = arith.constant 0 : i32
    %dma_wait3A_610 = tpu.memref_slice %arg9[%dma_wait3A_603, %dma_wait3A_604, %dma_wait3A_609] : memref<2x32x128xi32, #tpu.memory_space<vmem>> -> memref<1x1x128xi32, #tpu.memory_space<vmem>>
    %dma_wait3A_611 = tpu.memref_squeeze %dma_wait3A_610 : memref<1x1x128xi32, #tpu.memory_space<vmem>> -> memref<128xi32, #tpu.memory_space<vmem>>
    %dma_wait3A_612 = arith.constant 0 : i32
    %dma_wait3A_613 = arith.constant 0 : i32
    %dma_wait3A_614 = tpu.memref_slice %arg13[%dma_wait3A_612, %dma_wait3A_613] : memref<10240x64xf32, #tpu.memory_space<vmem_shared>> -> memref<10240x64xf32, #tpu.memory_space<vmem_shared>>
    tpu.wait_indirect_dma semaphore(%arg20 : memref<!tpu.dma_semaphore, #tpu.memory_space<semaphore_mem>>) src(%dma_wait3A_608 : memref<128x64xf32, #tpu.memory_space<vmem>>) dst(%dma_wait3A_614 : memref<10240x64xf32, #tpu.memory_space<vmem_shared>>)
    %dma_wait3A_615 = arith.constant 3 : i32
    %dma_wait3A_616 = arith.constant 0 : i32
    %dma_wait3A_617 = arith.constant 0 : i32
    %dma_wait3A_618 = arith.constant 0 : i32
    %dma_wait3A_619 = arith.constant 0 : i32
    %dma_wait3A_620 = tpu.memref_slice %arg10[%dma_wait3A_615, %dma_wait3A_618, %dma_wait3A_619] : memref<4x128x64xf32, #tpu.memory_space<vmem>> -> memref<1x128x64xf32, #tpu.memory_space<vmem>>
    %dma_wait3A_621 = tpu.memref_squeeze %dma_wait3A_620 : memref<1x128x64xf32, #tpu.memory_space<vmem>> -> memref<128x64xf32, #tpu.memory_space<vmem>>
    %dma_wait3A_622 = arith.constant 0 : i32
    %dma_wait3A_623 = tpu.memref_slice %arg9[%dma_wait3A_616, %dma_wait3A_617, %dma_wait3A_622] : memref<2x32x128xi32, #tpu.memory_space<vmem>> -> memref<1x1x128xi32, #tpu.memory_space<vmem>>
    %dma_wait3A_624 = tpu.memref_squeeze %dma_wait3A_623 : memref<1x1x128xi32, #tpu.memory_space<vmem>> -> memref<128xi32, #tpu.memory_space<vmem>>
    %dma_wait3A_625 = arith.constant 0 : i32
    %dma_wait3A_626 = arith.constant 0 : i32
    %dma_wait3A_627 = tpu.memref_slice %arg13[%dma_wait3A_625, %dma_wait3A_626] : memref<10240x64xf32, #tpu.memory_space<vmem_shared>> -> memref<10240x64xf32, #tpu.memory_space<vmem_shared>>
    tpu.wait_indirect_dma semaphore(%arg21 : memref<!tpu.dma_semaphore, #tpu.memory_space<semaphore_mem>>) src(%dma_wait3A_621 : memref<128x64xf32, #tpu.memory_space<vmem>>) dst(%dma_wait3A_627 : memref<10240x64xf32, #tpu.memory_space<vmem_shared>>)
    %dma_wait3A_628 = arith.constant 1 : i32
    %dma_wait3A_629 = arith.constant 0 : i32
    %dma_wait3A_630 = tpu.memref_slice %arg8[%dma_wait3A_628, %dma_wait3A_629] : memref<2x4096xi32, #tpu.memory_space<vmem>> -> memref<1x4096xi32, #tpu.memory_space<vmem>>
    %dma_wait3A_631 = tpu.memref_squeeze %dma_wait3A_630 : memref<1x4096xi32, #tpu.memory_space<vmem>> -> memref<4096xi32, #tpu.memory_space<vmem>>
    %dma_wait3A_632 = arith.constant 0 : i32
    %dma_wait3A_633 = tpu.memref_slice %arg2[%dma_wait3A_632] : memref<320000xi32, #tpu.memory_space<hbm>> -> memref<4096xi32, #tpu.memory_space<hbm>>
    %dma_wait3A_634 = arith.constant 0 : i32
    %dma_wait3A_635 = tpu.memref_slice %arg8[%dma_wait3A_628, %dma_wait3A_634] : memref<2x4096xi32, #tpu.memory_space<vmem>> -> memref<1x4096xi32, #tpu.memory_space<vmem>>
    %dma_wait3A_636 = tpu.memref_squeeze %dma_wait3A_635 : memref<1x4096xi32, #tpu.memory_space<vmem>> -> memref<4096xi32, #tpu.memory_space<vmem>>
    %dma_wait3A_637 = arith.constant 0 : i32
    %dma_wait3A_638 = tpu.memref_slice %arg2[%dma_wait3A_637] : memref<320000xi32, #tpu.memory_space<hbm>> -> memref<4096xi32, #tpu.memory_space<hbm>>
    tpu.wait_dma2 semaphore(%arg23 : memref<!tpu.dma_semaphore, #tpu.memory_space<semaphore_mem>>) src(%dma_wait3A_638 : memref<4096xi32, #tpu.memory_space<hbm>>) dst(%dma_wait3A_636 : memref<4096xi32, #tpu.memory_space<vmem>>)
    %dma_wait3A_639 = arith.constant 1 : i32
    %dma_wait3A_640 = arith.constant 0 : i32
    %dma_wait3A_641 = arith.constant 0 : i32
    %dma_wait3A_642 = tpu.memref_slice %arg9[%dma_wait3A_639, %dma_wait3A_640, %dma_wait3A_641] : memref<2x32x128xi32, #tpu.memory_space<vmem>> -> memref<1x32x128xi32, #tpu.memory_space<vmem>>
    %dma_wait3A_643 = tpu.memref_squeeze %dma_wait3A_642 : memref<1x32x128xi32, #tpu.memory_space<vmem>> -> memref<32x128xi32, #tpu.memory_space<vmem>>
    %dma_wait3A_644 = arith.constant 0 : i32
    %dma_wait3A_645 = arith.constant 0 : i32
    %dma_wait3A_646 = tpu.memref_slice %arg3[%dma_wait3A_644, %dma_wait3A_645] : memref<2400x128xi32, #tpu.memory_space<hbm>> -> memref<32x128xi32, #tpu.memory_space<hbm>>
    %dma_wait3A_647 = arith.constant 0 : i32
    %dma_wait3A_648 = arith.constant 0 : i32
    %dma_wait3A_649 = tpu.memref_slice %arg9[%dma_wait3A_639, %dma_wait3A_647, %dma_wait3A_648] : memref<2x32x128xi32, #tpu.memory_space<vmem>> -> memref<1x32x128xi32, #tpu.memory_space<vmem>>
    %dma_wait3A_650 = tpu.memref_squeeze %dma_wait3A_649 : memref<1x32x128xi32, #tpu.memory_space<vmem>> -> memref<32x128xi32, #tpu.memory_space<vmem>>
    %dma_wait3A_651 = arith.constant 0 : i32
    %dma_wait3A_652 = arith.constant 0 : i32
    %dma_wait3A_653 = tpu.memref_slice %arg3[%dma_wait3A_651, %dma_wait3A_652] : memref<2400x128xi32, #tpu.memory_space<hbm>> -> memref<32x128xi32, #tpu.memory_space<hbm>>
    tpu.wait_dma2 semaphore(%arg25 : memref<!tpu.dma_semaphore, #tpu.memory_space<semaphore_mem>>) src(%dma_wait3A_653 : memref<32x128xi32, #tpu.memory_space<hbm>>) dst(%dma_wait3A_650 : memref<32x128xi32, #tpu.memory_space<vmem>>)
    %lt3A_654 = arith.constant 15 : i32
    %lt3A_655 = arith.cmpi slt, %arg1, %lt3A_654 : i32
    %convert_element_type3A_656 = arith.extui %lt3A_655 : i1 to i32
    %cond3A_657 = arith.constant 0 : i32
    %cond3A_658 = arith.cmpi ne, %convert_element_type3A_656, %cond3A_657 : i32
    scf.if %cond3A_658 {
      %add3A_1157 = arith.constant 8192 : i32
      %add3A_1158 = arith.addi %mul3A_0, %add3A_1157 : i32
      %dma_start3A_1159 = arith.constant 0 : i32
      %dma_start3A_1160 = arith.constant 0 : i32
      %dma_start3A_1161 = tpu.memref_slice %arg8[%dma_start3A_1159, %dma_start3A_1160] : memref<2x4096xi32, #tpu.memory_space<vmem>> -> memref<1x4096xi32, #tpu.memory_space<vmem>>
      %dma_start3A_1162 = tpu.memref_squeeze %dma_start3A_1161 : memref<1x4096xi32, #tpu.memory_space<vmem>> -> memref<4096xi32, #tpu.memory_space<vmem>>
      %dma_start3A_1163 = tpu.memref_slice %arg2[%add3A_1158] : memref<320000xi32, #tpu.memory_space<hbm>> -> memref<4096xi32, #tpu.memory_space<hbm>>
      %dma_start3A_1164 = arith.constant 0 : i32
      %dma_start3A_1165 = tpu.memref_slice %arg8[%dma_start3A_1159, %dma_start3A_1164] : memref<2x4096xi32, #tpu.memory_space<vmem>> -> memref<1x4096xi32, #tpu.memory_space<vmem>>
      %dma_start3A_1166 = tpu.memref_squeeze %dma_start3A_1165 : memref<1x4096xi32, #tpu.memory_space<vmem>> -> memref<4096xi32, #tpu.memory_space<vmem>>
      %dma_start3A_1167 = tpu.memref_slice %arg2[%add3A_1158] : memref<320000xi32, #tpu.memory_space<hbm>> -> memref<4096xi32, #tpu.memory_space<hbm>>
      tpu.enqueue_dma source(%dma_start3A_1167 : memref<4096xi32, #tpu.memory_space<hbm>>) target(%dma_start3A_1166 : memref<4096xi32, #tpu.memory_space<vmem>>) target_semaphore(%arg22 : memref<!tpu.dma_semaphore, #tpu.memory_space<semaphore_mem>>)
      %mul3A_1168 = arith.constant 160 : i32
      %mul3A_1169 = arith.muli %arg1, %mul3A_1168 : i32
      %add3A_1170 = arith.constant 64 : i32
      %add3A_1171 = arith.addi %mul3A_1169, %add3A_1170 : i32
      %dma_start3A_1172 = arith.constant 0 : i32
      %dma_start3A_1173 = arith.constant 0 : i32
      %dma_start3A_1174 = arith.constant 0 : i32
      %dma_start3A_1175 = tpu.memref_slice %arg9[%dma_start3A_1172, %dma_start3A_1173, %dma_start3A_1174] : memref<2x32x128xi32, #tpu.memory_space<vmem>> -> memref<1x32x128xi32, #tpu.memory_space<vmem>>
      %dma_start3A_1176 = tpu.memref_squeeze %dma_start3A_1175 : memref<1x32x128xi32, #tpu.memory_space<vmem>> -> memref<32x128xi32, #tpu.memory_space<vmem>>
      %dma_start3A_1177 = arith.constant 0 : i32
      %dma_start3A_1178 = tpu.memref_slice %arg3[%add3A_1171, %dma_start3A_1177] : memref<2400x128xi32, #tpu.memory_space<hbm>> -> memref<32x128xi32, #tpu.memory_space<hbm>>
      %dma_start3A_1179 = arith.constant 0 : i32
      %dma_start3A_1180 = arith.constant 0 : i32
      %dma_start3A_1181 = tpu.memref_slice %arg9[%dma_start3A_1172, %dma_start3A_1179, %dma_start3A_1180] : memref<2x32x128xi32, #tpu.memory_space<vmem>> -> memref<1x32x128xi32, #tpu.memory_space<vmem>>
      %dma_start3A_1182 = tpu.memref_squeeze %dma_start3A_1181 : memref<1x32x128xi32, #tpu.memory_space<vmem>> -> memref<32x128xi32, #tpu.memory_space<vmem>>
      %dma_start3A_1183 = arith.constant 0 : i32
      %dma_start3A_1184 = tpu.memref_slice %arg3[%add3A_1171, %dma_start3A_1183] : memref<2400x128xi32, #tpu.memory_space<hbm>> -> memref<32x128xi32, #tpu.memory_space<hbm>>
      tpu.enqueue_dma source(%dma_start3A_1184 : memref<32x128xi32, #tpu.memory_space<hbm>>) target(%dma_start3A_1182 : memref<32x128xi32, #tpu.memory_space<vmem>>) target_semaphore(%arg24 : memref<!tpu.dma_semaphore, #tpu.memory_space<semaphore_mem>>)
    } else {
    }
    %ge3A_659 = arith.constant 15 : i32
    %ge3A_660 = arith.cmpi sge, %arg1, %ge3A_659 : i32
    %convert_element_type3A_661 = arith.extui %ge3A_660 : i1 to i32
    %cond3A_662 = arith.constant 0 : i32
    %cond3A_663 = arith.cmpi ne, %convert_element_type3A_661, %cond3A_662 : i32
    scf.if %cond3A_663 {
      %sub3A = arith.constant 15 : i32
      %sub3A_1157 = arith.subi %arg1, %sub3A : i32
      %mul3A_1158 = arith.constant 20480 : i32
      %mul3A_1159 = arith.muli %sub3A_1157, %mul3A_1158 : i32
      %add3A_1160 = arith.constant 8192 : i32
      %add3A_1161 = arith.addi %mul3A_1159, %add3A_1160 : i32
      %dma_start3A_1162 = arith.constant 0 : i32
      %dma_start3A_1163 = arith.constant 0 : i32
      %dma_start3A_1164 = tpu.memref_slice %arg8[%dma_start3A_1162, %dma_start3A_1163] : memref<2x4096xi32, #tpu.memory_space<vmem>> -> memref<1x4096xi32, #tpu.memory_space<vmem>>
      %dma_start3A_1165 = tpu.memref_squeeze %dma_start3A_1164 : memref<1x4096xi32, #tpu.memory_space<vmem>> -> memref<4096xi32, #tpu.memory_space<vmem>>
      %dma_start3A_1166 = tpu.memref_slice %arg4[%add3A_1161] : memref<20480xi32, #tpu.memory_space<hbm>> -> memref<4096xi32, #tpu.memory_space<hbm>>
      %dma_start3A_1167 = arith.constant 0 : i32
      %dma_start3A_1168 = tpu.memref_slice %arg8[%dma_start3A_1162, %dma_start3A_1167] : memref<2x4096xi32, #tpu.memory_space<vmem>> -> memref<1x4096xi32, #tpu.memory_space<vmem>>
      %dma_start3A_1169 = tpu.memref_squeeze %dma_start3A_1168 : memref<1x4096xi32, #tpu.memory_space<vmem>> -> memref<4096xi32, #tpu.memory_space<vmem>>
      %dma_start3A_1170 = tpu.memref_slice %arg4[%add3A_1161] : memref<20480xi32, #tpu.memory_space<hbm>> -> memref<4096xi32, #tpu.memory_space<hbm>>
      tpu.enqueue_dma source(%dma_start3A_1170 : memref<4096xi32, #tpu.memory_space<hbm>>) target(%dma_start3A_1169 : memref<4096xi32, #tpu.memory_space<vmem>>) target_semaphore(%arg22 : memref<!tpu.dma_semaphore, #tpu.memory_space<semaphore_mem>>)
      %mul3A_1171 = arith.constant 160 : i32
      %mul3A_1172 = arith.muli %sub3A_1157, %mul3A_1171 : i32
      %add3A_1173 = arith.constant 64 : i32
      %add3A_1174 = arith.addi %mul3A_1172, %add3A_1173 : i32
      %dma_start3A_1175 = arith.constant 0 : i32
      %dma_start3A_1176 = arith.constant 0 : i32
      %dma_start3A_1177 = arith.constant 0 : i32
      %dma_start3A_1178 = tpu.memref_slice %arg9[%dma_start3A_1175, %dma_start3A_1176, %dma_start3A_1177] : memref<2x32x128xi32, #tpu.memory_space<vmem>> -> memref<1x32x128xi32, #tpu.memory_space<vmem>>
      %dma_start3A_1179 = tpu.memref_squeeze %dma_start3A_1178 : memref<1x32x128xi32, #tpu.memory_space<vmem>> -> memref<32x128xi32, #tpu.memory_space<vmem>>
      %dma_start3A_1180 = arith.constant 0 : i32
      %dma_start3A_1181 = tpu.memref_slice %arg5[%add3A_1174, %dma_start3A_1180] : memref<160x128xi32, #tpu.memory_space<hbm>> -> memref<32x128xi32, #tpu.memory_space<hbm>>
      %dma_start3A_1182 = arith.constant 0 : i32
      %dma_start3A_1183 = arith.constant 0 : i32
      %dma_start3A_1184 = tpu.memref_slice %arg9[%dma_start3A_1175, %dma_start3A_1182, %dma_start3A_1183] : memref<2x32x128xi32, #tpu.memory_space<vmem>> -> memref<1x32x128xi32, #tpu.memory_space<vmem>>
      %dma_start3A_1185 = tpu.memref_squeeze %dma_start3A_1184 : memref<1x32x128xi32, #tpu.memory_space<vmem>> -> memref<32x128xi32, #tpu.memory_space<vmem>>
      %dma_start3A_1186 = arith.constant 0 : i32
      %dma_start3A_1187 = tpu.memref_slice %arg5[%add3A_1174, %dma_start3A_1186] : memref<160x128xi32, #tpu.memory_space<hbm>> -> memref<32x128xi32, #tpu.memory_space<hbm>>
      tpu.enqueue_dma source(%dma_start3A_1187 : memref<32x128xi32, #tpu.memory_space<hbm>>) target(%dma_start3A_1185 : memref<32x128xi32, #tpu.memory_space<vmem>>) target_semaphore(%arg24 : memref<!tpu.dma_semaphore, #tpu.memory_space<semaphore_mem>>)
    } else {
    }
    %multiple_of3A_664 = arith.constant 0 : i32
    %multiple_of3A_665 = tpu.assume_multiple %multiple_of3A_664, 128 : i32
    %dma_start3A_666 = arith.constant 1 : i32
    %dma_start3A_667 = arith.constant 0 : i32
    %dma_start3A_668 = arith.constant 0 : i32
    %dma_start3A_669 = arith.constant 0 : i32
    %dma_start3A_670 = tpu.memref_slice %arg10[%dma_start3A_667, %dma_start3A_668, %dma_start3A_669] : memref<4x128x64xf32, #tpu.memory_space<vmem>> -> memref<1x128x64xf32, #tpu.memory_space<vmem>>
    %dma_start3A_671 = tpu.memref_squeeze %dma_start3A_670 : memref<1x128x64xf32, #tpu.memory_space<vmem>> -> memref<128x64xf32, #tpu.memory_space<vmem>>
    %dma_start3A_672 = tpu.memref_slice %arg8[%dma_start3A_666, %multiple_of3A_665] : memref<2x4096xi32, #tpu.memory_space<vmem>> -> memref<1x128xi32, #tpu.memory_space<vmem>>
    %dma_start3A_673 = tpu.memref_squeeze %dma_start3A_672 : memref<1x128xi32, #tpu.memory_space<vmem>> -> memref<128xi32, #tpu.memory_space<vmem>>
    %dma_start3A_674 = arith.constant 0 : i32
    %dma_start3A_675 = arith.constant 0 : i32
    %dma_start3A_676 = tpu.memref_slice %arg12[%dma_start3A_674, %dma_start3A_675] : memref<10000x64xf32, #tpu.memory_space<vmem_shared>> -> memref<10000x64xf32, #tpu.memory_space<vmem_shared>>
    tpu.enqueue_indirect_dma source(%dma_start3A_676 : memref<10000x64xf32, #tpu.memory_space<vmem_shared>>) target(%dma_start3A_671 : memref<128x64xf32, #tpu.memory_space<vmem>>) offsets(%dma_start3A_673 : memref<128xi32, #tpu.memory_space<vmem>>) semaphore(%arg14 : memref<!tpu.dma_semaphore, #tpu.memory_space<semaphore_mem>>)
    %multiple_of3A_677 = arith.constant 128 : i32
    %multiple_of3A_678 = tpu.assume_multiple %multiple_of3A_677, 128 : i32
    %dma_start3A_679 = arith.constant 1 : i32
    %dma_start3A_680 = arith.constant 1 : i32
    %dma_start3A_681 = arith.constant 0 : i32
    %dma_start3A_682 = arith.constant 0 : i32
    %dma_start3A_683 = tpu.memref_slice %arg10[%dma_start3A_680, %dma_start3A_681, %dma_start3A_682] : memref<4x128x64xf32, #tpu.memory_space<vmem>> -> memref<1x128x64xf32, #tpu.memory_space<vmem>>
    %dma_start3A_684 = tpu.memref_squeeze %dma_start3A_683 : memref<1x128x64xf32, #tpu.memory_space<vmem>> -> memref<128x64xf32, #tpu.memory_space<vmem>>
    %dma_start3A_685 = tpu.memref_slice %arg8[%dma_start3A_679, %multiple_of3A_678] : memref<2x4096xi32, #tpu.memory_space<vmem>> -> memref<1x128xi32, #tpu.memory_space<vmem>>
    %dma_start3A_686 = tpu.memref_squeeze %dma_start3A_685 : memref<1x128xi32, #tpu.memory_space<vmem>> -> memref<128xi32, #tpu.memory_space<vmem>>
    %dma_start3A_687 = arith.constant 0 : i32
    %dma_start3A_688 = arith.constant 0 : i32
    %dma_start3A_689 = tpu.memref_slice %arg12[%dma_start3A_687, %dma_start3A_688] : memref<10000x64xf32, #tpu.memory_space<vmem_shared>> -> memref<10000x64xf32, #tpu.memory_space<vmem_shared>>
    tpu.enqueue_indirect_dma source(%dma_start3A_689 : memref<10000x64xf32, #tpu.memory_space<vmem_shared>>) target(%dma_start3A_684 : memref<128x64xf32, #tpu.memory_space<vmem>>) offsets(%dma_start3A_686 : memref<128xi32, #tpu.memory_space<vmem>>) semaphore(%arg15 : memref<!tpu.dma_semaphore, #tpu.memory_space<semaphore_mem>>)
    %multiple_of3A_690 = arith.constant 256 : i32
    %multiple_of3A_691 = tpu.assume_multiple %multiple_of3A_690, 128 : i32
    %dma_start3A_692 = arith.constant 1 : i32
    %dma_start3A_693 = arith.constant 2 : i32
    %dma_start3A_694 = arith.constant 0 : i32
    %dma_start3A_695 = arith.constant 0 : i32
    %dma_start3A_696 = tpu.memref_slice %arg10[%dma_start3A_693, %dma_start3A_694, %dma_start3A_695] : memref<4x128x64xf32, #tpu.memory_space<vmem>> -> memref<1x128x64xf32, #tpu.memory_space<vmem>>
    %dma_start3A_697 = tpu.memref_squeeze %dma_start3A_696 : memref<1x128x64xf32, #tpu.memory_space<vmem>> -> memref<128x64xf32, #tpu.memory_space<vmem>>
    %dma_start3A_698 = tpu.memref_slice %arg8[%dma_start3A_692, %multiple_of3A_691] : memref<2x4096xi32, #tpu.memory_space<vmem>> -> memref<1x128xi32, #tpu.memory_space<vmem>>
    %dma_start3A_699 = tpu.memref_squeeze %dma_start3A_698 : memref<1x128xi32, #tpu.memory_space<vmem>> -> memref<128xi32, #tpu.memory_space<vmem>>
    %dma_start3A_700 = arith.constant 0 : i32
    %dma_start3A_701 = arith.constant 0 : i32
    %dma_start3A_702 = tpu.memref_slice %arg12[%dma_start3A_700, %dma_start3A_701] : memref<10000x64xf32, #tpu.memory_space<vmem_shared>> -> memref<10000x64xf32, #tpu.memory_space<vmem_shared>>
    tpu.enqueue_indirect_dma source(%dma_start3A_702 : memref<10000x64xf32, #tpu.memory_space<vmem_shared>>) target(%dma_start3A_697 : memref<128x64xf32, #tpu.memory_space<vmem>>) offsets(%dma_start3A_699 : memref<128xi32, #tpu.memory_space<vmem>>) semaphore(%arg16 : memref<!tpu.dma_semaphore, #tpu.memory_space<semaphore_mem>>)
    %scan3A_703 = arith.constant 0 : i32
    %scan3A_704 = arith.constant 0 : i32
    %scan3A_705 = arith.constant 8 : i32
    %scan3A_706 = arith.addi %scan3A_704, %scan3A_705 : i32
    %scan3A_707 = arith.constant 1 : i32
    %scan3A_708 = scf.for %scan3A_1157 = %scan3A_704 to %scan3A_706 step %scan3A_707 iter_args(%scan3A_1158 = %scan3A_703) -> (i32)  : i32 {
      %mul3A_1159 = arith.constant 4 : i32
      %mul3A_1160 = arith.muli %scan3A_1157, %mul3A_1159 : i32
      %add3A_1161 = arith.constant 0 : i32
      %add3A_1162 = arith.addi %mul3A_1160, %add3A_1161 : i32
      %dma_wait3A_1163 = arith.constant 1 : i32
      %dma_wait3A_1164 = arith.constant 0 : i32
      %dma_wait3A_1165 = arith.constant 0 : i32
      %dma_wait3A_1166 = arith.constant 0 : i32
      %dma_wait3A_1167 = tpu.memref_slice %arg10[%dma_wait3A_1164, %dma_wait3A_1165, %dma_wait3A_1166] : memref<4x128x64xf32, #tpu.memory_space<vmem>> -> memref<1x128x64xf32, #tpu.memory_space<vmem>>
      %dma_wait3A_1168 = tpu.memref_squeeze %dma_wait3A_1167 : memref<1x128x64xf32, #tpu.memory_space<vmem>> -> memref<128x64xf32, #tpu.memory_space<vmem>>
      %dma_wait3A_1169 = arith.constant 0 : i32
      %dma_wait3A_1170 = tpu.memref_slice %arg8[%dma_wait3A_1163, %dma_wait3A_1169] : memref<2x4096xi32, #tpu.memory_space<vmem>> -> memref<1x128xi32, #tpu.memory_space<vmem>>
      %dma_wait3A_1171 = tpu.memref_squeeze %dma_wait3A_1170 : memref<1x128xi32, #tpu.memory_space<vmem>> -> memref<128xi32, #tpu.memory_space<vmem>>
      %dma_wait3A_1172 = arith.constant 0 : i32
      %dma_wait3A_1173 = arith.constant 0 : i32
      %dma_wait3A_1174 = tpu.memref_slice %arg12[%dma_wait3A_1172, %dma_wait3A_1173] : memref<10000x64xf32, #tpu.memory_space<vmem_shared>> -> memref<10000x64xf32, #tpu.memory_space<vmem_shared>>
      tpu.wait_indirect_dma semaphore(%arg14 : memref<!tpu.dma_semaphore, #tpu.memory_space<semaphore_mem>>) src(%dma_wait3A_1174 : memref<10000x64xf32, #tpu.memory_space<vmem_shared>>) dst(%dma_wait3A_1168 : memref<128x64xf32, #tpu.memory_space<vmem>>)
      %dma_start3A_1175 = arith.constant 0 : i32
      %dma_start3A_1176 = arith.constant 1 : i32
      %dma_start3A_1177 = arith.constant 0 : i32
      %dma_start3A_1178 = arith.constant 0 : i32
      %dma_start3A_1179 = tpu.memref_slice %arg10[%dma_start3A_1175, %dma_start3A_1177, %dma_start3A_1178] : memref<4x128x64xf32, #tpu.memory_space<vmem>> -> memref<1x128x64xf32, #tpu.memory_space<vmem>>
      %dma_start3A_1180 = tpu.memref_squeeze %dma_start3A_1179 : memref<1x128x64xf32, #tpu.memory_space<vmem>> -> memref<128x64xf32, #tpu.memory_space<vmem>>
      %dma_start3A_1181 = arith.constant 0 : i32
      %dma_start3A_1182 = tpu.memref_slice %arg9[%dma_start3A_1176, %add3A_1162, %dma_start3A_1181] : memref<2x32x128xi32, #tpu.memory_space<vmem>> -> memref<1x1x128xi32, #tpu.memory_space<vmem>>
      %dma_start3A_1183 = tpu.memref_squeeze %dma_start3A_1182 : memref<1x1x128xi32, #tpu.memory_space<vmem>> -> memref<128xi32, #tpu.memory_space<vmem>>
      %dma_start3A_1184 = arith.constant 0 : i32
      %dma_start3A_1185 = arith.constant 0 : i32
      %dma_start3A_1186 = tpu.memref_slice %arg13[%dma_start3A_1184, %dma_start3A_1185] : memref<10240x64xf32, #tpu.memory_space<vmem_shared>> -> memref<10240x64xf32, #tpu.memory_space<vmem_shared>>
      tpu.enqueue_indirect_dma source(%dma_start3A_1180 : memref<128x64xf32, #tpu.memory_space<vmem>>) target(%dma_start3A_1186 : memref<10240x64xf32, #tpu.memory_space<vmem_shared>>) offsets(%dma_start3A_1183 : memref<128xi32, #tpu.memory_space<vmem>>) semaphore(%arg18 : memref<!tpu.dma_semaphore, #tpu.memory_space<semaphore_mem>>) {add = true}
      %add3A_1187 = arith.constant 4 : i32
      %add3A_1188 = arith.addi %add3A_1162, %add3A_1187 : i32
      %sub3A = arith.constant 1 : i32
      %sub3A_1189 = arith.subi %add3A_1188, %sub3A : i32
      %lt3A_1190 = arith.constant 32 : i32
      %lt3A_1191 = arith.cmpi slt, %sub3A_1189, %lt3A_1190 : i32
      %convert_element_type3A_1192 = arith.extui %lt3A_1191 : i1 to i32
      %cond3A_1193 = arith.constant 0 : i32
      %cond3A_1194 = arith.cmpi ne, %convert_element_type3A_1192, %cond3A_1193 : i32
      scf.if %cond3A_1194 {
        %ge3A_1301 = arith.constant 4 : i32
        %ge3A_1302 = arith.cmpi sge, %sub3A_1189, %ge3A_1301 : i32
        %convert_element_type3A_1303 = arith.extui %ge3A_1302 : i1 to i32
        %cond3A_1304 = arith.constant 0 : i32
        %cond3A_1305 = arith.cmpi ne, %convert_element_type3A_1303, %cond3A_1304 : i32
        scf.if %cond3A_1305 {
          %dma_wait3A_1320 = arith.constant 3 : i32
          %dma_wait3A_1321 = arith.constant 1 : i32
          %dma_wait3A_1322 = arith.constant 0 : i32
          %dma_wait3A_1323 = arith.constant 0 : i32
          %dma_wait3A_1324 = arith.constant 0 : i32
          %dma_wait3A_1325 = tpu.memref_slice %arg10[%dma_wait3A_1320, %dma_wait3A_1323, %dma_wait3A_1324] : memref<4x128x64xf32, #tpu.memory_space<vmem>> -> memref<1x128x64xf32, #tpu.memory_space<vmem>>
          %dma_wait3A_1326 = tpu.memref_squeeze %dma_wait3A_1325 : memref<1x128x64xf32, #tpu.memory_space<vmem>> -> memref<128x64xf32, #tpu.memory_space<vmem>>
          %dma_wait3A_1327 = arith.constant 0 : i32
          %dma_wait3A_1328 = tpu.memref_slice %arg9[%dma_wait3A_1321, %dma_wait3A_1322, %dma_wait3A_1327] : memref<2x32x128xi32, #tpu.memory_space<vmem>> -> memref<1x1x128xi32, #tpu.memory_space<vmem>>
          %dma_wait3A_1329 = tpu.memref_squeeze %dma_wait3A_1328 : memref<1x1x128xi32, #tpu.memory_space<vmem>> -> memref<128xi32, #tpu.memory_space<vmem>>
          %dma_wait3A_1330 = arith.constant 0 : i32
          %dma_wait3A_1331 = arith.constant 0 : i32
          %dma_wait3A_1332 = tpu.memref_slice %arg13[%dma_wait3A_1330, %dma_wait3A_1331] : memref<10240x64xf32, #tpu.memory_space<vmem_shared>> -> memref<10240x64xf32, #tpu.memory_space<vmem_shared>>
          tpu.wait_indirect_dma semaphore(%arg21 : memref<!tpu.dma_semaphore, #tpu.memory_space<semaphore_mem>>) src(%dma_wait3A_1326 : memref<128x64xf32, #tpu.memory_space<vmem>>) dst(%dma_wait3A_1332 : memref<10240x64xf32, #tpu.memory_space<vmem_shared>>)
        } else {
        }
        %mul3A_1306 = arith.constant 128 : i32
        %mul3A_1307 = arith.muli %sub3A_1189, %mul3A_1306 : i32
        %multiple_of3A_1308 = tpu.assume_multiple %mul3A_1307, 128 : i32
        %dma_start3A_1309 = arith.constant 1 : i32
        %dma_start3A_1310 = arith.constant 3 : i32
        %dma_start3A_1311 = arith.constant 0 : i32
        %dma_start3A_1312 = arith.constant 0 : i32
        %dma_start3A_1313 = tpu.memref_slice %arg10[%dma_start3A_1310, %dma_start3A_1311, %dma_start3A_1312] : memref<4x128x64xf32, #tpu.memory_space<vmem>> -> memref<1x128x64xf32, #tpu.memory_space<vmem>>
        %dma_start3A_1314 = tpu.memref_squeeze %dma_start3A_1313 : memref<1x128x64xf32, #tpu.memory_space<vmem>> -> memref<128x64xf32, #tpu.memory_space<vmem>>
        %dma_start3A_1315 = tpu.memref_slice %arg8[%dma_start3A_1309, %multiple_of3A_1308] : memref<2x4096xi32, #tpu.memory_space<vmem>> -> memref<1x128xi32, #tpu.memory_space<vmem>>
        %dma_start3A_1316 = tpu.memref_squeeze %dma_start3A_1315 : memref<1x128xi32, #tpu.memory_space<vmem>> -> memref<128xi32, #tpu.memory_space<vmem>>
        %dma_start3A_1317 = arith.constant 0 : i32
        %dma_start3A_1318 = arith.constant 0 : i32
        %dma_start3A_1319 = tpu.memref_slice %arg12[%dma_start3A_1317, %dma_start3A_1318] : memref<10000x64xf32, #tpu.memory_space<vmem_shared>> -> memref<10000x64xf32, #tpu.memory_space<vmem_shared>>
        tpu.enqueue_indirect_dma source(%dma_start3A_1319 : memref<10000x64xf32, #tpu.memory_space<vmem_shared>>) target(%dma_start3A_1314 : memref<128x64xf32, #tpu.memory_space<vmem>>) offsets(%dma_start3A_1316 : memref<128xi32, #tpu.memory_space<vmem>>) semaphore(%arg17 : memref<!tpu.dma_semaphore, #tpu.memory_space<semaphore_mem>>)
      } else {
      }
      %add3A_1195 = arith.constant 1 : i32
      %add3A_1196 = arith.addi %mul3A_1160, %add3A_1195 : i32
      %dma_wait3A_1197 = arith.constant 1 : i32
      %dma_wait3A_1198 = arith.constant 1 : i32
      %dma_wait3A_1199 = arith.constant 0 : i32
      %dma_wait3A_1200 = arith.constant 0 : i32
      %dma_wait3A_1201 = tpu.memref_slice %arg10[%dma_wait3A_1198, %dma_wait3A_1199, %dma_wait3A_1200] : memref<4x128x64xf32, #tpu.memory_space<vmem>> -> memref<1x128x64xf32, #tpu.memory_space<vmem>>
      %dma_wait3A_1202 = tpu.memref_squeeze %dma_wait3A_1201 : memref<1x128x64xf32, #tpu.memory_space<vmem>> -> memref<128x64xf32, #tpu.memory_space<vmem>>
      %dma_wait3A_1203 = arith.constant 0 : i32
      %dma_wait3A_1204 = tpu.memref_slice %arg8[%dma_wait3A_1197, %dma_wait3A_1203] : memref<2x4096xi32, #tpu.memory_space<vmem>> -> memref<1x128xi32, #tpu.memory_space<vmem>>
      %dma_wait3A_1205 = tpu.memref_squeeze %dma_wait3A_1204 : memref<1x128xi32, #tpu.memory_space<vmem>> -> memref<128xi32, #tpu.memory_space<vmem>>
      %dma_wait3A_1206 = arith.constant 0 : i32
      %dma_wait3A_1207 = arith.constant 0 : i32
      %dma_wait3A_1208 = tpu.memref_slice %arg12[%dma_wait3A_1206, %dma_wait3A_1207] : memref<10000x64xf32, #tpu.memory_space<vmem_shared>> -> memref<10000x64xf32, #tpu.memory_space<vmem_shared>>
      tpu.wait_indirect_dma semaphore(%arg15 : memref<!tpu.dma_semaphore, #tpu.memory_space<semaphore_mem>>) src(%dma_wait3A_1208 : memref<10000x64xf32, #tpu.memory_space<vmem_shared>>) dst(%dma_wait3A_1202 : memref<128x64xf32, #tpu.memory_space<vmem>>)
      %dma_start3A_1209 = arith.constant 1 : i32
      %dma_start3A_1210 = arith.constant 1 : i32
      %dma_start3A_1211 = arith.constant 0 : i32
      %dma_start3A_1212 = arith.constant 0 : i32
      %dma_start3A_1213 = tpu.memref_slice %arg10[%dma_start3A_1209, %dma_start3A_1211, %dma_start3A_1212] : memref<4x128x64xf32, #tpu.memory_space<vmem>> -> memref<1x128x64xf32, #tpu.memory_space<vmem>>
      %dma_start3A_1214 = tpu.memref_squeeze %dma_start3A_1213 : memref<1x128x64xf32, #tpu.memory_space<vmem>> -> memref<128x64xf32, #tpu.memory_space<vmem>>
      %dma_start3A_1215 = arith.constant 0 : i32
      %dma_start3A_1216 = tpu.memref_slice %arg9[%dma_start3A_1210, %add3A_1196, %dma_start3A_1215] : memref<2x32x128xi32, #tpu.memory_space<vmem>> -> memref<1x1x128xi32, #tpu.memory_space<vmem>>
      %dma_start3A_1217 = tpu.memref_squeeze %dma_start3A_1216 : memref<1x1x128xi32, #tpu.memory_space<vmem>> -> memref<128xi32, #tpu.memory_space<vmem>>
      %dma_start3A_1218 = arith.constant 0 : i32
      %dma_start3A_1219 = arith.constant 0 : i32
      %dma_start3A_1220 = tpu.memref_slice %arg13[%dma_start3A_1218, %dma_start3A_1219] : memref<10240x64xf32, #tpu.memory_space<vmem_shared>> -> memref<10240x64xf32, #tpu.memory_space<vmem_shared>>
      tpu.enqueue_indirect_dma source(%dma_start3A_1214 : memref<128x64xf32, #tpu.memory_space<vmem>>) target(%dma_start3A_1220 : memref<10240x64xf32, #tpu.memory_space<vmem_shared>>) offsets(%dma_start3A_1217 : memref<128xi32, #tpu.memory_space<vmem>>) semaphore(%arg19 : memref<!tpu.dma_semaphore, #tpu.memory_space<semaphore_mem>>) {add = true}
      %add3A_1221 = arith.constant 4 : i32
      %add3A_1222 = arith.addi %add3A_1196, %add3A_1221 : i32
      %sub3A_1223 = arith.constant 1 : i32
      %sub3A_1224 = arith.subi %add3A_1222, %sub3A_1223 : i32
      %lt3A_1225 = arith.constant 32 : i32
      %lt3A_1226 = arith.cmpi slt, %sub3A_1224, %lt3A_1225 : i32
      %convert_element_type3A_1227 = arith.extui %lt3A_1226 : i1 to i32
      %cond3A_1228 = arith.constant 0 : i32
      %cond3A_1229 = arith.cmpi ne, %convert_element_type3A_1227, %cond3A_1228 : i32
      scf.if %cond3A_1229 {
        %ge3A_1301 = arith.constant 4 : i32
        %ge3A_1302 = arith.cmpi sge, %sub3A_1224, %ge3A_1301 : i32
        %convert_element_type3A_1303 = arith.extui %ge3A_1302 : i1 to i32
        %cond3A_1304 = arith.constant 0 : i32
        %cond3A_1305 = arith.cmpi ne, %convert_element_type3A_1303, %cond3A_1304 : i32
        scf.if %cond3A_1305 {
          %dma_wait3A_1320 = arith.constant 0 : i32
          %dma_wait3A_1321 = arith.constant 1 : i32
          %dma_wait3A_1322 = arith.constant 0 : i32
          %dma_wait3A_1323 = arith.constant 0 : i32
          %dma_wait3A_1324 = arith.constant 0 : i32
          %dma_wait3A_1325 = tpu.memref_slice %arg10[%dma_wait3A_1320, %dma_wait3A_1323, %dma_wait3A_1324] : memref<4x128x64xf32, #tpu.memory_space<vmem>> -> memref<1x128x64xf32, #tpu.memory_space<vmem>>
          %dma_wait3A_1326 = tpu.memref_squeeze %dma_wait3A_1325 : memref<1x128x64xf32, #tpu.memory_space<vmem>> -> memref<128x64xf32, #tpu.memory_space<vmem>>
          %dma_wait3A_1327 = arith.constant 0 : i32
          %dma_wait3A_1328 = tpu.memref_slice %arg9[%dma_wait3A_1321, %dma_wait3A_1322, %dma_wait3A_1327] : memref<2x32x128xi32, #tpu.memory_space<vmem>> -> memref<1x1x128xi32, #tpu.memory_space<vmem>>
          %dma_wait3A_1329 = tpu.memref_squeeze %dma_wait3A_1328 : memref<1x1x128xi32, #tpu.memory_space<vmem>> -> memref<128xi32, #tpu.memory_space<vmem>>
          %dma_wait3A_1330 = arith.constant 0 : i32
          %dma_wait3A_1331 = arith.constant 0 : i32
          %dma_wait3A_1332 = tpu.memref_slice %arg13[%dma_wait3A_1330, %dma_wait3A_1331] : memref<10240x64xf32, #tpu.memory_space<vmem_shared>> -> memref<10240x64xf32, #tpu.memory_space<vmem_shared>>
          tpu.wait_indirect_dma semaphore(%arg18 : memref<!tpu.dma_semaphore, #tpu.memory_space<semaphore_mem>>) src(%dma_wait3A_1326 : memref<128x64xf32, #tpu.memory_space<vmem>>) dst(%dma_wait3A_1332 : memref<10240x64xf32, #tpu.memory_space<vmem_shared>>)
        } else {
        }
        %mul3A_1306 = arith.constant 128 : i32
        %mul3A_1307 = arith.muli %sub3A_1224, %mul3A_1306 : i32
        %multiple_of3A_1308 = tpu.assume_multiple %mul3A_1307, 128 : i32
        %dma_start3A_1309 = arith.constant 1 : i32
        %dma_start3A_1310 = arith.constant 0 : i32
        %dma_start3A_1311 = arith.constant 0 : i32
        %dma_start3A_1312 = arith.constant 0 : i32
        %dma_start3A_1313 = tpu.memref_slice %arg10[%dma_start3A_1310, %dma_start3A_1311, %dma_start3A_1312] : memref<4x128x64xf32, #tpu.memory_space<vmem>> -> memref<1x128x64xf32, #tpu.memory_space<vmem>>
        %dma_start3A_1314 = tpu.memref_squeeze %dma_start3A_1313 : memref<1x128x64xf32, #tpu.memory_space<vmem>> -> memref<128x64xf32, #tpu.memory_space<vmem>>
        %dma_start3A_1315 = tpu.memref_slice %arg8[%dma_start3A_1309, %multiple_of3A_1308] : memref<2x4096xi32, #tpu.memory_space<vmem>> -> memref<1x128xi32, #tpu.memory_space<vmem>>
        %dma_start3A_1316 = tpu.memref_squeeze %dma_start3A_1315 : memref<1x128xi32, #tpu.memory_space<vmem>> -> memref<128xi32, #tpu.memory_space<vmem>>
        %dma_start3A_1317 = arith.constant 0 : i32
        %dma_start3A_1318 = arith.constant 0 : i32
        %dma_start3A_1319 = tpu.memref_slice %arg12[%dma_start3A_1317, %dma_start3A_1318] : memref<10000x64xf32, #tpu.memory_space<vmem_shared>> -> memref<10000x64xf32, #tpu.memory_space<vmem_shared>>
        tpu.enqueue_indirect_dma source(%dma_start3A_1319 : memref<10000x64xf32, #tpu.memory_space<vmem_shared>>) target(%dma_start3A_1314 : memref<128x64xf32, #tpu.memory_space<vmem>>) offsets(%dma_start3A_1316 : memref<128xi32, #tpu.memory_space<vmem>>) semaphore(%arg14 : memref<!tpu.dma_semaphore, #tpu.memory_space<semaphore_mem>>)
      } else {
      }
      %add3A_1230 = arith.constant 2 : i32
      %add3A_1231 = arith.addi %mul3A_1160, %add3A_1230 : i32
      %dma_wait3A_1232 = arith.constant 1 : i32
      %dma_wait3A_1233 = arith.constant 2 : i32
      %dma_wait3A_1234 = arith.constant 0 : i32
      %dma_wait3A_1235 = arith.constant 0 : i32
      %dma_wait3A_1236 = tpu.memref_slice %arg10[%dma_wait3A_1233, %dma_wait3A_1234, %dma_wait3A_1235] : memref<4x128x64xf32, #tpu.memory_space<vmem>> -> memref<1x128x64xf32, #tpu.memory_space<vmem>>
      %dma_wait3A_1237 = tpu.memref_squeeze %dma_wait3A_1236 : memref<1x128x64xf32, #tpu.memory_space<vmem>> -> memref<128x64xf32, #tpu.memory_space<vmem>>
      %dma_wait3A_1238 = arith.constant 0 : i32
      %dma_wait3A_1239 = tpu.memref_slice %arg8[%dma_wait3A_1232, %dma_wait3A_1238] : memref<2x4096xi32, #tpu.memory_space<vmem>> -> memref<1x128xi32, #tpu.memory_space<vmem>>
      %dma_wait3A_1240 = tpu.memref_squeeze %dma_wait3A_1239 : memref<1x128xi32, #tpu.memory_space<vmem>> -> memref<128xi32, #tpu.memory_space<vmem>>
      %dma_wait3A_1241 = arith.constant 0 : i32
      %dma_wait3A_1242 = arith.constant 0 : i32
      %dma_wait3A_1243 = tpu.memref_slice %arg12[%dma_wait3A_1241, %dma_wait3A_1242] : memref<10000x64xf32, #tpu.memory_space<vmem_shared>> -> memref<10000x64xf32, #tpu.memory_space<vmem_shared>>
      tpu.wait_indirect_dma semaphore(%arg16 : memref<!tpu.dma_semaphore, #tpu.memory_space<semaphore_mem>>) src(%dma_wait3A_1243 : memref<10000x64xf32, #tpu.memory_space<vmem_shared>>) dst(%dma_wait3A_1237 : memref<128x64xf32, #tpu.memory_space<vmem>>)
      %dma_start3A_1244 = arith.constant 2 : i32
      %dma_start3A_1245 = arith.constant 1 : i32
      %dma_start3A_1246 = arith.constant 0 : i32
      %dma_start3A_1247 = arith.constant 0 : i32
      %dma_start3A_1248 = tpu.memref_slice %arg10[%dma_start3A_1244, %dma_start3A_1246, %dma_start3A_1247] : memref<4x128x64xf32, #tpu.memory_space<vmem>> -> memref<1x128x64xf32, #tpu.memory_space<vmem>>
      %dma_start3A_1249 = tpu.memref_squeeze %dma_start3A_1248 : memref<1x128x64xf32, #tpu.memory_space<vmem>> -> memref<128x64xf32, #tpu.memory_space<vmem>>
      %dma_start3A_1250 = arith.constant 0 : i32
      %dma_start3A_1251 = tpu.memref_slice %arg9[%dma_start3A_1245, %add3A_1231, %dma_start3A_1250] : memref<2x32x128xi32, #tpu.memory_space<vmem>> -> memref<1x1x128xi32, #tpu.memory_space<vmem>>
      %dma_start3A_1252 = tpu.memref_squeeze %dma_start3A_1251 : memref<1x1x128xi32, #tpu.memory_space<vmem>> -> memref<128xi32, #tpu.memory_space<vmem>>
      %dma_start3A_1253 = arith.constant 0 : i32
      %dma_start3A_1254 = arith.constant 0 : i32
      %dma_start3A_1255 = tpu.memref_slice %arg13[%dma_start3A_1253, %dma_start3A_1254] : memref<10240x64xf32, #tpu.memory_space<vmem_shared>> -> memref<10240x64xf32, #tpu.memory_space<vmem_shared>>
      tpu.enqueue_indirect_dma source(%dma_start3A_1249 : memref<128x64xf32, #tpu.memory_space<vmem>>) target(%dma_start3A_1255 : memref<10240x64xf32, #tpu.memory_space<vmem_shared>>) offsets(%dma_start3A_1252 : memref<128xi32, #tpu.memory_space<vmem>>) semaphore(%arg20 : memref<!tpu.dma_semaphore, #tpu.memory_space<semaphore_mem>>) {add = true}
      %add3A_1256 = arith.constant 4 : i32
      %add3A_1257 = arith.addi %add3A_1231, %add3A_1256 : i32
      %sub3A_1258 = arith.constant 1 : i32
      %sub3A_1259 = arith.subi %add3A_1257, %sub3A_1258 : i32
      %lt3A_1260 = arith.constant 32 : i32
      %lt3A_1261 = arith.cmpi slt, %sub3A_1259, %lt3A_1260 : i32
      %convert_element_type3A_1262 = arith.extui %lt3A_1261 : i1 to i32
      %cond3A_1263 = arith.constant 0 : i32
      %cond3A_1264 = arith.cmpi ne, %convert_element_type3A_1262, %cond3A_1263 : i32
      scf.if %cond3A_1264 {
        %ge3A_1301 = arith.constant 4 : i32
        %ge3A_1302 = arith.cmpi sge, %sub3A_1259, %ge3A_1301 : i32
        %convert_element_type3A_1303 = arith.extui %ge3A_1302 : i1 to i32
        %cond3A_1304 = arith.constant 0 : i32
        %cond3A_1305 = arith.cmpi ne, %convert_element_type3A_1303, %cond3A_1304 : i32
        scf.if %cond3A_1305 {
          %dma_wait3A_1320 = arith.constant 1 : i32
          %dma_wait3A_1321 = arith.constant 1 : i32
          %dma_wait3A_1322 = arith.constant 0 : i32
          %dma_wait3A_1323 = arith.constant 0 : i32
          %dma_wait3A_1324 = arith.constant 0 : i32
          %dma_wait3A_1325 = tpu.memref_slice %arg10[%dma_wait3A_1320, %dma_wait3A_1323, %dma_wait3A_1324] : memref<4x128x64xf32, #tpu.memory_space<vmem>> -> memref<1x128x64xf32, #tpu.memory_space<vmem>>
          %dma_wait3A_1326 = tpu.memref_squeeze %dma_wait3A_1325 : memref<1x128x64xf32, #tpu.memory_space<vmem>> -> memref<128x64xf32, #tpu.memory_space<vmem>>
          %dma_wait3A_1327 = arith.constant 0 : i32
          %dma_wait3A_1328 = tpu.memref_slice %arg9[%dma_wait3A_1321, %dma_wait3A_1322, %dma_wait3A_1327] : memref<2x32x128xi32, #tpu.memory_space<vmem>> -> memref<1x1x128xi32, #tpu.memory_space<vmem>>
          %dma_wait3A_1329 = tpu.memref_squeeze %dma_wait3A_1328 : memref<1x1x128xi32, #tpu.memory_space<vmem>> -> memref<128xi32, #tpu.memory_space<vmem>>
          %dma_wait3A_1330 = arith.constant 0 : i32
          %dma_wait3A_1331 = arith.constant 0 : i32
          %dma_wait3A_1332 = tpu.memref_slice %arg13[%dma_wait3A_1330, %dma_wait3A_1331] : memref<10240x64xf32, #tpu.memory_space<vmem_shared>> -> memref<10240x64xf32, #tpu.memory_space<vmem_shared>>
          tpu.wait_indirect_dma semaphore(%arg19 : memref<!tpu.dma_semaphore, #tpu.memory_space<semaphore_mem>>) src(%dma_wait3A_1326 : memref<128x64xf32, #tpu.memory_space<vmem>>) dst(%dma_wait3A_1332 : memref<10240x64xf32, #tpu.memory_space<vmem_shared>>)
        } else {
        }
        %mul3A_1306 = arith.constant 128 : i32
        %mul3A_1307 = arith.muli %sub3A_1259, %mul3A_1306 : i32
        %multiple_of3A_1308 = tpu.assume_multiple %mul3A_1307, 128 : i32
        %dma_start3A_1309 = arith.constant 1 : i32
        %dma_start3A_1310 = arith.constant 1 : i32
        %dma_start3A_1311 = arith.constant 0 : i32
        %dma_start3A_1312 = arith.constant 0 : i32
        %dma_start3A_1313 = tpu.memref_slice %arg10[%dma_start3A_1310, %dma_start3A_1311, %dma_start3A_1312] : memref<4x128x64xf32, #tpu.memory_space<vmem>> -> memref<1x128x64xf32, #tpu.memory_space<vmem>>
        %dma_start3A_1314 = tpu.memref_squeeze %dma_start3A_1313 : memref<1x128x64xf32, #tpu.memory_space<vmem>> -> memref<128x64xf32, #tpu.memory_space<vmem>>
        %dma_start3A_1315 = tpu.memref_slice %arg8[%dma_start3A_1309, %multiple_of3A_1308] : memref<2x4096xi32, #tpu.memory_space<vmem>> -> memref<1x128xi32, #tpu.memory_space<vmem>>
        %dma_start3A_1316 = tpu.memref_squeeze %dma_start3A_1315 : memref<1x128xi32, #tpu.memory_space<vmem>> -> memref<128xi32, #tpu.memory_space<vmem>>
        %dma_start3A_1317 = arith.constant 0 : i32
        %dma_start3A_1318 = arith.constant 0 : i32
        %dma_start3A_1319 = tpu.memref_slice %arg12[%dma_start3A_1317, %dma_start3A_1318] : memref<10000x64xf32, #tpu.memory_space<vmem_shared>> -> memref<10000x64xf32, #tpu.memory_space<vmem_shared>>
        tpu.enqueue_indirect_dma source(%dma_start3A_1319 : memref<10000x64xf32, #tpu.memory_space<vmem_shared>>) target(%dma_start3A_1314 : memref<128x64xf32, #tpu.memory_space<vmem>>) offsets(%dma_start3A_1316 : memref<128xi32, #tpu.memory_space<vmem>>) semaphore(%arg15 : memref<!tpu.dma_semaphore, #tpu.memory_space<semaphore_mem>>)
      } else {
      }
      %add3A_1265 = arith.constant 3 : i32
      %add3A_1266 = arith.addi %mul3A_1160, %add3A_1265 : i32
      %dma_wait3A_1267 = arith.constant 1 : i32
      %dma_wait3A_1268 = arith.constant 3 : i32
      %dma_wait3A_1269 = arith.constant 0 : i32
      %dma_wait3A_1270 = arith.constant 0 : i32
      %dma_wait3A_1271 = tpu.memref_slice %arg10[%dma_wait3A_1268, %dma_wait3A_1269, %dma_wait3A_1270] : memref<4x128x64xf32, #tpu.memory_space<vmem>> -> memref<1x128x64xf32, #tpu.memory_space<vmem>>
      %dma_wait3A_1272 = tpu.memref_squeeze %dma_wait3A_1271 : memref<1x128x64xf32, #tpu.memory_space<vmem>> -> memref<128x64xf32, #tpu.memory_space<vmem>>
      %dma_wait3A_1273 = arith.constant 0 : i32
      %dma_wait3A_1274 = tpu.memref_slice %arg8[%dma_wait3A_1267, %dma_wait3A_1273] : memref<2x4096xi32, #tpu.memory_space<vmem>> -> memref<1x128xi32, #tpu.memory_space<vmem>>
      %dma_wait3A_1275 = tpu.memref_squeeze %dma_wait3A_1274 : memref<1x128xi32, #tpu.memory_space<vmem>> -> memref<128xi32, #tpu.memory_space<vmem>>
      %dma_wait3A_1276 = arith.constant 0 : i32
      %dma_wait3A_1277 = arith.constant 0 : i32
      %dma_wait3A_1278 = tpu.memref_slice %arg12[%dma_wait3A_1276, %dma_wait3A_1277] : memref<10000x64xf32, #tpu.memory_space<vmem_shared>> -> memref<10000x64xf32, #tpu.memory_space<vmem_shared>>
      tpu.wait_indirect_dma semaphore(%arg17 : memref<!tpu.dma_semaphore, #tpu.memory_space<semaphore_mem>>) src(%dma_wait3A_1278 : memref<10000x64xf32, #tpu.memory_space<vmem_shared>>) dst(%dma_wait3A_1272 : memref<128x64xf32, #tpu.memory_space<vmem>>)
      %dma_start3A_1279 = arith.constant 3 : i32
      %dma_start3A_1280 = arith.constant 1 : i32
      %dma_start3A_1281 = arith.constant 0 : i32
      %dma_start3A_1282 = arith.constant 0 : i32
      %dma_start3A_1283 = tpu.memref_slice %arg10[%dma_start3A_1279, %dma_start3A_1281, %dma_start3A_1282] : memref<4x128x64xf32, #tpu.memory_space<vmem>> -> memref<1x128x64xf32, #tpu.memory_space<vmem>>
      %dma_start3A_1284 = tpu.memref_squeeze %dma_start3A_1283 : memref<1x128x64xf32, #tpu.memory_space<vmem>> -> memref<128x64xf32, #tpu.memory_space<vmem>>
      %dma_start3A_1285 = arith.constant 0 : i32
      %dma_start3A_1286 = tpu.memref_slice %arg9[%dma_start3A_1280, %add3A_1266, %dma_start3A_1285] : memref<2x32x128xi32, #tpu.memory_space<vmem>> -> memref<1x1x128xi32, #tpu.memory_space<vmem>>
      %dma_start3A_1287 = tpu.memref_squeeze %dma_start3A_1286 : memref<1x1x128xi32, #tpu.memory_space<vmem>> -> memref<128xi32, #tpu.memory_space<vmem>>
      %dma_start3A_1288 = arith.constant 0 : i32
      %dma_start3A_1289 = arith.constant 0 : i32
      %dma_start3A_1290 = tpu.memref_slice %arg13[%dma_start3A_1288, %dma_start3A_1289] : memref<10240x64xf32, #tpu.memory_space<vmem_shared>> -> memref<10240x64xf32, #tpu.memory_space<vmem_shared>>
      tpu.enqueue_indirect_dma source(%dma_start3A_1284 : memref<128x64xf32, #tpu.memory_space<vmem>>) target(%dma_start3A_1290 : memref<10240x64xf32, #tpu.memory_space<vmem_shared>>) offsets(%dma_start3A_1287 : memref<128xi32, #tpu.memory_space<vmem>>) semaphore(%arg21 : memref<!tpu.dma_semaphore, #tpu.memory_space<semaphore_mem>>) {add = true}
      %add3A_1291 = arith.constant 4 : i32
      %add3A_1292 = arith.addi %add3A_1266, %add3A_1291 : i32
      %sub3A_1293 = arith.constant 1 : i32
      %sub3A_1294 = arith.subi %add3A_1292, %sub3A_1293 : i32
      %lt3A_1295 = arith.constant 32 : i32
      %lt3A_1296 = arith.cmpi slt, %sub3A_1294, %lt3A_1295 : i32
      %convert_element_type3A_1297 = arith.extui %lt3A_1296 : i1 to i32
      %cond3A_1298 = arith.constant 0 : i32
      %cond3A_1299 = arith.cmpi ne, %convert_element_type3A_1297, %cond3A_1298 : i32
      scf.if %cond3A_1299 {
        %ge3A_1301 = arith.constant 4 : i32
        %ge3A_1302 = arith.cmpi sge, %sub3A_1294, %ge3A_1301 : i32
        %convert_element_type3A_1303 = arith.extui %ge3A_1302 : i1 to i32
        %cond3A_1304 = arith.constant 0 : i32
        %cond3A_1305 = arith.cmpi ne, %convert_element_type3A_1303, %cond3A_1304 : i32
        scf.if %cond3A_1305 {
          %dma_wait3A_1320 = arith.constant 2 : i32
          %dma_wait3A_1321 = arith.constant 1 : i32
          %dma_wait3A_1322 = arith.constant 0 : i32
          %dma_wait3A_1323 = arith.constant 0 : i32
          %dma_wait3A_1324 = arith.constant 0 : i32
          %dma_wait3A_1325 = tpu.memref_slice %arg10[%dma_wait3A_1320, %dma_wait3A_1323, %dma_wait3A_1324] : memref<4x128x64xf32, #tpu.memory_space<vmem>> -> memref<1x128x64xf32, #tpu.memory_space<vmem>>
          %dma_wait3A_1326 = tpu.memref_squeeze %dma_wait3A_1325 : memref<1x128x64xf32, #tpu.memory_space<vmem>> -> memref<128x64xf32, #tpu.memory_space<vmem>>
          %dma_wait3A_1327 = arith.constant 0 : i32
          %dma_wait3A_1328 = tpu.memref_slice %arg9[%dma_wait3A_1321, %dma_wait3A_1322, %dma_wait3A_1327] : memref<2x32x128xi32, #tpu.memory_space<vmem>> -> memref<1x1x128xi32, #tpu.memory_space<vmem>>
          %dma_wait3A_1329 = tpu.memref_squeeze %dma_wait3A_1328 : memref<1x1x128xi32, #tpu.memory_space<vmem>> -> memref<128xi32, #tpu.memory_space<vmem>>
          %dma_wait3A_1330 = arith.constant 0 : i32
          %dma_wait3A_1331 = arith.constant 0 : i32
          %dma_wait3A_1332 = tpu.memref_slice %arg13[%dma_wait3A_1330, %dma_wait3A_1331] : memref<10240x64xf32, #tpu.memory_space<vmem_shared>> -> memref<10240x64xf32, #tpu.memory_space<vmem_shared>>
          tpu.wait_indirect_dma semaphore(%arg20 : memref<!tpu.dma_semaphore, #tpu.memory_space<semaphore_mem>>) src(%dma_wait3A_1326 : memref<128x64xf32, #tpu.memory_space<vmem>>) dst(%dma_wait3A_1332 : memref<10240x64xf32, #tpu.memory_space<vmem_shared>>)
        } else {
        }
        %mul3A_1306 = arith.constant 128 : i32
        %mul3A_1307 = arith.muli %sub3A_1294, %mul3A_1306 : i32
        %multiple_of3A_1308 = tpu.assume_multiple %mul3A_1307, 128 : i32
        %dma_start3A_1309 = arith.constant 1 : i32
        %dma_start3A_1310 = arith.constant 2 : i32
        %dma_start3A_1311 = arith.constant 0 : i32
        %dma_start3A_1312 = arith.constant 0 : i32
        %dma_start3A_1313 = tpu.memref_slice %arg10[%dma_start3A_1310, %dma_start3A_1311, %dma_start3A_1312] : memref<4x128x64xf32, #tpu.memory_space<vmem>> -> memref<1x128x64xf32, #tpu.memory_space<vmem>>
        %dma_start3A_1314 = tpu.memref_squeeze %dma_start3A_1313 : memref<1x128x64xf32, #tpu.memory_space<vmem>> -> memref<128x64xf32, #tpu.memory_space<vmem>>
        %dma_start3A_1315 = tpu.memref_slice %arg8[%dma_start3A_1309, %multiple_of3A_1308] : memref<2x4096xi32, #tpu.memory_space<vmem>> -> memref<1x128xi32, #tpu.memory_space<vmem>>
        %dma_start3A_1316 = tpu.memref_squeeze %dma_start3A_1315 : memref<1x128xi32, #tpu.memory_space<vmem>> -> memref<128xi32, #tpu.memory_space<vmem>>
        %dma_start3A_1317 = arith.constant 0 : i32
        %dma_start3A_1318 = arith.constant 0 : i32
        %dma_start3A_1319 = tpu.memref_slice %arg12[%dma_start3A_1317, %dma_start3A_1318] : memref<10000x64xf32, #tpu.memory_space<vmem_shared>> -> memref<10000x64xf32, #tpu.memory_space<vmem_shared>>
        tpu.enqueue_indirect_dma source(%dma_start3A_1319 : memref<10000x64xf32, #tpu.memory_space<vmem_shared>>) target(%dma_start3A_1314 : memref<128x64xf32, #tpu.memory_space<vmem>>) offsets(%dma_start3A_1316 : memref<128xi32, #tpu.memory_space<vmem>>) semaphore(%arg16 : memref<!tpu.dma_semaphore, #tpu.memory_space<semaphore_mem>>)
      } else {
      }
      %scan3A_1300 = arith.constant 0 : i32
      scf.yield %scan3A_1300 : i32
    }
    %scan3A_709 = arith.constant 8 : i32
    %dma_wait3A_710 = arith.constant 0 : i32
    %dma_wait3A_711 = arith.constant 1 : i32
    %dma_wait3A_712 = arith.constant 0 : i32
    %dma_wait3A_713 = arith.constant 0 : i32
    %dma_wait3A_714 = arith.constant 0 : i32
    %dma_wait3A_715 = tpu.memref_slice %arg10[%dma_wait3A_710, %dma_wait3A_713, %dma_wait3A_714] : memref<4x128x64xf32, #tpu.memory_space<vmem>> -> memref<1x128x64xf32, #tpu.memory_space<vmem>>
    %dma_wait3A_716 = tpu.memref_squeeze %dma_wait3A_715 : memref<1x128x64xf32, #tpu.memory_space<vmem>> -> memref<128x64xf32, #tpu.memory_space<vmem>>
    %dma_wait3A_717 = arith.constant 0 : i32
    %dma_wait3A_718 = tpu.memref_slice %arg9[%dma_wait3A_711, %dma_wait3A_712, %dma_wait3A_717] : memref<2x32x128xi32, #tpu.memory_space<vmem>> -> memref<1x1x128xi32, #tpu.memory_space<vmem>>
    %dma_wait3A_719 = tpu.memref_squeeze %dma_wait3A_718 : memref<1x1x128xi32, #tpu.memory_space<vmem>> -> memref<128xi32, #tpu.memory_space<vmem>>
    %dma_wait3A_720 = arith.constant 0 : i32
    %dma_wait3A_721 = arith.constant 0 : i32
    %dma_wait3A_722 = tpu.memref_slice %arg13[%dma_wait3A_720, %dma_wait3A_721] : memref<10240x64xf32, #tpu.memory_space<vmem_shared>> -> memref<10240x64xf32, #tpu.memory_space<vmem_shared>>
    tpu.wait_indirect_dma semaphore(%arg18 : memref<!tpu.dma_semaphore, #tpu.memory_space<semaphore_mem>>) src(%dma_wait3A_716 : memref<128x64xf32, #tpu.memory_space<vmem>>) dst(%dma_wait3A_722 : memref<10240x64xf32, #tpu.memory_space<vmem_shared>>)
    %dma_wait3A_723 = arith.constant 1 : i32
    %dma_wait3A_724 = arith.constant 1 : i32
    %dma_wait3A_725 = arith.constant 0 : i32
    %dma_wait3A_726 = arith.constant 0 : i32
    %dma_wait3A_727 = arith.constant 0 : i32
    %dma_wait3A_728 = tpu.memref_slice %arg10[%dma_wait3A_723, %dma_wait3A_726, %dma_wait3A_727] : memref<4x128x64xf32, #tpu.memory_space<vmem>> -> memref<1x128x64xf32, #tpu.memory_space<vmem>>
    %dma_wait3A_729 = tpu.memref_squeeze %dma_wait3A_728 : memref<1x128x64xf32, #tpu.memory_space<vmem>> -> memref<128x64xf32, #tpu.memory_space<vmem>>
    %dma_wait3A_730 = arith.constant 0 : i32
    %dma_wait3A_731 = tpu.memref_slice %arg9[%dma_wait3A_724, %dma_wait3A_725, %dma_wait3A_730] : memref<2x32x128xi32, #tpu.memory_space<vmem>> -> memref<1x1x128xi32, #tpu.memory_space<vmem>>
    %dma_wait3A_732 = tpu.memref_squeeze %dma_wait3A_731 : memref<1x1x128xi32, #tpu.memory_space<vmem>> -> memref<128xi32, #tpu.memory_space<vmem>>
    %dma_wait3A_733 = arith.constant 0 : i32
    %dma_wait3A_734 = arith.constant 0 : i32
    %dma_wait3A_735 = tpu.memref_slice %arg13[%dma_wait3A_733, %dma_wait3A_734] : memref<10240x64xf32, #tpu.memory_space<vmem_shared>> -> memref<10240x64xf32, #tpu.memory_space<vmem_shared>>
    tpu.wait_indirect_dma semaphore(%arg19 : memref<!tpu.dma_semaphore, #tpu.memory_space<semaphore_mem>>) src(%dma_wait3A_729 : memref<128x64xf32, #tpu.memory_space<vmem>>) dst(%dma_wait3A_735 : memref<10240x64xf32, #tpu.memory_space<vmem_shared>>)
    %dma_wait3A_736 = arith.constant 2 : i32
    %dma_wait3A_737 = arith.constant 1 : i32
    %dma_wait3A_738 = arith.constant 0 : i32
    %dma_wait3A_739 = arith.constant 0 : i32
    %dma_wait3A_740 = arith.constant 0 : i32
    %dma_wait3A_741 = tpu.memref_slice %arg10[%dma_wait3A_736, %dma_wait3A_739, %dma_wait3A_740] : memref<4x128x64xf32, #tpu.memory_space<vmem>> -> memref<1x128x64xf32, #tpu.memory_space<vmem>>
    %dma_wait3A_742 = tpu.memref_squeeze %dma_wait3A_741 : memref<1x128x64xf32, #tpu.memory_space<vmem>> -> memref<128x64xf32, #tpu.memory_space<vmem>>
    %dma_wait3A_743 = arith.constant 0 : i32
    %dma_wait3A_744 = tpu.memref_slice %arg9[%dma_wait3A_737, %dma_wait3A_738, %dma_wait3A_743] : memref<2x32x128xi32, #tpu.memory_space<vmem>> -> memref<1x1x128xi32, #tpu.memory_space<vmem>>
    %dma_wait3A_745 = tpu.memref_squeeze %dma_wait3A_744 : memref<1x1x128xi32, #tpu.memory_space<vmem>> -> memref<128xi32, #tpu.memory_space<vmem>>
    %dma_wait3A_746 = arith.constant 0 : i32
    %dma_wait3A_747 = arith.constant 0 : i32
    %dma_wait3A_748 = tpu.memref_slice %arg13[%dma_wait3A_746, %dma_wait3A_747] : memref<10240x64xf32, #tpu.memory_space<vmem_shared>> -> memref<10240x64xf32, #tpu.memory_space<vmem_shared>>
    tpu.wait_indirect_dma semaphore(%arg20 : memref<!tpu.dma_semaphore, #tpu.memory_space<semaphore_mem>>) src(%dma_wait3A_742 : memref<128x64xf32, #tpu.memory_space<vmem>>) dst(%dma_wait3A_748 : memref<10240x64xf32, #tpu.memory_space<vmem_shared>>)
    %dma_wait3A_749 = arith.constant 3 : i32
    %dma_wait3A_750 = arith.constant 1 : i32
    %dma_wait3A_751 = arith.constant 0 : i32
    %dma_wait3A_752 = arith.constant 0 : i32
    %dma_wait3A_753 = arith.constant 0 : i32
    %dma_wait3A_754 = tpu.memref_slice %arg10[%dma_wait3A_749, %dma_wait3A_752, %dma_wait3A_753] : memref<4x128x64xf32, #tpu.memory_space<vmem>> -> memref<1x128x64xf32, #tpu.memory_space<vmem>>
    %dma_wait3A_755 = tpu.memref_squeeze %dma_wait3A_754 : memref<1x128x64xf32, #tpu.memory_space<vmem>> -> memref<128x64xf32, #tpu.memory_space<vmem>>
    %dma_wait3A_756 = arith.constant 0 : i32
    %dma_wait3A_757 = tpu.memref_slice %arg9[%dma_wait3A_750, %dma_wait3A_751, %dma_wait3A_756] : memref<2x32x128xi32, #tpu.memory_space<vmem>> -> memref<1x1x128xi32, #tpu.memory_space<vmem>>
    %dma_wait3A_758 = tpu.memref_squeeze %dma_wait3A_757 : memref<1x1x128xi32, #tpu.memory_space<vmem>> -> memref<128xi32, #tpu.memory_space<vmem>>
    %dma_wait3A_759 = arith.constant 0 : i32
    %dma_wait3A_760 = arith.constant 0 : i32
    %dma_wait3A_761 = tpu.memref_slice %arg13[%dma_wait3A_759, %dma_wait3A_760] : memref<10240x64xf32, #tpu.memory_space<vmem_shared>> -> memref<10240x64xf32, #tpu.memory_space<vmem_shared>>
    tpu.wait_indirect_dma semaphore(%arg21 : memref<!tpu.dma_semaphore, #tpu.memory_space<semaphore_mem>>) src(%dma_wait3A_755 : memref<128x64xf32, #tpu.memory_space<vmem>>) dst(%dma_wait3A_761 : memref<10240x64xf32, #tpu.memory_space<vmem_shared>>)
    %dma_wait3A_762 = arith.constant 0 : i32
    %dma_wait3A_763 = arith.constant 0 : i32
    %dma_wait3A_764 = tpu.memref_slice %arg8[%dma_wait3A_762, %dma_wait3A_763] : memref<2x4096xi32, #tpu.memory_space<vmem>> -> memref<1x4096xi32, #tpu.memory_space<vmem>>
    %dma_wait3A_765 = tpu.memref_squeeze %dma_wait3A_764 : memref<1x4096xi32, #tpu.memory_space<vmem>> -> memref<4096xi32, #tpu.memory_space<vmem>>
    %dma_wait3A_766 = arith.constant 0 : i32
    %dma_wait3A_767 = tpu.memref_slice %arg2[%dma_wait3A_766] : memref<320000xi32, #tpu.memory_space<hbm>> -> memref<4096xi32, #tpu.memory_space<hbm>>
    %dma_wait3A_768 = arith.constant 0 : i32
    %dma_wait3A_769 = tpu.memref_slice %arg8[%dma_wait3A_762, %dma_wait3A_768] : memref<2x4096xi32, #tpu.memory_space<vmem>> -> memref<1x4096xi32, #tpu.memory_space<vmem>>
    %dma_wait3A_770 = tpu.memref_squeeze %dma_wait3A_769 : memref<1x4096xi32, #tpu.memory_space<vmem>> -> memref<4096xi32, #tpu.memory_space<vmem>>
    %dma_wait3A_771 = arith.constant 0 : i32
    %dma_wait3A_772 = tpu.memref_slice %arg2[%dma_wait3A_771] : memref<320000xi32, #tpu.memory_space<hbm>> -> memref<4096xi32, #tpu.memory_space<hbm>>
    tpu.wait_dma2 semaphore(%arg22 : memref<!tpu.dma_semaphore, #tpu.memory_space<semaphore_mem>>) src(%dma_wait3A_772 : memref<4096xi32, #tpu.memory_space<hbm>>) dst(%dma_wait3A_770 : memref<4096xi32, #tpu.memory_space<vmem>>)
    %dma_wait3A_773 = arith.constant 0 : i32
    %dma_wait3A_774 = arith.constant 0 : i32
    %dma_wait3A_775 = arith.constant 0 : i32
    %dma_wait3A_776 = tpu.memref_slice %arg9[%dma_wait3A_773, %dma_wait3A_774, %dma_wait3A_775] : memref<2x32x128xi32, #tpu.memory_space<vmem>> -> memref<1x32x128xi32, #tpu.memory_space<vmem>>
    %dma_wait3A_777 = tpu.memref_squeeze %dma_wait3A_776 : memref<1x32x128xi32, #tpu.memory_space<vmem>> -> memref<32x128xi32, #tpu.memory_space<vmem>>
    %dma_wait3A_778 = arith.constant 0 : i32
    %dma_wait3A_779 = arith.constant 0 : i32
    %dma_wait3A_780 = tpu.memref_slice %arg3[%dma_wait3A_778, %dma_wait3A_779] : memref<2400x128xi32, #tpu.memory_space<hbm>> -> memref<32x128xi32, #tpu.memory_space<hbm>>
    %dma_wait3A_781 = arith.constant 0 : i32
    %dma_wait3A_782 = arith.constant 0 : i32
    %dma_wait3A_783 = tpu.memref_slice %arg9[%dma_wait3A_773, %dma_wait3A_781, %dma_wait3A_782] : memref<2x32x128xi32, #tpu.memory_space<vmem>> -> memref<1x32x128xi32, #tpu.memory_space<vmem>>
    %dma_wait3A_784 = tpu.memref_squeeze %dma_wait3A_783 : memref<1x32x128xi32, #tpu.memory_space<vmem>> -> memref<32x128xi32, #tpu.memory_space<vmem>>
    %dma_wait3A_785 = arith.constant 0 : i32
    %dma_wait3A_786 = arith.constant 0 : i32
    %dma_wait3A_787 = tpu.memref_slice %arg3[%dma_wait3A_785, %dma_wait3A_786] : memref<2400x128xi32, #tpu.memory_space<hbm>> -> memref<32x128xi32, #tpu.memory_space<hbm>>
    tpu.wait_dma2 semaphore(%arg24 : memref<!tpu.dma_semaphore, #tpu.memory_space<semaphore_mem>>) src(%dma_wait3A_787 : memref<32x128xi32, #tpu.memory_space<hbm>>) dst(%dma_wait3A_784 : memref<32x128xi32, #tpu.memory_space<vmem>>)
    %lt3A_788 = arith.constant 15 : i32
    %lt3A_789 = arith.cmpi slt, %arg1, %lt3A_788 : i32
    %convert_element_type3A_790 = arith.extui %lt3A_789 : i1 to i32
    %cond3A_791 = arith.constant 0 : i32
    %cond3A_792 = arith.cmpi ne, %convert_element_type3A_790, %cond3A_791 : i32
    scf.if %cond3A_792 {
      %add3A_1157 = arith.constant 12288 : i32
      %add3A_1158 = arith.addi %mul3A_0, %add3A_1157 : i32
      %dma_start3A_1159 = arith.constant 1 : i32
      %dma_start3A_1160 = arith.constant 0 : i32
      %dma_start3A_1161 = tpu.memref_slice %arg8[%dma_start3A_1159, %dma_start3A_1160] : memref<2x4096xi32, #tpu.memory_space<vmem>> -> memref<1x4096xi32, #tpu.memory_space<vmem>>
      %dma_start3A_1162 = tpu.memref_squeeze %dma_start3A_1161 : memref<1x4096xi32, #tpu.memory_space<vmem>> -> memref<4096xi32, #tpu.memory_space<vmem>>
      %dma_start3A_1163 = tpu.memref_slice %arg2[%add3A_1158] : memref<320000xi32, #tpu.memory_space<hbm>> -> memref<4096xi32, #tpu.memory_space<hbm>>
      %dma_start3A_1164 = arith.constant 0 : i32
      %dma_start3A_1165 = tpu.memref_slice %arg8[%dma_start3A_1159, %dma_start3A_1164] : memref<2x4096xi32, #tpu.memory_space<vmem>> -> memref<1x4096xi32, #tpu.memory_space<vmem>>
      %dma_start3A_1166 = tpu.memref_squeeze %dma_start3A_1165 : memref<1x4096xi32, #tpu.memory_space<vmem>> -> memref<4096xi32, #tpu.memory_space<vmem>>
      %dma_start3A_1167 = tpu.memref_slice %arg2[%add3A_1158] : memref<320000xi32, #tpu.memory_space<hbm>> -> memref<4096xi32, #tpu.memory_space<hbm>>
      tpu.enqueue_dma source(%dma_start3A_1167 : memref<4096xi32, #tpu.memory_space<hbm>>) target(%dma_start3A_1166 : memref<4096xi32, #tpu.memory_space<vmem>>) target_semaphore(%arg23 : memref<!tpu.dma_semaphore, #tpu.memory_space<semaphore_mem>>)
      %mul3A_1168 = arith.constant 160 : i32
      %mul3A_1169 = arith.muli %arg1, %mul3A_1168 : i32
      %add3A_1170 = arith.constant 96 : i32
      %add3A_1171 = arith.addi %mul3A_1169, %add3A_1170 : i32
      %dma_start3A_1172 = arith.constant 1 : i32
      %dma_start3A_1173 = arith.constant 0 : i32
      %dma_start3A_1174 = arith.constant 0 : i32
      %dma_start3A_1175 = tpu.memref_slice %arg9[%dma_start3A_1172, %dma_start3A_1173, %dma_start3A_1174] : memref<2x32x128xi32, #tpu.memory_space<vmem>> -> memref<1x32x128xi32, #tpu.memory_space<vmem>>
      %dma_start3A_1176 = tpu.memref_squeeze %dma_start3A_1175 : memref<1x32x128xi32, #tpu.memory_space<vmem>> -> memref<32x128xi32, #tpu.memory_space<vmem>>
      %dma_start3A_1177 = arith.constant 0 : i32
      %dma_start3A_1178 = tpu.memref_slice %arg3[%add3A_1171, %dma_start3A_1177] : memref<2400x128xi32, #tpu.memory_space<hbm>> -> memref<32x128xi32, #tpu.memory_space<hbm>>
      %dma_start3A_1179 = arith.constant 0 : i32
      %dma_start3A_1180 = arith.constant 0 : i32
      %dma_start3A_1181 = tpu.memref_slice %arg9[%dma_start3A_1172, %dma_start3A_1179, %dma_start3A_1180] : memref<2x32x128xi32, #tpu.memory_space<vmem>> -> memref<1x32x128xi32, #tpu.memory_space<vmem>>
      %dma_start3A_1182 = tpu.memref_squeeze %dma_start3A_1181 : memref<1x32x128xi32, #tpu.memory_space<vmem>> -> memref<32x128xi32, #tpu.memory_space<vmem>>
      %dma_start3A_1183 = arith.constant 0 : i32
      %dma_start3A_1184 = tpu.memref_slice %arg3[%add3A_1171, %dma_start3A_1183] : memref<2400x128xi32, #tpu.memory_space<hbm>> -> memref<32x128xi32, #tpu.memory_space<hbm>>
      tpu.enqueue_dma source(%dma_start3A_1184 : memref<32x128xi32, #tpu.memory_space<hbm>>) target(%dma_start3A_1182 : memref<32x128xi32, #tpu.memory_space<vmem>>) target_semaphore(%arg25 : memref<!tpu.dma_semaphore, #tpu.memory_space<semaphore_mem>>)
    } else {
    }
    %ge3A_793 = arith.constant 15 : i32
    %ge3A_794 = arith.cmpi sge, %arg1, %ge3A_793 : i32
    %convert_element_type3A_795 = arith.extui %ge3A_794 : i1 to i32
    %cond3A_796 = arith.constant 0 : i32
    %cond3A_797 = arith.cmpi ne, %convert_element_type3A_795, %cond3A_796 : i32
    scf.if %cond3A_797 {
      %sub3A = arith.constant 15 : i32
      %sub3A_1157 = arith.subi %arg1, %sub3A : i32
      %mul3A_1158 = arith.constant 20480 : i32
      %mul3A_1159 = arith.muli %sub3A_1157, %mul3A_1158 : i32
      %add3A_1160 = arith.constant 12288 : i32
      %add3A_1161 = arith.addi %mul3A_1159, %add3A_1160 : i32
      %dma_start3A_1162 = arith.constant 1 : i32
      %dma_start3A_1163 = arith.constant 0 : i32
      %dma_start3A_1164 = tpu.memref_slice %arg8[%dma_start3A_1162, %dma_start3A_1163] : memref<2x4096xi32, #tpu.memory_space<vmem>> -> memref<1x4096xi32, #tpu.memory_space<vmem>>
      %dma_start3A_1165 = tpu.memref_squeeze %dma_start3A_1164 : memref<1x4096xi32, #tpu.memory_space<vmem>> -> memref<4096xi32, #tpu.memory_space<vmem>>
      %dma_start3A_1166 = tpu.memref_slice %arg4[%add3A_1161] : memref<20480xi32, #tpu.memory_space<hbm>> -> memref<4096xi32, #tpu.memory_space<hbm>>
      %dma_start3A_1167 = arith.constant 0 : i32
      %dma_start3A_1168 = tpu.memref_slice %arg8[%dma_start3A_1162, %dma_start3A_1167] : memref<2x4096xi32, #tpu.memory_space<vmem>> -> memref<1x4096xi32, #tpu.memory_space<vmem>>
      %dma_start3A_1169 = tpu.memref_squeeze %dma_start3A_1168 : memref<1x4096xi32, #tpu.memory_space<vmem>> -> memref<4096xi32, #tpu.memory_space<vmem>>
      %dma_start3A_1170 = tpu.memref_slice %arg4[%add3A_1161] : memref<20480xi32, #tpu.memory_space<hbm>> -> memref<4096xi32, #tpu.memory_space<hbm>>
      tpu.enqueue_dma source(%dma_start3A_1170 : memref<4096xi32, #tpu.memory_space<hbm>>) target(%dma_start3A_1169 : memref<4096xi32, #tpu.memory_space<vmem>>) target_semaphore(%arg23 : memref<!tpu.dma_semaphore, #tpu.memory_space<semaphore_mem>>)
      %mul3A_1171 = arith.constant 160 : i32
      %mul3A_1172 = arith.muli %sub3A_1157, %mul3A_1171 : i32
      %add3A_1173 = arith.constant 96 : i32
      %add3A_1174 = arith.addi %mul3A_1172, %add3A_1173 : i32
      %dma_start3A_1175 = arith.constant 1 : i32
      %dma_start3A_1176 = arith.constant 0 : i32
      %dma_start3A_1177 = arith.constant 0 : i32
      %dma_start3A_1178 = tpu.memref_slice %arg9[%dma_start3A_1175, %dma_start3A_1176, %dma_start3A_1177] : memref<2x32x128xi32, #tpu.memory_space<vmem>> -> memref<1x32x128xi32, #tpu.memory_space<vmem>>
      %dma_start3A_1179 = tpu.memref_squeeze %dma_start3A_1178 : memref<1x32x128xi32, #tpu.memory_space<vmem>> -> memref<32x128xi32, #tpu.memory_space<vmem>>
      %dma_start3A_1180 = arith.constant 0 : i32
      %dma_start3A_1181 = tpu.memref_slice %arg5[%add3A_1174, %dma_start3A_1180] : memref<160x128xi32, #tpu.memory_space<hbm>> -> memref<32x128xi32, #tpu.memory_space<hbm>>
      %dma_start3A_1182 = arith.constant 0 : i32
      %dma_start3A_1183 = arith.constant 0 : i32
      %dma_start3A_1184 = tpu.memref_slice %arg9[%dma_start3A_1175, %dma_start3A_1182, %dma_start3A_1183] : memref<2x32x128xi32, #tpu.memory_space<vmem>> -> memref<1x32x128xi32, #tpu.memory_space<vmem>>
      %dma_start3A_1185 = tpu.memref_squeeze %dma_start3A_1184 : memref<1x32x128xi32, #tpu.memory_space<vmem>> -> memref<32x128xi32, #tpu.memory_space<vmem>>
      %dma_start3A_1186 = arith.constant 0 : i32
      %dma_start3A_1187 = tpu.memref_slice %arg5[%add3A_1174, %dma_start3A_1186] : memref<160x128xi32, #tpu.memory_space<hbm>> -> memref<32x128xi32, #tpu.memory_space<hbm>>
      tpu.enqueue_dma source(%dma_start3A_1187 : memref<32x128xi32, #tpu.memory_space<hbm>>) target(%dma_start3A_1185 : memref<32x128xi32, #tpu.memory_space<vmem>>) target_semaphore(%arg25 : memref<!tpu.dma_semaphore, #tpu.memory_space<semaphore_mem>>)
    } else {
    }
    %multiple_of3A_798 = arith.constant 0 : i32
    %multiple_of3A_799 = tpu.assume_multiple %multiple_of3A_798, 128 : i32
    %dma_start3A_800 = arith.constant 0 : i32
    %dma_start3A_801 = arith.constant 0 : i32
    %dma_start3A_802 = arith.constant 0 : i32
    %dma_start3A_803 = arith.constant 0 : i32
    %dma_start3A_804 = tpu.memref_slice %arg10[%dma_start3A_801, %dma_start3A_802, %dma_start3A_803] : memref<4x128x64xf32, #tpu.memory_space<vmem>> -> memref<1x128x64xf32, #tpu.memory_space<vmem>>
    %dma_start3A_805 = tpu.memref_squeeze %dma_start3A_804 : memref<1x128x64xf32, #tpu.memory_space<vmem>> -> memref<128x64xf32, #tpu.memory_space<vmem>>
    %dma_start3A_806 = tpu.memref_slice %arg8[%dma_start3A_800, %multiple_of3A_799] : memref<2x4096xi32, #tpu.memory_space<vmem>> -> memref<1x128xi32, #tpu.memory_space<vmem>>
    %dma_start3A_807 = tpu.memref_squeeze %dma_start3A_806 : memref<1x128xi32, #tpu.memory_space<vmem>> -> memref<128xi32, #tpu.memory_space<vmem>>
    %dma_start3A_808 = arith.constant 0 : i32
    %dma_start3A_809 = arith.constant 0 : i32
    %dma_start3A_810 = tpu.memref_slice %arg12[%dma_start3A_808, %dma_start3A_809] : memref<10000x64xf32, #tpu.memory_space<vmem_shared>> -> memref<10000x64xf32, #tpu.memory_space<vmem_shared>>
    tpu.enqueue_indirect_dma source(%dma_start3A_810 : memref<10000x64xf32, #tpu.memory_space<vmem_shared>>) target(%dma_start3A_805 : memref<128x64xf32, #tpu.memory_space<vmem>>) offsets(%dma_start3A_807 : memref<128xi32, #tpu.memory_space<vmem>>) semaphore(%arg14 : memref<!tpu.dma_semaphore, #tpu.memory_space<semaphore_mem>>)
    %multiple_of3A_811 = arith.constant 128 : i32
    %multiple_of3A_812 = tpu.assume_multiple %multiple_of3A_811, 128 : i32
    %dma_start3A_813 = arith.constant 0 : i32
    %dma_start3A_814 = arith.constant 1 : i32
    %dma_start3A_815 = arith.constant 0 : i32
    %dma_start3A_816 = arith.constant 0 : i32
    %dma_start3A_817 = tpu.memref_slice %arg10[%dma_start3A_814, %dma_start3A_815, %dma_start3A_816] : memref<4x128x64xf32, #tpu.memory_space<vmem>> -> memref<1x128x64xf32, #tpu.memory_space<vmem>>
    %dma_start3A_818 = tpu.memref_squeeze %dma_start3A_817 : memref<1x128x64xf32, #tpu.memory_space<vmem>> -> memref<128x64xf32, #tpu.memory_space<vmem>>
    %dma_start3A_819 = tpu.memref_slice %arg8[%dma_start3A_813, %multiple_of3A_812] : memref<2x4096xi32, #tpu.memory_space<vmem>> -> memref<1x128xi32, #tpu.memory_space<vmem>>
    %dma_start3A_820 = tpu.memref_squeeze %dma_start3A_819 : memref<1x128xi32, #tpu.memory_space<vmem>> -> memref<128xi32, #tpu.memory_space<vmem>>
    %dma_start3A_821 = arith.constant 0 : i32
    %dma_start3A_822 = arith.constant 0 : i32
    %dma_start3A_823 = tpu.memref_slice %arg12[%dma_start3A_821, %dma_start3A_822] : memref<10000x64xf32, #tpu.memory_space<vmem_shared>> -> memref<10000x64xf32, #tpu.memory_space<vmem_shared>>
    tpu.enqueue_indirect_dma source(%dma_start3A_823 : memref<10000x64xf32, #tpu.memory_space<vmem_shared>>) target(%dma_start3A_818 : memref<128x64xf32, #tpu.memory_space<vmem>>) offsets(%dma_start3A_820 : memref<128xi32, #tpu.memory_space<vmem>>) semaphore(%arg15 : memref<!tpu.dma_semaphore, #tpu.memory_space<semaphore_mem>>)
    %multiple_of3A_824 = arith.constant 256 : i32
    %multiple_of3A_825 = tpu.assume_multiple %multiple_of3A_824, 128 : i32
    %dma_start3A_826 = arith.constant 0 : i32
    %dma_start3A_827 = arith.constant 2 : i32
    %dma_start3A_828 = arith.constant 0 : i32
    %dma_start3A_829 = arith.constant 0 : i32
    %dma_start3A_830 = tpu.memref_slice %arg10[%dma_start3A_827, %dma_start3A_828, %dma_start3A_829] : memref<4x128x64xf32, #tpu.memory_space<vmem>> -> memref<1x128x64xf32, #tpu.memory_space<vmem>>
    %dma_start3A_831 = tpu.memref_squeeze %dma_start3A_830 : memref<1x128x64xf32, #tpu.memory_space<vmem>> -> memref<128x64xf32, #tpu.memory_space<vmem>>
    %dma_start3A_832 = tpu.memref_slice %arg8[%dma_start3A_826, %multiple_of3A_825] : memref<2x4096xi32, #tpu.memory_space<vmem>> -> memref<1x128xi32, #tpu.memory_space<vmem>>
    %dma_start3A_833 = tpu.memref_squeeze %dma_start3A_832 : memref<1x128xi32, #tpu.memory_space<vmem>> -> memref<128xi32, #tpu.memory_space<vmem>>
    %dma_start3A_834 = arith.constant 0 : i32
    %dma_start3A_835 = arith.constant 0 : i32
    %dma_start3A_836 = tpu.memref_slice %arg12[%dma_start3A_834, %dma_start3A_835] : memref<10000x64xf32, #tpu.memory_space<vmem_shared>> -> memref<10000x64xf32, #tpu.memory_space<vmem_shared>>
    tpu.enqueue_indirect_dma source(%dma_start3A_836 : memref<10000x64xf32, #tpu.memory_space<vmem_shared>>) target(%dma_start3A_831 : memref<128x64xf32, #tpu.memory_space<vmem>>) offsets(%dma_start3A_833 : memref<128xi32, #tpu.memory_space<vmem>>) semaphore(%arg16 : memref<!tpu.dma_semaphore, #tpu.memory_space<semaphore_mem>>)
    %scan3A_837 = arith.constant 0 : i32
    %scan3A_838 = arith.constant 0 : i32
    %scan3A_839 = arith.constant 8 : i32
    %scan3A_840 = arith.addi %scan3A_838, %scan3A_839 : i32
    %scan3A_841 = arith.constant 1 : i32
    %scan3A_842 = scf.for %scan3A_1157 = %scan3A_838 to %scan3A_840 step %scan3A_841 iter_args(%scan3A_1158 = %scan3A_837) -> (i32)  : i32 {
      %mul3A_1159 = arith.constant 4 : i32
      %mul3A_1160 = arith.muli %scan3A_1157, %mul3A_1159 : i32
      %add3A_1161 = arith.constant 0 : i32
      %add3A_1162 = arith.addi %mul3A_1160, %add3A_1161 : i32
      %dma_wait3A_1163 = arith.constant 0 : i32
      %dma_wait3A_1164 = arith.constant 0 : i32
      %dma_wait3A_1165 = arith.constant 0 : i32
      %dma_wait3A_1166 = arith.constant 0 : i32
      %dma_wait3A_1167 = tpu.memref_slice %arg10[%dma_wait3A_1164, %dma_wait3A_1165, %dma_wait3A_1166] : memref<4x128x64xf32, #tpu.memory_space<vmem>> -> memref<1x128x64xf32, #tpu.memory_space<vmem>>
      %dma_wait3A_1168 = tpu.memref_squeeze %dma_wait3A_1167 : memref<1x128x64xf32, #tpu.memory_space<vmem>> -> memref<128x64xf32, #tpu.memory_space<vmem>>
      %dma_wait3A_1169 = arith.constant 0 : i32
      %dma_wait3A_1170 = tpu.memref_slice %arg8[%dma_wait3A_1163, %dma_wait3A_1169] : memref<2x4096xi32, #tpu.memory_space<vmem>> -> memref<1x128xi32, #tpu.memory_space<vmem>>
      %dma_wait3A_1171 = tpu.memref_squeeze %dma_wait3A_1170 : memref<1x128xi32, #tpu.memory_space<vmem>> -> memref<128xi32, #tpu.memory_space<vmem>>
      %dma_wait3A_1172 = arith.constant 0 : i32
      %dma_wait3A_1173 = arith.constant 0 : i32
      %dma_wait3A_1174 = tpu.memref_slice %arg12[%dma_wait3A_1172, %dma_wait3A_1173] : memref<10000x64xf32, #tpu.memory_space<vmem_shared>> -> memref<10000x64xf32, #tpu.memory_space<vmem_shared>>
      tpu.wait_indirect_dma semaphore(%arg14 : memref<!tpu.dma_semaphore, #tpu.memory_space<semaphore_mem>>) src(%dma_wait3A_1174 : memref<10000x64xf32, #tpu.memory_space<vmem_shared>>) dst(%dma_wait3A_1168 : memref<128x64xf32, #tpu.memory_space<vmem>>)
      %dma_start3A_1175 = arith.constant 0 : i32
      %dma_start3A_1176 = arith.constant 0 : i32
      %dma_start3A_1177 = arith.constant 0 : i32
      %dma_start3A_1178 = arith.constant 0 : i32
      %dma_start3A_1179 = tpu.memref_slice %arg10[%dma_start3A_1175, %dma_start3A_1177, %dma_start3A_1178] : memref<4x128x64xf32, #tpu.memory_space<vmem>> -> memref<1x128x64xf32, #tpu.memory_space<vmem>>
      %dma_start3A_1180 = tpu.memref_squeeze %dma_start3A_1179 : memref<1x128x64xf32, #tpu.memory_space<vmem>> -> memref<128x64xf32, #tpu.memory_space<vmem>>
      %dma_start3A_1181 = arith.constant 0 : i32
      %dma_start3A_1182 = tpu.memref_slice %arg9[%dma_start3A_1176, %add3A_1162, %dma_start3A_1181] : memref<2x32x128xi32, #tpu.memory_space<vmem>> -> memref<1x1x128xi32, #tpu.memory_space<vmem>>
      %dma_start3A_1183 = tpu.memref_squeeze %dma_start3A_1182 : memref<1x1x128xi32, #tpu.memory_space<vmem>> -> memref<128xi32, #tpu.memory_space<vmem>>
      %dma_start3A_1184 = arith.constant 0 : i32
      %dma_start3A_1185 = arith.constant 0 : i32
      %dma_start3A_1186 = tpu.memref_slice %arg13[%dma_start3A_1184, %dma_start3A_1185] : memref<10240x64xf32, #tpu.memory_space<vmem_shared>> -> memref<10240x64xf32, #tpu.memory_space<vmem_shared>>
      tpu.enqueue_indirect_dma source(%dma_start3A_1180 : memref<128x64xf32, #tpu.memory_space<vmem>>) target(%dma_start3A_1186 : memref<10240x64xf32, #tpu.memory_space<vmem_shared>>) offsets(%dma_start3A_1183 : memref<128xi32, #tpu.memory_space<vmem>>) semaphore(%arg18 : memref<!tpu.dma_semaphore, #tpu.memory_space<semaphore_mem>>) {add = true}
      %add3A_1187 = arith.constant 4 : i32
      %add3A_1188 = arith.addi %add3A_1162, %add3A_1187 : i32
      %sub3A = arith.constant 1 : i32
      %sub3A_1189 = arith.subi %add3A_1188, %sub3A : i32
      %lt3A_1190 = arith.constant 32 : i32
      %lt3A_1191 = arith.cmpi slt, %sub3A_1189, %lt3A_1190 : i32
      %convert_element_type3A_1192 = arith.extui %lt3A_1191 : i1 to i32
      %cond3A_1193 = arith.constant 0 : i32
      %cond3A_1194 = arith.cmpi ne, %convert_element_type3A_1192, %cond3A_1193 : i32
      scf.if %cond3A_1194 {
        %ge3A_1301 = arith.constant 4 : i32
        %ge3A_1302 = arith.cmpi sge, %sub3A_1189, %ge3A_1301 : i32
        %convert_element_type3A_1303 = arith.extui %ge3A_1302 : i1 to i32
        %cond3A_1304 = arith.constant 0 : i32
        %cond3A_1305 = arith.cmpi ne, %convert_element_type3A_1303, %cond3A_1304 : i32
        scf.if %cond3A_1305 {
          %dma_wait3A_1320 = arith.constant 3 : i32
          %dma_wait3A_1321 = arith.constant 0 : i32
          %dma_wait3A_1322 = arith.constant 0 : i32
          %dma_wait3A_1323 = arith.constant 0 : i32
          %dma_wait3A_1324 = arith.constant 0 : i32
          %dma_wait3A_1325 = tpu.memref_slice %arg10[%dma_wait3A_1320, %dma_wait3A_1323, %dma_wait3A_1324] : memref<4x128x64xf32, #tpu.memory_space<vmem>> -> memref<1x128x64xf32, #tpu.memory_space<vmem>>
          %dma_wait3A_1326 = tpu.memref_squeeze %dma_wait3A_1325 : memref<1x128x64xf32, #tpu.memory_space<vmem>> -> memref<128x64xf32, #tpu.memory_space<vmem>>
          %dma_wait3A_1327 = arith.constant 0 : i32
          %dma_wait3A_1328 = tpu.memref_slice %arg9[%dma_wait3A_1321, %dma_wait3A_1322, %dma_wait3A_1327] : memref<2x32x128xi32, #tpu.memory_space<vmem>> -> memref<1x1x128xi32, #tpu.memory_space<vmem>>
          %dma_wait3A_1329 = tpu.memref_squeeze %dma_wait3A_1328 : memref<1x1x128xi32, #tpu.memory_space<vmem>> -> memref<128xi32, #tpu.memory_space<vmem>>
          %dma_wait3A_1330 = arith.constant 0 : i32
          %dma_wait3A_1331 = arith.constant 0 : i32
          %dma_wait3A_1332 = tpu.memref_slice %arg13[%dma_wait3A_1330, %dma_wait3A_1331] : memref<10240x64xf32, #tpu.memory_space<vmem_shared>> -> memref<10240x64xf32, #tpu.memory_space<vmem_shared>>
          tpu.wait_indirect_dma semaphore(%arg21 : memref<!tpu.dma_semaphore, #tpu.memory_space<semaphore_mem>>) src(%dma_wait3A_1326 : memref<128x64xf32, #tpu.memory_space<vmem>>) dst(%dma_wait3A_1332 : memref<10240x64xf32, #tpu.memory_space<vmem_shared>>)
        } else {
        }
        %mul3A_1306 = arith.constant 128 : i32
        %mul3A_1307 = arith.muli %sub3A_1189, %mul3A_1306 : i32
        %multiple_of3A_1308 = tpu.assume_multiple %mul3A_1307, 128 : i32
        %dma_start3A_1309 = arith.constant 0 : i32
        %dma_start3A_1310 = arith.constant 3 : i32
        %dma_start3A_1311 = arith.constant 0 : i32
        %dma_start3A_1312 = arith.constant 0 : i32
        %dma_start3A_1313 = tpu.memref_slice %arg10[%dma_start3A_1310, %dma_start3A_1311, %dma_start3A_1312] : memref<4x128x64xf32, #tpu.memory_space<vmem>> -> memref<1x128x64xf32, #tpu.memory_space<vmem>>
        %dma_start3A_1314 = tpu.memref_squeeze %dma_start3A_1313 : memref<1x128x64xf32, #tpu.memory_space<vmem>> -> memref<128x64xf32, #tpu.memory_space<vmem>>
        %dma_start3A_1315 = tpu.memref_slice %arg8[%dma_start3A_1309, %multiple_of3A_1308] : memref<2x4096xi32, #tpu.memory_space<vmem>> -> memref<1x128xi32, #tpu.memory_space<vmem>>
        %dma_start3A_1316 = tpu.memref_squeeze %dma_start3A_1315 : memref<1x128xi32, #tpu.memory_space<vmem>> -> memref<128xi32, #tpu.memory_space<vmem>>
        %dma_start3A_1317 = arith.constant 0 : i32
        %dma_start3A_1318 = arith.constant 0 : i32
        %dma_start3A_1319 = tpu.memref_slice %arg12[%dma_start3A_1317, %dma_start3A_1318] : memref<10000x64xf32, #tpu.memory_space<vmem_shared>> -> memref<10000x64xf32, #tpu.memory_space<vmem_shared>>
        tpu.enqueue_indirect_dma source(%dma_start3A_1319 : memref<10000x64xf32, #tpu.memory_space<vmem_shared>>) target(%dma_start3A_1314 : memref<128x64xf32, #tpu.memory_space<vmem>>) offsets(%dma_start3A_1316 : memref<128xi32, #tpu.memory_space<vmem>>) semaphore(%arg17 : memref<!tpu.dma_semaphore, #tpu.memory_space<semaphore_mem>>)
      } else {
      }
      %add3A_1195 = arith.constant 1 : i32
      %add3A_1196 = arith.addi %mul3A_1160, %add3A_1195 : i32
      %dma_wait3A_1197 = arith.constant 0 : i32
      %dma_wait3A_1198 = arith.constant 1 : i32
      %dma_wait3A_1199 = arith.constant 0 : i32
      %dma_wait3A_1200 = arith.constant 0 : i32
      %dma_wait3A_1201 = tpu.memref_slice %arg10[%dma_wait3A_1198, %dma_wait3A_1199, %dma_wait3A_1200] : memref<4x128x64xf32, #tpu.memory_space<vmem>> -> memref<1x128x64xf32, #tpu.memory_space<vmem>>
      %dma_wait3A_1202 = tpu.memref_squeeze %dma_wait3A_1201 : memref<1x128x64xf32, #tpu.memory_space<vmem>> -> memref<128x64xf32, #tpu.memory_space<vmem>>
      %dma_wait3A_1203 = arith.constant 0 : i32
      %dma_wait3A_1204 = tpu.memref_slice %arg8[%dma_wait3A_1197, %dma_wait3A_1203] : memref<2x4096xi32, #tpu.memory_space<vmem>> -> memref<1x128xi32, #tpu.memory_space<vmem>>
      %dma_wait3A_1205 = tpu.memref_squeeze %dma_wait3A_1204 : memref<1x128xi32, #tpu.memory_space<vmem>> -> memref<128xi32, #tpu.memory_space<vmem>>
      %dma_wait3A_1206 = arith.constant 0 : i32
      %dma_wait3A_1207 = arith.constant 0 : i32
      %dma_wait3A_1208 = tpu.memref_slice %arg12[%dma_wait3A_1206, %dma_wait3A_1207] : memref<10000x64xf32, #tpu.memory_space<vmem_shared>> -> memref<10000x64xf32, #tpu.memory_space<vmem_shared>>
      tpu.wait_indirect_dma semaphore(%arg15 : memref<!tpu.dma_semaphore, #tpu.memory_space<semaphore_mem>>) src(%dma_wait3A_1208 : memref<10000x64xf32, #tpu.memory_space<vmem_shared>>) dst(%dma_wait3A_1202 : memref<128x64xf32, #tpu.memory_space<vmem>>)
      %dma_start3A_1209 = arith.constant 1 : i32
      %dma_start3A_1210 = arith.constant 0 : i32
      %dma_start3A_1211 = arith.constant 0 : i32
      %dma_start3A_1212 = arith.constant 0 : i32
      %dma_start3A_1213 = tpu.memref_slice %arg10[%dma_start3A_1209, %dma_start3A_1211, %dma_start3A_1212] : memref<4x128x64xf32, #tpu.memory_space<vmem>> -> memref<1x128x64xf32, #tpu.memory_space<vmem>>
      %dma_start3A_1214 = tpu.memref_squeeze %dma_start3A_1213 : memref<1x128x64xf32, #tpu.memory_space<vmem>> -> memref<128x64xf32, #tpu.memory_space<vmem>>
      %dma_start3A_1215 = arith.constant 0 : i32
      %dma_start3A_1216 = tpu.memref_slice %arg9[%dma_start3A_1210, %add3A_1196, %dma_start3A_1215] : memref<2x32x128xi32, #tpu.memory_space<vmem>> -> memref<1x1x128xi32, #tpu.memory_space<vmem>>
      %dma_start3A_1217 = tpu.memref_squeeze %dma_start3A_1216 : memref<1x1x128xi32, #tpu.memory_space<vmem>> -> memref<128xi32, #tpu.memory_space<vmem>>
      %dma_start3A_1218 = arith.constant 0 : i32
      %dma_start3A_1219 = arith.constant 0 : i32
      %dma_start3A_1220 = tpu.memref_slice %arg13[%dma_start3A_1218, %dma_start3A_1219] : memref<10240x64xf32, #tpu.memory_space<vmem_shared>> -> memref<10240x64xf32, #tpu.memory_space<vmem_shared>>
      tpu.enqueue_indirect_dma source(%dma_start3A_1214 : memref<128x64xf32, #tpu.memory_space<vmem>>) target(%dma_start3A_1220 : memref<10240x64xf32, #tpu.memory_space<vmem_shared>>) offsets(%dma_start3A_1217 : memref<128xi32, #tpu.memory_space<vmem>>) semaphore(%arg19 : memref<!tpu.dma_semaphore, #tpu.memory_space<semaphore_mem>>) {add = true}
      %add3A_1221 = arith.constant 4 : i32
      %add3A_1222 = arith.addi %add3A_1196, %add3A_1221 : i32
      %sub3A_1223 = arith.constant 1 : i32
      %sub3A_1224 = arith.subi %add3A_1222, %sub3A_1223 : i32
      %lt3A_1225 = arith.constant 32 : i32
      %lt3A_1226 = arith.cmpi slt, %sub3A_1224, %lt3A_1225 : i32
      %convert_element_type3A_1227 = arith.extui %lt3A_1226 : i1 to i32
      %cond3A_1228 = arith.constant 0 : i32
      %cond3A_1229 = arith.cmpi ne, %convert_element_type3A_1227, %cond3A_1228 : i32
      scf.if %cond3A_1229 {
        %ge3A_1301 = arith.constant 4 : i32
        %ge3A_1302 = arith.cmpi sge, %sub3A_1224, %ge3A_1301 : i32
        %convert_element_type3A_1303 = arith.extui %ge3A_1302 : i1 to i32
        %cond3A_1304 = arith.constant 0 : i32
        %cond3A_1305 = arith.cmpi ne, %convert_element_type3A_1303, %cond3A_1304 : i32
        scf.if %cond3A_1305 {
          %dma_wait3A_1320 = arith.constant 0 : i32
          %dma_wait3A_1321 = arith.constant 0 : i32
          %dma_wait3A_1322 = arith.constant 0 : i32
          %dma_wait3A_1323 = arith.constant 0 : i32
          %dma_wait3A_1324 = arith.constant 0 : i32
          %dma_wait3A_1325 = tpu.memref_slice %arg10[%dma_wait3A_1320, %dma_wait3A_1323, %dma_wait3A_1324] : memref<4x128x64xf32, #tpu.memory_space<vmem>> -> memref<1x128x64xf32, #tpu.memory_space<vmem>>
          %dma_wait3A_1326 = tpu.memref_squeeze %dma_wait3A_1325 : memref<1x128x64xf32, #tpu.memory_space<vmem>> -> memref<128x64xf32, #tpu.memory_space<vmem>>
          %dma_wait3A_1327 = arith.constant 0 : i32
          %dma_wait3A_1328 = tpu.memref_slice %arg9[%dma_wait3A_1321, %dma_wait3A_1322, %dma_wait3A_1327] : memref<2x32x128xi32, #tpu.memory_space<vmem>> -> memref<1x1x128xi32, #tpu.memory_space<vmem>>
          %dma_wait3A_1329 = tpu.memref_squeeze %dma_wait3A_1328 : memref<1x1x128xi32, #tpu.memory_space<vmem>> -> memref<128xi32, #tpu.memory_space<vmem>>
          %dma_wait3A_1330 = arith.constant 0 : i32
          %dma_wait3A_1331 = arith.constant 0 : i32
          %dma_wait3A_1332 = tpu.memref_slice %arg13[%dma_wait3A_1330, %dma_wait3A_1331] : memref<10240x64xf32, #tpu.memory_space<vmem_shared>> -> memref<10240x64xf32, #tpu.memory_space<vmem_shared>>
          tpu.wait_indirect_dma semaphore(%arg18 : memref<!tpu.dma_semaphore, #tpu.memory_space<semaphore_mem>>) src(%dma_wait3A_1326 : memref<128x64xf32, #tpu.memory_space<vmem>>) dst(%dma_wait3A_1332 : memref<10240x64xf32, #tpu.memory_space<vmem_shared>>)
        } else {
        }
        %mul3A_1306 = arith.constant 128 : i32
        %mul3A_1307 = arith.muli %sub3A_1224, %mul3A_1306 : i32
        %multiple_of3A_1308 = tpu.assume_multiple %mul3A_1307, 128 : i32
        %dma_start3A_1309 = arith.constant 0 : i32
        %dma_start3A_1310 = arith.constant 0 : i32
        %dma_start3A_1311 = arith.constant 0 : i32
        %dma_start3A_1312 = arith.constant 0 : i32
        %dma_start3A_1313 = tpu.memref_slice %arg10[%dma_start3A_1310, %dma_start3A_1311, %dma_start3A_1312] : memref<4x128x64xf32, #tpu.memory_space<vmem>> -> memref<1x128x64xf32, #tpu.memory_space<vmem>>
        %dma_start3A_1314 = tpu.memref_squeeze %dma_start3A_1313 : memref<1x128x64xf32, #tpu.memory_space<vmem>> -> memref<128x64xf32, #tpu.memory_space<vmem>>
        %dma_start3A_1315 = tpu.memref_slice %arg8[%dma_start3A_1309, %multiple_of3A_1308] : memref<2x4096xi32, #tpu.memory_space<vmem>> -> memref<1x128xi32, #tpu.memory_space<vmem>>
        %dma_start3A_1316 = tpu.memref_squeeze %dma_start3A_1315 : memref<1x128xi32, #tpu.memory_space<vmem>> -> memref<128xi32, #tpu.memory_space<vmem>>
        %dma_start3A_1317 = arith.constant 0 : i32
        %dma_start3A_1318 = arith.constant 0 : i32
        %dma_start3A_1319 = tpu.memref_slice %arg12[%dma_start3A_1317, %dma_start3A_1318] : memref<10000x64xf32, #tpu.memory_space<vmem_shared>> -> memref<10000x64xf32, #tpu.memory_space<vmem_shared>>
        tpu.enqueue_indirect_dma source(%dma_start3A_1319 : memref<10000x64xf32, #tpu.memory_space<vmem_shared>>) target(%dma_start3A_1314 : memref<128x64xf32, #tpu.memory_space<vmem>>) offsets(%dma_start3A_1316 : memref<128xi32, #tpu.memory_space<vmem>>) semaphore(%arg14 : memref<!tpu.dma_semaphore, #tpu.memory_space<semaphore_mem>>)
      } else {
      }
      %add3A_1230 = arith.constant 2 : i32
      %add3A_1231 = arith.addi %mul3A_1160, %add3A_1230 : i32
      %dma_wait3A_1232 = arith.constant 0 : i32
      %dma_wait3A_1233 = arith.constant 2 : i32
      %dma_wait3A_1234 = arith.constant 0 : i32
      %dma_wait3A_1235 = arith.constant 0 : i32
      %dma_wait3A_1236 = tpu.memref_slice %arg10[%dma_wait3A_1233, %dma_wait3A_1234, %dma_wait3A_1235] : memref<4x128x64xf32, #tpu.memory_space<vmem>> -> memref<1x128x64xf32, #tpu.memory_space<vmem>>
      %dma_wait3A_1237 = tpu.memref_squeeze %dma_wait3A_1236 : memref<1x128x64xf32, #tpu.memory_space<vmem>> -> memref<128x64xf32, #tpu.memory_space<vmem>>
      %dma_wait3A_1238 = arith.constant 0 : i32
      %dma_wait3A_1239 = tpu.memref_slice %arg8[%dma_wait3A_1232, %dma_wait3A_1238] : memref<2x4096xi32, #tpu.memory_space<vmem>> -> memref<1x128xi32, #tpu.memory_space<vmem>>
      %dma_wait3A_1240 = tpu.memref_squeeze %dma_wait3A_1239 : memref<1x128xi32, #tpu.memory_space<vmem>> -> memref<128xi32, #tpu.memory_space<vmem>>
      %dma_wait3A_1241 = arith.constant 0 : i32
      %dma_wait3A_1242 = arith.constant 0 : i32
      %dma_wait3A_1243 = tpu.memref_slice %arg12[%dma_wait3A_1241, %dma_wait3A_1242] : memref<10000x64xf32, #tpu.memory_space<vmem_shared>> -> memref<10000x64xf32, #tpu.memory_space<vmem_shared>>
      tpu.wait_indirect_dma semaphore(%arg16 : memref<!tpu.dma_semaphore, #tpu.memory_space<semaphore_mem>>) src(%dma_wait3A_1243 : memref<10000x64xf32, #tpu.memory_space<vmem_shared>>) dst(%dma_wait3A_1237 : memref<128x64xf32, #tpu.memory_space<vmem>>)
      %dma_start3A_1244 = arith.constant 2 : i32
      %dma_start3A_1245 = arith.constant 0 : i32
      %dma_start3A_1246 = arith.constant 0 : i32
      %dma_start3A_1247 = arith.constant 0 : i32
      %dma_start3A_1248 = tpu.memref_slice %arg10[%dma_start3A_1244, %dma_start3A_1246, %dma_start3A_1247] : memref<4x128x64xf32, #tpu.memory_space<vmem>> -> memref<1x128x64xf32, #tpu.memory_space<vmem>>
      %dma_start3A_1249 = tpu.memref_squeeze %dma_start3A_1248 : memref<1x128x64xf32, #tpu.memory_space<vmem>> -> memref<128x64xf32, #tpu.memory_space<vmem>>
      %dma_start3A_1250 = arith.constant 0 : i32
      %dma_start3A_1251 = tpu.memref_slice %arg9[%dma_start3A_1245, %add3A_1231, %dma_start3A_1250] : memref<2x32x128xi32, #tpu.memory_space<vmem>> -> memref<1x1x128xi32, #tpu.memory_space<vmem>>
      %dma_start3A_1252 = tpu.memref_squeeze %dma_start3A_1251 : memref<1x1x128xi32, #tpu.memory_space<vmem>> -> memref<128xi32, #tpu.memory_space<vmem>>
      %dma_start3A_1253 = arith.constant 0 : i32
      %dma_start3A_1254 = arith.constant 0 : i32
      %dma_start3A_1255 = tpu.memref_slice %arg13[%dma_start3A_1253, %dma_start3A_1254] : memref<10240x64xf32, #tpu.memory_space<vmem_shared>> -> memref<10240x64xf32, #tpu.memory_space<vmem_shared>>
      tpu.enqueue_indirect_dma source(%dma_start3A_1249 : memref<128x64xf32, #tpu.memory_space<vmem>>) target(%dma_start3A_1255 : memref<10240x64xf32, #tpu.memory_space<vmem_shared>>) offsets(%dma_start3A_1252 : memref<128xi32, #tpu.memory_space<vmem>>) semaphore(%arg20 : memref<!tpu.dma_semaphore, #tpu.memory_space<semaphore_mem>>) {add = true}
      %add3A_1256 = arith.constant 4 : i32
      %add3A_1257 = arith.addi %add3A_1231, %add3A_1256 : i32
      %sub3A_1258 = arith.constant 1 : i32
      %sub3A_1259 = arith.subi %add3A_1257, %sub3A_1258 : i32
      %lt3A_1260 = arith.constant 32 : i32
      %lt3A_1261 = arith.cmpi slt, %sub3A_1259, %lt3A_1260 : i32
      %convert_element_type3A_1262 = arith.extui %lt3A_1261 : i1 to i32
      %cond3A_1263 = arith.constant 0 : i32
      %cond3A_1264 = arith.cmpi ne, %convert_element_type3A_1262, %cond3A_1263 : i32
      scf.if %cond3A_1264 {
        %ge3A_1301 = arith.constant 4 : i32
        %ge3A_1302 = arith.cmpi sge, %sub3A_1259, %ge3A_1301 : i32
        %convert_element_type3A_1303 = arith.extui %ge3A_1302 : i1 to i32
        %cond3A_1304 = arith.constant 0 : i32
        %cond3A_1305 = arith.cmpi ne, %convert_element_type3A_1303, %cond3A_1304 : i32
        scf.if %cond3A_1305 {
          %dma_wait3A_1320 = arith.constant 1 : i32
          %dma_wait3A_1321 = arith.constant 0 : i32
          %dma_wait3A_1322 = arith.constant 0 : i32
          %dma_wait3A_1323 = arith.constant 0 : i32
          %dma_wait3A_1324 = arith.constant 0 : i32
          %dma_wait3A_1325 = tpu.memref_slice %arg10[%dma_wait3A_1320, %dma_wait3A_1323, %dma_wait3A_1324] : memref<4x128x64xf32, #tpu.memory_space<vmem>> -> memref<1x128x64xf32, #tpu.memory_space<vmem>>
          %dma_wait3A_1326 = tpu.memref_squeeze %dma_wait3A_1325 : memref<1x128x64xf32, #tpu.memory_space<vmem>> -> memref<128x64xf32, #tpu.memory_space<vmem>>
          %dma_wait3A_1327 = arith.constant 0 : i32
          %dma_wait3A_1328 = tpu.memref_slice %arg9[%dma_wait3A_1321, %dma_wait3A_1322, %dma_wait3A_1327] : memref<2x32x128xi32, #tpu.memory_space<vmem>> -> memref<1x1x128xi32, #tpu.memory_space<vmem>>
          %dma_wait3A_1329 = tpu.memref_squeeze %dma_wait3A_1328 : memref<1x1x128xi32, #tpu.memory_space<vmem>> -> memref<128xi32, #tpu.memory_space<vmem>>
          %dma_wait3A_1330 = arith.constant 0 : i32
          %dma_wait3A_1331 = arith.constant 0 : i32
          %dma_wait3A_1332 = tpu.memref_slice %arg13[%dma_wait3A_1330, %dma_wait3A_1331] : memref<10240x64xf32, #tpu.memory_space<vmem_shared>> -> memref<10240x64xf32, #tpu.memory_space<vmem_shared>>
          tpu.wait_indirect_dma semaphore(%arg19 : memref<!tpu.dma_semaphore, #tpu.memory_space<semaphore_mem>>) src(%dma_wait3A_1326 : memref<128x64xf32, #tpu.memory_space<vmem>>) dst(%dma_wait3A_1332 : memref<10240x64xf32, #tpu.memory_space<vmem_shared>>)
        } else {
        }
        %mul3A_1306 = arith.constant 128 : i32
        %mul3A_1307 = arith.muli %sub3A_1259, %mul3A_1306 : i32
        %multiple_of3A_1308 = tpu.assume_multiple %mul3A_1307, 128 : i32
        %dma_start3A_1309 = arith.constant 0 : i32
        %dma_start3A_1310 = arith.constant 1 : i32
        %dma_start3A_1311 = arith.constant 0 : i32
        %dma_start3A_1312 = arith.constant 0 : i32
        %dma_start3A_1313 = tpu.memref_slice %arg10[%dma_start3A_1310, %dma_start3A_1311, %dma_start3A_1312] : memref<4x128x64xf32, #tpu.memory_space<vmem>> -> memref<1x128x64xf32, #tpu.memory_space<vmem>>
        %dma_start3A_1314 = tpu.memref_squeeze %dma_start3A_1313 : memref<1x128x64xf32, #tpu.memory_space<vmem>> -> memref<128x64xf32, #tpu.memory_space<vmem>>
        %dma_start3A_1315 = tpu.memref_slice %arg8[%dma_start3A_1309, %multiple_of3A_1308] : memref<2x4096xi32, #tpu.memory_space<vmem>> -> memref<1x128xi32, #tpu.memory_space<vmem>>
        %dma_start3A_1316 = tpu.memref_squeeze %dma_start3A_1315 : memref<1x128xi32, #tpu.memory_space<vmem>> -> memref<128xi32, #tpu.memory_space<vmem>>
        %dma_start3A_1317 = arith.constant 0 : i32
        %dma_start3A_1318 = arith.constant 0 : i32
        %dma_start3A_1319 = tpu.memref_slice %arg12[%dma_start3A_1317, %dma_start3A_1318] : memref<10000x64xf32, #tpu.memory_space<vmem_shared>> -> memref<10000x64xf32, #tpu.memory_space<vmem_shared>>
        tpu.enqueue_indirect_dma source(%dma_start3A_1319 : memref<10000x64xf32, #tpu.memory_space<vmem_shared>>) target(%dma_start3A_1314 : memref<128x64xf32, #tpu.memory_space<vmem>>) offsets(%dma_start3A_1316 : memref<128xi32, #tpu.memory_space<vmem>>) semaphore(%arg15 : memref<!tpu.dma_semaphore, #tpu.memory_space<semaphore_mem>>)
      } else {
      }
      %add3A_1265 = arith.constant 3 : i32
      %add3A_1266 = arith.addi %mul3A_1160, %add3A_1265 : i32
      %dma_wait3A_1267 = arith.constant 0 : i32
      %dma_wait3A_1268 = arith.constant 3 : i32
      %dma_wait3A_1269 = arith.constant 0 : i32
      %dma_wait3A_1270 = arith.constant 0 : i32
      %dma_wait3A_1271 = tpu.memref_slice %arg10[%dma_wait3A_1268, %dma_wait3A_1269, %dma_wait3A_1270] : memref<4x128x64xf32, #tpu.memory_space<vmem>> -> memref<1x128x64xf32, #tpu.memory_space<vmem>>
      %dma_wait3A_1272 = tpu.memref_squeeze %dma_wait3A_1271 : memref<1x128x64xf32, #tpu.memory_space<vmem>> -> memref<128x64xf32, #tpu.memory_space<vmem>>
      %dma_wait3A_1273 = arith.constant 0 : i32
      %dma_wait3A_1274 = tpu.memref_slice %arg8[%dma_wait3A_1267, %dma_wait3A_1273] : memref<2x4096xi32, #tpu.memory_space<vmem>> -> memref<1x128xi32, #tpu.memory_space<vmem>>
      %dma_wait3A_1275 = tpu.memref_squeeze %dma_wait3A_1274 : memref<1x128xi32, #tpu.memory_space<vmem>> -> memref<128xi32, #tpu.memory_space<vmem>>
      %dma_wait3A_1276 = arith.constant 0 : i32
      %dma_wait3A_1277 = arith.constant 0 : i32
      %dma_wait3A_1278 = tpu.memref_slice %arg12[%dma_wait3A_1276, %dma_wait3A_1277] : memref<10000x64xf32, #tpu.memory_space<vmem_shared>> -> memref<10000x64xf32, #tpu.memory_space<vmem_shared>>
      tpu.wait_indirect_dma semaphore(%arg17 : memref<!tpu.dma_semaphore, #tpu.memory_space<semaphore_mem>>) src(%dma_wait3A_1278 : memref<10000x64xf32, #tpu.memory_space<vmem_shared>>) dst(%dma_wait3A_1272 : memref<128x64xf32, #tpu.memory_space<vmem>>)
      %dma_start3A_1279 = arith.constant 3 : i32
      %dma_start3A_1280 = arith.constant 0 : i32
      %dma_start3A_1281 = arith.constant 0 : i32
      %dma_start3A_1282 = arith.constant 0 : i32
      %dma_start3A_1283 = tpu.memref_slice %arg10[%dma_start3A_1279, %dma_start3A_1281, %dma_start3A_1282] : memref<4x128x64xf32, #tpu.memory_space<vmem>> -> memref<1x128x64xf32, #tpu.memory_space<vmem>>
      %dma_start3A_1284 = tpu.memref_squeeze %dma_start3A_1283 : memref<1x128x64xf32, #tpu.memory_space<vmem>> -> memref<128x64xf32, #tpu.memory_space<vmem>>
      %dma_start3A_1285 = arith.constant 0 : i32
      %dma_start3A_1286 = tpu.memref_slice %arg9[%dma_start3A_1280, %add3A_1266, %dma_start3A_1285] : memref<2x32x128xi32, #tpu.memory_space<vmem>> -> memref<1x1x128xi32, #tpu.memory_space<vmem>>
      %dma_start3A_1287 = tpu.memref_squeeze %dma_start3A_1286 : memref<1x1x128xi32, #tpu.memory_space<vmem>> -> memref<128xi32, #tpu.memory_space<vmem>>
      %dma_start3A_1288 = arith.constant 0 : i32
      %dma_start3A_1289 = arith.constant 0 : i32
      %dma_start3A_1290 = tpu.memref_slice %arg13[%dma_start3A_1288, %dma_start3A_1289] : memref<10240x64xf32, #tpu.memory_space<vmem_shared>> -> memref<10240x64xf32, #tpu.memory_space<vmem_shared>>
      tpu.enqueue_indirect_dma source(%dma_start3A_1284 : memref<128x64xf32, #tpu.memory_space<vmem>>) target(%dma_start3A_1290 : memref<10240x64xf32, #tpu.memory_space<vmem_shared>>) offsets(%dma_start3A_1287 : memref<128xi32, #tpu.memory_space<vmem>>) semaphore(%arg21 : memref<!tpu.dma_semaphore, #tpu.memory_space<semaphore_mem>>) {add = true}
      %add3A_1291 = arith.constant 4 : i32
      %add3A_1292 = arith.addi %add3A_1266, %add3A_1291 : i32
      %sub3A_1293 = arith.constant 1 : i32
      %sub3A_1294 = arith.subi %add3A_1292, %sub3A_1293 : i32
      %lt3A_1295 = arith.constant 32 : i32
      %lt3A_1296 = arith.cmpi slt, %sub3A_1294, %lt3A_1295 : i32
      %convert_element_type3A_1297 = arith.extui %lt3A_1296 : i1 to i32
      %cond3A_1298 = arith.constant 0 : i32
      %cond3A_1299 = arith.cmpi ne, %convert_element_type3A_1297, %cond3A_1298 : i32
      scf.if %cond3A_1299 {
        %ge3A_1301 = arith.constant 4 : i32
        %ge3A_1302 = arith.cmpi sge, %sub3A_1294, %ge3A_1301 : i32
        %convert_element_type3A_1303 = arith.extui %ge3A_1302 : i1 to i32
        %cond3A_1304 = arith.constant 0 : i32
        %cond3A_1305 = arith.cmpi ne, %convert_element_type3A_1303, %cond3A_1304 : i32
        scf.if %cond3A_1305 {
          %dma_wait3A_1320 = arith.constant 2 : i32
          %dma_wait3A_1321 = arith.constant 0 : i32
          %dma_wait3A_1322 = arith.constant 0 : i32
          %dma_wait3A_1323 = arith.constant 0 : i32
          %dma_wait3A_1324 = arith.constant 0 : i32
          %dma_wait3A_1325 = tpu.memref_slice %arg10[%dma_wait3A_1320, %dma_wait3A_1323, %dma_wait3A_1324] : memref<4x128x64xf32, #tpu.memory_space<vmem>> -> memref<1x128x64xf32, #tpu.memory_space<vmem>>
          %dma_wait3A_1326 = tpu.memref_squeeze %dma_wait3A_1325 : memref<1x128x64xf32, #tpu.memory_space<vmem>> -> memref<128x64xf32, #tpu.memory_space<vmem>>
          %dma_wait3A_1327 = arith.constant 0 : i32
          %dma_wait3A_1328 = tpu.memref_slice %arg9[%dma_wait3A_1321, %dma_wait3A_1322, %dma_wait3A_1327] : memref<2x32x128xi32, #tpu.memory_space<vmem>> -> memref<1x1x128xi32, #tpu.memory_space<vmem>>
          %dma_wait3A_1329 = tpu.memref_squeeze %dma_wait3A_1328 : memref<1x1x128xi32, #tpu.memory_space<vmem>> -> memref<128xi32, #tpu.memory_space<vmem>>
          %dma_wait3A_1330 = arith.constant 0 : i32
          %dma_wait3A_1331 = arith.constant 0 : i32
          %dma_wait3A_1332 = tpu.memref_slice %arg13[%dma_wait3A_1330, %dma_wait3A_1331] : memref<10240x64xf32, #tpu.memory_space<vmem_shared>> -> memref<10240x64xf32, #tpu.memory_space<vmem_shared>>
          tpu.wait_indirect_dma semaphore(%arg20 : memref<!tpu.dma_semaphore, #tpu.memory_space<semaphore_mem>>) src(%dma_wait3A_1326 : memref<128x64xf32, #tpu.memory_space<vmem>>) dst(%dma_wait3A_1332 : memref<10240x64xf32, #tpu.memory_space<vmem_shared>>)
        } else {
        }
        %mul3A_1306 = arith.constant 128 : i32
        %mul3A_1307 = arith.muli %sub3A_1294, %mul3A_1306 : i32
        %multiple_of3A_1308 = tpu.assume_multiple %mul3A_1307, 128 : i32
        %dma_start3A_1309 = arith.constant 0 : i32
        %dma_start3A_1310 = arith.constant 2 : i32
        %dma_start3A_1311 = arith.constant 0 : i32
        %dma_start3A_1312 = arith.constant 0 : i32
        %dma_start3A_1313 = tpu.memref_slice %arg10[%dma_start3A_1310, %dma_start3A_1311, %dma_start3A_1312] : memref<4x128x64xf32, #tpu.memory_space<vmem>> -> memref<1x128x64xf32, #tpu.memory_space<vmem>>
        %dma_start3A_1314 = tpu.memref_squeeze %dma_start3A_1313 : memref<1x128x64xf32, #tpu.memory_space<vmem>> -> memref<128x64xf32, #tpu.memory_space<vmem>>
        %dma_start3A_1315 = tpu.memref_slice %arg8[%dma_start3A_1309, %multiple_of3A_1308] : memref<2x4096xi32, #tpu.memory_space<vmem>> -> memref<1x128xi32, #tpu.memory_space<vmem>>
        %dma_start3A_1316 = tpu.memref_squeeze %dma_start3A_1315 : memref<1x128xi32, #tpu.memory_space<vmem>> -> memref<128xi32, #tpu.memory_space<vmem>>
        %dma_start3A_1317 = arith.constant 0 : i32
        %dma_start3A_1318 = arith.constant 0 : i32
        %dma_start3A_1319 = tpu.memref_slice %arg12[%dma_start3A_1317, %dma_start3A_1318] : memref<10000x64xf32, #tpu.memory_space<vmem_shared>> -> memref<10000x64xf32, #tpu.memory_space<vmem_shared>>
        tpu.enqueue_indirect_dma source(%dma_start3A_1319 : memref<10000x64xf32, #tpu.memory_space<vmem_shared>>) target(%dma_start3A_1314 : memref<128x64xf32, #tpu.memory_space<vmem>>) offsets(%dma_start3A_1316 : memref<128xi32, #tpu.memory_space<vmem>>) semaphore(%arg16 : memref<!tpu.dma_semaphore, #tpu.memory_space<semaphore_mem>>)
      } else {
      }
      %scan3A_1300 = arith.constant 0 : i32
      scf.yield %scan3A_1300 : i32
    }
    %scan3A_843 = arith.constant 8 : i32
    %dma_wait3A_844 = arith.constant 0 : i32
    %dma_wait3A_845 = arith.constant 0 : i32
    %dma_wait3A_846 = arith.constant 0 : i32
    %dma_wait3A_847 = arith.constant 0 : i32
    %dma_wait3A_848 = arith.constant 0 : i32
    %dma_wait3A_849 = tpu.memref_slice %arg10[%dma_wait3A_844, %dma_wait3A_847, %dma_wait3A_848] : memref<4x128x64xf32, #tpu.memory_space<vmem>> -> memref<1x128x64xf32, #tpu.memory_space<vmem>>
    %dma_wait3A_850 = tpu.memref_squeeze %dma_wait3A_849 : memref<1x128x64xf32, #tpu.memory_space<vmem>> -> memref<128x64xf32, #tpu.memory_space<vmem>>
    %dma_wait3A_851 = arith.constant 0 : i32
    %dma_wait3A_852 = tpu.memref_slice %arg9[%dma_wait3A_845, %dma_wait3A_846, %dma_wait3A_851] : memref<2x32x128xi32, #tpu.memory_space<vmem>> -> memref<1x1x128xi32, #tpu.memory_space<vmem>>
    %dma_wait3A_853 = tpu.memref_squeeze %dma_wait3A_852 : memref<1x1x128xi32, #tpu.memory_space<vmem>> -> memref<128xi32, #tpu.memory_space<vmem>>
    %dma_wait3A_854 = arith.constant 0 : i32
    %dma_wait3A_855 = arith.constant 0 : i32
    %dma_wait3A_856 = tpu.memref_slice %arg13[%dma_wait3A_854, %dma_wait3A_855] : memref<10240x64xf32, #tpu.memory_space<vmem_shared>> -> memref<10240x64xf32, #tpu.memory_space<vmem_shared>>
    tpu.wait_indirect_dma semaphore(%arg18 : memref<!tpu.dma_semaphore, #tpu.memory_space<semaphore_mem>>) src(%dma_wait3A_850 : memref<128x64xf32, #tpu.memory_space<vmem>>) dst(%dma_wait3A_856 : memref<10240x64xf32, #tpu.memory_space<vmem_shared>>)
    %dma_wait3A_857 = arith.constant 1 : i32
    %dma_wait3A_858 = arith.constant 0 : i32
    %dma_wait3A_859 = arith.constant 0 : i32
    %dma_wait3A_860 = arith.constant 0 : i32
    %dma_wait3A_861 = arith.constant 0 : i32
    %dma_wait3A_862 = tpu.memref_slice %arg10[%dma_wait3A_857, %dma_wait3A_860, %dma_wait3A_861] : memref<4x128x64xf32, #tpu.memory_space<vmem>> -> memref<1x128x64xf32, #tpu.memory_space<vmem>>
    %dma_wait3A_863 = tpu.memref_squeeze %dma_wait3A_862 : memref<1x128x64xf32, #tpu.memory_space<vmem>> -> memref<128x64xf32, #tpu.memory_space<vmem>>
    %dma_wait3A_864 = arith.constant 0 : i32
    %dma_wait3A_865 = tpu.memref_slice %arg9[%dma_wait3A_858, %dma_wait3A_859, %dma_wait3A_864] : memref<2x32x128xi32, #tpu.memory_space<vmem>> -> memref<1x1x128xi32, #tpu.memory_space<vmem>>
    %dma_wait3A_866 = tpu.memref_squeeze %dma_wait3A_865 : memref<1x1x128xi32, #tpu.memory_space<vmem>> -> memref<128xi32, #tpu.memory_space<vmem>>
    %dma_wait3A_867 = arith.constant 0 : i32
    %dma_wait3A_868 = arith.constant 0 : i32
    %dma_wait3A_869 = tpu.memref_slice %arg13[%dma_wait3A_867, %dma_wait3A_868] : memref<10240x64xf32, #tpu.memory_space<vmem_shared>> -> memref<10240x64xf32, #tpu.memory_space<vmem_shared>>
    tpu.wait_indirect_dma semaphore(%arg19 : memref<!tpu.dma_semaphore, #tpu.memory_space<semaphore_mem>>) src(%dma_wait3A_863 : memref<128x64xf32, #tpu.memory_space<vmem>>) dst(%dma_wait3A_869 : memref<10240x64xf32, #tpu.memory_space<vmem_shared>>)
    %dma_wait3A_870 = arith.constant 2 : i32
    %dma_wait3A_871 = arith.constant 0 : i32
    %dma_wait3A_872 = arith.constant 0 : i32
    %dma_wait3A_873 = arith.constant 0 : i32
    %dma_wait3A_874 = arith.constant 0 : i32
    %dma_wait3A_875 = tpu.memref_slice %arg10[%dma_wait3A_870, %dma_wait3A_873, %dma_wait3A_874] : memref<4x128x64xf32, #tpu.memory_space<vmem>> -> memref<1x128x64xf32, #tpu.memory_space<vmem>>
    %dma_wait3A_876 = tpu.memref_squeeze %dma_wait3A_875 : memref<1x128x64xf32, #tpu.memory_space<vmem>> -> memref<128x64xf32, #tpu.memory_space<vmem>>
    %dma_wait3A_877 = arith.constant 0 : i32
    %dma_wait3A_878 = tpu.memref_slice %arg9[%dma_wait3A_871, %dma_wait3A_872, %dma_wait3A_877] : memref<2x32x128xi32, #tpu.memory_space<vmem>> -> memref<1x1x128xi32, #tpu.memory_space<vmem>>
    %dma_wait3A_879 = tpu.memref_squeeze %dma_wait3A_878 : memref<1x1x128xi32, #tpu.memory_space<vmem>> -> memref<128xi32, #tpu.memory_space<vmem>>
    %dma_wait3A_880 = arith.constant 0 : i32
    %dma_wait3A_881 = arith.constant 0 : i32
    %dma_wait3A_882 = tpu.memref_slice %arg13[%dma_wait3A_880, %dma_wait3A_881] : memref<10240x64xf32, #tpu.memory_space<vmem_shared>> -> memref<10240x64xf32, #tpu.memory_space<vmem_shared>>
    tpu.wait_indirect_dma semaphore(%arg20 : memref<!tpu.dma_semaphore, #tpu.memory_space<semaphore_mem>>) src(%dma_wait3A_876 : memref<128x64xf32, #tpu.memory_space<vmem>>) dst(%dma_wait3A_882 : memref<10240x64xf32, #tpu.memory_space<vmem_shared>>)
    %dma_wait3A_883 = arith.constant 3 : i32
    %dma_wait3A_884 = arith.constant 0 : i32
    %dma_wait3A_885 = arith.constant 0 : i32
    %dma_wait3A_886 = arith.constant 0 : i32
    %dma_wait3A_887 = arith.constant 0 : i32
    %dma_wait3A_888 = tpu.memref_slice %arg10[%dma_wait3A_883, %dma_wait3A_886, %dma_wait3A_887] : memref<4x128x64xf32, #tpu.memory_space<vmem>> -> memref<1x128x64xf32, #tpu.memory_space<vmem>>
    %dma_wait3A_889 = tpu.memref_squeeze %dma_wait3A_888 : memref<1x128x64xf32, #tpu.memory_space<vmem>> -> memref<128x64xf32, #tpu.memory_space<vmem>>
    %dma_wait3A_890 = arith.constant 0 : i32
    %dma_wait3A_891 = tpu.memref_slice %arg9[%dma_wait3A_884, %dma_wait3A_885, %dma_wait3A_890] : memref<2x32x128xi32, #tpu.memory_space<vmem>> -> memref<1x1x128xi32, #tpu.memory_space<vmem>>
    %dma_wait3A_892 = tpu.memref_squeeze %dma_wait3A_891 : memref<1x1x128xi32, #tpu.memory_space<vmem>> -> memref<128xi32, #tpu.memory_space<vmem>>
    %dma_wait3A_893 = arith.constant 0 : i32
    %dma_wait3A_894 = arith.constant 0 : i32
    %dma_wait3A_895 = tpu.memref_slice %arg13[%dma_wait3A_893, %dma_wait3A_894] : memref<10240x64xf32, #tpu.memory_space<vmem_shared>> -> memref<10240x64xf32, #tpu.memory_space<vmem_shared>>
    tpu.wait_indirect_dma semaphore(%arg21 : memref<!tpu.dma_semaphore, #tpu.memory_space<semaphore_mem>>) src(%dma_wait3A_889 : memref<128x64xf32, #tpu.memory_space<vmem>>) dst(%dma_wait3A_895 : memref<10240x64xf32, #tpu.memory_space<vmem_shared>>)
    %dma_wait3A_896 = arith.constant 1 : i32
    %dma_wait3A_897 = arith.constant 0 : i32
    %dma_wait3A_898 = tpu.memref_slice %arg8[%dma_wait3A_896, %dma_wait3A_897] : memref<2x4096xi32, #tpu.memory_space<vmem>> -> memref<1x4096xi32, #tpu.memory_space<vmem>>
    %dma_wait3A_899 = tpu.memref_squeeze %dma_wait3A_898 : memref<1x4096xi32, #tpu.memory_space<vmem>> -> memref<4096xi32, #tpu.memory_space<vmem>>
    %dma_wait3A_900 = arith.constant 0 : i32
    %dma_wait3A_901 = tpu.memref_slice %arg2[%dma_wait3A_900] : memref<320000xi32, #tpu.memory_space<hbm>> -> memref<4096xi32, #tpu.memory_space<hbm>>
    %dma_wait3A_902 = arith.constant 0 : i32
    %dma_wait3A_903 = tpu.memref_slice %arg8[%dma_wait3A_896, %dma_wait3A_902] : memref<2x4096xi32, #tpu.memory_space<vmem>> -> memref<1x4096xi32, #tpu.memory_space<vmem>>
    %dma_wait3A_904 = tpu.memref_squeeze %dma_wait3A_903 : memref<1x4096xi32, #tpu.memory_space<vmem>> -> memref<4096xi32, #tpu.memory_space<vmem>>
    %dma_wait3A_905 = arith.constant 0 : i32
    %dma_wait3A_906 = tpu.memref_slice %arg2[%dma_wait3A_905] : memref<320000xi32, #tpu.memory_space<hbm>> -> memref<4096xi32, #tpu.memory_space<hbm>>
    tpu.wait_dma2 semaphore(%arg23 : memref<!tpu.dma_semaphore, #tpu.memory_space<semaphore_mem>>) src(%dma_wait3A_906 : memref<4096xi32, #tpu.memory_space<hbm>>) dst(%dma_wait3A_904 : memref<4096xi32, #tpu.memory_space<vmem>>)
    %dma_wait3A_907 = arith.constant 1 : i32
    %dma_wait3A_908 = arith.constant 0 : i32
    %dma_wait3A_909 = arith.constant 0 : i32
    %dma_wait3A_910 = tpu.memref_slice %arg9[%dma_wait3A_907, %dma_wait3A_908, %dma_wait3A_909] : memref<2x32x128xi32, #tpu.memory_space<vmem>> -> memref<1x32x128xi32, #tpu.memory_space<vmem>>
    %dma_wait3A_911 = tpu.memref_squeeze %dma_wait3A_910 : memref<1x32x128xi32, #tpu.memory_space<vmem>> -> memref<32x128xi32, #tpu.memory_space<vmem>>
    %dma_wait3A_912 = arith.constant 0 : i32
    %dma_wait3A_913 = arith.constant 0 : i32
    %dma_wait3A_914 = tpu.memref_slice %arg3[%dma_wait3A_912, %dma_wait3A_913] : memref<2400x128xi32, #tpu.memory_space<hbm>> -> memref<32x128xi32, #tpu.memory_space<hbm>>
    %dma_wait3A_915 = arith.constant 0 : i32
    %dma_wait3A_916 = arith.constant 0 : i32
    %dma_wait3A_917 = tpu.memref_slice %arg9[%dma_wait3A_907, %dma_wait3A_915, %dma_wait3A_916] : memref<2x32x128xi32, #tpu.memory_space<vmem>> -> memref<1x32x128xi32, #tpu.memory_space<vmem>>
    %dma_wait3A_918 = tpu.memref_squeeze %dma_wait3A_917 : memref<1x32x128xi32, #tpu.memory_space<vmem>> -> memref<32x128xi32, #tpu.memory_space<vmem>>
    %dma_wait3A_919 = arith.constant 0 : i32
    %dma_wait3A_920 = arith.constant 0 : i32
    %dma_wait3A_921 = tpu.memref_slice %arg3[%dma_wait3A_919, %dma_wait3A_920] : memref<2400x128xi32, #tpu.memory_space<hbm>> -> memref<32x128xi32, #tpu.memory_space<hbm>>
    tpu.wait_dma2 semaphore(%arg25 : memref<!tpu.dma_semaphore, #tpu.memory_space<semaphore_mem>>) src(%dma_wait3A_921 : memref<32x128xi32, #tpu.memory_space<hbm>>) dst(%dma_wait3A_918 : memref<32x128xi32, #tpu.memory_space<vmem>>)
    %lt3A_922 = arith.constant 15 : i32
    %lt3A_923 = arith.cmpi slt, %arg1, %lt3A_922 : i32
    %convert_element_type3A_924 = arith.extui %lt3A_923 : i1 to i32
    %cond3A_925 = arith.constant 0 : i32
    %cond3A_926 = arith.cmpi ne, %convert_element_type3A_924, %cond3A_925 : i32
    scf.if %cond3A_926 {
      %add3A_1157 = arith.constant 16384 : i32
      %add3A_1158 = arith.addi %mul3A_0, %add3A_1157 : i32
      %dma_start3A_1159 = arith.constant 0 : i32
      %dma_start3A_1160 = arith.constant 0 : i32
      %dma_start3A_1161 = tpu.memref_slice %arg8[%dma_start3A_1159, %dma_start3A_1160] : memref<2x4096xi32, #tpu.memory_space<vmem>> -> memref<1x4096xi32, #tpu.memory_space<vmem>>
      %dma_start3A_1162 = tpu.memref_squeeze %dma_start3A_1161 : memref<1x4096xi32, #tpu.memory_space<vmem>> -> memref<4096xi32, #tpu.memory_space<vmem>>
      %dma_start3A_1163 = tpu.memref_slice %arg2[%add3A_1158] : memref<320000xi32, #tpu.memory_space<hbm>> -> memref<4096xi32, #tpu.memory_space<hbm>>
      %dma_start3A_1164 = arith.constant 0 : i32
      %dma_start3A_1165 = tpu.memref_slice %arg8[%dma_start3A_1159, %dma_start3A_1164] : memref<2x4096xi32, #tpu.memory_space<vmem>> -> memref<1x4096xi32, #tpu.memory_space<vmem>>
      %dma_start3A_1166 = tpu.memref_squeeze %dma_start3A_1165 : memref<1x4096xi32, #tpu.memory_space<vmem>> -> memref<4096xi32, #tpu.memory_space<vmem>>
      %dma_start3A_1167 = tpu.memref_slice %arg2[%add3A_1158] : memref<320000xi32, #tpu.memory_space<hbm>> -> memref<4096xi32, #tpu.memory_space<hbm>>
      tpu.enqueue_dma source(%dma_start3A_1167 : memref<4096xi32, #tpu.memory_space<hbm>>) target(%dma_start3A_1166 : memref<4096xi32, #tpu.memory_space<vmem>>) target_semaphore(%arg22 : memref<!tpu.dma_semaphore, #tpu.memory_space<semaphore_mem>>)
      %mul3A_1168 = arith.constant 160 : i32
      %mul3A_1169 = arith.muli %arg1, %mul3A_1168 : i32
      %add3A_1170 = arith.constant 128 : i32
      %add3A_1171 = arith.addi %mul3A_1169, %add3A_1170 : i32
      %dma_start3A_1172 = arith.constant 0 : i32
      %dma_start3A_1173 = arith.constant 0 : i32
      %dma_start3A_1174 = arith.constant 0 : i32
      %dma_start3A_1175 = tpu.memref_slice %arg9[%dma_start3A_1172, %dma_start3A_1173, %dma_start3A_1174] : memref<2x32x128xi32, #tpu.memory_space<vmem>> -> memref<1x32x128xi32, #tpu.memory_space<vmem>>
      %dma_start3A_1176 = tpu.memref_squeeze %dma_start3A_1175 : memref<1x32x128xi32, #tpu.memory_space<vmem>> -> memref<32x128xi32, #tpu.memory_space<vmem>>
      %dma_start3A_1177 = arith.constant 0 : i32
      %dma_start3A_1178 = tpu.memref_slice %arg3[%add3A_1171, %dma_start3A_1177] : memref<2400x128xi32, #tpu.memory_space<hbm>> -> memref<32x128xi32, #tpu.memory_space<hbm>>
      %dma_start3A_1179 = arith.constant 0 : i32
      %dma_start3A_1180 = arith.constant 0 : i32
      %dma_start3A_1181 = tpu.memref_slice %arg9[%dma_start3A_1172, %dma_start3A_1179, %dma_start3A_1180] : memref<2x32x128xi32, #tpu.memory_space<vmem>> -> memref<1x32x128xi32, #tpu.memory_space<vmem>>
      %dma_start3A_1182 = tpu.memref_squeeze %dma_start3A_1181 : memref<1x32x128xi32, #tpu.memory_space<vmem>> -> memref<32x128xi32, #tpu.memory_space<vmem>>
      %dma_start3A_1183 = arith.constant 0 : i32
      %dma_start3A_1184 = tpu.memref_slice %arg3[%add3A_1171, %dma_start3A_1183] : memref<2400x128xi32, #tpu.memory_space<hbm>> -> memref<32x128xi32, #tpu.memory_space<hbm>>
      tpu.enqueue_dma source(%dma_start3A_1184 : memref<32x128xi32, #tpu.memory_space<hbm>>) target(%dma_start3A_1182 : memref<32x128xi32, #tpu.memory_space<vmem>>) target_semaphore(%arg24 : memref<!tpu.dma_semaphore, #tpu.memory_space<semaphore_mem>>)
    } else {
    }
    %ge3A_927 = arith.constant 15 : i32
    %ge3A_928 = arith.cmpi sge, %arg1, %ge3A_927 : i32
    %convert_element_type3A_929 = arith.extui %ge3A_928 : i1 to i32
    %cond3A_930 = arith.constant 0 : i32
    %cond3A_931 = arith.cmpi ne, %convert_element_type3A_929, %cond3A_930 : i32
    scf.if %cond3A_931 {
      %sub3A = arith.constant 15 : i32
      %sub3A_1157 = arith.subi %arg1, %sub3A : i32
      %mul3A_1158 = arith.constant 20480 : i32
      %mul3A_1159 = arith.muli %sub3A_1157, %mul3A_1158 : i32
      %add3A_1160 = arith.constant 16384 : i32
      %add3A_1161 = arith.addi %mul3A_1159, %add3A_1160 : i32
      %dma_start3A_1162 = arith.constant 0 : i32
      %dma_start3A_1163 = arith.constant 0 : i32
      %dma_start3A_1164 = tpu.memref_slice %arg8[%dma_start3A_1162, %dma_start3A_1163] : memref<2x4096xi32, #tpu.memory_space<vmem>> -> memref<1x4096xi32, #tpu.memory_space<vmem>>
      %dma_start3A_1165 = tpu.memref_squeeze %dma_start3A_1164 : memref<1x4096xi32, #tpu.memory_space<vmem>> -> memref<4096xi32, #tpu.memory_space<vmem>>
      %dma_start3A_1166 = tpu.memref_slice %arg4[%add3A_1161] : memref<20480xi32, #tpu.memory_space<hbm>> -> memref<4096xi32, #tpu.memory_space<hbm>>
      %dma_start3A_1167 = arith.constant 0 : i32
      %dma_start3A_1168 = tpu.memref_slice %arg8[%dma_start3A_1162, %dma_start3A_1167] : memref<2x4096xi32, #tpu.memory_space<vmem>> -> memref<1x4096xi32, #tpu.memory_space<vmem>>
      %dma_start3A_1169 = tpu.memref_squeeze %dma_start3A_1168 : memref<1x4096xi32, #tpu.memory_space<vmem>> -> memref<4096xi32, #tpu.memory_space<vmem>>
      %dma_start3A_1170 = tpu.memref_slice %arg4[%add3A_1161] : memref<20480xi32, #tpu.memory_space<hbm>> -> memref<4096xi32, #tpu.memory_space<hbm>>
      tpu.enqueue_dma source(%dma_start3A_1170 : memref<4096xi32, #tpu.memory_space<hbm>>) target(%dma_start3A_1169 : memref<4096xi32, #tpu.memory_space<vmem>>) target_semaphore(%arg22 : memref<!tpu.dma_semaphore, #tpu.memory_space<semaphore_mem>>)
      %mul3A_1171 = arith.constant 160 : i32
      %mul3A_1172 = arith.muli %sub3A_1157, %mul3A_1171 : i32
      %add3A_1173 = arith.constant 128 : i32
      %add3A_1174 = arith.addi %mul3A_1172, %add3A_1173 : i32
      %dma_start3A_1175 = arith.constant 0 : i32
      %dma_start3A_1176 = arith.constant 0 : i32
      %dma_start3A_1177 = arith.constant 0 : i32
      %dma_start3A_1178 = tpu.memref_slice %arg9[%dma_start3A_1175, %dma_start3A_1176, %dma_start3A_1177] : memref<2x32x128xi32, #tpu.memory_space<vmem>> -> memref<1x32x128xi32, #tpu.memory_space<vmem>>
      %dma_start3A_1179 = tpu.memref_squeeze %dma_start3A_1178 : memref<1x32x128xi32, #tpu.memory_space<vmem>> -> memref<32x128xi32, #tpu.memory_space<vmem>>
      %dma_start3A_1180 = arith.constant 0 : i32
      %dma_start3A_1181 = tpu.memref_slice %arg5[%add3A_1174, %dma_start3A_1180] : memref<160x128xi32, #tpu.memory_space<hbm>> -> memref<32x128xi32, #tpu.memory_space<hbm>>
      %dma_start3A_1182 = arith.constant 0 : i32
      %dma_start3A_1183 = arith.constant 0 : i32
      %dma_start3A_1184 = tpu.memref_slice %arg9[%dma_start3A_1175, %dma_start3A_1182, %dma_start3A_1183] : memref<2x32x128xi32, #tpu.memory_space<vmem>> -> memref<1x32x128xi32, #tpu.memory_space<vmem>>
      %dma_start3A_1185 = tpu.memref_squeeze %dma_start3A_1184 : memref<1x32x128xi32, #tpu.memory_space<vmem>> -> memref<32x128xi32, #tpu.memory_space<vmem>>
      %dma_start3A_1186 = arith.constant 0 : i32
      %dma_start3A_1187 = tpu.memref_slice %arg5[%add3A_1174, %dma_start3A_1186] : memref<160x128xi32, #tpu.memory_space<hbm>> -> memref<32x128xi32, #tpu.memory_space<hbm>>
      tpu.enqueue_dma source(%dma_start3A_1187 : memref<32x128xi32, #tpu.memory_space<hbm>>) target(%dma_start3A_1185 : memref<32x128xi32, #tpu.memory_space<vmem>>) target_semaphore(%arg24 : memref<!tpu.dma_semaphore, #tpu.memory_space<semaphore_mem>>)
    } else {
    }
    %multiple_of3A_932 = arith.constant 0 : i32
    %multiple_of3A_933 = tpu.assume_multiple %multiple_of3A_932, 128 : i32
    %dma_start3A_934 = arith.constant 1 : i32
    %dma_start3A_935 = arith.constant 0 : i32
    %dma_start3A_936 = arith.constant 0 : i32
    %dma_start3A_937 = arith.constant 0 : i32
    %dma_start3A_938 = tpu.memref_slice %arg10[%dma_start3A_935, %dma_start3A_936, %dma_start3A_937] : memref<4x128x64xf32, #tpu.memory_space<vmem>> -> memref<1x128x64xf32, #tpu.memory_space<vmem>>
    %dma_start3A_939 = tpu.memref_squeeze %dma_start3A_938 : memref<1x128x64xf32, #tpu.memory_space<vmem>> -> memref<128x64xf32, #tpu.memory_space<vmem>>
    %dma_start3A_940 = tpu.memref_slice %arg8[%dma_start3A_934, %multiple_of3A_933] : memref<2x4096xi32, #tpu.memory_space<vmem>> -> memref<1x128xi32, #tpu.memory_space<vmem>>
    %dma_start3A_941 = tpu.memref_squeeze %dma_start3A_940 : memref<1x128xi32, #tpu.memory_space<vmem>> -> memref<128xi32, #tpu.memory_space<vmem>>
    %dma_start3A_942 = arith.constant 0 : i32
    %dma_start3A_943 = arith.constant 0 : i32
    %dma_start3A_944 = tpu.memref_slice %arg12[%dma_start3A_942, %dma_start3A_943] : memref<10000x64xf32, #tpu.memory_space<vmem_shared>> -> memref<10000x64xf32, #tpu.memory_space<vmem_shared>>
    tpu.enqueue_indirect_dma source(%dma_start3A_944 : memref<10000x64xf32, #tpu.memory_space<vmem_shared>>) target(%dma_start3A_939 : memref<128x64xf32, #tpu.memory_space<vmem>>) offsets(%dma_start3A_941 : memref<128xi32, #tpu.memory_space<vmem>>) semaphore(%arg14 : memref<!tpu.dma_semaphore, #tpu.memory_space<semaphore_mem>>)
    %multiple_of3A_945 = arith.constant 128 : i32
    %multiple_of3A_946 = tpu.assume_multiple %multiple_of3A_945, 128 : i32
    %dma_start3A_947 = arith.constant 1 : i32
    %dma_start3A_948 = arith.constant 1 : i32
    %dma_start3A_949 = arith.constant 0 : i32
    %dma_start3A_950 = arith.constant 0 : i32
    %dma_start3A_951 = tpu.memref_slice %arg10[%dma_start3A_948, %dma_start3A_949, %dma_start3A_950] : memref<4x128x64xf32, #tpu.memory_space<vmem>> -> memref<1x128x64xf32, #tpu.memory_space<vmem>>
    %dma_start3A_952 = tpu.memref_squeeze %dma_start3A_951 : memref<1x128x64xf32, #tpu.memory_space<vmem>> -> memref<128x64xf32, #tpu.memory_space<vmem>>
    %dma_start3A_953 = tpu.memref_slice %arg8[%dma_start3A_947, %multiple_of3A_946] : memref<2x4096xi32, #tpu.memory_space<vmem>> -> memref<1x128xi32, #tpu.memory_space<vmem>>
    %dma_start3A_954 = tpu.memref_squeeze %dma_start3A_953 : memref<1x128xi32, #tpu.memory_space<vmem>> -> memref<128xi32, #tpu.memory_space<vmem>>
    %dma_start3A_955 = arith.constant 0 : i32
    %dma_start3A_956 = arith.constant 0 : i32
    %dma_start3A_957 = tpu.memref_slice %arg12[%dma_start3A_955, %dma_start3A_956] : memref<10000x64xf32, #tpu.memory_space<vmem_shared>> -> memref<10000x64xf32, #tpu.memory_space<vmem_shared>>
    tpu.enqueue_indirect_dma source(%dma_start3A_957 : memref<10000x64xf32, #tpu.memory_space<vmem_shared>>) target(%dma_start3A_952 : memref<128x64xf32, #tpu.memory_space<vmem>>) offsets(%dma_start3A_954 : memref<128xi32, #tpu.memory_space<vmem>>) semaphore(%arg15 : memref<!tpu.dma_semaphore, #tpu.memory_space<semaphore_mem>>)
    %multiple_of3A_958 = arith.constant 256 : i32
    %multiple_of3A_959 = tpu.assume_multiple %multiple_of3A_958, 128 : i32
    %dma_start3A_960 = arith.constant 1 : i32
    %dma_start3A_961 = arith.constant 2 : i32
    %dma_start3A_962 = arith.constant 0 : i32
    %dma_start3A_963 = arith.constant 0 : i32
    %dma_start3A_964 = tpu.memref_slice %arg10[%dma_start3A_961, %dma_start3A_962, %dma_start3A_963] : memref<4x128x64xf32, #tpu.memory_space<vmem>> -> memref<1x128x64xf32, #tpu.memory_space<vmem>>
    %dma_start3A_965 = tpu.memref_squeeze %dma_start3A_964 : memref<1x128x64xf32, #tpu.memory_space<vmem>> -> memref<128x64xf32, #tpu.memory_space<vmem>>
    %dma_start3A_966 = tpu.memref_slice %arg8[%dma_start3A_960, %multiple_of3A_959] : memref<2x4096xi32, #tpu.memory_space<vmem>> -> memref<1x128xi32, #tpu.memory_space<vmem>>
    %dma_start3A_967 = tpu.memref_squeeze %dma_start3A_966 : memref<1x128xi32, #tpu.memory_space<vmem>> -> memref<128xi32, #tpu.memory_space<vmem>>
    %dma_start3A_968 = arith.constant 0 : i32
    %dma_start3A_969 = arith.constant 0 : i32
    %dma_start3A_970 = tpu.memref_slice %arg12[%dma_start3A_968, %dma_start3A_969] : memref<10000x64xf32, #tpu.memory_space<vmem_shared>> -> memref<10000x64xf32, #tpu.memory_space<vmem_shared>>
    tpu.enqueue_indirect_dma source(%dma_start3A_970 : memref<10000x64xf32, #tpu.memory_space<vmem_shared>>) target(%dma_start3A_965 : memref<128x64xf32, #tpu.memory_space<vmem>>) offsets(%dma_start3A_967 : memref<128xi32, #tpu.memory_space<vmem>>) semaphore(%arg16 : memref<!tpu.dma_semaphore, #tpu.memory_space<semaphore_mem>>)
    %scan3A_971 = arith.constant 0 : i32
    %scan3A_972 = arith.constant 0 : i32
    %scan3A_973 = arith.constant 8 : i32
    %scan3A_974 = arith.addi %scan3A_972, %scan3A_973 : i32
    %scan3A_975 = arith.constant 1 : i32
    %scan3A_976 = scf.for %scan3A_1157 = %scan3A_972 to %scan3A_974 step %scan3A_975 iter_args(%scan3A_1158 = %scan3A_971) -> (i32)  : i32 {
      %mul3A_1159 = arith.constant 4 : i32
      %mul3A_1160 = arith.muli %scan3A_1157, %mul3A_1159 : i32
      %add3A_1161 = arith.constant 0 : i32
      %add3A_1162 = arith.addi %mul3A_1160, %add3A_1161 : i32
      %dma_wait3A_1163 = arith.constant 1 : i32
      %dma_wait3A_1164 = arith.constant 0 : i32
      %dma_wait3A_1165 = arith.constant 0 : i32
      %dma_wait3A_1166 = arith.constant 0 : i32
      %dma_wait3A_1167 = tpu.memref_slice %arg10[%dma_wait3A_1164, %dma_wait3A_1165, %dma_wait3A_1166] : memref<4x128x64xf32, #tpu.memory_space<vmem>> -> memref<1x128x64xf32, #tpu.memory_space<vmem>>
      %dma_wait3A_1168 = tpu.memref_squeeze %dma_wait3A_1167 : memref<1x128x64xf32, #tpu.memory_space<vmem>> -> memref<128x64xf32, #tpu.memory_space<vmem>>
      %dma_wait3A_1169 = arith.constant 0 : i32
      %dma_wait3A_1170 = tpu.memref_slice %arg8[%dma_wait3A_1163, %dma_wait3A_1169] : memref<2x4096xi32, #tpu.memory_space<vmem>> -> memref<1x128xi32, #tpu.memory_space<vmem>>
      %dma_wait3A_1171 = tpu.memref_squeeze %dma_wait3A_1170 : memref<1x128xi32, #tpu.memory_space<vmem>> -> memref<128xi32, #tpu.memory_space<vmem>>
      %dma_wait3A_1172 = arith.constant 0 : i32
      %dma_wait3A_1173 = arith.constant 0 : i32
      %dma_wait3A_1174 = tpu.memref_slice %arg12[%dma_wait3A_1172, %dma_wait3A_1173] : memref<10000x64xf32, #tpu.memory_space<vmem_shared>> -> memref<10000x64xf32, #tpu.memory_space<vmem_shared>>
      tpu.wait_indirect_dma semaphore(%arg14 : memref<!tpu.dma_semaphore, #tpu.memory_space<semaphore_mem>>) src(%dma_wait3A_1174 : memref<10000x64xf32, #tpu.memory_space<vmem_shared>>) dst(%dma_wait3A_1168 : memref<128x64xf32, #tpu.memory_space<vmem>>)
      %dma_start3A_1175 = arith.constant 0 : i32
      %dma_start3A_1176 = arith.constant 1 : i32
      %dma_start3A_1177 = arith.constant 0 : i32
      %dma_start3A_1178 = arith.constant 0 : i32
      %dma_start3A_1179 = tpu.memref_slice %arg10[%dma_start3A_1175, %dma_start3A_1177, %dma_start3A_1178] : memref<4x128x64xf32, #tpu.memory_space<vmem>> -> memref<1x128x64xf32, #tpu.memory_space<vmem>>
      %dma_start3A_1180 = tpu.memref_squeeze %dma_start3A_1179 : memref<1x128x64xf32, #tpu.memory_space<vmem>> -> memref<128x64xf32, #tpu.memory_space<vmem>>
      %dma_start3A_1181 = arith.constant 0 : i32
      %dma_start3A_1182 = tpu.memref_slice %arg9[%dma_start3A_1176, %add3A_1162, %dma_start3A_1181] : memref<2x32x128xi32, #tpu.memory_space<vmem>> -> memref<1x1x128xi32, #tpu.memory_space<vmem>>
      %dma_start3A_1183 = tpu.memref_squeeze %dma_start3A_1182 : memref<1x1x128xi32, #tpu.memory_space<vmem>> -> memref<128xi32, #tpu.memory_space<vmem>>
      %dma_start3A_1184 = arith.constant 0 : i32
      %dma_start3A_1185 = arith.constant 0 : i32
      %dma_start3A_1186 = tpu.memref_slice %arg13[%dma_start3A_1184, %dma_start3A_1185] : memref<10240x64xf32, #tpu.memory_space<vmem_shared>> -> memref<10240x64xf32, #tpu.memory_space<vmem_shared>>
      tpu.enqueue_indirect_dma source(%dma_start3A_1180 : memref<128x64xf32, #tpu.memory_space<vmem>>) target(%dma_start3A_1186 : memref<10240x64xf32, #tpu.memory_space<vmem_shared>>) offsets(%dma_start3A_1183 : memref<128xi32, #tpu.memory_space<vmem>>) semaphore(%arg18 : memref<!tpu.dma_semaphore, #tpu.memory_space<semaphore_mem>>) {add = true}
      %add3A_1187 = arith.constant 4 : i32
      %add3A_1188 = arith.addi %add3A_1162, %add3A_1187 : i32
      %sub3A = arith.constant 1 : i32
      %sub3A_1189 = arith.subi %add3A_1188, %sub3A : i32
      %lt3A_1190 = arith.constant 32 : i32
      %lt3A_1191 = arith.cmpi slt, %sub3A_1189, %lt3A_1190 : i32
      %convert_element_type3A_1192 = arith.extui %lt3A_1191 : i1 to i32
      %cond3A_1193 = arith.constant 0 : i32
      %cond3A_1194 = arith.cmpi ne, %convert_element_type3A_1192, %cond3A_1193 : i32
      scf.if %cond3A_1194 {
        %ge3A_1301 = arith.constant 4 : i32
        %ge3A_1302 = arith.cmpi sge, %sub3A_1189, %ge3A_1301 : i32
        %convert_element_type3A_1303 = arith.extui %ge3A_1302 : i1 to i32
        %cond3A_1304 = arith.constant 0 : i32
        %cond3A_1305 = arith.cmpi ne, %convert_element_type3A_1303, %cond3A_1304 : i32
        scf.if %cond3A_1305 {
          %dma_wait3A_1320 = arith.constant 3 : i32
          %dma_wait3A_1321 = arith.constant 1 : i32
          %dma_wait3A_1322 = arith.constant 0 : i32
          %dma_wait3A_1323 = arith.constant 0 : i32
          %dma_wait3A_1324 = arith.constant 0 : i32
          %dma_wait3A_1325 = tpu.memref_slice %arg10[%dma_wait3A_1320, %dma_wait3A_1323, %dma_wait3A_1324] : memref<4x128x64xf32, #tpu.memory_space<vmem>> -> memref<1x128x64xf32, #tpu.memory_space<vmem>>
          %dma_wait3A_1326 = tpu.memref_squeeze %dma_wait3A_1325 : memref<1x128x64xf32, #tpu.memory_space<vmem>> -> memref<128x64xf32, #tpu.memory_space<vmem>>
          %dma_wait3A_1327 = arith.constant 0 : i32
          %dma_wait3A_1328 = tpu.memref_slice %arg9[%dma_wait3A_1321, %dma_wait3A_1322, %dma_wait3A_1327] : memref<2x32x128xi32, #tpu.memory_space<vmem>> -> memref<1x1x128xi32, #tpu.memory_space<vmem>>
          %dma_wait3A_1329 = tpu.memref_squeeze %dma_wait3A_1328 : memref<1x1x128xi32, #tpu.memory_space<vmem>> -> memref<128xi32, #tpu.memory_space<vmem>>
          %dma_wait3A_1330 = arith.constant 0 : i32
          %dma_wait3A_1331 = arith.constant 0 : i32
          %dma_wait3A_1332 = tpu.memref_slice %arg13[%dma_wait3A_1330, %dma_wait3A_1331] : memref<10240x64xf32, #tpu.memory_space<vmem_shared>> -> memref<10240x64xf32, #tpu.memory_space<vmem_shared>>
          tpu.wait_indirect_dma semaphore(%arg21 : memref<!tpu.dma_semaphore, #tpu.memory_space<semaphore_mem>>) src(%dma_wait3A_1326 : memref<128x64xf32, #tpu.memory_space<vmem>>) dst(%dma_wait3A_1332 : memref<10240x64xf32, #tpu.memory_space<vmem_shared>>)
        } else {
        }
        %mul3A_1306 = arith.constant 128 : i32
        %mul3A_1307 = arith.muli %sub3A_1189, %mul3A_1306 : i32
        %multiple_of3A_1308 = tpu.assume_multiple %mul3A_1307, 128 : i32
        %dma_start3A_1309 = arith.constant 1 : i32
        %dma_start3A_1310 = arith.constant 3 : i32
        %dma_start3A_1311 = arith.constant 0 : i32
        %dma_start3A_1312 = arith.constant 0 : i32
        %dma_start3A_1313 = tpu.memref_slice %arg10[%dma_start3A_1310, %dma_start3A_1311, %dma_start3A_1312] : memref<4x128x64xf32, #tpu.memory_space<vmem>> -> memref<1x128x64xf32, #tpu.memory_space<vmem>>
        %dma_start3A_1314 = tpu.memref_squeeze %dma_start3A_1313 : memref<1x128x64xf32, #tpu.memory_space<vmem>> -> memref<128x64xf32, #tpu.memory_space<vmem>>
        %dma_start3A_1315 = tpu.memref_slice %arg8[%dma_start3A_1309, %multiple_of3A_1308] : memref<2x4096xi32, #tpu.memory_space<vmem>> -> memref<1x128xi32, #tpu.memory_space<vmem>>
        %dma_start3A_1316 = tpu.memref_squeeze %dma_start3A_1315 : memref<1x128xi32, #tpu.memory_space<vmem>> -> memref<128xi32, #tpu.memory_space<vmem>>
        %dma_start3A_1317 = arith.constant 0 : i32
        %dma_start3A_1318 = arith.constant 0 : i32
        %dma_start3A_1319 = tpu.memref_slice %arg12[%dma_start3A_1317, %dma_start3A_1318] : memref<10000x64xf32, #tpu.memory_space<vmem_shared>> -> memref<10000x64xf32, #tpu.memory_space<vmem_shared>>
        tpu.enqueue_indirect_dma source(%dma_start3A_1319 : memref<10000x64xf32, #tpu.memory_space<vmem_shared>>) target(%dma_start3A_1314 : memref<128x64xf32, #tpu.memory_space<vmem>>) offsets(%dma_start3A_1316 : memref<128xi32, #tpu.memory_space<vmem>>) semaphore(%arg17 : memref<!tpu.dma_semaphore, #tpu.memory_space<semaphore_mem>>)
      } else {
      }
      %add3A_1195 = arith.constant 1 : i32
      %add3A_1196 = arith.addi %mul3A_1160, %add3A_1195 : i32
      %dma_wait3A_1197 = arith.constant 1 : i32
      %dma_wait3A_1198 = arith.constant 1 : i32
      %dma_wait3A_1199 = arith.constant 0 : i32
      %dma_wait3A_1200 = arith.constant 0 : i32
      %dma_wait3A_1201 = tpu.memref_slice %arg10[%dma_wait3A_1198, %dma_wait3A_1199, %dma_wait3A_1200] : memref<4x128x64xf32, #tpu.memory_space<vmem>> -> memref<1x128x64xf32, #tpu.memory_space<vmem>>
      %dma_wait3A_1202 = tpu.memref_squeeze %dma_wait3A_1201 : memref<1x128x64xf32, #tpu.memory_space<vmem>> -> memref<128x64xf32, #tpu.memory_space<vmem>>
      %dma_wait3A_1203 = arith.constant 0 : i32
      %dma_wait3A_1204 = tpu.memref_slice %arg8[%dma_wait3A_1197, %dma_wait3A_1203] : memref<2x4096xi32, #tpu.memory_space<vmem>> -> memref<1x128xi32, #tpu.memory_space<vmem>>
      %dma_wait3A_1205 = tpu.memref_squeeze %dma_wait3A_1204 : memref<1x128xi32, #tpu.memory_space<vmem>> -> memref<128xi32, #tpu.memory_space<vmem>>
      %dma_wait3A_1206 = arith.constant 0 : i32
      %dma_wait3A_1207 = arith.constant 0 : i32
      %dma_wait3A_1208 = tpu.memref_slice %arg12[%dma_wait3A_1206, %dma_wait3A_1207] : memref<10000x64xf32, #tpu.memory_space<vmem_shared>> -> memref<10000x64xf32, #tpu.memory_space<vmem_shared>>
      tpu.wait_indirect_dma semaphore(%arg15 : memref<!tpu.dma_semaphore, #tpu.memory_space<semaphore_mem>>) src(%dma_wait3A_1208 : memref<10000x64xf32, #tpu.memory_space<vmem_shared>>) dst(%dma_wait3A_1202 : memref<128x64xf32, #tpu.memory_space<vmem>>)
      %dma_start3A_1209 = arith.constant 1 : i32
      %dma_start3A_1210 = arith.constant 1 : i32
      %dma_start3A_1211 = arith.constant 0 : i32
      %dma_start3A_1212 = arith.constant 0 : i32
      %dma_start3A_1213 = tpu.memref_slice %arg10[%dma_start3A_1209, %dma_start3A_1211, %dma_start3A_1212] : memref<4x128x64xf32, #tpu.memory_space<vmem>> -> memref<1x128x64xf32, #tpu.memory_space<vmem>>
      %dma_start3A_1214 = tpu.memref_squeeze %dma_start3A_1213 : memref<1x128x64xf32, #tpu.memory_space<vmem>> -> memref<128x64xf32, #tpu.memory_space<vmem>>
      %dma_start3A_1215 = arith.constant 0 : i32
      %dma_start3A_1216 = tpu.memref_slice %arg9[%dma_start3A_1210, %add3A_1196, %dma_start3A_1215] : memref<2x32x128xi32, #tpu.memory_space<vmem>> -> memref<1x1x128xi32, #tpu.memory_space<vmem>>
      %dma_start3A_1217 = tpu.memref_squeeze %dma_start3A_1216 : memref<1x1x128xi32, #tpu.memory_space<vmem>> -> memref<128xi32, #tpu.memory_space<vmem>>
      %dma_start3A_1218 = arith.constant 0 : i32
      %dma_start3A_1219 = arith.constant 0 : i32
      %dma_start3A_1220 = tpu.memref_slice %arg13[%dma_start3A_1218, %dma_start3A_1219] : memref<10240x64xf32, #tpu.memory_space<vmem_shared>> -> memref<10240x64xf32, #tpu.memory_space<vmem_shared>>
      tpu.enqueue_indirect_dma source(%dma_start3A_1214 : memref<128x64xf32, #tpu.memory_space<vmem>>) target(%dma_start3A_1220 : memref<10240x64xf32, #tpu.memory_space<vmem_shared>>) offsets(%dma_start3A_1217 : memref<128xi32, #tpu.memory_space<vmem>>) semaphore(%arg19 : memref<!tpu.dma_semaphore, #tpu.memory_space<semaphore_mem>>) {add = true}
      %add3A_1221 = arith.constant 4 : i32
      %add3A_1222 = arith.addi %add3A_1196, %add3A_1221 : i32
      %sub3A_1223 = arith.constant 1 : i32
      %sub3A_1224 = arith.subi %add3A_1222, %sub3A_1223 : i32
      %lt3A_1225 = arith.constant 32 : i32
      %lt3A_1226 = arith.cmpi slt, %sub3A_1224, %lt3A_1225 : i32
      %convert_element_type3A_1227 = arith.extui %lt3A_1226 : i1 to i32
      %cond3A_1228 = arith.constant 0 : i32
      %cond3A_1229 = arith.cmpi ne, %convert_element_type3A_1227, %cond3A_1228 : i32
      scf.if %cond3A_1229 {
        %ge3A_1301 = arith.constant 4 : i32
        %ge3A_1302 = arith.cmpi sge, %sub3A_1224, %ge3A_1301 : i32
        %convert_element_type3A_1303 = arith.extui %ge3A_1302 : i1 to i32
        %cond3A_1304 = arith.constant 0 : i32
        %cond3A_1305 = arith.cmpi ne, %convert_element_type3A_1303, %cond3A_1304 : i32
        scf.if %cond3A_1305 {
          %dma_wait3A_1320 = arith.constant 0 : i32
          %dma_wait3A_1321 = arith.constant 1 : i32
          %dma_wait3A_1322 = arith.constant 0 : i32
          %dma_wait3A_1323 = arith.constant 0 : i32
          %dma_wait3A_1324 = arith.constant 0 : i32
          %dma_wait3A_1325 = tpu.memref_slice %arg10[%dma_wait3A_1320, %dma_wait3A_1323, %dma_wait3A_1324] : memref<4x128x64xf32, #tpu.memory_space<vmem>> -> memref<1x128x64xf32, #tpu.memory_space<vmem>>
          %dma_wait3A_1326 = tpu.memref_squeeze %dma_wait3A_1325 : memref<1x128x64xf32, #tpu.memory_space<vmem>> -> memref<128x64xf32, #tpu.memory_space<vmem>>
          %dma_wait3A_1327 = arith.constant 0 : i32
          %dma_wait3A_1328 = tpu.memref_slice %arg9[%dma_wait3A_1321, %dma_wait3A_1322, %dma_wait3A_1327] : memref<2x32x128xi32, #tpu.memory_space<vmem>> -> memref<1x1x128xi32, #tpu.memory_space<vmem>>
          %dma_wait3A_1329 = tpu.memref_squeeze %dma_wait3A_1328 : memref<1x1x128xi32, #tpu.memory_space<vmem>> -> memref<128xi32, #tpu.memory_space<vmem>>
          %dma_wait3A_1330 = arith.constant 0 : i32
          %dma_wait3A_1331 = arith.constant 0 : i32
          %dma_wait3A_1332 = tpu.memref_slice %arg13[%dma_wait3A_1330, %dma_wait3A_1331] : memref<10240x64xf32, #tpu.memory_space<vmem_shared>> -> memref<10240x64xf32, #tpu.memory_space<vmem_shared>>
          tpu.wait_indirect_dma semaphore(%arg18 : memref<!tpu.dma_semaphore, #tpu.memory_space<semaphore_mem>>) src(%dma_wait3A_1326 : memref<128x64xf32, #tpu.memory_space<vmem>>) dst(%dma_wait3A_1332 : memref<10240x64xf32, #tpu.memory_space<vmem_shared>>)
        } else {
        }
        %mul3A_1306 = arith.constant 128 : i32
        %mul3A_1307 = arith.muli %sub3A_1224, %mul3A_1306 : i32
        %multiple_of3A_1308 = tpu.assume_multiple %mul3A_1307, 128 : i32
        %dma_start3A_1309 = arith.constant 1 : i32
        %dma_start3A_1310 = arith.constant 0 : i32
        %dma_start3A_1311 = arith.constant 0 : i32
        %dma_start3A_1312 = arith.constant 0 : i32
        %dma_start3A_1313 = tpu.memref_slice %arg10[%dma_start3A_1310, %dma_start3A_1311, %dma_start3A_1312] : memref<4x128x64xf32, #tpu.memory_space<vmem>> -> memref<1x128x64xf32, #tpu.memory_space<vmem>>
        %dma_start3A_1314 = tpu.memref_squeeze %dma_start3A_1313 : memref<1x128x64xf32, #tpu.memory_space<vmem>> -> memref<128x64xf32, #tpu.memory_space<vmem>>
        %dma_start3A_1315 = tpu.memref_slice %arg8[%dma_start3A_1309, %multiple_of3A_1308] : memref<2x4096xi32, #tpu.memory_space<vmem>> -> memref<1x128xi32, #tpu.memory_space<vmem>>
        %dma_start3A_1316 = tpu.memref_squeeze %dma_start3A_1315 : memref<1x128xi32, #tpu.memory_space<vmem>> -> memref<128xi32, #tpu.memory_space<vmem>>
        %dma_start3A_1317 = arith.constant 0 : i32
        %dma_start3A_1318 = arith.constant 0 : i32
        %dma_start3A_1319 = tpu.memref_slice %arg12[%dma_start3A_1317, %dma_start3A_1318] : memref<10000x64xf32, #tpu.memory_space<vmem_shared>> -> memref<10000x64xf32, #tpu.memory_space<vmem_shared>>
        tpu.enqueue_indirect_dma source(%dma_start3A_1319 : memref<10000x64xf32, #tpu.memory_space<vmem_shared>>) target(%dma_start3A_1314 : memref<128x64xf32, #tpu.memory_space<vmem>>) offsets(%dma_start3A_1316 : memref<128xi32, #tpu.memory_space<vmem>>) semaphore(%arg14 : memref<!tpu.dma_semaphore, #tpu.memory_space<semaphore_mem>>)
      } else {
      }
      %add3A_1230 = arith.constant 2 : i32
      %add3A_1231 = arith.addi %mul3A_1160, %add3A_1230 : i32
      %dma_wait3A_1232 = arith.constant 1 : i32
      %dma_wait3A_1233 = arith.constant 2 : i32
      %dma_wait3A_1234 = arith.constant 0 : i32
      %dma_wait3A_1235 = arith.constant 0 : i32
      %dma_wait3A_1236 = tpu.memref_slice %arg10[%dma_wait3A_1233, %dma_wait3A_1234, %dma_wait3A_1235] : memref<4x128x64xf32, #tpu.memory_space<vmem>> -> memref<1x128x64xf32, #tpu.memory_space<vmem>>
      %dma_wait3A_1237 = tpu.memref_squeeze %dma_wait3A_1236 : memref<1x128x64xf32, #tpu.memory_space<vmem>> -> memref<128x64xf32, #tpu.memory_space<vmem>>
      %dma_wait3A_1238 = arith.constant 0 : i32
      %dma_wait3A_1239 = tpu.memref_slice %arg8[%dma_wait3A_1232, %dma_wait3A_1238] : memref<2x4096xi32, #tpu.memory_space<vmem>> -> memref<1x128xi32, #tpu.memory_space<vmem>>
      %dma_wait3A_1240 = tpu.memref_squeeze %dma_wait3A_1239 : memref<1x128xi32, #tpu.memory_space<vmem>> -> memref<128xi32, #tpu.memory_space<vmem>>
      %dma_wait3A_1241 = arith.constant 0 : i32
      %dma_wait3A_1242 = arith.constant 0 : i32
      %dma_wait3A_1243 = tpu.memref_slice %arg12[%dma_wait3A_1241, %dma_wait3A_1242] : memref<10000x64xf32, #tpu.memory_space<vmem_shared>> -> memref<10000x64xf32, #tpu.memory_space<vmem_shared>>
      tpu.wait_indirect_dma semaphore(%arg16 : memref<!tpu.dma_semaphore, #tpu.memory_space<semaphore_mem>>) src(%dma_wait3A_1243 : memref<10000x64xf32, #tpu.memory_space<vmem_shared>>) dst(%dma_wait3A_1237 : memref<128x64xf32, #tpu.memory_space<vmem>>)
      %dma_start3A_1244 = arith.constant 2 : i32
      %dma_start3A_1245 = arith.constant 1 : i32
      %dma_start3A_1246 = arith.constant 0 : i32
      %dma_start3A_1247 = arith.constant 0 : i32
      %dma_start3A_1248 = tpu.memref_slice %arg10[%dma_start3A_1244, %dma_start3A_1246, %dma_start3A_1247] : memref<4x128x64xf32, #tpu.memory_space<vmem>> -> memref<1x128x64xf32, #tpu.memory_space<vmem>>
      %dma_start3A_1249 = tpu.memref_squeeze %dma_start3A_1248 : memref<1x128x64xf32, #tpu.memory_space<vmem>> -> memref<128x64xf32, #tpu.memory_space<vmem>>
      %dma_start3A_1250 = arith.constant 0 : i32
      %dma_start3A_1251 = tpu.memref_slice %arg9[%dma_start3A_1245, %add3A_1231, %dma_start3A_1250] : memref<2x32x128xi32, #tpu.memory_space<vmem>> -> memref<1x1x128xi32, #tpu.memory_space<vmem>>
      %dma_start3A_1252 = tpu.memref_squeeze %dma_start3A_1251 : memref<1x1x128xi32, #tpu.memory_space<vmem>> -> memref<128xi32, #tpu.memory_space<vmem>>
      %dma_start3A_1253 = arith.constant 0 : i32
      %dma_start3A_1254 = arith.constant 0 : i32
      %dma_start3A_1255 = tpu.memref_slice %arg13[%dma_start3A_1253, %dma_start3A_1254] : memref<10240x64xf32, #tpu.memory_space<vmem_shared>> -> memref<10240x64xf32, #tpu.memory_space<vmem_shared>>
      tpu.enqueue_indirect_dma source(%dma_start3A_1249 : memref<128x64xf32, #tpu.memory_space<vmem>>) target(%dma_start3A_1255 : memref<10240x64xf32, #tpu.memory_space<vmem_shared>>) offsets(%dma_start3A_1252 : memref<128xi32, #tpu.memory_space<vmem>>) semaphore(%arg20 : memref<!tpu.dma_semaphore, #tpu.memory_space<semaphore_mem>>) {add = true}
      %add3A_1256 = arith.constant 4 : i32
      %add3A_1257 = arith.addi %add3A_1231, %add3A_1256 : i32
      %sub3A_1258 = arith.constant 1 : i32
      %sub3A_1259 = arith.subi %add3A_1257, %sub3A_1258 : i32
      %lt3A_1260 = arith.constant 32 : i32
      %lt3A_1261 = arith.cmpi slt, %sub3A_1259, %lt3A_1260 : i32
      %convert_element_type3A_1262 = arith.extui %lt3A_1261 : i1 to i32
      %cond3A_1263 = arith.constant 0 : i32
      %cond3A_1264 = arith.cmpi ne, %convert_element_type3A_1262, %cond3A_1263 : i32
      scf.if %cond3A_1264 {
        %ge3A_1301 = arith.constant 4 : i32
        %ge3A_1302 = arith.cmpi sge, %sub3A_1259, %ge3A_1301 : i32
        %convert_element_type3A_1303 = arith.extui %ge3A_1302 : i1 to i32
        %cond3A_1304 = arith.constant 0 : i32
        %cond3A_1305 = arith.cmpi ne, %convert_element_type3A_1303, %cond3A_1304 : i32
        scf.if %cond3A_1305 {
          %dma_wait3A_1320 = arith.constant 1 : i32
          %dma_wait3A_1321 = arith.constant 1 : i32
          %dma_wait3A_1322 = arith.constant 0 : i32
          %dma_wait3A_1323 = arith.constant 0 : i32
          %dma_wait3A_1324 = arith.constant 0 : i32
          %dma_wait3A_1325 = tpu.memref_slice %arg10[%dma_wait3A_1320, %dma_wait3A_1323, %dma_wait3A_1324] : memref<4x128x64xf32, #tpu.memory_space<vmem>> -> memref<1x128x64xf32, #tpu.memory_space<vmem>>
          %dma_wait3A_1326 = tpu.memref_squeeze %dma_wait3A_1325 : memref<1x128x64xf32, #tpu.memory_space<vmem>> -> memref<128x64xf32, #tpu.memory_space<vmem>>
          %dma_wait3A_1327 = arith.constant 0 : i32
          %dma_wait3A_1328 = tpu.memref_slice %arg9[%dma_wait3A_1321, %dma_wait3A_1322, %dma_wait3A_1327] : memref<2x32x128xi32, #tpu.memory_space<vmem>> -> memref<1x1x128xi32, #tpu.memory_space<vmem>>
          %dma_wait3A_1329 = tpu.memref_squeeze %dma_wait3A_1328 : memref<1x1x128xi32, #tpu.memory_space<vmem>> -> memref<128xi32, #tpu.memory_space<vmem>>
          %dma_wait3A_1330 = arith.constant 0 : i32
          %dma_wait3A_1331 = arith.constant 0 : i32
          %dma_wait3A_1332 = tpu.memref_slice %arg13[%dma_wait3A_1330, %dma_wait3A_1331] : memref<10240x64xf32, #tpu.memory_space<vmem_shared>> -> memref<10240x64xf32, #tpu.memory_space<vmem_shared>>
          tpu.wait_indirect_dma semaphore(%arg19 : memref<!tpu.dma_semaphore, #tpu.memory_space<semaphore_mem>>) src(%dma_wait3A_1326 : memref<128x64xf32, #tpu.memory_space<vmem>>) dst(%dma_wait3A_1332 : memref<10240x64xf32, #tpu.memory_space<vmem_shared>>)
        } else {
        }
        %mul3A_1306 = arith.constant 128 : i32
        %mul3A_1307 = arith.muli %sub3A_1259, %mul3A_1306 : i32
        %multiple_of3A_1308 = tpu.assume_multiple %mul3A_1307, 128 : i32
        %dma_start3A_1309 = arith.constant 1 : i32
        %dma_start3A_1310 = arith.constant 1 : i32
        %dma_start3A_1311 = arith.constant 0 : i32
        %dma_start3A_1312 = arith.constant 0 : i32
        %dma_start3A_1313 = tpu.memref_slice %arg10[%dma_start3A_1310, %dma_start3A_1311, %dma_start3A_1312] : memref<4x128x64xf32, #tpu.memory_space<vmem>> -> memref<1x128x64xf32, #tpu.memory_space<vmem>>
        %dma_start3A_1314 = tpu.memref_squeeze %dma_start3A_1313 : memref<1x128x64xf32, #tpu.memory_space<vmem>> -> memref<128x64xf32, #tpu.memory_space<vmem>>
        %dma_start3A_1315 = tpu.memref_slice %arg8[%dma_start3A_1309, %multiple_of3A_1308] : memref<2x4096xi32, #tpu.memory_space<vmem>> -> memref<1x128xi32, #tpu.memory_space<vmem>>
        %dma_start3A_1316 = tpu.memref_squeeze %dma_start3A_1315 : memref<1x128xi32, #tpu.memory_space<vmem>> -> memref<128xi32, #tpu.memory_space<vmem>>
        %dma_start3A_1317 = arith.constant 0 : i32
        %dma_start3A_1318 = arith.constant 0 : i32
        %dma_start3A_1319 = tpu.memref_slice %arg12[%dma_start3A_1317, %dma_start3A_1318] : memref<10000x64xf32, #tpu.memory_space<vmem_shared>> -> memref<10000x64xf32, #tpu.memory_space<vmem_shared>>
        tpu.enqueue_indirect_dma source(%dma_start3A_1319 : memref<10000x64xf32, #tpu.memory_space<vmem_shared>>) target(%dma_start3A_1314 : memref<128x64xf32, #tpu.memory_space<vmem>>) offsets(%dma_start3A_1316 : memref<128xi32, #tpu.memory_space<vmem>>) semaphore(%arg15 : memref<!tpu.dma_semaphore, #tpu.memory_space<semaphore_mem>>)
      } else {
      }
      %add3A_1265 = arith.constant 3 : i32
      %add3A_1266 = arith.addi %mul3A_1160, %add3A_1265 : i32
      %dma_wait3A_1267 = arith.constant 1 : i32
      %dma_wait3A_1268 = arith.constant 3 : i32
      %dma_wait3A_1269 = arith.constant 0 : i32
      %dma_wait3A_1270 = arith.constant 0 : i32
      %dma_wait3A_1271 = tpu.memref_slice %arg10[%dma_wait3A_1268, %dma_wait3A_1269, %dma_wait3A_1270] : memref<4x128x64xf32, #tpu.memory_space<vmem>> -> memref<1x128x64xf32, #tpu.memory_space<vmem>>
      %dma_wait3A_1272 = tpu.memref_squeeze %dma_wait3A_1271 : memref<1x128x64xf32, #tpu.memory_space<vmem>> -> memref<128x64xf32, #tpu.memory_space<vmem>>
      %dma_wait3A_1273 = arith.constant 0 : i32
      %dma_wait3A_1274 = tpu.memref_slice %arg8[%dma_wait3A_1267, %dma_wait3A_1273] : memref<2x4096xi32, #tpu.memory_space<vmem>> -> memref<1x128xi32, #tpu.memory_space<vmem>>
      %dma_wait3A_1275 = tpu.memref_squeeze %dma_wait3A_1274 : memref<1x128xi32, #tpu.memory_space<vmem>> -> memref<128xi32, #tpu.memory_space<vmem>>
      %dma_wait3A_1276 = arith.constant 0 : i32
      %dma_wait3A_1277 = arith.constant 0 : i32
      %dma_wait3A_1278 = tpu.memref_slice %arg12[%dma_wait3A_1276, %dma_wait3A_1277] : memref<10000x64xf32, #tpu.memory_space<vmem_shared>> -> memref<10000x64xf32, #tpu.memory_space<vmem_shared>>
      tpu.wait_indirect_dma semaphore(%arg17 : memref<!tpu.dma_semaphore, #tpu.memory_space<semaphore_mem>>) src(%dma_wait3A_1278 : memref<10000x64xf32, #tpu.memory_space<vmem_shared>>) dst(%dma_wait3A_1272 : memref<128x64xf32, #tpu.memory_space<vmem>>)
      %dma_start3A_1279 = arith.constant 3 : i32
      %dma_start3A_1280 = arith.constant 1 : i32
      %dma_start3A_1281 = arith.constant 0 : i32
      %dma_start3A_1282 = arith.constant 0 : i32
      %dma_start3A_1283 = tpu.memref_slice %arg10[%dma_start3A_1279, %dma_start3A_1281, %dma_start3A_1282] : memref<4x128x64xf32, #tpu.memory_space<vmem>> -> memref<1x128x64xf32, #tpu.memory_space<vmem>>
      %dma_start3A_1284 = tpu.memref_squeeze %dma_start3A_1283 : memref<1x128x64xf32, #tpu.memory_space<vmem>> -> memref<128x64xf32, #tpu.memory_space<vmem>>
      %dma_start3A_1285 = arith.constant 0 : i32
      %dma_start3A_1286 = tpu.memref_slice %arg9[%dma_start3A_1280, %add3A_1266, %dma_start3A_1285] : memref<2x32x128xi32, #tpu.memory_space<vmem>> -> memref<1x1x128xi32, #tpu.memory_space<vmem>>
      %dma_start3A_1287 = tpu.memref_squeeze %dma_start3A_1286 : memref<1x1x128xi32, #tpu.memory_space<vmem>> -> memref<128xi32, #tpu.memory_space<vmem>>
      %dma_start3A_1288 = arith.constant 0 : i32
      %dma_start3A_1289 = arith.constant 0 : i32
      %dma_start3A_1290 = tpu.memref_slice %arg13[%dma_start3A_1288, %dma_start3A_1289] : memref<10240x64xf32, #tpu.memory_space<vmem_shared>> -> memref<10240x64xf32, #tpu.memory_space<vmem_shared>>
      tpu.enqueue_indirect_dma source(%dma_start3A_1284 : memref<128x64xf32, #tpu.memory_space<vmem>>) target(%dma_start3A_1290 : memref<10240x64xf32, #tpu.memory_space<vmem_shared>>) offsets(%dma_start3A_1287 : memref<128xi32, #tpu.memory_space<vmem>>) semaphore(%arg21 : memref<!tpu.dma_semaphore, #tpu.memory_space<semaphore_mem>>) {add = true}
      %add3A_1291 = arith.constant 4 : i32
      %add3A_1292 = arith.addi %add3A_1266, %add3A_1291 : i32
      %sub3A_1293 = arith.constant 1 : i32
      %sub3A_1294 = arith.subi %add3A_1292, %sub3A_1293 : i32
      %lt3A_1295 = arith.constant 32 : i32
      %lt3A_1296 = arith.cmpi slt, %sub3A_1294, %lt3A_1295 : i32
      %convert_element_type3A_1297 = arith.extui %lt3A_1296 : i1 to i32
      %cond3A_1298 = arith.constant 0 : i32
      %cond3A_1299 = arith.cmpi ne, %convert_element_type3A_1297, %cond3A_1298 : i32
      scf.if %cond3A_1299 {
        %ge3A_1301 = arith.constant 4 : i32
        %ge3A_1302 = arith.cmpi sge, %sub3A_1294, %ge3A_1301 : i32
        %convert_element_type3A_1303 = arith.extui %ge3A_1302 : i1 to i32
        %cond3A_1304 = arith.constant 0 : i32
        %cond3A_1305 = arith.cmpi ne, %convert_element_type3A_1303, %cond3A_1304 : i32
        scf.if %cond3A_1305 {
          %dma_wait3A_1320 = arith.constant 2 : i32
          %dma_wait3A_1321 = arith.constant 1 : i32
          %dma_wait3A_1322 = arith.constant 0 : i32
          %dma_wait3A_1323 = arith.constant 0 : i32
          %dma_wait3A_1324 = arith.constant 0 : i32
          %dma_wait3A_1325 = tpu.memref_slice %arg10[%dma_wait3A_1320, %dma_wait3A_1323, %dma_wait3A_1324] : memref<4x128x64xf32, #tpu.memory_space<vmem>> -> memref<1x128x64xf32, #tpu.memory_space<vmem>>
          %dma_wait3A_1326 = tpu.memref_squeeze %dma_wait3A_1325 : memref<1x128x64xf32, #tpu.memory_space<vmem>> -> memref<128x64xf32, #tpu.memory_space<vmem>>
          %dma_wait3A_1327 = arith.constant 0 : i32
          %dma_wait3A_1328 = tpu.memref_slice %arg9[%dma_wait3A_1321, %dma_wait3A_1322, %dma_wait3A_1327] : memref<2x32x128xi32, #tpu.memory_space<vmem>> -> memref<1x1x128xi32, #tpu.memory_space<vmem>>
          %dma_wait3A_1329 = tpu.memref_squeeze %dma_wait3A_1328 : memref<1x1x128xi32, #tpu.memory_space<vmem>> -> memref<128xi32, #tpu.memory_space<vmem>>
          %dma_wait3A_1330 = arith.constant 0 : i32
          %dma_wait3A_1331 = arith.constant 0 : i32
          %dma_wait3A_1332 = tpu.memref_slice %arg13[%dma_wait3A_1330, %dma_wait3A_1331] : memref<10240x64xf32, #tpu.memory_space<vmem_shared>> -> memref<10240x64xf32, #tpu.memory_space<vmem_shared>>
          tpu.wait_indirect_dma semaphore(%arg20 : memref<!tpu.dma_semaphore, #tpu.memory_space<semaphore_mem>>) src(%dma_wait3A_1326 : memref<128x64xf32, #tpu.memory_space<vmem>>) dst(%dma_wait3A_1332 : memref<10240x64xf32, #tpu.memory_space<vmem_shared>>)
        } else {
        }
        %mul3A_1306 = arith.constant 128 : i32
        %mul3A_1307 = arith.muli %sub3A_1294, %mul3A_1306 : i32
        %multiple_of3A_1308 = tpu.assume_multiple %mul3A_1307, 128 : i32
        %dma_start3A_1309 = arith.constant 1 : i32
        %dma_start3A_1310 = arith.constant 2 : i32
        %dma_start3A_1311 = arith.constant 0 : i32
        %dma_start3A_1312 = arith.constant 0 : i32
        %dma_start3A_1313 = tpu.memref_slice %arg10[%dma_start3A_1310, %dma_start3A_1311, %dma_start3A_1312] : memref<4x128x64xf32, #tpu.memory_space<vmem>> -> memref<1x128x64xf32, #tpu.memory_space<vmem>>
        %dma_start3A_1314 = tpu.memref_squeeze %dma_start3A_1313 : memref<1x128x64xf32, #tpu.memory_space<vmem>> -> memref<128x64xf32, #tpu.memory_space<vmem>>
        %dma_start3A_1315 = tpu.memref_slice %arg8[%dma_start3A_1309, %multiple_of3A_1308] : memref<2x4096xi32, #tpu.memory_space<vmem>> -> memref<1x128xi32, #tpu.memory_space<vmem>>
        %dma_start3A_1316 = tpu.memref_squeeze %dma_start3A_1315 : memref<1x128xi32, #tpu.memory_space<vmem>> -> memref<128xi32, #tpu.memory_space<vmem>>
        %dma_start3A_1317 = arith.constant 0 : i32
        %dma_start3A_1318 = arith.constant 0 : i32
        %dma_start3A_1319 = tpu.memref_slice %arg12[%dma_start3A_1317, %dma_start3A_1318] : memref<10000x64xf32, #tpu.memory_space<vmem_shared>> -> memref<10000x64xf32, #tpu.memory_space<vmem_shared>>
        tpu.enqueue_indirect_dma source(%dma_start3A_1319 : memref<10000x64xf32, #tpu.memory_space<vmem_shared>>) target(%dma_start3A_1314 : memref<128x64xf32, #tpu.memory_space<vmem>>) offsets(%dma_start3A_1316 : memref<128xi32, #tpu.memory_space<vmem>>) semaphore(%arg16 : memref<!tpu.dma_semaphore, #tpu.memory_space<semaphore_mem>>)
      } else {
      }
      %scan3A_1300 = arith.constant 0 : i32
      scf.yield %scan3A_1300 : i32
    }
    %scan3A_977 = arith.constant 8 : i32
    %dma_wait3A_978 = arith.constant 0 : i32
    %dma_wait3A_979 = arith.constant 1 : i32
    %dma_wait3A_980 = arith.constant 0 : i32
    %dma_wait3A_981 = arith.constant 0 : i32
    %dma_wait3A_982 = arith.constant 0 : i32
    %dma_wait3A_983 = tpu.memref_slice %arg10[%dma_wait3A_978, %dma_wait3A_981, %dma_wait3A_982] : memref<4x128x64xf32, #tpu.memory_space<vmem>> -> memref<1x128x64xf32, #tpu.memory_space<vmem>>
    %dma_wait3A_984 = tpu.memref_squeeze %dma_wait3A_983 : memref<1x128x64xf32, #tpu.memory_space<vmem>> -> memref<128x64xf32, #tpu.memory_space<vmem>>
    %dma_wait3A_985 = arith.constant 0 : i32
    %dma_wait3A_986 = tpu.memref_slice %arg9[%dma_wait3A_979, %dma_wait3A_980, %dma_wait3A_985] : memref<2x32x128xi32, #tpu.memory_space<vmem>> -> memref<1x1x128xi32, #tpu.memory_space<vmem>>
    %dma_wait3A_987 = tpu.memref_squeeze %dma_wait3A_986 : memref<1x1x128xi32, #tpu.memory_space<vmem>> -> memref<128xi32, #tpu.memory_space<vmem>>
    %dma_wait3A_988 = arith.constant 0 : i32
    %dma_wait3A_989 = arith.constant 0 : i32
    %dma_wait3A_990 = tpu.memref_slice %arg13[%dma_wait3A_988, %dma_wait3A_989] : memref<10240x64xf32, #tpu.memory_space<vmem_shared>> -> memref<10240x64xf32, #tpu.memory_space<vmem_shared>>
    tpu.wait_indirect_dma semaphore(%arg18 : memref<!tpu.dma_semaphore, #tpu.memory_space<semaphore_mem>>) src(%dma_wait3A_984 : memref<128x64xf32, #tpu.memory_space<vmem>>) dst(%dma_wait3A_990 : memref<10240x64xf32, #tpu.memory_space<vmem_shared>>)
    %dma_wait3A_991 = arith.constant 1 : i32
    %dma_wait3A_992 = arith.constant 1 : i32
    %dma_wait3A_993 = arith.constant 0 : i32
    %dma_wait3A_994 = arith.constant 0 : i32
    %dma_wait3A_995 = arith.constant 0 : i32
    %dma_wait3A_996 = tpu.memref_slice %arg10[%dma_wait3A_991, %dma_wait3A_994, %dma_wait3A_995] : memref<4x128x64xf32, #tpu.memory_space<vmem>> -> memref<1x128x64xf32, #tpu.memory_space<vmem>>
    %dma_wait3A_997 = tpu.memref_squeeze %dma_wait3A_996 : memref<1x128x64xf32, #tpu.memory_space<vmem>> -> memref<128x64xf32, #tpu.memory_space<vmem>>
    %dma_wait3A_998 = arith.constant 0 : i32
    %dma_wait3A_999 = tpu.memref_slice %arg9[%dma_wait3A_992, %dma_wait3A_993, %dma_wait3A_998] : memref<2x32x128xi32, #tpu.memory_space<vmem>> -> memref<1x1x128xi32, #tpu.memory_space<vmem>>
    %dma_wait3A_1000 = tpu.memref_squeeze %dma_wait3A_999 : memref<1x1x128xi32, #tpu.memory_space<vmem>> -> memref<128xi32, #tpu.memory_space<vmem>>
    %dma_wait3A_1001 = arith.constant 0 : i32
    %dma_wait3A_1002 = arith.constant 0 : i32
    %dma_wait3A_1003 = tpu.memref_slice %arg13[%dma_wait3A_1001, %dma_wait3A_1002] : memref<10240x64xf32, #tpu.memory_space<vmem_shared>> -> memref<10240x64xf32, #tpu.memory_space<vmem_shared>>
    tpu.wait_indirect_dma semaphore(%arg19 : memref<!tpu.dma_semaphore, #tpu.memory_space<semaphore_mem>>) src(%dma_wait3A_997 : memref<128x64xf32, #tpu.memory_space<vmem>>) dst(%dma_wait3A_1003 : memref<10240x64xf32, #tpu.memory_space<vmem_shared>>)
    %dma_wait3A_1004 = arith.constant 2 : i32
    %dma_wait3A_1005 = arith.constant 1 : i32
    %dma_wait3A_1006 = arith.constant 0 : i32
    %dma_wait3A_1007 = arith.constant 0 : i32
    %dma_wait3A_1008 = arith.constant 0 : i32
    %dma_wait3A_1009 = tpu.memref_slice %arg10[%dma_wait3A_1004, %dma_wait3A_1007, %dma_wait3A_1008] : memref<4x128x64xf32, #tpu.memory_space<vmem>> -> memref<1x128x64xf32, #tpu.memory_space<vmem>>
    %dma_wait3A_1010 = tpu.memref_squeeze %dma_wait3A_1009 : memref<1x128x64xf32, #tpu.memory_space<vmem>> -> memref<128x64xf32, #tpu.memory_space<vmem>>
    %dma_wait3A_1011 = arith.constant 0 : i32
    %dma_wait3A_1012 = tpu.memref_slice %arg9[%dma_wait3A_1005, %dma_wait3A_1006, %dma_wait3A_1011] : memref<2x32x128xi32, #tpu.memory_space<vmem>> -> memref<1x1x128xi32, #tpu.memory_space<vmem>>
    %dma_wait3A_1013 = tpu.memref_squeeze %dma_wait3A_1012 : memref<1x1x128xi32, #tpu.memory_space<vmem>> -> memref<128xi32, #tpu.memory_space<vmem>>
    %dma_wait3A_1014 = arith.constant 0 : i32
    %dma_wait3A_1015 = arith.constant 0 : i32
    %dma_wait3A_1016 = tpu.memref_slice %arg13[%dma_wait3A_1014, %dma_wait3A_1015] : memref<10240x64xf32, #tpu.memory_space<vmem_shared>> -> memref<10240x64xf32, #tpu.memory_space<vmem_shared>>
    tpu.wait_indirect_dma semaphore(%arg20 : memref<!tpu.dma_semaphore, #tpu.memory_space<semaphore_mem>>) src(%dma_wait3A_1010 : memref<128x64xf32, #tpu.memory_space<vmem>>) dst(%dma_wait3A_1016 : memref<10240x64xf32, #tpu.memory_space<vmem_shared>>)
    %dma_wait3A_1017 = arith.constant 3 : i32
    %dma_wait3A_1018 = arith.constant 1 : i32
    %dma_wait3A_1019 = arith.constant 0 : i32
    %dma_wait3A_1020 = arith.constant 0 : i32
    %dma_wait3A_1021 = arith.constant 0 : i32
    %dma_wait3A_1022 = tpu.memref_slice %arg10[%dma_wait3A_1017, %dma_wait3A_1020, %dma_wait3A_1021] : memref<4x128x64xf32, #tpu.memory_space<vmem>> -> memref<1x128x64xf32, #tpu.memory_space<vmem>>
    %dma_wait3A_1023 = tpu.memref_squeeze %dma_wait3A_1022 : memref<1x128x64xf32, #tpu.memory_space<vmem>> -> memref<128x64xf32, #tpu.memory_space<vmem>>
    %dma_wait3A_1024 = arith.constant 0 : i32
    %dma_wait3A_1025 = tpu.memref_slice %arg9[%dma_wait3A_1018, %dma_wait3A_1019, %dma_wait3A_1024] : memref<2x32x128xi32, #tpu.memory_space<vmem>> -> memref<1x1x128xi32, #tpu.memory_space<vmem>>
    %dma_wait3A_1026 = tpu.memref_squeeze %dma_wait3A_1025 : memref<1x1x128xi32, #tpu.memory_space<vmem>> -> memref<128xi32, #tpu.memory_space<vmem>>
    %dma_wait3A_1027 = arith.constant 0 : i32
    %dma_wait3A_1028 = arith.constant 0 : i32
    %dma_wait3A_1029 = tpu.memref_slice %arg13[%dma_wait3A_1027, %dma_wait3A_1028] : memref<10240x64xf32, #tpu.memory_space<vmem_shared>> -> memref<10240x64xf32, #tpu.memory_space<vmem_shared>>
    tpu.wait_indirect_dma semaphore(%arg21 : memref<!tpu.dma_semaphore, #tpu.memory_space<semaphore_mem>>) src(%dma_wait3A_1023 : memref<128x64xf32, #tpu.memory_space<vmem>>) dst(%dma_wait3A_1029 : memref<10240x64xf32, #tpu.memory_space<vmem_shared>>)
    %dma_wait3A_1030 = arith.constant 0 : i32
    %dma_wait3A_1031 = arith.constant 0 : i32
    %dma_wait3A_1032 = tpu.memref_slice %arg8[%dma_wait3A_1030, %dma_wait3A_1031] : memref<2x4096xi32, #tpu.memory_space<vmem>> -> memref<1x4096xi32, #tpu.memory_space<vmem>>
    %dma_wait3A_1033 = tpu.memref_squeeze %dma_wait3A_1032 : memref<1x4096xi32, #tpu.memory_space<vmem>> -> memref<4096xi32, #tpu.memory_space<vmem>>
    %dma_wait3A_1034 = arith.constant 0 : i32
    %dma_wait3A_1035 = tpu.memref_slice %arg2[%dma_wait3A_1034] : memref<320000xi32, #tpu.memory_space<hbm>> -> memref<4096xi32, #tpu.memory_space<hbm>>
    %dma_wait3A_1036 = arith.constant 0 : i32
    %dma_wait3A_1037 = tpu.memref_slice %arg8[%dma_wait3A_1030, %dma_wait3A_1036] : memref<2x4096xi32, #tpu.memory_space<vmem>> -> memref<1x4096xi32, #tpu.memory_space<vmem>>
    %dma_wait3A_1038 = tpu.memref_squeeze %dma_wait3A_1037 : memref<1x4096xi32, #tpu.memory_space<vmem>> -> memref<4096xi32, #tpu.memory_space<vmem>>
    %dma_wait3A_1039 = arith.constant 0 : i32
    %dma_wait3A_1040 = tpu.memref_slice %arg2[%dma_wait3A_1039] : memref<320000xi32, #tpu.memory_space<hbm>> -> memref<4096xi32, #tpu.memory_space<hbm>>
    tpu.wait_dma2 semaphore(%arg22 : memref<!tpu.dma_semaphore, #tpu.memory_space<semaphore_mem>>) src(%dma_wait3A_1040 : memref<4096xi32, #tpu.memory_space<hbm>>) dst(%dma_wait3A_1038 : memref<4096xi32, #tpu.memory_space<vmem>>)
    %dma_wait3A_1041 = arith.constant 0 : i32
    %dma_wait3A_1042 = arith.constant 0 : i32
    %dma_wait3A_1043 = arith.constant 0 : i32
    %dma_wait3A_1044 = tpu.memref_slice %arg9[%dma_wait3A_1041, %dma_wait3A_1042, %dma_wait3A_1043] : memref<2x32x128xi32, #tpu.memory_space<vmem>> -> memref<1x32x128xi32, #tpu.memory_space<vmem>>
    %dma_wait3A_1045 = tpu.memref_squeeze %dma_wait3A_1044 : memref<1x32x128xi32, #tpu.memory_space<vmem>> -> memref<32x128xi32, #tpu.memory_space<vmem>>
    %dma_wait3A_1046 = arith.constant 0 : i32
    %dma_wait3A_1047 = arith.constant 0 : i32
    %dma_wait3A_1048 = tpu.memref_slice %arg3[%dma_wait3A_1046, %dma_wait3A_1047] : memref<2400x128xi32, #tpu.memory_space<hbm>> -> memref<32x128xi32, #tpu.memory_space<hbm>>
    %dma_wait3A_1049 = arith.constant 0 : i32
    %dma_wait3A_1050 = arith.constant 0 : i32
    %dma_wait3A_1051 = tpu.memref_slice %arg9[%dma_wait3A_1041, %dma_wait3A_1049, %dma_wait3A_1050] : memref<2x32x128xi32, #tpu.memory_space<vmem>> -> memref<1x32x128xi32, #tpu.memory_space<vmem>>
    %dma_wait3A_1052 = tpu.memref_squeeze %dma_wait3A_1051 : memref<1x32x128xi32, #tpu.memory_space<vmem>> -> memref<32x128xi32, #tpu.memory_space<vmem>>
    %dma_wait3A_1053 = arith.constant 0 : i32
    %dma_wait3A_1054 = arith.constant 0 : i32
    %dma_wait3A_1055 = tpu.memref_slice %arg3[%dma_wait3A_1053, %dma_wait3A_1054] : memref<2400x128xi32, #tpu.memory_space<hbm>> -> memref<32x128xi32, #tpu.memory_space<hbm>>
    tpu.wait_dma2 semaphore(%arg24 : memref<!tpu.dma_semaphore, #tpu.memory_space<semaphore_mem>>) src(%dma_wait3A_1055 : memref<32x128xi32, #tpu.memory_space<hbm>>) dst(%dma_wait3A_1052 : memref<32x128xi32, #tpu.memory_space<vmem>>)
    %multiple_of3A_1056 = arith.constant 0 : i32
    %multiple_of3A_1057 = tpu.assume_multiple %multiple_of3A_1056, 128 : i32
    %dma_start3A_1058 = arith.constant 0 : i32
    %dma_start3A_1059 = arith.constant 0 : i32
    %dma_start3A_1060 = arith.constant 0 : i32
    %dma_start3A_1061 = arith.constant 0 : i32
    %dma_start3A_1062 = tpu.memref_slice %arg10[%dma_start3A_1059, %dma_start3A_1060, %dma_start3A_1061] : memref<4x128x64xf32, #tpu.memory_space<vmem>> -> memref<1x128x64xf32, #tpu.memory_space<vmem>>
    %dma_start3A_1063 = tpu.memref_squeeze %dma_start3A_1062 : memref<1x128x64xf32, #tpu.memory_space<vmem>> -> memref<128x64xf32, #tpu.memory_space<vmem>>
    %dma_start3A_1064 = tpu.memref_slice %arg8[%dma_start3A_1058, %multiple_of3A_1057] : memref<2x4096xi32, #tpu.memory_space<vmem>> -> memref<1x128xi32, #tpu.memory_space<vmem>>
    %dma_start3A_1065 = tpu.memref_squeeze %dma_start3A_1064 : memref<1x128xi32, #tpu.memory_space<vmem>> -> memref<128xi32, #tpu.memory_space<vmem>>
    %dma_start3A_1066 = arith.constant 0 : i32
    %dma_start3A_1067 = arith.constant 0 : i32
    %dma_start3A_1068 = tpu.memref_slice %arg12[%dma_start3A_1066, %dma_start3A_1067] : memref<10000x64xf32, #tpu.memory_space<vmem_shared>> -> memref<10000x64xf32, #tpu.memory_space<vmem_shared>>
    tpu.enqueue_indirect_dma source(%dma_start3A_1068 : memref<10000x64xf32, #tpu.memory_space<vmem_shared>>) target(%dma_start3A_1063 : memref<128x64xf32, #tpu.memory_space<vmem>>) offsets(%dma_start3A_1065 : memref<128xi32, #tpu.memory_space<vmem>>) semaphore(%arg14 : memref<!tpu.dma_semaphore, #tpu.memory_space<semaphore_mem>>)
    %multiple_of3A_1069 = arith.constant 128 : i32
    %multiple_of3A_1070 = tpu.assume_multiple %multiple_of3A_1069, 128 : i32
    %dma_start3A_1071 = arith.constant 0 : i32
    %dma_start3A_1072 = arith.constant 1 : i32
    %dma_start3A_1073 = arith.constant 0 : i32
    %dma_start3A_1074 = arith.constant 0 : i32
    %dma_start3A_1075 = tpu.memref_slice %arg10[%dma_start3A_1072, %dma_start3A_1073, %dma_start3A_1074] : memref<4x128x64xf32, #tpu.memory_space<vmem>> -> memref<1x128x64xf32, #tpu.memory_space<vmem>>
    %dma_start3A_1076 = tpu.memref_squeeze %dma_start3A_1075 : memref<1x128x64xf32, #tpu.memory_space<vmem>> -> memref<128x64xf32, #tpu.memory_space<vmem>>
    %dma_start3A_1077 = tpu.memref_slice %arg8[%dma_start3A_1071, %multiple_of3A_1070] : memref<2x4096xi32, #tpu.memory_space<vmem>> -> memref<1x128xi32, #tpu.memory_space<vmem>>
    %dma_start3A_1078 = tpu.memref_squeeze %dma_start3A_1077 : memref<1x128xi32, #tpu.memory_space<vmem>> -> memref<128xi32, #tpu.memory_space<vmem>>
    %dma_start3A_1079 = arith.constant 0 : i32
    %dma_start3A_1080 = arith.constant 0 : i32
    %dma_start3A_1081 = tpu.memref_slice %arg12[%dma_start3A_1079, %dma_start3A_1080] : memref<10000x64xf32, #tpu.memory_space<vmem_shared>> -> memref<10000x64xf32, #tpu.memory_space<vmem_shared>>
    tpu.enqueue_indirect_dma source(%dma_start3A_1081 : memref<10000x64xf32, #tpu.memory_space<vmem_shared>>) target(%dma_start3A_1076 : memref<128x64xf32, #tpu.memory_space<vmem>>) offsets(%dma_start3A_1078 : memref<128xi32, #tpu.memory_space<vmem>>) semaphore(%arg15 : memref<!tpu.dma_semaphore, #tpu.memory_space<semaphore_mem>>)
    %multiple_of3A_1082 = arith.constant 256 : i32
    %multiple_of3A_1083 = tpu.assume_multiple %multiple_of3A_1082, 128 : i32
    %dma_start3A_1084 = arith.constant 0 : i32
    %dma_start3A_1085 = arith.constant 2 : i32
    %dma_start3A_1086 = arith.constant 0 : i32
    %dma_start3A_1087 = arith.constant 0 : i32
    %dma_start3A_1088 = tpu.memref_slice %arg10[%dma_start3A_1085, %dma_start3A_1086, %dma_start3A_1087] : memref<4x128x64xf32, #tpu.memory_space<vmem>> -> memref<1x128x64xf32, #tpu.memory_space<vmem>>
    %dma_start3A_1089 = tpu.memref_squeeze %dma_start3A_1088 : memref<1x128x64xf32, #tpu.memory_space<vmem>> -> memref<128x64xf32, #tpu.memory_space<vmem>>
    %dma_start3A_1090 = tpu.memref_slice %arg8[%dma_start3A_1084, %multiple_of3A_1083] : memref<2x4096xi32, #tpu.memory_space<vmem>> -> memref<1x128xi32, #tpu.memory_space<vmem>>
    %dma_start3A_1091 = tpu.memref_squeeze %dma_start3A_1090 : memref<1x128xi32, #tpu.memory_space<vmem>> -> memref<128xi32, #tpu.memory_space<vmem>>
    %dma_start3A_1092 = arith.constant 0 : i32
    %dma_start3A_1093 = arith.constant 0 : i32
    %dma_start3A_1094 = tpu.memref_slice %arg12[%dma_start3A_1092, %dma_start3A_1093] : memref<10000x64xf32, #tpu.memory_space<vmem_shared>> -> memref<10000x64xf32, #tpu.memory_space<vmem_shared>>
    tpu.enqueue_indirect_dma source(%dma_start3A_1094 : memref<10000x64xf32, #tpu.memory_space<vmem_shared>>) target(%dma_start3A_1089 : memref<128x64xf32, #tpu.memory_space<vmem>>) offsets(%dma_start3A_1091 : memref<128xi32, #tpu.memory_space<vmem>>) semaphore(%arg16 : memref<!tpu.dma_semaphore, #tpu.memory_space<semaphore_mem>>)
    %scan3A_1095 = arith.constant 0 : i32
    %scan3A_1096 = arith.constant 0 : i32
    %scan3A_1097 = arith.constant 8 : i32
    %scan3A_1098 = arith.addi %scan3A_1096, %scan3A_1097 : i32
    %scan3A_1099 = arith.constant 1 : i32
    %scan3A_1100 = scf.for %scan3A_1157 = %scan3A_1096 to %scan3A_1098 step %scan3A_1099 iter_args(%scan3A_1158 = %scan3A_1095) -> (i32)  : i32 {
      %mul3A_1159 = arith.constant 4 : i32
      %mul3A_1160 = arith.muli %scan3A_1157, %mul3A_1159 : i32
      %add3A_1161 = arith.constant 0 : i32
      %add3A_1162 = arith.addi %mul3A_1160, %add3A_1161 : i32
      %dma_wait3A_1163 = arith.constant 0 : i32
      %dma_wait3A_1164 = arith.constant 0 : i32
      %dma_wait3A_1165 = arith.constant 0 : i32
      %dma_wait3A_1166 = arith.constant 0 : i32
      %dma_wait3A_1167 = tpu.memref_slice %arg10[%dma_wait3A_1164, %dma_wait3A_1165, %dma_wait3A_1166] : memref<4x128x64xf32, #tpu.memory_space<vmem>> -> memref<1x128x64xf32, #tpu.memory_space<vmem>>
      %dma_wait3A_1168 = tpu.memref_squeeze %dma_wait3A_1167 : memref<1x128x64xf32, #tpu.memory_space<vmem>> -> memref<128x64xf32, #tpu.memory_space<vmem>>
      %dma_wait3A_1169 = arith.constant 0 : i32
      %dma_wait3A_1170 = tpu.memref_slice %arg8[%dma_wait3A_1163, %dma_wait3A_1169] : memref<2x4096xi32, #tpu.memory_space<vmem>> -> memref<1x128xi32, #tpu.memory_space<vmem>>
      %dma_wait3A_1171 = tpu.memref_squeeze %dma_wait3A_1170 : memref<1x128xi32, #tpu.memory_space<vmem>> -> memref<128xi32, #tpu.memory_space<vmem>>
      %dma_wait3A_1172 = arith.constant 0 : i32
      %dma_wait3A_1173 = arith.constant 0 : i32
      %dma_wait3A_1174 = tpu.memref_slice %arg12[%dma_wait3A_1172, %dma_wait3A_1173] : memref<10000x64xf32, #tpu.memory_space<vmem_shared>> -> memref<10000x64xf32, #tpu.memory_space<vmem_shared>>
      tpu.wait_indirect_dma semaphore(%arg14 : memref<!tpu.dma_semaphore, #tpu.memory_space<semaphore_mem>>) src(%dma_wait3A_1174 : memref<10000x64xf32, #tpu.memory_space<vmem_shared>>) dst(%dma_wait3A_1168 : memref<128x64xf32, #tpu.memory_space<vmem>>)
      %dma_start3A_1175 = arith.constant 0 : i32
      %dma_start3A_1176 = arith.constant 0 : i32
      %dma_start3A_1177 = arith.constant 0 : i32
      %dma_start3A_1178 = arith.constant 0 : i32
      %dma_start3A_1179 = tpu.memref_slice %arg10[%dma_start3A_1175, %dma_start3A_1177, %dma_start3A_1178] : memref<4x128x64xf32, #tpu.memory_space<vmem>> -> memref<1x128x64xf32, #tpu.memory_space<vmem>>
      %dma_start3A_1180 = tpu.memref_squeeze %dma_start3A_1179 : memref<1x128x64xf32, #tpu.memory_space<vmem>> -> memref<128x64xf32, #tpu.memory_space<vmem>>
      %dma_start3A_1181 = arith.constant 0 : i32
      %dma_start3A_1182 = tpu.memref_slice %arg9[%dma_start3A_1176, %add3A_1162, %dma_start3A_1181] : memref<2x32x128xi32, #tpu.memory_space<vmem>> -> memref<1x1x128xi32, #tpu.memory_space<vmem>>
      %dma_start3A_1183 = tpu.memref_squeeze %dma_start3A_1182 : memref<1x1x128xi32, #tpu.memory_space<vmem>> -> memref<128xi32, #tpu.memory_space<vmem>>
      %dma_start3A_1184 = arith.constant 0 : i32
      %dma_start3A_1185 = arith.constant 0 : i32
      %dma_start3A_1186 = tpu.memref_slice %arg13[%dma_start3A_1184, %dma_start3A_1185] : memref<10240x64xf32, #tpu.memory_space<vmem_shared>> -> memref<10240x64xf32, #tpu.memory_space<vmem_shared>>
      tpu.enqueue_indirect_dma source(%dma_start3A_1180 : memref<128x64xf32, #tpu.memory_space<vmem>>) target(%dma_start3A_1186 : memref<10240x64xf32, #tpu.memory_space<vmem_shared>>) offsets(%dma_start3A_1183 : memref<128xi32, #tpu.memory_space<vmem>>) semaphore(%arg18 : memref<!tpu.dma_semaphore, #tpu.memory_space<semaphore_mem>>) {add = true}
      %add3A_1187 = arith.constant 4 : i32
      %add3A_1188 = arith.addi %add3A_1162, %add3A_1187 : i32
      %sub3A = arith.constant 1 : i32
      %sub3A_1189 = arith.subi %add3A_1188, %sub3A : i32
      %lt3A_1190 = arith.constant 32 : i32
      %lt3A_1191 = arith.cmpi slt, %sub3A_1189, %lt3A_1190 : i32
      %convert_element_type3A_1192 = arith.extui %lt3A_1191 : i1 to i32
      %cond3A_1193 = arith.constant 0 : i32
      %cond3A_1194 = arith.cmpi ne, %convert_element_type3A_1192, %cond3A_1193 : i32
      scf.if %cond3A_1194 {
        %ge3A_1301 = arith.constant 4 : i32
        %ge3A_1302 = arith.cmpi sge, %sub3A_1189, %ge3A_1301 : i32
        %convert_element_type3A_1303 = arith.extui %ge3A_1302 : i1 to i32
        %cond3A_1304 = arith.constant 0 : i32
        %cond3A_1305 = arith.cmpi ne, %convert_element_type3A_1303, %cond3A_1304 : i32
        scf.if %cond3A_1305 {
          %dma_wait3A_1320 = arith.constant 3 : i32
          %dma_wait3A_1321 = arith.constant 0 : i32
          %dma_wait3A_1322 = arith.constant 0 : i32
          %dma_wait3A_1323 = arith.constant 0 : i32
          %dma_wait3A_1324 = arith.constant 0 : i32
          %dma_wait3A_1325 = tpu.memref_slice %arg10[%dma_wait3A_1320, %dma_wait3A_1323, %dma_wait3A_1324] : memref<4x128x64xf32, #tpu.memory_space<vmem>> -> memref<1x128x64xf32, #tpu.memory_space<vmem>>
          %dma_wait3A_1326 = tpu.memref_squeeze %dma_wait3A_1325 : memref<1x128x64xf32, #tpu.memory_space<vmem>> -> memref<128x64xf32, #tpu.memory_space<vmem>>
          %dma_wait3A_1327 = arith.constant 0 : i32
          %dma_wait3A_1328 = tpu.memref_slice %arg9[%dma_wait3A_1321, %dma_wait3A_1322, %dma_wait3A_1327] : memref<2x32x128xi32, #tpu.memory_space<vmem>> -> memref<1x1x128xi32, #tpu.memory_space<vmem>>
          %dma_wait3A_1329 = tpu.memref_squeeze %dma_wait3A_1328 : memref<1x1x128xi32, #tpu.memory_space<vmem>> -> memref<128xi32, #tpu.memory_space<vmem>>
          %dma_wait3A_1330 = arith.constant 0 : i32
          %dma_wait3A_1331 = arith.constant 0 : i32
          %dma_wait3A_1332 = tpu.memref_slice %arg13[%dma_wait3A_1330, %dma_wait3A_1331] : memref<10240x64xf32, #tpu.memory_space<vmem_shared>> -> memref<10240x64xf32, #tpu.memory_space<vmem_shared>>
          tpu.wait_indirect_dma semaphore(%arg21 : memref<!tpu.dma_semaphore, #tpu.memory_space<semaphore_mem>>) src(%dma_wait3A_1326 : memref<128x64xf32, #tpu.memory_space<vmem>>) dst(%dma_wait3A_1332 : memref<10240x64xf32, #tpu.memory_space<vmem_shared>>)
        } else {
        }
        %mul3A_1306 = arith.constant 128 : i32
        %mul3A_1307 = arith.muli %sub3A_1189, %mul3A_1306 : i32
        %multiple_of3A_1308 = tpu.assume_multiple %mul3A_1307, 128 : i32
        %dma_start3A_1309 = arith.constant 0 : i32
        %dma_start3A_1310 = arith.constant 3 : i32
        %dma_start3A_1311 = arith.constant 0 : i32
        %dma_start3A_1312 = arith.constant 0 : i32
        %dma_start3A_1313 = tpu.memref_slice %arg10[%dma_start3A_1310, %dma_start3A_1311, %dma_start3A_1312] : memref<4x128x64xf32, #tpu.memory_space<vmem>> -> memref<1x128x64xf32, #tpu.memory_space<vmem>>
        %dma_start3A_1314 = tpu.memref_squeeze %dma_start3A_1313 : memref<1x128x64xf32, #tpu.memory_space<vmem>> -> memref<128x64xf32, #tpu.memory_space<vmem>>
        %dma_start3A_1315 = tpu.memref_slice %arg8[%dma_start3A_1309, %multiple_of3A_1308] : memref<2x4096xi32, #tpu.memory_space<vmem>> -> memref<1x128xi32, #tpu.memory_space<vmem>>
        %dma_start3A_1316 = tpu.memref_squeeze %dma_start3A_1315 : memref<1x128xi32, #tpu.memory_space<vmem>> -> memref<128xi32, #tpu.memory_space<vmem>>
        %dma_start3A_1317 = arith.constant 0 : i32
        %dma_start3A_1318 = arith.constant 0 : i32
        %dma_start3A_1319 = tpu.memref_slice %arg12[%dma_start3A_1317, %dma_start3A_1318] : memref<10000x64xf32, #tpu.memory_space<vmem_shared>> -> memref<10000x64xf32, #tpu.memory_space<vmem_shared>>
        tpu.enqueue_indirect_dma source(%dma_start3A_1319 : memref<10000x64xf32, #tpu.memory_space<vmem_shared>>) target(%dma_start3A_1314 : memref<128x64xf32, #tpu.memory_space<vmem>>) offsets(%dma_start3A_1316 : memref<128xi32, #tpu.memory_space<vmem>>) semaphore(%arg17 : memref<!tpu.dma_semaphore, #tpu.memory_space<semaphore_mem>>)
      } else {
      }
      %add3A_1195 = arith.constant 1 : i32
      %add3A_1196 = arith.addi %mul3A_1160, %add3A_1195 : i32
      %dma_wait3A_1197 = arith.constant 0 : i32
      %dma_wait3A_1198 = arith.constant 1 : i32
      %dma_wait3A_1199 = arith.constant 0 : i32
      %dma_wait3A_1200 = arith.constant 0 : i32
      %dma_wait3A_1201 = tpu.memref_slice %arg10[%dma_wait3A_1198, %dma_wait3A_1199, %dma_wait3A_1200] : memref<4x128x64xf32, #tpu.memory_space<vmem>> -> memref<1x128x64xf32, #tpu.memory_space<vmem>>
      %dma_wait3A_1202 = tpu.memref_squeeze %dma_wait3A_1201 : memref<1x128x64xf32, #tpu.memory_space<vmem>> -> memref<128x64xf32, #tpu.memory_space<vmem>>
      %dma_wait3A_1203 = arith.constant 0 : i32
      %dma_wait3A_1204 = tpu.memref_slice %arg8[%dma_wait3A_1197, %dma_wait3A_1203] : memref<2x4096xi32, #tpu.memory_space<vmem>> -> memref<1x128xi32, #tpu.memory_space<vmem>>
      %dma_wait3A_1205 = tpu.memref_squeeze %dma_wait3A_1204 : memref<1x128xi32, #tpu.memory_space<vmem>> -> memref<128xi32, #tpu.memory_space<vmem>>
      %dma_wait3A_1206 = arith.constant 0 : i32
      %dma_wait3A_1207 = arith.constant 0 : i32
      %dma_wait3A_1208 = tpu.memref_slice %arg12[%dma_wait3A_1206, %dma_wait3A_1207] : memref<10000x64xf32, #tpu.memory_space<vmem_shared>> -> memref<10000x64xf32, #tpu.memory_space<vmem_shared>>
      tpu.wait_indirect_dma semaphore(%arg15 : memref<!tpu.dma_semaphore, #tpu.memory_space<semaphore_mem>>) src(%dma_wait3A_1208 : memref<10000x64xf32, #tpu.memory_space<vmem_shared>>) dst(%dma_wait3A_1202 : memref<128x64xf32, #tpu.memory_space<vmem>>)
      %dma_start3A_1209 = arith.constant 1 : i32
      %dma_start3A_1210 = arith.constant 0 : i32
      %dma_start3A_1211 = arith.constant 0 : i32
      %dma_start3A_1212 = arith.constant 0 : i32
      %dma_start3A_1213 = tpu.memref_slice %arg10[%dma_start3A_1209, %dma_start3A_1211, %dma_start3A_1212] : memref<4x128x64xf32, #tpu.memory_space<vmem>> -> memref<1x128x64xf32, #tpu.memory_space<vmem>>
      %dma_start3A_1214 = tpu.memref_squeeze %dma_start3A_1213 : memref<1x128x64xf32, #tpu.memory_space<vmem>> -> memref<128x64xf32, #tpu.memory_space<vmem>>
      %dma_start3A_1215 = arith.constant 0 : i32
      %dma_start3A_1216 = tpu.memref_slice %arg9[%dma_start3A_1210, %add3A_1196, %dma_start3A_1215] : memref<2x32x128xi32, #tpu.memory_space<vmem>> -> memref<1x1x128xi32, #tpu.memory_space<vmem>>
      %dma_start3A_1217 = tpu.memref_squeeze %dma_start3A_1216 : memref<1x1x128xi32, #tpu.memory_space<vmem>> -> memref<128xi32, #tpu.memory_space<vmem>>
      %dma_start3A_1218 = arith.constant 0 : i32
      %dma_start3A_1219 = arith.constant 0 : i32
      %dma_start3A_1220 = tpu.memref_slice %arg13[%dma_start3A_1218, %dma_start3A_1219] : memref<10240x64xf32, #tpu.memory_space<vmem_shared>> -> memref<10240x64xf32, #tpu.memory_space<vmem_shared>>
      tpu.enqueue_indirect_dma source(%dma_start3A_1214 : memref<128x64xf32, #tpu.memory_space<vmem>>) target(%dma_start3A_1220 : memref<10240x64xf32, #tpu.memory_space<vmem_shared>>) offsets(%dma_start3A_1217 : memref<128xi32, #tpu.memory_space<vmem>>) semaphore(%arg19 : memref<!tpu.dma_semaphore, #tpu.memory_space<semaphore_mem>>) {add = true}
      %add3A_1221 = arith.constant 4 : i32
      %add3A_1222 = arith.addi %add3A_1196, %add3A_1221 : i32
      %sub3A_1223 = arith.constant 1 : i32
      %sub3A_1224 = arith.subi %add3A_1222, %sub3A_1223 : i32
      %lt3A_1225 = arith.constant 32 : i32
      %lt3A_1226 = arith.cmpi slt, %sub3A_1224, %lt3A_1225 : i32
      %convert_element_type3A_1227 = arith.extui %lt3A_1226 : i1 to i32
      %cond3A_1228 = arith.constant 0 : i32
      %cond3A_1229 = arith.cmpi ne, %convert_element_type3A_1227, %cond3A_1228 : i32
      scf.if %cond3A_1229 {
        %ge3A_1301 = arith.constant 4 : i32
        %ge3A_1302 = arith.cmpi sge, %sub3A_1224, %ge3A_1301 : i32
        %convert_element_type3A_1303 = arith.extui %ge3A_1302 : i1 to i32
        %cond3A_1304 = arith.constant 0 : i32
        %cond3A_1305 = arith.cmpi ne, %convert_element_type3A_1303, %cond3A_1304 : i32
        scf.if %cond3A_1305 {
          %dma_wait3A_1320 = arith.constant 0 : i32
          %dma_wait3A_1321 = arith.constant 0 : i32
          %dma_wait3A_1322 = arith.constant 0 : i32
          %dma_wait3A_1323 = arith.constant 0 : i32
          %dma_wait3A_1324 = arith.constant 0 : i32
          %dma_wait3A_1325 = tpu.memref_slice %arg10[%dma_wait3A_1320, %dma_wait3A_1323, %dma_wait3A_1324] : memref<4x128x64xf32, #tpu.memory_space<vmem>> -> memref<1x128x64xf32, #tpu.memory_space<vmem>>
          %dma_wait3A_1326 = tpu.memref_squeeze %dma_wait3A_1325 : memref<1x128x64xf32, #tpu.memory_space<vmem>> -> memref<128x64xf32, #tpu.memory_space<vmem>>
          %dma_wait3A_1327 = arith.constant 0 : i32
          %dma_wait3A_1328 = tpu.memref_slice %arg9[%dma_wait3A_1321, %dma_wait3A_1322, %dma_wait3A_1327] : memref<2x32x128xi32, #tpu.memory_space<vmem>> -> memref<1x1x128xi32, #tpu.memory_space<vmem>>
          %dma_wait3A_1329 = tpu.memref_squeeze %dma_wait3A_1328 : memref<1x1x128xi32, #tpu.memory_space<vmem>> -> memref<128xi32, #tpu.memory_space<vmem>>
          %dma_wait3A_1330 = arith.constant 0 : i32
          %dma_wait3A_1331 = arith.constant 0 : i32
          %dma_wait3A_1332 = tpu.memref_slice %arg13[%dma_wait3A_1330, %dma_wait3A_1331] : memref<10240x64xf32, #tpu.memory_space<vmem_shared>> -> memref<10240x64xf32, #tpu.memory_space<vmem_shared>>
          tpu.wait_indirect_dma semaphore(%arg18 : memref<!tpu.dma_semaphore, #tpu.memory_space<semaphore_mem>>) src(%dma_wait3A_1326 : memref<128x64xf32, #tpu.memory_space<vmem>>) dst(%dma_wait3A_1332 : memref<10240x64xf32, #tpu.memory_space<vmem_shared>>)
        } else {
        }
        %mul3A_1306 = arith.constant 128 : i32
        %mul3A_1307 = arith.muli %sub3A_1224, %mul3A_1306 : i32
        %multiple_of3A_1308 = tpu.assume_multiple %mul3A_1307, 128 : i32
        %dma_start3A_1309 = arith.constant 0 : i32
        %dma_start3A_1310 = arith.constant 0 : i32
        %dma_start3A_1311 = arith.constant 0 : i32
        %dma_start3A_1312 = arith.constant 0 : i32
        %dma_start3A_1313 = tpu.memref_slice %arg10[%dma_start3A_1310, %dma_start3A_1311, %dma_start3A_1312] : memref<4x128x64xf32, #tpu.memory_space<vmem>> -> memref<1x128x64xf32, #tpu.memory_space<vmem>>
        %dma_start3A_1314 = tpu.memref_squeeze %dma_start3A_1313 : memref<1x128x64xf32, #tpu.memory_space<vmem>> -> memref<128x64xf32, #tpu.memory_space<vmem>>
        %dma_start3A_1315 = tpu.memref_slice %arg8[%dma_start3A_1309, %multiple_of3A_1308] : memref<2x4096xi32, #tpu.memory_space<vmem>> -> memref<1x128xi32, #tpu.memory_space<vmem>>
        %dma_start3A_1316 = tpu.memref_squeeze %dma_start3A_1315 : memref<1x128xi32, #tpu.memory_space<vmem>> -> memref<128xi32, #tpu.memory_space<vmem>>
        %dma_start3A_1317 = arith.constant 0 : i32
        %dma_start3A_1318 = arith.constant 0 : i32
        %dma_start3A_1319 = tpu.memref_slice %arg12[%dma_start3A_1317, %dma_start3A_1318] : memref<10000x64xf32, #tpu.memory_space<vmem_shared>> -> memref<10000x64xf32, #tpu.memory_space<vmem_shared>>
        tpu.enqueue_indirect_dma source(%dma_start3A_1319 : memref<10000x64xf32, #tpu.memory_space<vmem_shared>>) target(%dma_start3A_1314 : memref<128x64xf32, #tpu.memory_space<vmem>>) offsets(%dma_start3A_1316 : memref<128xi32, #tpu.memory_space<vmem>>) semaphore(%arg14 : memref<!tpu.dma_semaphore, #tpu.memory_space<semaphore_mem>>)
      } else {
      }
      %add3A_1230 = arith.constant 2 : i32
      %add3A_1231 = arith.addi %mul3A_1160, %add3A_1230 : i32
      %dma_wait3A_1232 = arith.constant 0 : i32
      %dma_wait3A_1233 = arith.constant 2 : i32
      %dma_wait3A_1234 = arith.constant 0 : i32
      %dma_wait3A_1235 = arith.constant 0 : i32
      %dma_wait3A_1236 = tpu.memref_slice %arg10[%dma_wait3A_1233, %dma_wait3A_1234, %dma_wait3A_1235] : memref<4x128x64xf32, #tpu.memory_space<vmem>> -> memref<1x128x64xf32, #tpu.memory_space<vmem>>
      %dma_wait3A_1237 = tpu.memref_squeeze %dma_wait3A_1236 : memref<1x128x64xf32, #tpu.memory_space<vmem>> -> memref<128x64xf32, #tpu.memory_space<vmem>>
      %dma_wait3A_1238 = arith.constant 0 : i32
      %dma_wait3A_1239 = tpu.memref_slice %arg8[%dma_wait3A_1232, %dma_wait3A_1238] : memref<2x4096xi32, #tpu.memory_space<vmem>> -> memref<1x128xi32, #tpu.memory_space<vmem>>
      %dma_wait3A_1240 = tpu.memref_squeeze %dma_wait3A_1239 : memref<1x128xi32, #tpu.memory_space<vmem>> -> memref<128xi32, #tpu.memory_space<vmem>>
      %dma_wait3A_1241 = arith.constant 0 : i32
      %dma_wait3A_1242 = arith.constant 0 : i32
      %dma_wait3A_1243 = tpu.memref_slice %arg12[%dma_wait3A_1241, %dma_wait3A_1242] : memref<10000x64xf32, #tpu.memory_space<vmem_shared>> -> memref<10000x64xf32, #tpu.memory_space<vmem_shared>>
      tpu.wait_indirect_dma semaphore(%arg16 : memref<!tpu.dma_semaphore, #tpu.memory_space<semaphore_mem>>) src(%dma_wait3A_1243 : memref<10000x64xf32, #tpu.memory_space<vmem_shared>>) dst(%dma_wait3A_1237 : memref<128x64xf32, #tpu.memory_space<vmem>>)
      %dma_start3A_1244 = arith.constant 2 : i32
      %dma_start3A_1245 = arith.constant 0 : i32
      %dma_start3A_1246 = arith.constant 0 : i32
      %dma_start3A_1247 = arith.constant 0 : i32
      %dma_start3A_1248 = tpu.memref_slice %arg10[%dma_start3A_1244, %dma_start3A_1246, %dma_start3A_1247] : memref<4x128x64xf32, #tpu.memory_space<vmem>> -> memref<1x128x64xf32, #tpu.memory_space<vmem>>
      %dma_start3A_1249 = tpu.memref_squeeze %dma_start3A_1248 : memref<1x128x64xf32, #tpu.memory_space<vmem>> -> memref<128x64xf32, #tpu.memory_space<vmem>>
      %dma_start3A_1250 = arith.constant 0 : i32
      %dma_start3A_1251 = tpu.memref_slice %arg9[%dma_start3A_1245, %add3A_1231, %dma_start3A_1250] : memref<2x32x128xi32, #tpu.memory_space<vmem>> -> memref<1x1x128xi32, #tpu.memory_space<vmem>>
      %dma_start3A_1252 = tpu.memref_squeeze %dma_start3A_1251 : memref<1x1x128xi32, #tpu.memory_space<vmem>> -> memref<128xi32, #tpu.memory_space<vmem>>
      %dma_start3A_1253 = arith.constant 0 : i32
      %dma_start3A_1254 = arith.constant 0 : i32
      %dma_start3A_1255 = tpu.memref_slice %arg13[%dma_start3A_1253, %dma_start3A_1254] : memref<10240x64xf32, #tpu.memory_space<vmem_shared>> -> memref<10240x64xf32, #tpu.memory_space<vmem_shared>>
      tpu.enqueue_indirect_dma source(%dma_start3A_1249 : memref<128x64xf32, #tpu.memory_space<vmem>>) target(%dma_start3A_1255 : memref<10240x64xf32, #tpu.memory_space<vmem_shared>>) offsets(%dma_start3A_1252 : memref<128xi32, #tpu.memory_space<vmem>>) semaphore(%arg20 : memref<!tpu.dma_semaphore, #tpu.memory_space<semaphore_mem>>) {add = true}
      %add3A_1256 = arith.constant 4 : i32
      %add3A_1257 = arith.addi %add3A_1231, %add3A_1256 : i32
      %sub3A_1258 = arith.constant 1 : i32
      %sub3A_1259 = arith.subi %add3A_1257, %sub3A_1258 : i32
      %lt3A_1260 = arith.constant 32 : i32
      %lt3A_1261 = arith.cmpi slt, %sub3A_1259, %lt3A_1260 : i32
      %convert_element_type3A_1262 = arith.extui %lt3A_1261 : i1 to i32
      %cond3A_1263 = arith.constant 0 : i32
      %cond3A_1264 = arith.cmpi ne, %convert_element_type3A_1262, %cond3A_1263 : i32
      scf.if %cond3A_1264 {
        %ge3A_1301 = arith.constant 4 : i32
        %ge3A_1302 = arith.cmpi sge, %sub3A_1259, %ge3A_1301 : i32
        %convert_element_type3A_1303 = arith.extui %ge3A_1302 : i1 to i32
        %cond3A_1304 = arith.constant 0 : i32
        %cond3A_1305 = arith.cmpi ne, %convert_element_type3A_1303, %cond3A_1304 : i32
        scf.if %cond3A_1305 {
          %dma_wait3A_1320 = arith.constant 1 : i32
          %dma_wait3A_1321 = arith.constant 0 : i32
          %dma_wait3A_1322 = arith.constant 0 : i32
          %dma_wait3A_1323 = arith.constant 0 : i32
          %dma_wait3A_1324 = arith.constant 0 : i32
          %dma_wait3A_1325 = tpu.memref_slice %arg10[%dma_wait3A_1320, %dma_wait3A_1323, %dma_wait3A_1324] : memref<4x128x64xf32, #tpu.memory_space<vmem>> -> memref<1x128x64xf32, #tpu.memory_space<vmem>>
          %dma_wait3A_1326 = tpu.memref_squeeze %dma_wait3A_1325 : memref<1x128x64xf32, #tpu.memory_space<vmem>> -> memref<128x64xf32, #tpu.memory_space<vmem>>
          %dma_wait3A_1327 = arith.constant 0 : i32
          %dma_wait3A_1328 = tpu.memref_slice %arg9[%dma_wait3A_1321, %dma_wait3A_1322, %dma_wait3A_1327] : memref<2x32x128xi32, #tpu.memory_space<vmem>> -> memref<1x1x128xi32, #tpu.memory_space<vmem>>
          %dma_wait3A_1329 = tpu.memref_squeeze %dma_wait3A_1328 : memref<1x1x128xi32, #tpu.memory_space<vmem>> -> memref<128xi32, #tpu.memory_space<vmem>>
          %dma_wait3A_1330 = arith.constant 0 : i32
          %dma_wait3A_1331 = arith.constant 0 : i32
          %dma_wait3A_1332 = tpu.memref_slice %arg13[%dma_wait3A_1330, %dma_wait3A_1331] : memref<10240x64xf32, #tpu.memory_space<vmem_shared>> -> memref<10240x64xf32, #tpu.memory_space<vmem_shared>>
          tpu.wait_indirect_dma semaphore(%arg19 : memref<!tpu.dma_semaphore, #tpu.memory_space<semaphore_mem>>) src(%dma_wait3A_1326 : memref<128x64xf32, #tpu.memory_space<vmem>>) dst(%dma_wait3A_1332 : memref<10240x64xf32, #tpu.memory_space<vmem_shared>>)
        } else {
        }
        %mul3A_1306 = arith.constant 128 : i32
        %mul3A_1307 = arith.muli %sub3A_1259, %mul3A_1306 : i32
        %multiple_of3A_1308 = tpu.assume_multiple %mul3A_1307, 128 : i32
        %dma_start3A_1309 = arith.constant 0 : i32
        %dma_start3A_1310 = arith.constant 1 : i32
        %dma_start3A_1311 = arith.constant 0 : i32
        %dma_start3A_1312 = arith.constant 0 : i32
        %dma_start3A_1313 = tpu.memref_slice %arg10[%dma_start3A_1310, %dma_start3A_1311, %dma_start3A_1312] : memref<4x128x64xf32, #tpu.memory_space<vmem>> -> memref<1x128x64xf32, #tpu.memory_space<vmem>>
        %dma_start3A_1314 = tpu.memref_squeeze %dma_start3A_1313 : memref<1x128x64xf32, #tpu.memory_space<vmem>> -> memref<128x64xf32, #tpu.memory_space<vmem>>
        %dma_start3A_1315 = tpu.memref_slice %arg8[%dma_start3A_1309, %multiple_of3A_1308] : memref<2x4096xi32, #tpu.memory_space<vmem>> -> memref<1x128xi32, #tpu.memory_space<vmem>>
        %dma_start3A_1316 = tpu.memref_squeeze %dma_start3A_1315 : memref<1x128xi32, #tpu.memory_space<vmem>> -> memref<128xi32, #tpu.memory_space<vmem>>
        %dma_start3A_1317 = arith.constant 0 : i32
        %dma_start3A_1318 = arith.constant 0 : i32
        %dma_start3A_1319 = tpu.memref_slice %arg12[%dma_start3A_1317, %dma_start3A_1318] : memref<10000x64xf32, #tpu.memory_space<vmem_shared>> -> memref<10000x64xf32, #tpu.memory_space<vmem_shared>>
        tpu.enqueue_indirect_dma source(%dma_start3A_1319 : memref<10000x64xf32, #tpu.memory_space<vmem_shared>>) target(%dma_start3A_1314 : memref<128x64xf32, #tpu.memory_space<vmem>>) offsets(%dma_start3A_1316 : memref<128xi32, #tpu.memory_space<vmem>>) semaphore(%arg15 : memref<!tpu.dma_semaphore, #tpu.memory_space<semaphore_mem>>)
      } else {
      }
      %add3A_1265 = arith.constant 3 : i32
      %add3A_1266 = arith.addi %mul3A_1160, %add3A_1265 : i32
      %dma_wait3A_1267 = arith.constant 0 : i32
      %dma_wait3A_1268 = arith.constant 3 : i32
      %dma_wait3A_1269 = arith.constant 0 : i32
      %dma_wait3A_1270 = arith.constant 0 : i32
      %dma_wait3A_1271 = tpu.memref_slice %arg10[%dma_wait3A_1268, %dma_wait3A_1269, %dma_wait3A_1270] : memref<4x128x64xf32, #tpu.memory_space<vmem>> -> memref<1x128x64xf32, #tpu.memory_space<vmem>>
      %dma_wait3A_1272 = tpu.memref_squeeze %dma_wait3A_1271 : memref<1x128x64xf32, #tpu.memory_space<vmem>> -> memref<128x64xf32, #tpu.memory_space<vmem>>
      %dma_wait3A_1273 = arith.constant 0 : i32
      %dma_wait3A_1274 = tpu.memref_slice %arg8[%dma_wait3A_1267, %dma_wait3A_1273] : memref<2x4096xi32, #tpu.memory_space<vmem>> -> memref<1x128xi32, #tpu.memory_space<vmem>>
      %dma_wait3A_1275 = tpu.memref_squeeze %dma_wait3A_1274 : memref<1x128xi32, #tpu.memory_space<vmem>> -> memref<128xi32, #tpu.memory_space<vmem>>
      %dma_wait3A_1276 = arith.constant 0 : i32
      %dma_wait3A_1277 = arith.constant 0 : i32
      %dma_wait3A_1278 = tpu.memref_slice %arg12[%dma_wait3A_1276, %dma_wait3A_1277] : memref<10000x64xf32, #tpu.memory_space<vmem_shared>> -> memref<10000x64xf32, #tpu.memory_space<vmem_shared>>
      tpu.wait_indirect_dma semaphore(%arg17 : memref<!tpu.dma_semaphore, #tpu.memory_space<semaphore_mem>>) src(%dma_wait3A_1278 : memref<10000x64xf32, #tpu.memory_space<vmem_shared>>) dst(%dma_wait3A_1272 : memref<128x64xf32, #tpu.memory_space<vmem>>)
      %dma_start3A_1279 = arith.constant 3 : i32
      %dma_start3A_1280 = arith.constant 0 : i32
      %dma_start3A_1281 = arith.constant 0 : i32
      %dma_start3A_1282 = arith.constant 0 : i32
      %dma_start3A_1283 = tpu.memref_slice %arg10[%dma_start3A_1279, %dma_start3A_1281, %dma_start3A_1282] : memref<4x128x64xf32, #tpu.memory_space<vmem>> -> memref<1x128x64xf32, #tpu.memory_space<vmem>>
      %dma_start3A_1284 = tpu.memref_squeeze %dma_start3A_1283 : memref<1x128x64xf32, #tpu.memory_space<vmem>> -> memref<128x64xf32, #tpu.memory_space<vmem>>
      %dma_start3A_1285 = arith.constant 0 : i32
      %dma_start3A_1286 = tpu.memref_slice %arg9[%dma_start3A_1280, %add3A_1266, %dma_start3A_1285] : memref<2x32x128xi32, #tpu.memory_space<vmem>> -> memref<1x1x128xi32, #tpu.memory_space<vmem>>
      %dma_start3A_1287 = tpu.memref_squeeze %dma_start3A_1286 : memref<1x1x128xi32, #tpu.memory_space<vmem>> -> memref<128xi32, #tpu.memory_space<vmem>>
      %dma_start3A_1288 = arith.constant 0 : i32
      %dma_start3A_1289 = arith.constant 0 : i32
      %dma_start3A_1290 = tpu.memref_slice %arg13[%dma_start3A_1288, %dma_start3A_1289] : memref<10240x64xf32, #tpu.memory_space<vmem_shared>> -> memref<10240x64xf32, #tpu.memory_space<vmem_shared>>
      tpu.enqueue_indirect_dma source(%dma_start3A_1284 : memref<128x64xf32, #tpu.memory_space<vmem>>) target(%dma_start3A_1290 : memref<10240x64xf32, #tpu.memory_space<vmem_shared>>) offsets(%dma_start3A_1287 : memref<128xi32, #tpu.memory_space<vmem>>) semaphore(%arg21 : memref<!tpu.dma_semaphore, #tpu.memory_space<semaphore_mem>>) {add = true}
      %add3A_1291 = arith.constant 4 : i32
      %add3A_1292 = arith.addi %add3A_1266, %add3A_1291 : i32
      %sub3A_1293 = arith.constant 1 : i32
      %sub3A_1294 = arith.subi %add3A_1292, %sub3A_1293 : i32
      %lt3A_1295 = arith.constant 32 : i32
      %lt3A_1296 = arith.cmpi slt, %sub3A_1294, %lt3A_1295 : i32
      %convert_element_type3A_1297 = arith.extui %lt3A_1296 : i1 to i32
      %cond3A_1298 = arith.constant 0 : i32
      %cond3A_1299 = arith.cmpi ne, %convert_element_type3A_1297, %cond3A_1298 : i32
      scf.if %cond3A_1299 {
        %ge3A_1301 = arith.constant 4 : i32
        %ge3A_1302 = arith.cmpi sge, %sub3A_1294, %ge3A_1301 : i32
        %convert_element_type3A_1303 = arith.extui %ge3A_1302 : i1 to i32
        %cond3A_1304 = arith.constant 0 : i32
        %cond3A_1305 = arith.cmpi ne, %convert_element_type3A_1303, %cond3A_1304 : i32
        scf.if %cond3A_1305 {
          %dma_wait3A_1320 = arith.constant 2 : i32
          %dma_wait3A_1321 = arith.constant 0 : i32
          %dma_wait3A_1322 = arith.constant 0 : i32
          %dma_wait3A_1323 = arith.constant 0 : i32
          %dma_wait3A_1324 = arith.constant 0 : i32
          %dma_wait3A_1325 = tpu.memref_slice %arg10[%dma_wait3A_1320, %dma_wait3A_1323, %dma_wait3A_1324] : memref<4x128x64xf32, #tpu.memory_space<vmem>> -> memref<1x128x64xf32, #tpu.memory_space<vmem>>
          %dma_wait3A_1326 = tpu.memref_squeeze %dma_wait3A_1325 : memref<1x128x64xf32, #tpu.memory_space<vmem>> -> memref<128x64xf32, #tpu.memory_space<vmem>>
          %dma_wait3A_1327 = arith.constant 0 : i32
          %dma_wait3A_1328 = tpu.memref_slice %arg9[%dma_wait3A_1321, %dma_wait3A_1322, %dma_wait3A_1327] : memref<2x32x128xi32, #tpu.memory_space<vmem>> -> memref<1x1x128xi32, #tpu.memory_space<vmem>>
          %dma_wait3A_1329 = tpu.memref_squeeze %dma_wait3A_1328 : memref<1x1x128xi32, #tpu.memory_space<vmem>> -> memref<128xi32, #tpu.memory_space<vmem>>
          %dma_wait3A_1330 = arith.constant 0 : i32
          %dma_wait3A_1331 = arith.constant 0 : i32
          %dma_wait3A_1332 = tpu.memref_slice %arg13[%dma_wait3A_1330, %dma_wait3A_1331] : memref<10240x64xf32, #tpu.memory_space<vmem_shared>> -> memref<10240x64xf32, #tpu.memory_space<vmem_shared>>
          tpu.wait_indirect_dma semaphore(%arg20 : memref<!tpu.dma_semaphore, #tpu.memory_space<semaphore_mem>>) src(%dma_wait3A_1326 : memref<128x64xf32, #tpu.memory_space<vmem>>) dst(%dma_wait3A_1332 : memref<10240x64xf32, #tpu.memory_space<vmem_shared>>)
        } else {
        }
        %mul3A_1306 = arith.constant 128 : i32
        %mul3A_1307 = arith.muli %sub3A_1294, %mul3A_1306 : i32
        %multiple_of3A_1308 = tpu.assume_multiple %mul3A_1307, 128 : i32
        %dma_start3A_1309 = arith.constant 0 : i32
        %dma_start3A_1310 = arith.constant 2 : i32
        %dma_start3A_1311 = arith.constant 0 : i32
        %dma_start3A_1312 = arith.constant 0 : i32
        %dma_start3A_1313 = tpu.memref_slice %arg10[%dma_start3A_1310, %dma_start3A_1311, %dma_start3A_1312] : memref<4x128x64xf32, #tpu.memory_space<vmem>> -> memref<1x128x64xf32, #tpu.memory_space<vmem>>
        %dma_start3A_1314 = tpu.memref_squeeze %dma_start3A_1313 : memref<1x128x64xf32, #tpu.memory_space<vmem>> -> memref<128x64xf32, #tpu.memory_space<vmem>>
        %dma_start3A_1315 = tpu.memref_slice %arg8[%dma_start3A_1309, %multiple_of3A_1308] : memref<2x4096xi32, #tpu.memory_space<vmem>> -> memref<1x128xi32, #tpu.memory_space<vmem>>
        %dma_start3A_1316 = tpu.memref_squeeze %dma_start3A_1315 : memref<1x128xi32, #tpu.memory_space<vmem>> -> memref<128xi32, #tpu.memory_space<vmem>>
        %dma_start3A_1317 = arith.constant 0 : i32
        %dma_start3A_1318 = arith.constant 0 : i32
        %dma_start3A_1319 = tpu.memref_slice %arg12[%dma_start3A_1317, %dma_start3A_1318] : memref<10000x64xf32, #tpu.memory_space<vmem_shared>> -> memref<10000x64xf32, #tpu.memory_space<vmem_shared>>
        tpu.enqueue_indirect_dma source(%dma_start3A_1319 : memref<10000x64xf32, #tpu.memory_space<vmem_shared>>) target(%dma_start3A_1314 : memref<128x64xf32, #tpu.memory_space<vmem>>) offsets(%dma_start3A_1316 : memref<128xi32, #tpu.memory_space<vmem>>) semaphore(%arg16 : memref<!tpu.dma_semaphore, #tpu.memory_space<semaphore_mem>>)
      } else {
      }
      %scan3A_1300 = arith.constant 0 : i32
      scf.yield %scan3A_1300 : i32
    }
    %scan3A_1101 = arith.constant 8 : i32
    %dma_wait3A_1102 = arith.constant 0 : i32
    %dma_wait3A_1103 = arith.constant 0 : i32
    %dma_wait3A_1104 = arith.constant 0 : i32
    %dma_wait3A_1105 = arith.constant 0 : i32
    %dma_wait3A_1106 = arith.constant 0 : i32
    %dma_wait3A_1107 = tpu.memref_slice %arg10[%dma_wait3A_1102, %dma_wait3A_1105, %dma_wait3A_1106] : memref<4x128x64xf32, #tpu.memory_space<vmem>> -> memref<1x128x64xf32, #tpu.memory_space<vmem>>
    %dma_wait3A_1108 = tpu.memref_squeeze %dma_wait3A_1107 : memref<1x128x64xf32, #tpu.memory_space<vmem>> -> memref<128x64xf32, #tpu.memory_space<vmem>>
    %dma_wait3A_1109 = arith.constant 0 : i32
    %dma_wait3A_1110 = tpu.memref_slice %arg9[%dma_wait3A_1103, %dma_wait3A_1104, %dma_wait3A_1109] : memref<2x32x128xi32, #tpu.memory_space<vmem>> -> memref<1x1x128xi32, #tpu.memory_space<vmem>>
    %dma_wait3A_1111 = tpu.memref_squeeze %dma_wait3A_1110 : memref<1x1x128xi32, #tpu.memory_space<vmem>> -> memref<128xi32, #tpu.memory_space<vmem>>
    %dma_wait3A_1112 = arith.constant 0 : i32
    %dma_wait3A_1113 = arith.constant 0 : i32
    %dma_wait3A_1114 = tpu.memref_slice %arg13[%dma_wait3A_1112, %dma_wait3A_1113] : memref<10240x64xf32, #tpu.memory_space<vmem_shared>> -> memref<10240x64xf32, #tpu.memory_space<vmem_shared>>
    tpu.wait_indirect_dma semaphore(%arg18 : memref<!tpu.dma_semaphore, #tpu.memory_space<semaphore_mem>>) src(%dma_wait3A_1108 : memref<128x64xf32, #tpu.memory_space<vmem>>) dst(%dma_wait3A_1114 : memref<10240x64xf32, #tpu.memory_space<vmem_shared>>)
    %dma_wait3A_1115 = arith.constant 1 : i32
    %dma_wait3A_1116 = arith.constant 0 : i32
    %dma_wait3A_1117 = arith.constant 0 : i32
    %dma_wait3A_1118 = arith.constant 0 : i32
    %dma_wait3A_1119 = arith.constant 0 : i32
    %dma_wait3A_1120 = tpu.memref_slice %arg10[%dma_wait3A_1115, %dma_wait3A_1118, %dma_wait3A_1119] : memref<4x128x64xf32, #tpu.memory_space<vmem>> -> memref<1x128x64xf32, #tpu.memory_space<vmem>>
    %dma_wait3A_1121 = tpu.memref_squeeze %dma_wait3A_1120 : memref<1x128x64xf32, #tpu.memory_space<vmem>> -> memref<128x64xf32, #tpu.memory_space<vmem>>
    %dma_wait3A_1122 = arith.constant 0 : i32
    %dma_wait3A_1123 = tpu.memref_slice %arg9[%dma_wait3A_1116, %dma_wait3A_1117, %dma_wait3A_1122] : memref<2x32x128xi32, #tpu.memory_space<vmem>> -> memref<1x1x128xi32, #tpu.memory_space<vmem>>
    %dma_wait3A_1124 = tpu.memref_squeeze %dma_wait3A_1123 : memref<1x1x128xi32, #tpu.memory_space<vmem>> -> memref<128xi32, #tpu.memory_space<vmem>>
    %dma_wait3A_1125 = arith.constant 0 : i32
    %dma_wait3A_1126 = arith.constant 0 : i32
    %dma_wait3A_1127 = tpu.memref_slice %arg13[%dma_wait3A_1125, %dma_wait3A_1126] : memref<10240x64xf32, #tpu.memory_space<vmem_shared>> -> memref<10240x64xf32, #tpu.memory_space<vmem_shared>>
    tpu.wait_indirect_dma semaphore(%arg19 : memref<!tpu.dma_semaphore, #tpu.memory_space<semaphore_mem>>) src(%dma_wait3A_1121 : memref<128x64xf32, #tpu.memory_space<vmem>>) dst(%dma_wait3A_1127 : memref<10240x64xf32, #tpu.memory_space<vmem_shared>>)
    %dma_wait3A_1128 = arith.constant 2 : i32
    %dma_wait3A_1129 = arith.constant 0 : i32
    %dma_wait3A_1130 = arith.constant 0 : i32
    %dma_wait3A_1131 = arith.constant 0 : i32
    %dma_wait3A_1132 = arith.constant 0 : i32
    %dma_wait3A_1133 = tpu.memref_slice %arg10[%dma_wait3A_1128, %dma_wait3A_1131, %dma_wait3A_1132] : memref<4x128x64xf32, #tpu.memory_space<vmem>> -> memref<1x128x64xf32, #tpu.memory_space<vmem>>
    %dma_wait3A_1134 = tpu.memref_squeeze %dma_wait3A_1133 : memref<1x128x64xf32, #tpu.memory_space<vmem>> -> memref<128x64xf32, #tpu.memory_space<vmem>>
    %dma_wait3A_1135 = arith.constant 0 : i32
    %dma_wait3A_1136 = tpu.memref_slice %arg9[%dma_wait3A_1129, %dma_wait3A_1130, %dma_wait3A_1135] : memref<2x32x128xi32, #tpu.memory_space<vmem>> -> memref<1x1x128xi32, #tpu.memory_space<vmem>>
    %dma_wait3A_1137 = tpu.memref_squeeze %dma_wait3A_1136 : memref<1x1x128xi32, #tpu.memory_space<vmem>> -> memref<128xi32, #tpu.memory_space<vmem>>
    %dma_wait3A_1138 = arith.constant 0 : i32
    %dma_wait3A_1139 = arith.constant 0 : i32
    %dma_wait3A_1140 = tpu.memref_slice %arg13[%dma_wait3A_1138, %dma_wait3A_1139] : memref<10240x64xf32, #tpu.memory_space<vmem_shared>> -> memref<10240x64xf32, #tpu.memory_space<vmem_shared>>
    tpu.wait_indirect_dma semaphore(%arg20 : memref<!tpu.dma_semaphore, #tpu.memory_space<semaphore_mem>>) src(%dma_wait3A_1134 : memref<128x64xf32, #tpu.memory_space<vmem>>) dst(%dma_wait3A_1140 : memref<10240x64xf32, #tpu.memory_space<vmem_shared>>)
    %dma_wait3A_1141 = arith.constant 3 : i32
    %dma_wait3A_1142 = arith.constant 0 : i32
    %dma_wait3A_1143 = arith.constant 0 : i32
    %dma_wait3A_1144 = arith.constant 0 : i32
    %dma_wait3A_1145 = arith.constant 0 : i32
    %dma_wait3A_1146 = tpu.memref_slice %arg10[%dma_wait3A_1141, %dma_wait3A_1144, %dma_wait3A_1145] : memref<4x128x64xf32, #tpu.memory_space<vmem>> -> memref<1x128x64xf32, #tpu.memory_space<vmem>>
    %dma_wait3A_1147 = tpu.memref_squeeze %dma_wait3A_1146 : memref<1x128x64xf32, #tpu.memory_space<vmem>> -> memref<128x64xf32, #tpu.memory_space<vmem>>
    %dma_wait3A_1148 = arith.constant 0 : i32
    %dma_wait3A_1149 = tpu.memref_slice %arg9[%dma_wait3A_1142, %dma_wait3A_1143, %dma_wait3A_1148] : memref<2x32x128xi32, #tpu.memory_space<vmem>> -> memref<1x1x128xi32, #tpu.memory_space<vmem>>
    %dma_wait3A_1150 = tpu.memref_squeeze %dma_wait3A_1149 : memref<1x1x128xi32, #tpu.memory_space<vmem>> -> memref<128xi32, #tpu.memory_space<vmem>>
    %dma_wait3A_1151 = arith.constant 0 : i32
    %dma_wait3A_1152 = arith.constant 0 : i32
    %dma_wait3A_1153 = tpu.memref_slice %arg13[%dma_wait3A_1151, %dma_wait3A_1152] : memref<10240x64xf32, #tpu.memory_space<vmem_shared>> -> memref<10240x64xf32, #tpu.memory_space<vmem_shared>>
    tpu.wait_indirect_dma semaphore(%arg21 : memref<!tpu.dma_semaphore, #tpu.memory_space<semaphore_mem>>) src(%dma_wait3A_1147 : memref<128x64xf32, #tpu.memory_space<vmem>>) dst(%dma_wait3A_1153 : memref<10240x64xf32, #tpu.memory_space<vmem_shared>>)
    %barrier3A_1154 = arith.constant 0 : index
    tpu.barrier barrier_id(%barrier3A_1154)
    %mul3A_1155 = arith.constant 640 : i32
    %mul3A_1156 = arith.muli %arg1, %mul3A_1155 : i32
    "tpu.region"() ({
      %run_scoped3A = tpu.sem_alloc : memref<!tpu.dma_semaphore, #tpu.memory_space<semaphore_mem>>
      %dma_start3A_1157 = arith.constant 0 : i32
      %dma_start3A_1158 = tpu.memref_slice %arg7[%arg0, %mul3A_1156, %dma_start3A_1157] : memref<2x10240x64xf32, #tpu.memory_space<hbm>> -> memref<1x640x64xf32, #tpu.memory_space<hbm>>
      %dma_start3A_1159 = tpu.memref_squeeze %dma_start3A_1158 : memref<1x640x64xf32, #tpu.memory_space<hbm>> -> memref<640x64xf32, #tpu.memory_space<hbm>>
      %dma_start3A_1160 = arith.constant 0 : i32
      %dma_start3A_1161 = tpu.memref_slice %arg13[%mul3A_1156, %dma_start3A_1160] : memref<10240x64xf32, #tpu.memory_space<vmem_shared>> -> memref<640x64xf32, #tpu.memory_space<vmem_shared>>
      tpu.enqueue_dma source(%dma_start3A_1161 : memref<640x64xf32, #tpu.memory_space<vmem_shared>>) target(%dma_start3A_1159 : memref<640x64xf32, #tpu.memory_space<hbm>>) target_semaphore(%run_scoped3A : memref<!tpu.dma_semaphore, #tpu.memory_space<semaphore_mem>>)
      %dma_wait3A_1162 = arith.constant 0 : i32
      %dma_wait3A_1163 = tpu.memref_slice %arg7[%arg0, %mul3A_1156, %dma_wait3A_1162] : memref<2x10240x64xf32, #tpu.memory_space<hbm>> -> memref<1x640x64xf32, #tpu.memory_space<hbm>>
      %dma_wait3A_1164 = tpu.memref_squeeze %dma_wait3A_1163 : memref<1x640x64xf32, #tpu.memory_space<hbm>> -> memref<640x64xf32, #tpu.memory_space<hbm>>
      %dma_wait3A_1165 = arith.constant 0 : i32
      %dma_wait3A_1166 = tpu.memref_slice %arg13[%mul3A_1156, %dma_wait3A_1165] : memref<10240x64xf32, #tpu.memory_space<vmem_shared>> -> memref<640x64xf32, #tpu.memory_space<vmem_shared>>
      tpu.wait_dma2 semaphore(%run_scoped3A : memref<!tpu.dma_semaphore, #tpu.memory_space<semaphore_mem>>) src(%dma_wait3A_1166 : memref<640x64xf32, #tpu.memory_space<vmem_shared>>) dst(%dma_wait3A_1164 : memref<640x64xf32, #tpu.memory_space<hbm>>)
      tpu.yield
    }) : () -> ()
    return
  }
}

module attributes {stable_mosaic.version = 14 : i64} {
  func.func @_tc_body(%arg0: i32, %arg1: memref<2x2000x64xf32, #tpu.memory_space<vmem>>, %arg2: memref<128x128xf32, #tpu.memory_space<vmem>>, %arg3: memref<1x128xf32, #tpu.memory_space<vmem>>, %arg4: memref<2000x128xf32, #tpu.memory_space<vmem>>) attributes {dimension_semantics = [#tpu.dimension_semantics<arbitrary>], iteration_bounds = array<i64: 5>, scalar_prefetch = 0 : i64, scratch_operands = 0 : i64, tpu.core_type = #tpu.core_type<tc>, window_params = [{transform_indices = @transform_0, window_bounds = array<i64: 2, 2000, 64>}, {pipeline_mode = #tpu.pipeline_mode<synchronous>, transform_indices = @transform_1, window_bounds = array<i64: 128, 128>}, {pipeline_mode = #tpu.pipeline_mode<synchronous>, transform_indices = @transform_2, window_bounds = array<i64: 1, 128>}, {transform_indices = @transform_3, window_bounds = array<i64: 2000, 128>}]} {
    %get3A = arith.constant 0 : index
    %get3A_0 = arith.constant 0 : index
    %get3A_1 = vector.load %arg2[%get3A, %get3A_0] : memref<128x128xf32, #tpu.memory_space<vmem>>, vector<128x128xf32>
    %get3A_2 = arith.constant 0 : index
    %get3A_3 = arith.constant 0 : index
    %get3A_4 = vector.load %arg3[%get3A_2, %get3A_3] : memref<1x128xf32, #tpu.memory_space<vmem>>, vector<1x128xf32>
    %get3A_5 = arith.constant 0 : index
    %get3A_6 = arith.constant 0 : index
    %get3A_7 = arith.constant 0 : index
    %get3A_8 = vector.load %arg1[%get3A_5, %get3A_6, %get3A_7] : memref<2x2000x64xf32, #tpu.memory_space<vmem>>, vector<1x2000x64xf32>
    %get3A_9 = vector.shape_cast %get3A_8 : vector<1x2000x64xf32> to vector<2000x64xf32>
    %slice3A = vector.extract_strided_slice %get3A_1 {offsets = [0, 0], sizes = [64, 128], strides = [1, 1]} : vector<128x128xf32> to vector<64x128xf32>
    %dot_general3A = arith.constant dense<0.000000e+00> : vector<2000x128xf32>
    %dot_general3A_10 = tpu.matmul %get3A_9, %slice3A, %dot_general3A {dimension_numbers = #tpu.dot_dimension_numbers<[1], [0], [0], [1], [0, 0, 1, 1], [], []>, transpose_lhs_hint = false} : vector<2000x64xf32>, vector<64x128xf32>, vector<2000x128xf32> -> vector<2000x128xf32>
    %get3A_11 = arith.constant 1 : index
    %get3A_12 = arith.constant 0 : index
    %get3A_13 = arith.constant 0 : index
    %get3A_14 = vector.load %arg1[%get3A_11, %get3A_12, %get3A_13] : memref<2x2000x64xf32, #tpu.memory_space<vmem>>, vector<1x2000x64xf32>
    %get3A_15 = vector.shape_cast %get3A_14 : vector<1x2000x64xf32> to vector<2000x64xf32>
    %slice3A_16 = vector.extract_strided_slice %get3A_1 {offsets = [64, 0], sizes = [64, 128], strides = [1, 1]} : vector<128x128xf32> to vector<64x128xf32>
    %dot_general3A_17 = arith.constant dense<0.000000e+00> : vector<2000x128xf32>
    %dot_general3A_18 = tpu.matmul %get3A_15, %slice3A_16, %dot_general3A_17 {dimension_numbers = #tpu.dot_dimension_numbers<[1], [0], [0], [1], [0, 0, 1, 1], [], []>, transpose_lhs_hint = false} : vector<2000x64xf32>, vector<64x128xf32>, vector<2000x128xf32> -> vector<2000x128xf32>
    %add3A = arith.addf %dot_general3A_10, %dot_general3A_18 : vector<2000x128xf32>
    %add3A_19 = vector.broadcast %get3A_4 : vector<1x128xf32> to vector<2000x128xf32>
    %add3A_20 = arith.addf %add3A, %add3A_19 : vector<2000x128xf32>
    %swap3A = arith.constant 0 : index
    %swap3A_21 = arith.constant 0 : index
    %swap3A_22 = vector.load %arg4[%swap3A, %swap3A_21] : memref<2000x128xf32, #tpu.memory_space<vmem>>, vector<2000x128xf32>
    tpu.vector_store %arg4[%swap3A, %swap3A_21], %add3A_20 {strides = array<i32>} : memref<2000x128xf32, #tpu.memory_space<vmem>>, vector<2000x128xf32>,
    return
  }
  func.func @transform_0(%arg0: i32) -> (i32, i32, i32) {
    %c0_i32 = arith.constant 0 : i32
    %c0_i32_0 = arith.constant 0 : i32
    %c0_i32_1 = arith.constant 0 : i32
    return %c0_i32, %arg0, %c0_i32_0 : i32, i32, i32
  }
  func.func @transform_1(%arg0: i32) -> (i32, i32) {
    %c0_i32 = arith.constant 0 : i32
    %c0_i32_0 = arith.constant 0 : i32
    %c0_i32_1 = arith.constant 0 : i32
    return %c0_i32, %c0_i32_0 : i32, i32
  }
  func.func @transform_2(%arg0: i32) -> (i32, i32) {
    %c0_i32 = arith.constant 0 : i32
    %c0_i32_0 = arith.constant 0 : i32
    %c0_i32_1 = arith.constant 0 : i32
    return %c0_i32, %c0_i32_0 : i32, i32
  }
  func.func @transform_3(%arg0: i32) -> (i32, i32) {
    %c0_i32 = arith.constant 0 : i32
    %c0_i32_0 = arith.constant 0 : i32
    return %arg0, %c0_i32 : i32, i32
  }
}

</mosaic_0001>

<sc_bundles>
// kernel: kernel.4.cloned.1.call-start
scs
__scs_entry_jumppad:
0x0: {  	(pc) =	sbr.rel $0x88, $3  }
0x1: {  	(tag) =	ssettag $0x0;
	lr =	simm.s32 $0x1  }
0x2: {  	[smem:$0x3F9C] =	sst lr;
	_ =	strace $0xD0000000  }
0x3: {  	_ = 	snop  }
0x4: {  	_ = 	snop  }
0x5: {  	_ = 	snop  }
0x6: {  	_ = 	snop  }
0x7: {  	_ = 	snop  }
__scs_overlays_trampoline_lowered:
0x8: {  	[smem:$0x3FAB] =	sst s0  }
0x9: {  	[smem:$0x3FAC] =	sst s1  }
0xa: {  	[smem:$0x3FAD] =	sst s2  }
0xb: {  	[smem:$0x3FAE] =	sst s3  }
0xc: {  	[smem:$0x3FAF] =	sst s4  }
0xd: {  	[smem:$0x3FB0] =	sst s5  }
0xe: {  	[smem:$0x3FB1] =	sst s6  }
0xf: {  	[smem:$0x3FB2] =	sst s7  }
0x10: {  	[smem:$0x3FB3] =	sst s8  }
0x11: {  	[smem:$0x3FB4] =	sst s9;
	s0 =	simm.s32 @!p0 $0x0  }
0x12: {  	s1 =	sld [smem:$0x3F9A];
	s0 =	simm.s32 @p0 $0x1  }
0x13: {  	[smem:$0x3FB5] =	sst s0;
	s0 =	simm.s32 @!p1 $0x0  }
0x14: {  	s2 =	sld [smem:$0x3F99];
	s0 =	simm.s32 @p1 $0x1  }
0x15: {  	[smem:$0x3FB6] =	sst s0;
	s0 =	simm.s32 @!p2 $0x0  }
0x16: {  	s3 =	sld [smem:$0x3FDB];
	s0 =	simm.s32 @p2 $0x1  }
0x17: {  	s4 =	simm.s32 $0x1BF5;
	[smem:$0x3FB8] =	sst s0  }
0x18: {  	s0 =	sld [smem:$0x3F9B];
	_ =	swait.ge [sflag:s4], $0x0  }
0x19: {  	s7 =	sld [smem:$0x3F9C]  }
0x1a: {  	s8 =	sadd.s32 $0xFFFFE003, lr  }
0x1b: {  	s9 =	sadd.s32 $0xFFFFFEF7, lr;
	s5 =	simm.s32 $0xFFFFFFFF;
	p2 =	slt.u32 s8, $0xFFFFF086  }
0x1c: {  	p1 =	slt.u32 s9, $0xF7A;
	s5 =	simm.s32 @!p2 $0x0  }
0x1d: {  	s5 =	simm.s32 @p1 $0x1;
	p0 =	seq.s32 s7, s2  }
0x1e: {  	s7 =	smul.u32 @!p0 $0xF7A, s2;
	p2 =	seq.s32 @!p0 s5, $0x0  }
0x1f: {  	s9 =	smul.u32 $0xF7A, s1;
	s8 =	simm.s32 @!p0 $0x1BF5;
	p2 =	por !p2, p0  }
0x20: {  	[sflag:s8] =	ssyncset.s32 @!p0 $0xFFFFF086;
	s6 =	sadd.s32 @!p0 s3, s7;
	s7 =	simm.s32 @!p0 $0x108  }
0x21: {  	s3 =	sadd.s32 s3, s9;
	s6 =	sadd.s32 @!p0 $0x88, s6;
	s7 =	simm.s32 @p2 $0x1082  }
0x22: {  	[simem:s7], [sflag:s8] =	dma.local @!p0 [hbm:s6], $0xF7A  }
0x23: {  	s9 =	sor.u32 $0xD0000000, s2;
	s6 =	simm.s32 $0x108;
	_ =	swait.ge @!p0 [sflag:s8], $0x0  }
0x24: {  	s3 =	sadd.s32 $0x88, s3;
	s6 =	simm.s32 @!p1 $0x1082;
	[sflag:s4] =	ssyncset.s32 $0xFFFFF086  }
0x25: {  	[simem:s6], [sflag:s4] =	dma.local [hbm:s3], $0xF7A  }
0x26: {  	[smem:$0x3F9C] =	sst s1;
	(tag) =	ssettag s2;
	_ =	strace s9  }
0x27: {  	s1 =	sld [smem:$0x3FAC]  }
0x28: {  	s2 =	sld [smem:$0x3FAD]  }
0x29: {  	s4 =	sld [smem:$0x3FAF]  }
0x2a: {  	p0 =	seq.s32 s5, $0x0;
	s5 =	sld [smem:$0x3FB0]  }
0x2b: {  	s6 =	sld [smem:$0x3FB1]  }
0x2c: {  	s7 =	sld [smem:$0x3FB2]  }
0x2d: {  	s3 =	simm.s32 $0x108;
	s8 =	sld [smem:$0x3FB3]  }
0x2e: {  	s3 =	simm.s32 @!p0 $0x1082;
	s9 =	sld [smem:$0x3FB4]  }
0x2f: {  	lr =	sadd.s32 s0, s3;
	s0 =	sld [smem:$0x3FAB]  }
0x30: {  	s3 =	sld [smem:$0x3FAE]  }
0x31: {  	[smem:$0x3FB7] =	sst s10  }
0x32: {  	s10 =	sld [smem:$0x3FB5];
	_ =	sdelay $0x3  }
0x33: {  	p0 =	seq.s32 s10, $0x1;
	s10 =	sld [smem:$0x3FB7];
	_ =	sdelay $0x3  }
0x34: {  	[smem:$0x3FB7] =	sst s10  }
0x35: {  	s10 =	sld [smem:$0x3FB6];
	_ =	sdelay $0x3  }
0x36: {  	p1 =	seq.s32 s10, $0x1;
	s10 =	sld [smem:$0x3FB7];
	_ =	sdelay $0x3  }
0x37: {  	[smem:$0x3FB7] =	sst s10  }
0x38: {  	s10 =	sld [smem:$0x3FB8]  }
0x39: {  	_ = 	snop;
	(pc) =	sbr.ind lr, $3  }
0x3a: {  	_ = 	snop  }
0x3b: {  	_ = 	snop  }
0x3c: {  	p2 =	seq.s32 s10, $0x1;
	s10 =	sld [smem:$0x3FB7]  }
0x3d: {  	_ =	shalt  }
0x3e: {  	_ =	shalt  }
0x3f: {  	_ =	shalt  }
0x40: {  	_ =	shalt  }
0x41: {  	_ =	shalt  }
0x42: {  	_ =	shalt  }
0x43: {  	_ =	shalt  }
0x44: {  	_ =	shalt  }
0x45: {  	_ =	shalt  }
0x46: {  	_ =	shalt  }
0x47: {  	_ =	shalt  }
0x48: {  	_ =	shalt  }
0x49: {  	_ =	shalt  }
0x4a: {  	_ =	shalt  }
0x4b: {  	_ =	shalt  }
0x4c: {  	_ =	shalt  }
0x4d: {  	_ =	shalt  }
0x4e: {  	_ =	shalt  }
0x4f: {  	_ =	shalt  }
0x50: {  	_ =	shalt  }
0x51: {  	_ =	shalt  }
0x52: {  	_ =	shalt  }
0x53: {  	_ =	shalt  }
0x54: {  	_ =	shalt  }
0x55: {  	_ =	shalt  }
0x56: {  	_ =	shalt  }
0x57: {  	_ =	shalt  }
0x58: {  	_ =	shalt  }
0x59: {  	_ =	shalt  }
0x5a: {  	_ =	shalt  }
0x5b: {  	_ =	shalt  }
0x5c: {  	_ =	shalt  }
0x5d: {  	_ =	shalt  }
0x5e: {  	_ =	shalt  }
0x5f: {  	_ =	shalt  }
0x60: {  	_ =	shalt  }
0x61: {  	_ =	shalt  }
0x62: {  	_ =	shalt  }
0x63: {  	_ =	shalt  }
0x64: {  	_ =	shalt  }
0x65: {  	_ =	shalt  }
0x66: {  	_ =	shalt  }
0x67: {  	_ =	shalt  }
0x68: {  	_ =	shalt  }
0x69: {  	_ =	shalt  }
0x6a: {  	_ =	shalt  }
0x6b: {  	_ =	shalt  }
0x6c: {  	_ =	shalt  }
0x6d: {  	_ =	shalt  }
0x6e: {  	_ =	shalt  }
0x6f: {  	_ =	shalt  }
0x70: {  	_ =	shalt  }
0x71: {  	_ =	shalt  }
0x72: {  	_ =	shalt  }
0x73: {  	_ =	shalt  }
0x74: {  	_ =	shalt  }
0x75: {  	_ =	shalt  }
0x76: {  	_ =	shalt  }
0x77: {  	_ =	shalt  }
0x78: {  	_ =	shalt  }
0x79: {  	_ =	shalt  }
0x7a: {  	_ =	shalt  }
0x7b: {  	_ =	shalt  }
0x7c: {  	_ =	shalt  }
0x7d: {  	_ =	shalt  }
0x7e: {  	_ =	shalt  }
0x7f: {  	_ =	shalt  }
0x80: {  	_ =	shalt  }
0x81: {  	_ =	shalt  }
0x82: {  	_ =	shalt  }
0x83: {  	_ =	shalt  }
0x84: {  	_ =	shalt  }
0x85: {  	_ =	shalt  }
0x86: {  	_ =	shalt  }
0x87: {  	_ =	shalt  }
.Lfunc_end0:
.L_simem_size_0:
called_computation_lowered:
.L_overlay_start_0:
0x88: {  	s2 =	sld [smem:$0x3FD9]  }
0x89: {  	s3 =	sld [smem:$0x3FFE];
	_ =	sdelay $0x1  }
0x8a: {  	s1 =	srdreg.scid  }
0x8b: {  	s0 =	sand.u32 $0x1, s1  }
0x8c: {  	s17 =	sshll.u32 s0, $0xA;
	s2 =	sadd.s32 s3, s2  }
0x8d: {  	s2 =	sadd.s32 s2, s17  }
0x8e: {  	[smem:$0x3FC3] =	sst s2  }
0x8f: {  	_ = 	snop  }
0x90: {  	s2 =	sld [smem:$0x3FC9]  }
0x91: {  	s18 =	sld [smem:$0x3FC8]  }
0x92: {  	s4 =	sld [smem:$0x3FD0];
	(tm) =	ssettm $0x1  }
0x93: {  	s5 =	sld [smem:$0x3FFB];
	_ =	sdelay $0x3  }
0x94: {  	_ =	strace s5  }
0x95: {  	s5 =	sld [smem:$0x3FFC];
	_ =	sdelay $0x3  }
0x96: {  	_ =	strace s5  }
0x97: {  	s5 =	sld [smem:$0x3FFD];
	_ =	sdelay $0x3  }
0x98: {  	_ =	strace s5  }
0x99: {  	_ =	strace $0x8FFFFFFF  }
0x9a: {  	s19 =	sld [smem:$0x3FDB];
	_ =	sdelay $0x1  }
0x9b: {  	s6 =	simm.s32 $_scs_section_size  }
0x9c: {  	s7 =	simm.s32 $_size__tile_overlayer_lowered;
	s8 =	simm.s32 $_tile_overlayer_lowered  }
0x9d: {  	s22 =	simm.s32 $0x1BFF;
	s21 =	sshll.u32 s8, $0x1;
	s5 =	sadd.s32 s6, s19  }
0x9e: {  	s9 =	simm.s32 $0x0;
	s20 =	sshll.u32 s7, $0x1;
	s7 =	sadd.s32 s21, s5  }
0x9f: {  	[timem:s9], [sflag:s22] =	dma.local [hbm:s7], s20  }
0xa0: {  	_ =	swait.ge [sflag:s22], s20  }
0xa1: {  	s6 =	ssub.s32 $0x0, s20;
	[sflag:s22] =	ssyncset.done $0x0  }
0xa2: {  	[sflag:s22] =	ssyncadd.s32 s6;
	_ =	sdelay $0x1  }
0xa3: {  	s23 =	simm.s32 $0x1B8B  }
0xa4: {  	_ =	swait.ge [sflag:s23], $0x1  }
0xa5: {  	[sflag:s23] =	ssyncset.done $0x0  }
0xa6: {  	s25 =	simm.s32 $0x1B8E;
	s24 =	sld [smem:$0x3FFE];
	[sflag:s23] =	ssyncadd.s32 $0xFFFFFFFF  }
0xa7: {  	s26 =	simm.s32 $execute0_lowered;
	[smem:$0x3FD2] =	sst s25  }
0xa8: {  	s7 =	sshll.u32 s26, $0x1;
	_ =	strace $0x80000046;
	[dreg:$0x1] =	wrdreg $0xFFFFFFFF  }
0xa9: {  	s28 =	simm.s32 $_size_execute0_lowered;
	s5 =	sadd.s32 s5, s7;
	[dreg:$0x0] =	wrdreg $0x0  }
0xaa: {  	s7 =	sshll.u32 s28, $0x1;
	[dreg:$0x2] =	wrdreg s5  }
0xab: {  	[dreg:$0x3] =	wrdreg s7  }
0xac: {  	[dreg:$0x4] =	wrdreg $0xC0  }
0xad: {  	_ =	task [dreg:s9], $0x5FFFF  }
0xae: {  	[dreg:$0x1] =	wrdreg $0xFFFFFFFF  }
0xaf: {  	[dreg:$0x0] =	wrdreg $0x60  }
0xb0: {  	[dreg:$0x2] =	wrdreg s18  }
0xb1: {  	[dreg:$0x3] =	wrdreg s4  }
0xb2: {  	[dreg:$0x4] =	wrdreg s24  }
0xb3: {  	[dreg:$0x5] =	wrdreg s2  }
0xb4: {  	[dreg:$0x6] =	wrdreg $0xC2000  }
0xb5: {  	[dreg:$0x7] =	wrdreg $0x15E400  }
0xb6: {  	[dreg:$0x8] =	wrdreg $0x9  }
0xb7: {  	_ =	task.clear_ibuf [dreg:s9], $0x9FFFF;
	_ =	strace $0x90000046  }
0xb8: {  	s29 =	simm.s32 $0x9;
	_ =	strace $0x80000048  }
0xb9: {  	_ =	swait.ge [sflag:s29], $0x1  }
0xba: {  	[sflag:s29] =	ssyncadd.s32 $0xFFFFFFFF  }
0xbb: {  	_ =	strace $0x90000048  }
0xbc: {  	_ =	sfence  }
0xbd: {  	s30 =	sld [smem:$0x0];
	_ =	sdelay $0x2  }
0xbe: {  	s31 =	sshll.u32 s1, $0xD;
	s1 =	sshrl.u32 s1, $0x2  }
0xbf: {  	s3 =	sand.u32 $0x4000, s31;
	s1 =	sadd.s32 s1, s30  }
0xc0: {  	s0 =	sor.u32 s3, s0;
	s1 =	sshll.u32 s1, $0x11  }
0xc1: {  	s0 =	sor.u32 s1, s0  }
0xc2: {  	s0 =	sadd.s32 $0x8F2B, s0  }
0xc3: {  	[sflag:s0] =	ssyncadd.remote.s32 $0x1  }
0xc4: {  	_ =	sfence.sel $0xFFFF  }
0xc5: {  	[dreg:$0x0] =	wrdreg $0xFFFFFFFF;
	(pc) =	sbr.abs _section_cstart, $3  }
0xc6: {  	[dreg:$0x1] =	wrdreg $0xFFFFFFFF  }
0xc7: {  	_ =	task.clear_ibuf [dreg:s9], $0x2FFFF;
	_ =	strace $0x9FFFFFFF  }
0xc8: {  	(tm) =	ssettm $0x7FFFFFFF  }
0xc9: {  	_ =	shalt  }
tec
execute0_lowered:
.L_overlay_start_1:
0x0: {  	(tag) =	ssettag $0x1  }
0x1: {  	s8 =	rddreg [dreg:$0x0]  }
0x2: {  	s10 =	rddreg [dreg:$0x1]  }
0x3: {  	s7 =	rddreg [dreg:$0x2];
	s4 =	stileid.u32  }
0x4: {  	s6 =	rddreg [dreg:$0x3];
	s9 =	smul.u32 $0xA000, s4  }
0x5: {  	s2 =	rddreg [dreg:$0x4];
	s13 =	smul.u32 $0x5000, s4  }
0x6: {  	s3 =	rddreg [dreg:$0x5];
	s18 =	smul.u32 $0x13880, s4  }
0x7: {  	s0 =	srdreg.scid;
	s14 =	smul.u32 $0x27100, s4  }
0x8: {  	s1 =	simm.s32 $0x0;
	s5 =	sand.u32 $0x1, s0;
	s19 =	smul.u32 $0xA00, s4  }
0x9: {  	[smem:$0x7FF] =	sst s1;
	s16 =	sadd.s32 $0x800, s7;
	s21 =	smul.u32 $0x28000, s4  }
0xa: {  	s11 =	sadd.s32 $0x1200, s7;
	p0 =	seq.s32 s4, $0xF;
	s0 =	smul.u32 $0xA0000, s5  }
0xb: {  	_ =	strace $0x80000047;
	[dreg:$0x7] =	wrdreg s16;
	s17 =	ssub.s32 $0x2, s5  }
0xc: {  	s5 =	sshll.u32 s5, $0x6;
	s12 =	sshrl.u32 s17, $0x1;
	s13 =	sshrl.u32 s13, $0x3  }
0xd: {  	s20 =	sshrl.u32 s14, $0x2;
	s4 =	sadd.s32 s10, s19;
	s22 =	sshrl.u32 s21, $0x2  }
0xe: {  	s0 =	sadd.s32 s9, s0;
	s1 =	ssub.s32 s17, s12;
	s15 =	sadd.s32 s8, s13  }
0xf: {  	s12 =	sor.u32 s5, s18;
	s5 =	sadd.s32 s20, s2;
	s23 =	sadd.s32 $0x200, s13  }
0x10: {  	s24 =	sadd.s32 $0x400, s13;
	s25 =	sadd.s32 $0x600, s13;
	s13 =	sadd.s32 $0x800, s13  }
0x11: {  	s4 =	smov.u32 @p0 s11;
	s0 =	sshrl.u32 s0, $0x3;
	[dreg:$0x8] =	wrdreg s15  }
0x12: {  	s12 =	sshrl.u32 s12, $0x3;
	s15 =	sadd.s32 s8, s23;
	s16 =	sadd.s32 s10, s23  }
0x13: {  	s17 =	sadd.s32 s8, s24;
	s18 =	sadd.s32 s10, s24;
	s19 =	sadd.s32 s8, s25  }
0x14: {  	s14 =	sadd.s32 s10, s25;
	s20 =	sadd.s32 s8, s13;
	s13 =	sadd.s32 s10, s13  }
0x15: {  	s8 =	sadd.s32 $0x1600, s7;
	[dreg:$0x9] =	wrdreg s4;
	s6 =	sadd.s32 s6, s12  }
0x16: {  	s10 =	sadd.s32 $0xE00, s7;
	s18 =	smov.u32 @p0 s8;
	[dreg:$0xa] =	wrdreg s6  }
0x17: {  	s12 =	sadd.s32 $0xC00, s7;
	s19 =	smov.u32 @p0 s10;
	[dreg:$0xe] =	wrdreg s18  }
0x18: {  	s8 =	sadd.s32 $0x1800, s7;
	s17 =	smov.u32 @p0 s12;
	[dreg:$0xf] =	wrdreg s19  }
0x19: {  	s10 =	sadd.s32 $0x1000, s7;
	s14 =	smov.u32 @p0 s8;
	[dreg:$0xd] =	wrdreg s17  }
0x1a: {  	s0 =	sadd.s32 s0, s7;
	s20 =	smov.u32 @p0 s10;
	[dreg:$0x10] =	wrdreg s14  }
0x1b: {  	s6 =	sadd.s32 s22, s3;
	s0 =	sadd.s32 $0x1C00, s0;
	[dreg:$0x11] =	wrdreg s20  }
0x1c: {  	s8 =	sadd.s32 $0x1A00, s7;
	s26 =	sadd.s32 $0x200, s6;
	[smem:$0x7FB] =	sst s0  }
0x1d: {  	s13 =	smov.u32 @p0 s8;
	[dreg:$0x13] =	wrdreg s26  }
0x1e: {  	s31 =	sadd.s32 $0x400, s6;
	[dreg:$0x12] =	wrdreg s13  }
0x1f: {  	s10 =	sadd.s32 $0x800, s6;
	[dreg:$0x14] =	wrdreg s31  }
0x20: {  	s11 =	sadd.s32 $0xA00, s6;
	[dreg:$0x16] =	wrdreg s10  }
0x21: {  	s12 =	sadd.s32 $0xC00, s6;
	[dreg:$0x17] =	wrdreg s11  }
0x22: {  	s14 =	sadd.s32 $0x1000, s6;
	[dreg:$0x18] =	wrdreg s12  }
0x23: {  	s17 =	sadd.s32 $0x1600, s6;
	[dreg:$0x1a] =	wrdreg s14  }
0x24: {  	s18 =	sadd.s32 $0x1800, s6;
	[dreg:$0x1d] =	wrdreg s17  }
0x25: {  	s19 =	sadd.s32 $0x1A00, s6;
	[dreg:$0x1e] =	wrdreg s18  }
0x26: {  	s20 =	sadd.s32 $0x1C00, s6;
	[dreg:$0x1f] =	wrdreg s19  }
0x27: {  	s21 =	sadd.s32 $0x1E00, s6;
	[smem:$0x7B9] =	sst s20  }
0x28: {  	s22 =	sadd.s32 $0x2000, s6;
	[smem:$0x7BA] =	sst s21  }
0x29: {  	s23 =	sadd.s32 $0x2200, s6;
	[smem:$0x7BB] =	sst s22  }
0x2a: {  	s24 =	sadd.s32 $0x2400, s6;
	[smem:$0x7BC] =	sst s23  }
0x2b: {  	s8 =	sadd.s32 $0x1400, s7;
	s25 =	sadd.s32 $0x2600, s6;
	[smem:$0x7BD] =	sst s24  }
0x2c: {  	s7 =	sadd.s32 $0xA00, s7;
	s16 =	smov.u32 @p0 s8;
	[smem:$0x7BE] =	sst s25  }
0x2d: {  	s15 =	smov.u32 @p0 s7;
	[dreg:$0xc] =	wrdreg s16  }
0x2e: {  	s8 =	sadd.s32 $0x600, s6;
	[dreg:$0xb] =	wrdreg s15  }
0x2f: {  	s13 =	sadd.s32 $0xE00, s6;
	[dreg:$0x15] =	wrdreg s8  }
0x30: {  	s26 =	sadd.s32 $0x2800, s6;
	[dreg:$0x19] =	wrdreg s13  }
0x31: {  	s31 =	sadd.s32 $0x2A00, s6;
	[smem:$0x7BF] =	sst s26  }
0x32: {  	s7 =	sadd.s32 $0x2C00, s6;
	[smem:$0x7C0] =	sst s31  }
0x33: {  	s10 =	sadd.s32 $0x3000, s6;
	[smem:$0x7C1] =	sst s7  }
0x34: {  	s11 =	sadd.s32 $0x3200, s6;
	[smem:$0x7C3] =	sst s10  }
0x35: {  	s12 =	sadd.s32 $0x3400, s6;
	[smem:$0x7C4] =	sst s11  }
0x36: {  	s14 =	sadd.s32 $0x3800, s6;
	[smem:$0x7C5] =	sst s12  }
0x37: {  	s17 =	sadd.s32 $0x3E00, s6;
	[smem:$0x7C7] =	sst s14  }
0x38: {  	s18 =	sadd.s32 $0x4000, s6;
	[smem:$0x7CA] =	sst s17  }
0x39: {  	s19 =	sadd.s32 $0x4200, s6;
	[smem:$0x7CB] =	sst s18  }
0x3a: {  	s20 =	sadd.s32 $0x4400, s6;
	[smem:$0x7CC] =	sst s19  }
0x3b: {  	s21 =	sadd.s32 $0x4600, s6;
	[smem:$0x7CD] =	sst s20  }
0x3c: {  	s22 =	sadd.s32 $0x4800, s6;
	[smem:$0x7CE] =	sst s21  }
0x3d: {  	s23 =	sadd.s32 $0x4A00, s6;
	[smem:$0x7CF] =	sst s22  }
0x3e: {  	s24 =	sadd.s32 $0x4C00, s6;
	[smem:$0x7D0] =	sst s23  }
0x3f: {  	s25 =	sadd.s32 $0x4E00, s6;
	[smem:$0x7D1] =	sst s24  }
0x40: {  	s15 =	sadd.s32 $0x1200, s6;
	[smem:$0x7D2] =	sst s25  }
0x41: {  	s16 =	sadd.s32 $0x1400, s6;
	[dreg:$0x1b] =	wrdreg s15  }
0x42: {  	s8 =	sadd.s32 $0x2E00, s6;
	[dreg:$0x1c] =	wrdreg s16  }
0x43: {  	s13 =	sadd.s32 $0x3600, s6;
	[smem:$0x7C2] =	sst s8  }
0x44: {  	s26 =	sadd.s32 $0x5000, s6;
	[smem:$0x7C6] =	sst s13  }
0x45: {  	s31 =	sadd.s32 $0x5200, s6;
	[smem:$0x7D3] =	sst s26  }
0x46: {  	s7 =	sadd.s32 $0x5400, s6;
	[smem:$0x7D4] =	sst s31  }
0x47: {  	s10 =	sadd.s32 $0x5800, s6;
	[smem:$0x7D5] =	sst s7  }
0x48: {  	s11 =	sadd.s32 $0x5A00, s6;
	[smem:$0x7D7] =	sst s10  }
0x49: {  	s12 =	sadd.s32 $0x5C00, s6;
	[smem:$0x7D8] =	sst s11  }
0x4a: {  	s14 =	sadd.s32 $0x6000, s6;
	[smem:$0x7D9] =	sst s12  }
0x4b: {  	s17 =	sadd.s32 $0x6600, s6;
	[smem:$0x7DB] =	sst s14  }
0x4c: {  	s18 =	sadd.s32 $0x6800, s6;
	[smem:$0x7DE] =	sst s17  }
0x4d: {  	s19 =	sadd.s32 $0x6A00, s6;
	[smem:$0x7DF] =	sst s18  }
0x4e: {  	s20 =	sadd.s32 $0x6C00, s6;
	[smem:$0x7E0] =	sst s19  }
0x4f: {  	s21 =	sadd.s32 $0x6E00, s6;
	[smem:$0x7E1] =	sst s20  }
0x50: {  	s22 =	sadd.s32 $0x7000, s6;
	[smem:$0x7E2] =	sst s21  }
0x51: {  	s23 =	sadd.s32 $0x7200, s6;
	[smem:$0x7E3] =	sst s22  }
0x52: {  	s24 =	sadd.s32 $0x7400, s6;
	[smem:$0x7E4] =	sst s23  }
0x53: {  	s25 =	sadd.s32 $0x7600, s6;
	[smem:$0x7E5] =	sst s24  }
0x54: {  	s15 =	sadd.s32 $0x3A00, s6;
	[smem:$0x7E6] =	sst s25  }
0x55: {  	s16 =	sadd.s32 $0x3C00, s6;
	[smem:$0x7C8] =	sst s15  }
0x56: {  	s8 =	sadd.s32 $0x5600, s6;
	[smem:$0x7C9] =	sst s16  }
0x57: {  	s13 =	sadd.s32 $0x5E00, s6;
	[smem:$0x7D6] =	sst s8  }
0x58: {  	s26 =	sadd.s32 $0x7800, s6;
	[smem:$0x7DA] =	sst s13  }
0x59: {  	s31 =	sadd.s32 $0x7A00, s6;
	[smem:$0x7E7] =	sst s26  }
0x5a: {  	s7 =	sadd.s32 $0x7C00, s6;
	[smem:$0x7E8] =	sst s31  }
0x5b: {  	s10 =	sadd.s32 $0x8000, s6;
	[smem:$0x7E9] =	sst s7  }
0x5c: {  	s11 =	sadd.s32 $0x8200, s6;
	[smem:$0x7EB] =	sst s10  }
0x5d: {  	s12 =	sadd.s32 $0x8400, s6;
	[smem:$0x7EC] =	sst s11  }
0x5e: {  	s14 =	sadd.s32 $0x8800, s6;
	[smem:$0x7ED] =	sst s12  }
0x5f: {  	s17 =	sadd.s32 $0x8E00, s6;
	[smem:$0x7EF] =	sst s14  }
0x60: {  	s18 =	sadd.s32 $0x9000, s6;
	[smem:$0x7F2] =	sst s17  }
0x61: {  	s28 =	simm.s32 $0xA000;
	s19 =	sadd.s32 $0x9200, s6;
	[smem:$0x7F3] =	sst s18  }
0x62: {  	s29 =	simm.s32 $0x2;
	s20 =	sadd.s32 $0x9400, s6;
	[smem:$0x7F4] =	sst s19  }
0x63: {  	s30 =	simm.s32 $0x5;
	s21 =	sadd.s32 $0x9600, s6;
	[smem:$0x7F5] =	sst s20  }
0x64: {  	s9 =	sadd.s32 s9, s3;
	s22 =	sadd.s32 $0x9800, s6;
	[smem:$0x7F6] =	sst s21  }
0x65: {  	s0 =	simm.s32 $0x6;
	s23 =	sadd.s32 $0x9A00, s6;
	[smem:$0x7F7] =	sst s22  }
0x66: {  	s24 =	sadd.s32 $0x9C00, s6;
	s25 =	sadd.s32 $0x9E00, s6;
	[smem:$0x7F8] =	sst s23  }
0x67: {  	s15 =	sadd.s32 $0x6200, s6;
	s16 =	sadd.s32 $0x6400, s6;
	[smem:$0x7F9] =	sst s24  }
0x68: {  	s8 =	sadd.s32 $0x7E00, s6;
	s13 =	sadd.s32 $0x8600, s6;
	[smem:$0x7FA] =	sst s25  }
0x69: {  	s26 =	smax.u32 s1, $0x1;
	s31 =	sshrl.u32 s5, $0x3;
	s18 =	simm.s32 $0x2000  }
0x6a: {  	s19 =	simm.s32 $0x1;
	s20 =	simm.s32 $0x8;
	s10 =	simm.s32 $0xD  }
0x6b: {  	s21 =	simm.s32 $0xC000;
	s11 =	simm.s32 $0x9;
	[smem:$0x7DC] =	sst s15  }
0x6c: {  	s22 =	simm.s32 $0xB;
	s24 =	simm.s32 $0x4000;
	[smem:$0x7DD] =	sst s16  }
0x6d: {  	s25 =	simm.s32 $0x6000;
	s14 =	simm.s32 $0x8000;
	[smem:$0x7EA] =	sst s8  }
.Ltmp0:
0x6e: {  	s7 =	simm.s32 $0x3;
	[smem:$0x7EE] =	sst s13;
	(pc) =	sbr.rel .LBB2_1-.Ltmp0, $4  }
0x6f: {  	s5 =	simm.s32 $0x4;
	s17 =	simm.s32 $0x0;
	[smem:$0x7FC] =	sst s26  }
0x70: {  	s15 =	sadd.s32 $0x8A00, s6;
	s16 =	sadd.s32 $0x8C00, s6;
	[smem:$0x7FD] =	sst s31  }
0x71: {  	s13 =	simm.s32 $0x80;
	s8 =	simm.s32 $0x7;
	[smem:$0x7F0] =	sst s15  }
0x72: {  	v0 =	vimm.f32 $0.0e+00;
	[smem:$0x7F1] =	sst s16;
	s15 =	simm.s32 $0xA;
	s16 =	simm.s32 $0xC  }
.LBB2_16:
0x73: {  	_ =	swait.ge [sflag:s30], $0x2000  }
0x74: {  	[sflag:s30] =	ssyncset.done $0x0  }
0x75: {  	[sflag:s30] =	ssyncadd.s32 $0xFFFFE000  }
0x76: {  	_ =	swait.ge [sflag:s0], $0x2000  }
0x77: {  	[sflag:s0] =	ssyncset.done $0x0  }
0x78: {  	[sflag:s0] =	ssyncadd.s32 $0xFFFFE000  }
0x79: {  	_ =	swait.ge [sflag:s8], $0x2000  }
0x7a: {  	[sflag:s8] =	ssyncset.done $0x0  }
0x7b: {  	[sflag:s8] =	ssyncadd.s32 $0xFFFFE000  }
0x7c: {  	_ =	swait.ge [sflag:s20], $0x2000  }
0x7d: {  	[sflag:s20] =	ssyncset.done $0x0  }
0x7e: {  	[sflag:s20] =	ssyncadd.s32 $0xFFFFE000  }
0x7f: {  	[bflag:$0x0] =	sbarrier.arrive $0xFFFF  }
0x80: {  	s4 =	sld [smem:$0x7FB];
	_ =	sdelay $0x1  }
0x81: {  	s1 =	sshrl.u32 s23, $0x3  }
0x82: {  	[hbm:s4], [sflag:s31] =	dma.local [spmem:s1], $0x1400  }
0x83: {  	_ =	swait.ge [sflag:s10], $0x1400  }
0x84: {  	s31 =	sld [smem:$0x7FC];
	_ =	sdelay $0x1  }
0x85: {  	s17 =	sadd.s32 $0x1, s17  }
0x86: {  	p1 =	sne.s32 s17, s31  }
.Ltmp1:
0x87: {  	_ = 	snop;
	(pc) =	sbr.rel @!p1 .LBB2_17-.Ltmp1, $3  }
0x88: {  	_ =	sdelay $0x1  }
0x89: {  	[sflag:s10] =	ssyncset.done $0x0  }
0x8a: {  	s9 =	smov.u32 s23;
	[sflag:s10] =	ssyncadd.s32 $0xFFFFEC00  }
.LBB2_1:
0x8b: {  	s1 =	simm.s32 @p0 $0x0;
	s4 =	rddreg [dreg:$0x7]  }
0x8c: {  	[tilespmem:s1], [sflag:$0x9] =	stream.linear.gather @p0 [hbm4b:s4+s1], $0x1000, $0x38;
	[tilespmem:$0x1FE40] =	vst v63  }
0x8d: {  	s1 =	simm.s32 @!p0 $0x0;
	s4 =	rddreg [dreg:$0x8]  }
0x8e: {  	[tilespmem:s1], [sflag:$0x9] =	stream.linear.gather @!p0 [hbm4b:s4+s1], $0x1000, $0x38;
	[tilespmem:$0x1FE40] =	vst v63  }
0x8f: {  	s12 =	rddreg [dreg:$0x9];
	s4 =	simm.s32 $0x0  }
0x90: {  	[tilespmem:s18], [sflag:$0xB] =	stream.linear.gather [hbm4b:s12+s4], $0x1000, $0x38;
	[tilespmem:$0x1FE40] =	vst v63  }
0x91: {  	[tilespmem:$0xC000] =	vst v0  }
0x92: {  	[tilespmem:$0xC010] =	vst v0  }
0x93: {  	[tilespmem:$0xC020] =	vst v0  }
0x94: {  	[tilespmem:$0xC030] =	vst v0  }
0x95: {  	[tilespmem:$0xC040] =	vst v0  }
0x96: {  	[tilespmem:$0xC050] =	vst v0  }
0x97: {  	[tilespmem:$0xC060] =	vst v0  }
0x98: {  	[tilespmem:$0xC070] =	vst v0  }
0x99: {  	[tilespmem:$0xC080] =	vst v0  }
0x9a: {  	[tilespmem:$0xC090] =	vst v0  }
0x9b: {  	[tilespmem:$0xC0A0] =	vst v0  }
0x9c: {  	[tilespmem:$0xC0B0] =	vst v0  }
0x9d: {  	[tilespmem:$0xC0C0] =	vst v0  }
0x9e: {  	[tilespmem:$0xC0D0] =	vst v0  }
0x9f: {  	[tilespmem:$0xC0E0] =	vst v0  }
0xa0: {  	[tilespmem:$0xC0F0] =	vst v0  }
0xa1: {  	[tilespmem:$0xC100] =	vst v0  }
0xa2: {  	[tilespmem:$0xC110] =	vst v0  }
0xa3: {  	[tilespmem:$0xC120] =	vst v0  }
0xa4: {  	[tilespmem:$0xC130] =	vst v0  }
0xa5: {  	[tilespmem:$0xC140] =	vst v0  }
0xa6: {  	[tilespmem:$0xC150] =	vst v0  }
0xa7: {  	[tilespmem:$0xC160] =	vst v0  }
0xa8: {  	[tilespmem:$0xC170] =	vst v0  }
0xa9: {  	[tilespmem:$0xC180] =	vst v0  }
0xaa: {  	[tilespmem:$0xC190] =	vst v0  }
0xab: {  	[tilespmem:$0xC1A0] =	vst v0  }
0xac: {  	[tilespmem:$0xC1B0] =	vst v0  }
0xad: {  	[tilespmem:$0xC1C0] =	vst v0  }
0xae: {  	s23 =	stileid.u32;
	s6 =	sld [smem:$0x7FD];
	[tilespmem:$0xC1D0] =	vst v0  }
0xaf: {  	s1 =	sshll.u32 s23, $0x6;
	[tilespmem:$0xC1E0] =	vst v0  }
0xb0: {  	s26 =	rddreg [dreg:$0xa];
	s31 =	sor.u32 $0x1C0D, s1;
	s12 =	simm.s32 $0x10;
	[tilespmem:$0xC1F0] =	vst v0  }
0xb1: {  	[spmem:s6@s20], [sflag:s31] =	dma.strided [hbm:s26@s12], $0x1388, s19, $0x8   }
0xb2: {  	_ =	swait.ge [sflag:s10], $0x1388  }
0xb3: {  	[sflag:s10] =	ssyncset.done $0x0  }
0xb4: {  	[sflag:s10] =	ssyncadd.s32 $0xFFFFEC78  }
0xb5: {  	[spmem:s9] =	stream.linear.scatter [tilespmem:s21], [sflag:$0xD], $0x200, $0x38;
	[tilespmem:$0x1FE40] =	vst v63  }
0xb6: {  	_ =	swait.ge [sflag:s10], $0x200  }
0xb7: {  	[sflag:s10] =	ssyncset.done $0x0  }
0xb8: {  	s23 =	smov.u32 s9;
	s9 =	rddreg [dreg:$0x13];
	[sflag:s10] =	ssyncadd.s32 $0xFFFFFE00  }
0xb9: {  	[spmem:s9] =	stream.linear.scatter [tilespmem:s21], [sflag:$0xD], $0x200, $0x38;
	[tilespmem:$0x1FE40] =	vst v63  }
0xba: {  	_ =	swait.ge [sflag:s10], $0x200  }
0xbb: {  	[sflag:s10] =	ssyncset.done $0x0  }
0xbc: {  	s12 =	rddreg [dreg:$0x14];
	[sflag:s10] =	ssyncadd.s32 $0xFFFFFE00  }
0xbd: {  	[spmem:s12] =	stream.linear.scatter [tilespmem:s21], [sflag:$0xD], $0x200, $0x38;
	[tilespmem:$0x1FE40] =	vst v63  }
0xbe: {  	_ =	swait.ge [sflag:s10], $0x200  }
0xbf: {  	[sflag:s10] =	ssyncset.done $0x0  }
0xc0: {  	s26 =	rddreg [dreg:$0x15];
	[sflag:s10] =	ssyncadd.s32 $0xFFFFFE00  }
0xc1: {  	[spmem:s26] =	stream.linear.scatter [tilespmem:s21], [sflag:$0xD], $0x200, $0x38;
	[tilespmem:$0x1FE40] =	vst v63  }
0xc2: {  	_ =	swait.ge [sflag:s10], $0x200  }
0xc3: {  	[sflag:s10] =	ssyncset.done $0x0  }
0xc4: {  	s6 =	rddreg [dreg:$0x16];
	[sflag:s10] =	ssyncadd.s32 $0xFFFFFE00  }
0xc5: {  	[spmem:s6] =	stream.linear.scatter [tilespmem:s21], [sflag:$0xD], $0x200, $0x38;
	[tilespmem:$0x1FE40] =	vst v63  }
0xc6: {  	_ =	swait.ge [sflag:s10], $0x200  }
0xc7: {  	[sflag:s10] =	ssyncset.done $0x0  }
0xc8: {  	s9 =	rddreg [dreg:$0x17];
	[sflag:s10] =	ssyncadd.s32 $0xFFFFFE00  }
0xc9: {  	[spmem:s9] =	stream.linear.scatter [tilespmem:s21], [sflag:$0xD], $0x200, $0x38;
	[tilespmem:$0x1FE40] =	vst v63  }
0xca: {  	_ =	swait.ge [sflag:s10], $0x200  }
0xcb: {  	[sflag:s10] =	ssyncset.done $0x0  }
0xcc: {  	s12 =	rddreg [dreg:$0x18];
	[sflag:s10] =	ssyncadd.s32 $0xFFFFFE00  }
0xcd: {  	[spmem:s12] =	stream.linear.scatter [tilespmem:s21], [sflag:$0xD], $0x200, $0x38;
	[tilespmem:$0x1FE40] =	vst v63  }
0xce: {  	_ =	swait.ge [sflag:s10], $0x200  }
0xcf: {  	[sflag:s10] =	ssyncset.done $0x0  }
0xd0: {  	s26 =	rddreg [dreg:$0x19];
	[sflag:s10] =	ssyncadd.s32 $0xFFFFFE00  }
0xd1: {  	[spmem:s26] =	stream.linear.scatter [tilespmem:s21], [sflag:$0xD], $0x200, $0x38;
	[tilespmem:$0x1FE40] =	vst v63  }
0xd2: {  	_ =	swait.ge [sflag:s10], $0x200  }
0xd3: {  	[sflag:s10] =	ssyncset.done $0x0  }
0xd4: {  	s6 =	rddreg [dreg:$0x1a];
	[sflag:s10] =	ssyncadd.s32 $0xFFFFFE00  }
0xd5: {  	[spmem:s6] =	stream.linear.scatter [tilespmem:s21], [sflag:$0xD], $0x200, $0x38;
	[tilespmem:$0x1FE40] =	vst v63  }
0xd6: {  	_ =	swait.ge [sflag:s10], $0x200  }
0xd7: {  	[sflag:s10] =	ssyncset.done $0x0  }
0xd8: {  	s9 =	rddreg [dreg:$0x1b];
	[sflag:s10] =	ssyncadd.s32 $0xFFFFFE00  }
0xd9: {  	[spmem:s9] =	stream.linear.scatter [tilespmem:s21], [sflag:$0xD], $0x200, $0x38;
	[tilespmem:$0x1FE40] =	vst v63  }
0xda: {  	_ =	swait.ge [sflag:s10], $0x200  }
0xdb: {  	[sflag:s10] =	ssyncset.done $0x0  }
0xdc: {  	s12 =	rddreg [dreg:$0x1c];
	[sflag:s10] =	ssyncadd.s32 $0xFFFFFE00  }
0xdd: {  	[spmem:s12] =	stream.linear.scatter [tilespmem:s21], [sflag:$0xD], $0x200, $0x38;
	[tilespmem:$0x1FE40] =	vst v63  }
0xde: {  	_ =	swait.ge [sflag:s10], $0x200  }
0xdf: {  	[sflag:s10] =	ssyncset.done $0x0  }
0xe0: {  	s26 =	rddreg [dreg:$0x1d];
	[sflag:s10] =	ssyncadd.s32 $0xFFFFFE00  }
0xe1: {  	[spmem:s26] =	stream.linear.scatter [tilespmem:s21], [sflag:$0xD], $0x200, $0x38;
	[tilespmem:$0x1FE40] =	vst v63  }
0xe2: {  	_ =	swait.ge [sflag:s10], $0x200  }
0xe3: {  	[sflag:s10] =	ssyncset.done $0x0  }
0xe4: {  	s6 =	rddreg [dreg:$0x1e];
	[sflag:s10] =	ssyncadd.s32 $0xFFFFFE00  }
0xe5: {  	[spmem:s6] =	stream.linear.scatter [tilespmem:s21], [sflag:$0xD], $0x200, $0x38;
	[tilespmem:$0x1FE40] =	vst v63  }
0xe6: {  	_ =	swait.ge [sflag:s10], $0x200  }
0xe7: {  	[sflag:s10] =	ssyncset.done $0x0  }
0xe8: {  	s9 =	rddreg [dreg:$0x1f];
	[sflag:s10] =	ssyncadd.s32 $0xFFFFFE00  }
0xe9: {  	[spmem:s9] =	stream.linear.scatter [tilespmem:s21], [sflag:$0xD], $0x200, $0x38;
	[tilespmem:$0x1FE40] =	vst v63  }
0xea: {  	_ =	swait.ge [sflag:s10], $0x200  }
0xeb: {  	s12 =	sld [smem:$0x7B9]  }
0xec: {  	[sflag:s10] =	ssyncset.done $0x0  }
0xed: {  	[sflag:s10] =	ssyncadd.s32 $0xFFFFFE00  }
0xee: {  	[spmem:s12] =	stream.linear.scatter [tilespmem:s21], [sflag:$0xD], $0x200, $0x38;
	[tilespmem:$0x1FE40] =	vst v63  }
0xef: {  	_ =	swait.ge [sflag:s10], $0x200  }
0xf0: {  	s26 =	sld [smem:$0x7BA]  }
0xf1: {  	[sflag:s10] =	ssyncset.done $0x0  }
0xf2: {  	[sflag:s10] =	ssyncadd.s32 $0xFFFFFE00  }
0xf3: {  	[spmem:s26] =	stream.linear.scatter [tilespmem:s21], [sflag:$0xD], $0x200, $0x38;
	[tilespmem:$0x1FE40] =	vst v63  }
0xf4: {  	_ =	swait.ge [sflag:s10], $0x200  }
0xf5: {  	s6 =	sld [smem:$0x7BB]  }
0xf6: {  	[sflag:s10] =	ssyncset.done $0x0  }
0xf7: {  	[sflag:s10] =	ssyncadd.s32 $0xFFFFFE00  }
0xf8: {  	[spmem:s6] =	stream.linear.scatter [tilespmem:s21], [sflag:$0xD], $0x200, $0x38;
	[tilespmem:$0x1FE40] =	vst v63  }
0xf9: {  	_ =	swait.ge [sflag:s10], $0x200  }
0xfa: {  	s9 =	sld [smem:$0x7BC]  }
0xfb: {  	[sflag:s10] =	ssyncset.done $0x0  }
0xfc: {  	[sflag:s10] =	ssyncadd.s32 $0xFFFFFE00  }
0xfd: {  	[spmem:s9] =	stream.linear.scatter [tilespmem:s21], [sflag:$0xD], $0x200, $0x38;
	[tilespmem:$0x1FE40] =	vst v63  }
0xfe: {  	_ =	swait.ge [sflag:s10], $0x200  }
0xff: {  	s12 =	sld [smem:$0x7BD]  }
0x100: {  	[sflag:s10] =	ssyncset.done $0x0  }
0x101: {  	[sflag:s10] =	ssyncadd.s32 $0xFFFFFE00  }
0x102: {  	[spmem:s12] =	stream.linear.scatter [tilespmem:s21], [sflag:$0xD], $0x200, $0x38;
	[tilespmem:$0x1FE40] =	vst v63  }
0x103: {  	_ =	swait.ge [sflag:s10], $0x200  }
0x104: {  	s26 =	sld [smem:$0x7BE]  }
0x105: {  	[sflag:s10] =	ssyncset.done $0x0  }
0x106: {  	[sflag:s10] =	ssyncadd.s32 $0xFFFFFE00  }
0x107: {  	[spmem:s26] =	stream.linear.scatter [tilespmem:s21], [sflag:$0xD], $0x200, $0x38;
	[tilespmem:$0x1FE40] =	vst v63  }
0x108: {  	_ =	swait.ge [sflag:s10], $0x200  }
0x109: {  	s6 =	sld [smem:$0x7BF]  }
0x10a: {  	[sflag:s10] =	ssyncset.done $0x0  }
0x10b: {  	[sflag:s10] =	ssyncadd.s32 $0xFFFFFE00  }
0x10c: {  	[spmem:s6] =	stream.linear.scatter [tilespmem:s21], [sflag:$0xD], $0x200, $0x38;
	[tilespmem:$0x1FE40] =	vst v63  }
0x10d: {  	_ =	swait.ge [sflag:s10], $0x200  }
0x10e: {  	s9 =	sld [smem:$0x7C0]  }
0x10f: {  	[sflag:s10] =	ssyncset.done $0x0  }
0x110: {  	[sflag:s10] =	ssyncadd.s32 $0xFFFFFE00  }
0x111: {  	[spmem:s9] =	stream.linear.scatter [tilespmem:s21], [sflag:$0xD], $0x200, $0x38;
	[tilespmem:$0x1FE40] =	vst v63  }
0x112: {  	_ =	swait.ge [sflag:s10], $0x200  }
0x113: {  	s12 =	sld [smem:$0x7C1]  }
0x114: {  	[sflag:s10] =	ssyncset.done $0x0  }
0x115: {  	[sflag:s10] =	ssyncadd.s32 $0xFFFFFE00  }
0x116: {  	[spmem:s12] =	stream.linear.scatter [tilespmem:s21], [sflag:$0xD], $0x200, $0x38;
	[tilespmem:$0x1FE40] =	vst v63  }
0x117: {  	_ =	swait.ge [sflag:s10], $0x200  }
0x118: {  	s26 =	sld [smem:$0x7C2]  }
0x119: {  	[sflag:s10] =	ssyncset.done $0x0  }
0x11a: {  	[sflag:s10] =	ssyncadd.s32 $0xFFFFFE00  }
0x11b: {  	[spmem:s26] =	stream.linear.scatter [tilespmem:s21], [sflag:$0xD], $0x200, $0x38;
	[tilespmem:$0x1FE40] =	vst v63  }
0x11c: {  	_ =	swait.ge [sflag:s10], $0x200  }
0x11d: {  	s6 =	sld [smem:$0x7C3]  }
0x11e: {  	[sflag:s10] =	ssyncset.done $0x0  }
0x11f: {  	[sflag:s10] =	ssyncadd.s32 $0xFFFFFE00  }
0x120: {  	[spmem:s6] =	stream.linear.scatter [tilespmem:s21], [sflag:$0xD], $0x200, $0x38;
	[tilespmem:$0x1FE40] =	vst v63  }
0x121: {  	_ =	swait.ge [sflag:s10], $0x200  }
0x122: {  	s9 =	sld [smem:$0x7C4]  }
0x123: {  	[sflag:s10] =	ssyncset.done $0x0  }
0x124: {  	[sflag:s10] =	ssyncadd.s32 $0xFFFFFE00  }
0x125: {  	[spmem:s9] =	stream.linear.scatter [tilespmem:s21], [sflag:$0xD], $0x200, $0x38;
	[tilespmem:$0x1FE40] =	vst v63  }
0x126: {  	_ =	swait.ge [sflag:s10], $0x200  }
0x127: {  	s12 =	sld [smem:$0x7C5]  }
0x128: {  	[sflag:s10] =	ssyncset.done $0x0  }
0x129: {  	[sflag:s10] =	ssyncadd.s32 $0xFFFFFE00  }
0x12a: {  	[spmem:s12] =	stream.linear.scatter [tilespmem:s21], [sflag:$0xD], $0x200, $0x38;
	[tilespmem:$0x1FE40] =	vst v63  }
0x12b: {  	_ =	swait.ge [sflag:s10], $0x200  }
0x12c: {  	s26 =	sld [smem:$0x7C6]  }
0x12d: {  	[sflag:s10] =	ssyncset.done $0x0  }
0x12e: {  	[sflag:s10] =	ssyncadd.s32 $0xFFFFFE00  }
0x12f: {  	[spmem:s26] =	stream.linear.scatter [tilespmem:s21], [sflag:$0xD], $0x200, $0x38;
	[tilespmem:$0x1FE40] =	vst v63  }
0x130: {  	_ =	swait.ge [sflag:s10], $0x200  }
0x131: {  	s6 =	sld [smem:$0x7C7]  }
0x132: {  	[sflag:s10] =	ssyncset.done $0x0  }
0x133: {  	[sflag:s10] =	ssyncadd.s32 $0xFFFFFE00  }
0x134: {  	[spmem:s6] =	stream.linear.scatter [tilespmem:s21], [sflag:$0xD], $0x200, $0x38;
	[tilespmem:$0x1FE40] =	vst v63  }
0x135: {  	_ =	swait.ge [sflag:s10], $0x200  }
0x136: {  	s9 =	sld [smem:$0x7C8]  }
0x137: {  	[sflag:s10] =	ssyncset.done $0x0  }
0x138: {  	[sflag:s10] =	ssyncadd.s32 $0xFFFFFE00  }
0x139: {  	[spmem:s9] =	stream.linear.scatter [tilespmem:s21], [sflag:$0xD], $0x200, $0x38;
	[tilespmem:$0x1FE40] =	vst v63  }
0x13a: {  	_ =	swait.ge [sflag:s10], $0x200  }
0x13b: {  	s12 =	sld [smem:$0x7C9]  }
0x13c: {  	[sflag:s10] =	ssyncset.done $0x0  }
0x13d: {  	[sflag:s10] =	ssyncadd.s32 $0xFFFFFE00  }
0x13e: {  	[spmem:s12] =	stream.linear.scatter [tilespmem:s21], [sflag:$0xD], $0x200, $0x38;
	[tilespmem:$0x1FE40] =	vst v63  }
0x13f: {  	_ =	swait.ge [sflag:s10], $0x200  }
0x140: {  	s26 =	sld [smem:$0x7CA]  }
0x141: {  	[sflag:s10] =	ssyncset.done $0x0  }
0x142: {  	[sflag:s10] =	ssyncadd.s32 $0xFFFFFE00  }
0x143: {  	[spmem:s26] =	stream.linear.scatter [tilespmem:s21], [sflag:$0xD], $0x200, $0x38;
	[tilespmem:$0x1FE40] =	vst v63  }
0x144: {  	_ =	swait.ge [sflag:s10], $0x200  }
0x145: {  	s6 =	sld [smem:$0x7CB]  }
0x146: {  	[sflag:s10] =	ssyncset.done $0x0  }
0x147: {  	[sflag:s10] =	ssyncadd.s32 $0xFFFFFE00  }
0x148: {  	[spmem:s6] =	stream.linear.scatter [tilespmem:s21], [sflag:$0xD], $0x200, $0x38;
	[tilespmem:$0x1FE40] =	vst v63  }
0x149: {  	_ =	swait.ge [sflag:s10], $0x200  }
0x14a: {  	s9 =	sld [smem:$0x7CC]  }
0x14b: {  	[sflag:s10] =	ssyncset.done $0x0  }
0x14c: {  	[sflag:s10] =	ssyncadd.s32 $0xFFFFFE00  }
0x14d: {  	[spmem:s9] =	stream.linear.scatter [tilespmem:s21], [sflag:$0xD], $0x200, $0x38;
	[tilespmem:$0x1FE40] =	vst v63  }
0x14e: {  	_ =	swait.ge [sflag:s10], $0x200  }
0x14f: {  	s12 =	sld [smem:$0x7CD]  }
0x150: {  	[sflag:s10] =	ssyncset.done $0x0  }
0x151: {  	[sflag:s10] =	ssyncadd.s32 $0xFFFFFE00  }
0x152: {  	[spmem:s12] =	stream.linear.scatter [tilespmem:s21], [sflag:$0xD], $0x200, $0x38;
	[tilespmem:$0x1FE40] =	vst v63  }
0x153: {  	_ =	swait.ge [sflag:s10], $0x200  }
0x154: {  	s26 =	sld [smem:$0x7CE]  }
0x155: {  	[sflag:s10] =	ssyncset.done $0x0  }
0x156: {  	[sflag:s10] =	ssyncadd.s32 $0xFFFFFE00  }
0x157: {  	[spmem:s26] =	stream.linear.scatter [tilespmem:s21], [sflag:$0xD], $0x200, $0x38;
	[tilespmem:$0x1FE40] =	vst v63  }
0x158: {  	_ =	swait.ge [sflag:s10], $0x200  }
0x159: {  	s6 =	sld [smem:$0x7CF]  }
0x15a: {  	[sflag:s10] =	ssyncset.done $0x0  }
0x15b: {  	[sflag:s10] =	ssyncadd.s32 $0xFFFFFE00  }
0x15c: {  	[spmem:s6] =	stream.linear.scatter [tilespmem:s21], [sflag:$0xD], $0x200, $0x38;
	[tilespmem:$0x1FE40] =	vst v63  }
0x15d: {  	_ =	swait.ge [sflag:s10], $0x200  }
0x15e: {  	s9 =	sld [smem:$0x7D0]  }
0x15f: {  	[sflag:s10] =	ssyncset.done $0x0  }
0x160: {  	[sflag:s10] =	ssyncadd.s32 $0xFFFFFE00  }
0x161: {  	[spmem:s9] =	stream.linear.scatter [tilespmem:s21], [sflag:$0xD], $0x200, $0x38;
	[tilespmem:$0x1FE40] =	vst v63  }
0x162: {  	_ =	swait.ge [sflag:s10], $0x200  }
0x163: {  	s12 =	sld [smem:$0x7D1]  }
0x164: {  	[sflag:s10] =	ssyncset.done $0x0  }
0x165: {  	[sflag:s10] =	ssyncadd.s32 $0xFFFFFE00  }
0x166: {  	[spmem:s12] =	stream.linear.scatter [tilespmem:s21], [sflag:$0xD], $0x200, $0x38;
	[tilespmem:$0x1FE40] =	vst v63  }
0x167: {  	_ =	swait.ge [sflag:s10], $0x200  }
0x168: {  	s26 =	sld [smem:$0x7D2]  }
0x169: {  	[sflag:s10] =	ssyncset.done $0x0  }
0x16a: {  	[sflag:s10] =	ssyncadd.s32 $0xFFFFFE00  }
0x16b: {  	[spmem:s26] =	stream.linear.scatter [tilespmem:s21], [sflag:$0xD], $0x200, $0x38;
	[tilespmem:$0x1FE40] =	vst v63  }
0x16c: {  	_ =	swait.ge [sflag:s10], $0x200  }
0x16d: {  	s6 =	sld [smem:$0x7D3]  }
0x16e: {  	[sflag:s10] =	ssyncset.done $0x0  }
0x16f: {  	[sflag:s10] =	ssyncadd.s32 $0xFFFFFE00  }
0x170: {  	[spmem:s6] =	stream.linear.scatter [tilespmem:s21], [sflag:$0xD], $0x200, $0x38;
	[tilespmem:$0x1FE40] =	vst v63  }
0x171: {  	_ =	swait.ge [sflag:s10], $0x200  }
0x172: {  	s9 =	sld [smem:$0x7D4]  }
0x173: {  	[sflag:s10] =	ssyncset.done $0x0  }
0x174: {  	[sflag:s10] =	ssyncadd.s32 $0xFFFFFE00  }
0x175: {  	[spmem:s9] =	stream.linear.scatter [tilespmem:s21], [sflag:$0xD], $0x200, $0x38;
	[tilespmem:$0x1FE40] =	vst v63  }
0x176: {  	_ =	swait.ge [sflag:s10], $0x200  }
0x177: {  	s12 =	sld [smem:$0x7D5]  }
0x178: {  	[sflag:s10] =	ssyncset.done $0x0  }
0x179: {  	[sflag:s10] =	ssyncadd.s32 $0xFFFFFE00  }
0x17a: {  	[spmem:s12] =	stream.linear.scatter [tilespmem:s21], [sflag:$0xD], $0x200, $0x38;
	[tilespmem:$0x1FE40] =	vst v63  }
0x17b: {  	_ =	swait.ge [sflag:s10], $0x200  }
0x17c: {  	s26 =	sld [smem:$0x7D6]  }
0x17d: {  	[sflag:s10] =	ssyncset.done $0x0  }
0x17e: {  	[sflag:s10] =	ssyncadd.s32 $0xFFFFFE00  }
0x17f: {  	[spmem:s26] =	stream.linear.scatter [tilespmem:s21], [sflag:$0xD], $0x200, $0x38;
	[tilespmem:$0x1FE40] =	vst v63  }
0x180: {  	_ =	swait.ge [sflag:s10], $0x200  }
0x181: {  	s6 =	sld [smem:$0x7D7]  }
0x182: {  	[sflag:s10] =	ssyncset.done $0x0  }
0x183: {  	[sflag:s10] =	ssyncadd.s32 $0xFFFFFE00  }
0x184: {  	[spmem:s6] =	stream.linear.scatter [tilespmem:s21], [sflag:$0xD], $0x200, $0x38;
	[tilespmem:$0x1FE40] =	vst v63  }
0x185: {  	_ =	swait.ge [sflag:s10], $0x200  }
0x186: {  	s9 =	sld [smem:$0x7D8]  }
0x187: {  	[sflag:s10] =	ssyncset.done $0x0  }
0x188: {  	[sflag:s10] =	ssyncadd.s32 $0xFFFFFE00  }
0x189: {  	[spmem:s9] =	stream.linear.scatter [tilespmem:s21], [sflag:$0xD], $0x200, $0x38;
	[tilespmem:$0x1FE40] =	vst v63  }
0x18a: {  	_ =	swait.ge [sflag:s10], $0x200  }
0x18b: {  	s12 =	sld [smem:$0x7D9]  }
0x18c: {  	[sflag:s10] =	ssyncset.done $0x0  }
0x18d: {  	[sflag:s10] =	ssyncadd.s32 $0xFFFFFE00  }
0x18e: {  	[spmem:s12] =	stream.linear.scatter [tilespmem:s21], [sflag:$0xD], $0x200, $0x38;
	[tilespmem:$0x1FE40] =	vst v63  }
0x18f: {  	_ =	swait.ge [sflag:s10], $0x200  }
0x190: {  	s26 =	sld [smem:$0x7DA]  }
0x191: {  	[sflag:s10] =	ssyncset.done $0x0  }
0x192: {  	[sflag:s10] =	ssyncadd.s32 $0xFFFFFE00  }
0x193: {  	[spmem:s26] =	stream.linear.scatter [tilespmem:s21], [sflag:$0xD], $0x200, $0x38;
	[tilespmem:$0x1FE40] =	vst v63  }
0x194: {  	_ =	swait.ge [sflag:s10], $0x200  }
0x195: {  	s6 =	sld [smem:$0x7DB]  }
0x196: {  	[sflag:s10] =	ssyncset.done $0x0  }
0x197: {  	[sflag:s10] =	ssyncadd.s32 $0xFFFFFE00  }
0x198: {  	[spmem:s6] =	stream.linear.scatter [tilespmem:s21], [sflag:$0xD], $0x200, $0x38;
	[tilespmem:$0x1FE40] =	vst v63  }
0x199: {  	_ =	swait.ge [sflag:s10], $0x200  }
0x19a: {  	s9 =	sld [smem:$0x7DC]  }
0x19b: {  	[sflag:s10] =	ssyncset.done $0x0  }
0x19c: {  	[sflag:s10] =	ssyncadd.s32 $0xFFFFFE00  }
0x19d: {  	[spmem:s9] =	stream.linear.scatter [tilespmem:s21], [sflag:$0xD], $0x200, $0x38;
	[tilespmem:$0x1FE40] =	vst v63  }
0x19e: {  	_ =	swait.ge [sflag:s10], $0x200  }
0x19f: {  	s12 =	sld [smem:$0x7DD]  }
0x1a0: {  	[sflag:s10] =	ssyncset.done $0x0  }
0x1a1: {  	[sflag:s10] =	ssyncadd.s32 $0xFFFFFE00  }
0x1a2: {  	[spmem:s12] =	stream.linear.scatter [tilespmem:s21], [sflag:$0xD], $0x200, $0x38;
	[tilespmem:$0x1FE40] =	vst v63  }
0x1a3: {  	_ =	swait.ge [sflag:s10], $0x200  }
0x1a4: {  	s26 =	sld [smem:$0x7DE]  }
0x1a5: {  	[sflag:s10] =	ssyncset.done $0x0  }
0x1a6: {  	[sflag:s10] =	ssyncadd.s32 $0xFFFFFE00  }
0x1a7: {  	[spmem:s26] =	stream.linear.scatter [tilespmem:s21], [sflag:$0xD], $0x200, $0x38;
	[tilespmem:$0x1FE40] =	vst v63  }
0x1a8: {  	_ =	swait.ge [sflag:s10], $0x200  }
0x1a9: {  	s6 =	sld [smem:$0x7DF]  }
0x1aa: {  	[sflag:s10] =	ssyncset.done $0x0  }
0x1ab: {  	[sflag:s10] =	ssyncadd.s32 $0xFFFFFE00  }
0x1ac: {  	[spmem:s6] =	stream.linear.scatter [tilespmem:s21], [sflag:$0xD], $0x200, $0x38;
	[tilespmem:$0x1FE40] =	vst v63  }
0x1ad: {  	_ =	swait.ge [sflag:s10], $0x200  }
0x1ae: {  	s9 =	sld [smem:$0x7E0]  }
0x1af: {  	[sflag:s10] =	ssyncset.done $0x0  }
0x1b0: {  	[sflag:s10] =	ssyncadd.s32 $0xFFFFFE00  }
0x1b1: {  	[spmem:s9] =	stream.linear.scatter [tilespmem:s21], [sflag:$0xD], $0x200, $0x38;
	[tilespmem:$0x1FE40] =	vst v63  }
0x1b2: {  	_ =	swait.ge [sflag:s10], $0x200  }
0x1b3: {  	s12 =	sld [smem:$0x7E1]  }
0x1b4: {  	[sflag:s10] =	ssyncset.done $0x0  }
0x1b5: {  	[sflag:s10] =	ssyncadd.s32 $0xFFFFFE00  }
0x1b6: {  	[spmem:s12] =	stream.linear.scatter [tilespmem:s21], [sflag:$0xD], $0x200, $0x38;
	[tilespmem:$0x1FE40] =	vst v63  }
0x1b7: {  	_ =	swait.ge [sflag:s10], $0x200  }
0x1b8: {  	s26 =	sld [smem:$0x7E2]  }
0x1b9: {  	[sflag:s10] =	ssyncset.done $0x0  }
0x1ba: {  	[sflag:s10] =	ssyncadd.s32 $0xFFFFFE00  }
0x1bb: {  	[spmem:s26] =	stream.linear.scatter [tilespmem:s21], [sflag:$0xD], $0x200, $0x38;
	[tilespmem:$0x1FE40] =	vst v63  }
0x1bc: {  	_ =	swait.ge [sflag:s10], $0x200  }
0x1bd: {  	s6 =	sld [smem:$0x7E3]  }
0x1be: {  	[sflag:s10] =	ssyncset.done $0x0  }
0x1bf: {  	[sflag:s10] =	ssyncadd.s32 $0xFFFFFE00  }
0x1c0: {  	[spmem:s6] =	stream.linear.scatter [tilespmem:s21], [sflag:$0xD], $0x200, $0x38;
	[tilespmem:$0x1FE40] =	vst v63  }
0x1c1: {  	_ =	swait.ge [sflag:s10], $0x200  }
0x1c2: {  	s9 =	sld [smem:$0x7E4]  }
0x1c3: {  	[sflag:s10] =	ssyncset.done $0x0  }
0x1c4: {  	[sflag:s10] =	ssyncadd.s32 $0xFFFFFE00  }
0x1c5: {  	[spmem:s9] =	stream.linear.scatter [tilespmem:s21], [sflag:$0xD], $0x200, $0x38;
	[tilespmem:$0x1FE40] =	vst v63  }
0x1c6: {  	_ =	swait.ge [sflag:s10], $0x200  }
0x1c7: {  	s12 =	sld [smem:$0x7E5]  }
0x1c8: {  	[sflag:s10] =	ssyncset.done $0x0  }
0x1c9: {  	[sflag:s10] =	ssyncadd.s32 $0xFFFFFE00  }
0x1ca: {  	[spmem:s12] =	stream.linear.scatter [tilespmem:s21], [sflag:$0xD], $0x200, $0x38;
	[tilespmem:$0x1FE40] =	vst v63  }
0x1cb: {  	_ =	swait.ge [sflag:s10], $0x200  }
0x1cc: {  	s26 =	sld [smem:$0x7E6]  }
0x1cd: {  	[sflag:s10] =	ssyncset.done $0x0  }
0x1ce: {  	[sflag:s10] =	ssyncadd.s32 $0xFFFFFE00  }
0x1cf: {  	[spmem:s26] =	stream.linear.scatter [tilespmem:s21], [sflag:$0xD], $0x200, $0x38;
	[tilespmem:$0x1FE40] =	vst v63  }
0x1d0: {  	_ =	swait.ge [sflag:s10], $0x200  }
0x1d1: {  	s6 =	sld [smem:$0x7E7]  }
0x1d2: {  	[sflag:s10] =	ssyncset.done $0x0  }
0x1d3: {  	[sflag:s10] =	ssyncadd.s32 $0xFFFFFE00  }
0x1d4: {  	[spmem:s6] =	stream.linear.scatter [tilespmem:s21], [sflag:$0xD], $0x200, $0x38;
	[tilespmem:$0x1FE40] =	vst v63  }
0x1d5: {  	_ =	swait.ge [sflag:s10], $0x200  }
0x1d6: {  	s9 =	sld [smem:$0x7E8]  }
0x1d7: {  	[sflag:s10] =	ssyncset.done $0x0  }
0x1d8: {  	[sflag:s10] =	ssyncadd.s32 $0xFFFFFE00  }
0x1d9: {  	[spmem:s9] =	stream.linear.scatter [tilespmem:s21], [sflag:$0xD], $0x200, $0x38;
	[tilespmem:$0x1FE40] =	vst v63  }
0x1da: {  	_ =	swait.ge [sflag:s10], $0x200  }
0x1db: {  	s12 =	sld [smem:$0x7E9]  }
0x1dc: {  	[sflag:s10] =	ssyncset.done $0x0  }
0x1dd: {  	[sflag:s10] =	ssyncadd.s32 $0xFFFFFE00  }
0x1de: {  	[spmem:s12] =	stream.linear.scatter [tilespmem:s21], [sflag:$0xD], $0x200, $0x38;
	[tilespmem:$0x1FE40] =	vst v63  }
0x1df: {  	_ =	swait.ge [sflag:s10], $0x200  }
0x1e0: {  	s26 =	sld [smem:$0x7EA]  }
0x1e1: {  	[sflag:s10] =	ssyncset.done $0x0  }
0x1e2: {  	[sflag:s10] =	ssyncadd.s32 $0xFFFFFE00  }
0x1e3: {  	[spmem:s26] =	stream.linear.scatter [tilespmem:s21], [sflag:$0xD], $0x200, $0x38;
	[tilespmem:$0x1FE40] =	vst v63  }
0x1e4: {  	_ =	swait.ge [sflag:s10], $0x200  }
0x1e5: {  	s6 =	sld [smem:$0x7EB]  }
0x1e6: {  	[sflag:s10] =	ssyncset.done $0x0  }
0x1e7: {  	[sflag:s10] =	ssyncadd.s32 $0xFFFFFE00  }
0x1e8: {  	[spmem:s6] =	stream.linear.scatter [tilespmem:s21], [sflag:$0xD], $0x200, $0x38;
	[tilespmem:$0x1FE40] =	vst v63  }
0x1e9: {  	_ =	swait.ge [sflag:s10], $0x200  }
0x1ea: {  	s9 =	sld [smem:$0x7EC]  }
0x1eb: {  	[sflag:s10] =	ssyncset.done $0x0  }
0x1ec: {  	[sflag:s10] =	ssyncadd.s32 $0xFFFFFE00  }
0x1ed: {  	[spmem:s9] =	stream.linear.scatter [tilespmem:s21], [sflag:$0xD], $0x200, $0x38;
	[tilespmem:$0x1FE40] =	vst v63  }
0x1ee: {  	_ =	swait.ge [sflag:s10], $0x200  }
0x1ef: {  	s12 =	sld [smem:$0x7ED]  }
0x1f0: {  	[sflag:s10] =	ssyncset.done $0x0  }
0x1f1: {  	[sflag:s10] =	ssyncadd.s32 $0xFFFFFE00  }
0x1f2: {  	[spmem:s12] =	stream.linear.scatter [tilespmem:s21], [sflag:$0xD], $0x200, $0x38;
	[tilespmem:$0x1FE40] =	vst v63  }
0x1f3: {  	_ =	swait.ge [sflag:s10], $0x200  }
0x1f4: {  	s26 =	sld [smem:$0x7EE]  }
0x1f5: {  	[sflag:s10] =	ssyncset.done $0x0  }
0x1f6: {  	[sflag:s10] =	ssyncadd.s32 $0xFFFFFE00  }
0x1f7: {  	[spmem:s26] =	stream.linear.scatter [tilespmem:s21], [sflag:$0xD], $0x200, $0x38;
	[tilespmem:$0x1FE40] =	vst v63  }
0x1f8: {  	_ =	swait.ge [sflag:s10], $0x200  }
0x1f9: {  	s6 =	sld [smem:$0x7EF]  }
0x1fa: {  	[sflag:s10] =	ssyncset.done $0x0  }
0x1fb: {  	[sflag:s10] =	ssyncadd.s32 $0xFFFFFE00  }
0x1fc: {  	[spmem:s6] =	stream.linear.scatter [tilespmem:s21], [sflag:$0xD], $0x200, $0x38;
	[tilespmem:$0x1FE40] =	vst v63  }
0x1fd: {  	_ =	swait.ge [sflag:s10], $0x200  }
0x1fe: {  	s9 =	sld [smem:$0x7F0]  }
0x1ff: {  	[sflag:s10] =	ssyncset.done $0x0  }
0x200: {  	[sflag:s10] =	ssyncadd.s32 $0xFFFFFE00  }
0x201: {  	[spmem:s9] =	stream.linear.scatter [tilespmem:s21], [sflag:$0xD], $0x200, $0x38;
	[tilespmem:$0x1FE40] =	vst v63  }
0x202: {  	_ =	swait.ge [sflag:s10], $0x200  }
0x203: {  	s12 =	sld [smem:$0x7F1]  }
0x204: {  	[sflag:s10] =	ssyncset.done $0x0  }
0x205: {  	[sflag:s10] =	ssyncadd.s32 $0xFFFFFE00  }
0x206: {  	[spmem:s12] =	stream.linear.scatter [tilespmem:s21], [sflag:$0xD], $0x200, $0x38;
	[tilespmem:$0x1FE40] =	vst v63  }
0x207: {  	_ =	swait.ge [sflag:s10], $0x200  }
0x208: {  	s26 =	sld [smem:$0x7F2]  }
0x209: {  	[sflag:s10] =	ssyncset.done $0x0  }
0x20a: {  	[sflag:s10] =	ssyncadd.s32 $0xFFFFFE00  }
0x20b: {  	[spmem:s26] =	stream.linear.scatter [tilespmem:s21], [sflag:$0xD], $0x200, $0x38;
	[tilespmem:$0x1FE40] =	vst v63  }
0x20c: {  	_ =	swait.ge [sflag:s10], $0x200  }
0x20d: {  	s6 =	sld [smem:$0x7F3]  }
0x20e: {  	[sflag:s10] =	ssyncset.done $0x0  }
0x20f: {  	[sflag:s10] =	ssyncadd.s32 $0xFFFFFE00  }
0x210: {  	[spmem:s6] =	stream.linear.scatter [tilespmem:s21], [sflag:$0xD], $0x200, $0x38;
	[tilespmem:$0x1FE40] =	vst v63  }
0x211: {  	_ =	swait.ge [sflag:s10], $0x200  }
0x212: {  	s9 =	sld [smem:$0x7F4]  }
0x213: {  	[sflag:s10] =	ssyncset.done $0x0  }
0x214: {  	[sflag:s10] =	ssyncadd.s32 $0xFFFFFE00  }
0x215: {  	[spmem:s9] =	stream.linear.scatter [tilespmem:s21], [sflag:$0xD], $0x200, $0x38;
	[tilespmem:$0x1FE40] =	vst v63  }
0x216: {  	_ =	swait.ge [sflag:s10], $0x200  }
0x217: {  	s12 =	sld [smem:$0x7F5]  }
0x218: {  	[sflag:s10] =	ssyncset.done $0x0  }
0x219: {  	[sflag:s10] =	ssyncadd.s32 $0xFFFFFE00  }
0x21a: {  	[spmem:s12] =	stream.linear.scatter [tilespmem:s21], [sflag:$0xD], $0x200, $0x38;
	[tilespmem:$0x1FE40] =	vst v63  }
0x21b: {  	_ =	swait.ge [sflag:s10], $0x200  }
0x21c: {  	s26 =	sld [smem:$0x7F6]  }
0x21d: {  	[sflag:s10] =	ssyncset.done $0x0  }
0x21e: {  	[sflag:s10] =	ssyncadd.s32 $0xFFFFFE00  }
0x21f: {  	[spmem:s26] =	stream.linear.scatter [tilespmem:s21], [sflag:$0xD], $0x200, $0x38;
	[tilespmem:$0x1FE40] =	vst v63  }
0x220: {  	_ =	swait.ge [sflag:s10], $0x200  }
0x221: {  	s6 =	sld [smem:$0x7F7]  }
0x222: {  	[sflag:s10] =	ssyncset.done $0x0  }
0x223: {  	[sflag:s10] =	ssyncadd.s32 $0xFFFFFE00  }
0x224: {  	[spmem:s6] =	stream.linear.scatter [tilespmem:s21], [sflag:$0xD], $0x200, $0x38;
	[tilespmem:$0x1FE40] =	vst v63  }
0x225: {  	_ =	swait.ge [sflag:s10], $0x200  }
0x226: {  	s9 =	sld [smem:$0x7F8]  }
0x227: {  	[sflag:s10] =	ssyncset.done $0x0  }
0x228: {  	[sflag:s10] =	ssyncadd.s32 $0xFFFFFE00  }
0x229: {  	[spmem:s9] =	stream.linear.scatter [tilespmem:s21], [sflag:$0xD], $0x200, $0x38;
	[tilespmem:$0x1FE40] =	vst v63  }
0x22a: {  	_ =	swait.ge [sflag:s10], $0x200  }
0x22b: {  	s12 =	sld [smem:$0x7F9]  }
0x22c: {  	[sflag:s10] =	ssyncset.done $0x0  }
0x22d: {  	[sflag:s10] =	ssyncadd.s32 $0xFFFFFE00  }
0x22e: {  	[spmem:s12] =	stream.linear.scatter [tilespmem:s21], [sflag:$0xD], $0x200, $0x38;
	[tilespmem:$0x1FE40] =	vst v63  }
0x22f: {  	_ =	swait.ge [sflag:s10], $0x200  }
0x230: {  	s26 =	sld [smem:$0x7FA]  }
0x231: {  	[sflag:s10] =	ssyncset.done $0x0  }
0x232: {  	[sflag:s10] =	ssyncadd.s32 $0xFFFFFE00  }
0x233: {  	[spmem:s26] =	stream.linear.scatter [tilespmem:s21], [sflag:$0xD], $0x200, $0x38;
	[tilespmem:$0x1FE40] =	vst v63  }
0x234: {  	_ =	swait.ge [sflag:s10], $0x200  }
0x235: {  	[sflag:s10] =	ssyncset.done $0x0  }
0x236: {  	[sflag:s10] =	ssyncadd.s32 $0xFFFFFE00  }
0x237: {  	[bflag:$0x0] =	sbarrier.arrive $0xFFFF  }
0x238: {  	_ =	swait.ge [sflag:s11], $0x1000  }
0x239: {  	[sflag:s11] =	ssyncset.done $0x0  }
0x23a: {  	[sflag:s11] =	ssyncadd.s32 $0xFFFFF000  }
0x23b: {  	_ =	swait.ge [sflag:s22], $0x1000  }
0x23c: {  	[sflag:s22] =	ssyncset.done $0x0  }
0x23d: {  	s9 =	simm.s32 $0x1000;
	s6 =	rddreg [dreg:$0xb];
	[sflag:s22] =	ssyncadd.s32 $0xFFFFF000  }
0x23e: {  	[tilespmem:s9], [sflag:$0xA] =	stream.linear.gather [hbm4b:s6+s4], $0x1000, $0x38;
	[tilespmem:$0x1FE40] =	vst v63  }
0x23f: {  	s26 =	simm.s32 $0x3000;
	s12 =	rddreg [dreg:$0xc]  }
0x240: {  	[tilespmem:s26], [sflag:$0xC] =	stream.linear.gather [hbm4b:s12+s4], $0x1000, $0x38;
	[tilespmem:$0x1FE40] =	vst v63  }
0x241: {  	_ = 	snop  }
0x242: {  	[tilespmem:s24], [sflag:$0x1] =	stream.indirect.gather [spmem:s2], $0x40, s4, s13, $0xb8;
	[tilespmem:$0x1FE40] =	vst v63  }
0x243: {  	_ = 	snop  }
0x244: {  	[tilespmem:s25], [sflag:$0x2] =	stream.indirect.gather [spmem:s2], $0x40, s13, s13, $0xb8;
	[tilespmem:$0x1FE40] =	vst v63  }
0x245: {  	s9 =	simm.s32 $0x100  }
0x246: {  	[tilespmem:s14], [sflag:$0x3] =	stream.indirect.gather [spmem:s2], $0x40, s9, s13, $0xb8;
	[tilespmem:$0x1FE40] =	vst v63  }
0x247: {  	_ =	swait.ge [sflag:s19], $0x2000  }
0x248: {  	[sflag:s19] =	ssyncset.done $0x0  }
0x249: {  	[sflag:s19] =	ssyncadd.s32 $0xFFFFE000  }
0x24a: {  	[spmem:s3] =	stream.indirect.scatter.add.f32 [tilespmem:s24], [sflag:$0x5], $0x40, s18, s13, $0xb8;
	[tilespmem:$0x1FE40] =	vst v63  }
0x24b: {  	s12 =	simm.s32 $0x180  }
0x24c: {  	[tilespmem:s28], [sflag:$0x4] =	stream.indirect.gather [spmem:s2], $0x40, s12, s13, $0xb8;
	[tilespmem:$0x1FE40] =	vst v63  }
0x24d: {  	_ =	swait.ge [sflag:s29], $0x2000  }
0x24e: {  	[sflag:s29] =	ssyncset.done $0x0  }
0x24f: {  	s26 =	simm.s32 $0x2080;
	[sflag:s29] =	ssyncadd.s32 $0xFFFFE000  }
0x250: {  	[spmem:s3] =	stream.indirect.scatter.add.f32 [tilespmem:s25], [sflag:$0x6], $0x40, s26, s13, $0xb8;
	[tilespmem:$0x1FE40] =	vst v63  }
0x251: {  	_ =	swait.ge [sflag:s30], $0x2000  }
0x252: {  	[sflag:s30] =	ssyncset.done $0x0  }
0x253: {  	s4 =	simm.s32 $0x200;
	[sflag:s30] =	ssyncadd.s32 $0xFFFFE000  }
0x254: {  	[tilespmem:s24], [sflag:$0x1] =	stream.indirect.gather [spmem:s2], $0x40, s4, s13, $0xb8;
	[tilespmem:$0x1FE40] =	vst v63  }
0x255: {  	_ =	swait.ge [sflag:s7], $0x2000  }
0x256: {  	[sflag:s7] =	ssyncset.done $0x0  }
0x257: {  	s6 =	simm.s32 $0x2100;
	[sflag:s7] =	ssyncadd.s32 $0xFFFFE000  }
0x258: {  	[spmem:s3] =	stream.indirect.scatter.add.f32 [tilespmem:s14], [sflag:$0x7], $0x40, s6, s13, $0xb8;
	[tilespmem:$0x1FE40] =	vst v63  }
0x259: {  	_ =	swait.ge [sflag:s0], $0x2000  }
0x25a: {  	[sflag:s0] =	ssyncset.done $0x0  }
0x25b: {  	s9 =	simm.s32 $0x280;
	[sflag:s0] =	ssyncadd.s32 $0xFFFFE000  }
0x25c: {  	[tilespmem:s25], [sflag:$0x2] =	stream.indirect.gather [spmem:s2], $0x40, s9, s13, $0xb8;
	[tilespmem:$0x1FE40] =	vst v63  }
0x25d: {  	_ =	swait.ge [sflag:s5], $0x2000  }
0x25e: {  	[sflag:s5] =	ssyncset.done $0x0  }
0x25f: {  	s12 =	simm.s32 $0x2180;
	[sflag:s5] =	ssyncadd.s32 $0xFFFFE000  }
0x260: {  	[spmem:s3] =	stream.indirect.scatter.add.f32 [tilespmem:s28], [sflag:$0x8], $0x40, s12, s13, $0xb8;
	[tilespmem:$0x1FE40] =	vst v63  }
0x261: {  	_ =	swait.ge [sflag:s8], $0x2000  }
0x262: {  	[sflag:s8] =	ssyncset.done $0x0  }
0x263: {  	s1 =	simm.s32 $0x0;
	s26 =	simm.s32 $0x300;
	[sflag:s8] =	ssyncadd.s32 $0xFFFFE000  }
0x264: {  	[tilespmem:s14], [sflag:$0x3] =	stream.indirect.gather [spmem:s2], $0x40, s26, s13, $0xb8;
	[tilespmem:$0x1FE40] =	vst v63  }
.LBB2_2:
0x265: {  	_ =	swait.ge [sflag:s19], $0x2000  }
0x266: {  	s6 =	sshra.s32 s1, $0x2;
	[sflag:s19] =	ssyncset.done $0x0  }
0x267: {  	s26 =	sadd.s32 $0x2200, s6;
	[sflag:s19] =	ssyncadd.s32 $0xFFFFE000  }
0x268: {  	[spmem:s3] =	stream.indirect.scatter.add.f32 [tilespmem:s24], [sflag:$0x5], $0x40, s26, s13, $0xb8;
	[tilespmem:$0x1FE40] =	vst v63  }
0x269: {  	_ =	swait.ge [sflag:s20], $0x2000  }
0x26a: {  	[sflag:s20] =	ssyncset.done $0x0  }
0x26b: {  	s9 =	sadd.s32 $0x380, s6;
	[sflag:s20] =	ssyncadd.s32 $0xFFFFE000  }
0x26c: {  	[tilespmem:s28], [sflag:$0x4] =	stream.indirect.gather [spmem:s2], $0x40, s9, s13, $0xb8;
	[tilespmem:$0x1FE40] =	vst v63  }
0x26d: {  	_ =	swait.ge [sflag:s29], $0x2000  }
0x26e: {  	p1 =	seq.s32 s1, $0x3000;
	[sflag:s29] =	ssyncset.done $0x0  }
0x26f: {  	s12 =	sadd.s32 $0x2280, s6;
	s26 =	simm.s32 @p1 $0x3;
	[sflag:s29] =	ssyncadd.s32 $0xFFFFE000  }
0x270: {  	[spmem:s3] =	stream.indirect.scatter.add.f32 [tilespmem:s25], [sflag:$0x6], $0x40, s12, s13, $0xb8;
	[tilespmem:$0x1FE40] =	vst v63  }
0x271: {  	_ =	swait.ge @p1 [sflag:s26], $0x2000  }
0x272: {  	[sflag:s26] =	ssyncset.done @p1 $0x0  }
0x273: {  	[sflag:s26] =	ssyncadd.s32 @p1 $0xFFFFE000;
	s26 =	sshra.s32 @p1 s1, $0x2  }
0x274: {  	s4 =	simm.s32 @p1 $0x80;
	s9 =	simm.s32 @p1 $0x8000;
	s26 =	sadd.s32 @p1 $0x2300, s26  }
0x275: {  	[spmem:s3] =	stream.indirect.scatter.add.f32 @p1 [tilespmem:s9], [sflag:$0x7], $0x40, s26, s4, $0xb8;
	[tilespmem:$0x1FE40] =	vst v63  }
0x276: {  	s4 =	simm.s32 @!p1 $0x5  }
0x277: {  	_ =	swait.ge @!p1 [sflag:s4], $0x2000  }
0x278: {  	[sflag:s4] =	ssyncset.done @!p1 $0x0  }
0x279: {  	[sflag:s4] =	ssyncadd.s32 @!p1 $0xFFFFE000;
	s4 =	sshra.s32 @!p1 s1, $0x2  }
0x27a: {  	s12 =	simm.s32 @!p1 $0x4000;
	s26 =	simm.s32 @!p1 $0x80;
	s9 =	sadd.s32 @!p1 $0x400, s4  }
0x27b: {  	[tilespmem:s12], [sflag:$0x1] =	stream.indirect.gather @!p1 [spmem:s2], $0x40, s9, s26, $0xb8;
	[tilespmem:$0x1FE40] =	vst v63  }
0x27c: {  	s9 =	simm.s32 @!p1 $0x3  }
0x27d: {  	_ =	swait.ge @!p1 [sflag:s9], $0x2000  }
0x27e: {  	[sflag:s9] =	ssyncset.done @!p1 $0x0  }
0x27f: {  	s12 =	simm.s32 @!p1 $0x8000;
	[sflag:s9] =	ssyncadd.s32 @!p1 $0xFFFFE000;
	s9 =	sadd.s32 @!p1 $0x2300, s4  }
0x280: {  	[spmem:s3] =	stream.indirect.scatter.add.f32 @!p1 [tilespmem:s12], [sflag:$0x7], $0x40, s9, s26, $0xb8;
	[tilespmem:$0x1FE40] =	vst v63  }
0x281: {  	s9 =	simm.s32 @!p1 $0x6  }
0x282: {  	_ =	swait.ge @!p1 [sflag:s9], $0x2000  }
0x283: {  	[sflag:s9] =	ssyncset.done @!p1 $0x0  }
0x284: {  	s4 =	sadd.s32 @!p1 $0x480, s4;
	[sflag:s9] =	ssyncadd.s32 @!p1 $0xFFFFE000;
	s9 =	simm.s32 @!p1 $0x6000  }
0x285: {  	[tilespmem:s9], [sflag:$0x2] =	stream.indirect.gather @!p1 [spmem:s2], $0x40, s4, s26, $0xb8;
	[tilespmem:$0x1FE40] =	vst v63  }
.Ltmp2:
0x286: {  	_ = 	snop;
	(pc) =	sbr.rel @p1 .LBB2_4-.Ltmp2, $4  }
0x287: {  	_ =	swait.ge [sflag:s5], $0x2000  }
0x288: {  	[sflag:s5] =	ssyncset.done $0x0  }
0x289: {  	s26 =	sadd.s32 $0x2380, s6;
	[sflag:s5] =	ssyncadd.s32 $0xFFFFE000  }
0x28a: {  	[spmem:s3] =	stream.indirect.scatter.add.f32 [tilespmem:s28], [sflag:$0x8], $0x40, s26, s13, $0xb8;
	[tilespmem:$0x1FE40] =	vst v63  }
.Ltmp3:
0x28b: {  	(pc) =	sbr.rel .LBB2_2-.Ltmp3, $4  }
0x28c: {  	_ =	swait.ge [sflag:s8], $0x2000  }
0x28d: {  	[sflag:s8] =	ssyncset.done $0x0  }
0x28e: {  	s4 =	sadd.s32 $0x500, s6;
	s1 =	sadd.s32 $0x800, s1;
	[sflag:s8] =	ssyncadd.s32 $0xFFFFE000  }
0x28f: {  	[tilespmem:s14], [sflag:$0x3] =	stream.indirect.gather [spmem:s2], $0x40, s4, s13, $0xb8;
	[tilespmem:$0x1FE40] =	vst v63  }
.LBB2_4:
0x290: {  	_ =	swait.ge [sflag:s30], $0x2000  }
0x291: {  	[sflag:s30] =	ssyncset.done $0x0  }
0x292: {  	[sflag:s30] =	ssyncadd.s32 $0xFFFFE000  }
0x293: {  	_ =	swait.ge [sflag:s0], $0x2000  }
0x294: {  	[sflag:s0] =	ssyncset.done $0x0  }
0x295: {  	[sflag:s0] =	ssyncadd.s32 $0xFFFFE000  }
0x296: {  	_ =	swait.ge [sflag:s8], $0x2000  }
0x297: {  	[sflag:s8] =	ssyncset.done $0x0  }
0x298: {  	[sflag:s8] =	ssyncadd.s32 $0xFFFFE000  }
0x299: {  	_ =	swait.ge [sflag:s20], $0x2000  }
0x29a: {  	[sflag:s20] =	ssyncset.done $0x0  }
0x29b: {  	[sflag:s20] =	ssyncadd.s32 $0xFFFFE000  }
0x29c: {  	_ =	swait.ge [sflag:s15], $0x1000  }
0x29d: {  	[sflag:s15] =	ssyncset.done $0x0  }
0x29e: {  	[sflag:s15] =	ssyncadd.s32 $0xFFFFF000  }
0x29f: {  	_ =	swait.ge [sflag:s16], $0x1000  }
0x2a0: {  	[sflag:s16] =	ssyncset.done $0x0  }
0x2a1: {  	s1 =	simm.s32 $0x0;
	s4 =	rddreg [dreg:$0xd];
	[sflag:s16] =	ssyncadd.s32 $0xFFFFF000  }
0x2a2: {  	[tilespmem:s1], [sflag:$0x9] =	stream.linear.gather [hbm4b:s4+s1], $0x1000, $0x38;
	[tilespmem:$0x1FE40] =	vst v63  }
0x2a3: {  	s6 =	rddreg [dreg:$0xe]  }
0x2a4: {  	[tilespmem:s18], [sflag:$0xB] =	stream.linear.gather [hbm4b:s6+s1], $0x1000, $0x38;
	[tilespmem:$0x1FE40] =	vst v63  }
0x2a5: {  	s9 =	simm.s32 $0x1000  }
0x2a6: {  	[tilespmem:s24], [sflag:$0x1] =	stream.indirect.gather [spmem:s2], $0x40, s9, s13, $0xb8;
	[tilespmem:$0x1FE40] =	vst v63  }
0x2a7: {  	s12 =	simm.s32 $0x1080  }
0x2a8: {  	[tilespmem:s25], [sflag:$0x2] =	stream.indirect.gather [spmem:s2], $0x40, s12, s13, $0xb8;
	[tilespmem:$0x1FE40] =	vst v63  }
0x2a9: {  	s26 =	simm.s32 $0x1100  }
0x2aa: {  	[tilespmem:s14], [sflag:$0x3] =	stream.indirect.gather [spmem:s2], $0x40, s26, s13, $0xb8;
	[tilespmem:$0x1FE40] =	vst v63  }
0x2ab: {  	_ =	swait.ge [sflag:s19], $0x2000  }
0x2ac: {  	[sflag:s19] =	ssyncset.done $0x0  }
0x2ad: {  	s6 =	simm.s32 $0x3000;
	[sflag:s19] =	ssyncadd.s32 $0xFFFFE000  }
0x2ae: {  	[spmem:s3] =	stream.indirect.scatter.add.f32 [tilespmem:s24], [sflag:$0x5], $0x40, s6, s13, $0xb8;
	[tilespmem:$0x1FE40] =	vst v63  }
0x2af: {  	s9 =	simm.s32 $0x1180  }
0x2b0: {  	[tilespmem:s28], [sflag:$0x4] =	stream.indirect.gather [spmem:s2], $0x40, s9, s13, $0xb8;
	[tilespmem:$0x1FE40] =	vst v63  }
0x2b1: {  	_ =	swait.ge [sflag:s29], $0x2000  }
0x2b2: {  	[sflag:s29] =	ssyncset.done $0x0  }
0x2b3: {  	s12 =	simm.s32 $0x3080;
	[sflag:s29] =	ssyncadd.s32 $0xFFFFE000  }
0x2b4: {  	[spmem:s3] =	stream.indirect.scatter.add.f32 [tilespmem:s25], [sflag:$0x6], $0x40, s12, s13, $0xb8;
	[tilespmem:$0x1FE40] =	vst v63  }
0x2b5: {  	_ =	swait.ge [sflag:s30], $0x2000  }
0x2b6: {  	[sflag:s30] =	ssyncset.done $0x0  }
0x2b7: {  	s26 =	simm.s32 $0x1200;
	[sflag:s30] =	ssyncadd.s32 $0xFFFFE000  }
0x2b8: {  	[tilespmem:s24], [sflag:$0x1] =	stream.indirect.gather [spmem:s2], $0x40, s26, s13, $0xb8;
	[tilespmem:$0x1FE40] =	vst v63  }
0x2b9: {  	_ =	swait.ge [sflag:s7], $0x2000  }
0x2ba: {  	[sflag:s7] =	ssyncset.done $0x0  }
0x2bb: {  	s6 =	simm.s32 $0x3100;
	[sflag:s7] =	ssyncadd.s32 $0xFFFFE000  }
0x2bc: {  	[spmem:s3] =	stream.indirect.scatter.add.f32 [tilespmem:s14], [sflag:$0x7], $0x40, s6, s13, $0xb8;
	[tilespmem:$0x1FE40] =	vst v63  }
0x2bd: {  	_ =	swait.ge [sflag:s0], $0x2000  }
0x2be: {  	[sflag:s0] =	ssyncset.done $0x0  }
0x2bf: {  	s9 =	simm.s32 $0x1280;
	[sflag:s0] =	ssyncadd.s32 $0xFFFFE000  }
0x2c0: {  	[tilespmem:s25], [sflag:$0x2] =	stream.indirect.gather [spmem:s2], $0x40, s9, s13, $0xb8;
	[tilespmem:$0x1FE40] =	vst v63  }
0x2c1: {  	_ =	swait.ge [sflag:s5], $0x2000  }
0x2c2: {  	[sflag:s5] =	ssyncset.done $0x0  }
0x2c3: {  	s12 =	simm.s32 $0x3180;
	[sflag:s5] =	ssyncadd.s32 $0xFFFFE000  }
0x2c4: {  	[spmem:s3] =	stream.indirect.scatter.add.f32 [tilespmem:s28], [sflag:$0x8], $0x40, s12, s13, $0xb8;
	[tilespmem:$0x1FE40] =	vst v63  }
0x2c5: {  	_ =	swait.ge [sflag:s8], $0x2000  }
0x2c6: {  	[sflag:s8] =	ssyncset.done $0x0  }
0x2c7: {  	s26 =	simm.s32 $0x1300;
	[sflag:s8] =	ssyncadd.s32 $0xFFFFE000  }
0x2c8: {  	[tilespmem:s14], [sflag:$0x3] =	stream.indirect.gather [spmem:s2], $0x40, s26, s13, $0xb8;
	[tilespmem:$0x1FE40] =	vst v63  }
.LBB2_5:
0x2c9: {  	_ =	swait.ge [sflag:s19], $0x2000  }
0x2ca: {  	s6 =	sshra.s32 s1, $0x2;
	[sflag:s19] =	ssyncset.done $0x0  }
0x2cb: {  	s4 =	sadd.s32 $0x3200, s6;
	[sflag:s19] =	ssyncadd.s32 $0xFFFFE000  }
0x2cc: {  	[spmem:s3] =	stream.indirect.scatter.add.f32 [tilespmem:s24], [sflag:$0x5], $0x40, s4, s13, $0xb8;
	[tilespmem:$0x1FE40] =	vst v63  }
0x2cd: {  	_ =	swait.ge [sflag:s20], $0x2000  }
0x2ce: {  	[sflag:s20] =	ssyncset.done $0x0  }
0x2cf: {  	s9 =	sadd.s32 $0x1380, s6;
	[sflag:s20] =	ssyncadd.s32 $0xFFFFE000  }
0x2d0: {  	[tilespmem:s28], [sflag:$0x4] =	stream.indirect.gather [spmem:s2], $0x40, s9, s13, $0xb8;
	[tilespmem:$0x1FE40] =	vst v63  }
0x2d1: {  	_ =	swait.ge [sflag:s29], $0x2000  }
0x2d2: {  	p1 =	seq.s32 s1, $0x3000;
	[sflag:s29] =	ssyncset.done $0x0  }
0x2d3: {  	s12 =	sadd.s32 $0x3280, s6;
	s4 =	simm.s32 @p1 $0x3;
	[sflag:s29] =	ssyncadd.s32 $0xFFFFE000  }
0x2d4: {  	[spmem:s3] =	stream.indirect.scatter.add.f32 [tilespmem:s25], [sflag:$0x6], $0x40, s12, s13, $0xb8;
	[tilespmem:$0x1FE40] =	vst v63  }
0x2d5: {  	_ =	swait.ge @p1 [sflag:s4], $0x2000  }
0x2d6: {  	[sflag:s4] =	ssyncset.done @p1 $0x0  }
0x2d7: {  	[sflag:s4] =	ssyncadd.s32 @p1 $0xFFFFE000;
	s4 =	sshra.s32 @p1 s1, $0x2  }
0x2d8: {  	s9 =	simm.s32 @p1 $0x80;
	s12 =	simm.s32 @p1 $0x8000;
	s4 =	sadd.s32 @p1 $0x3300, s4  }
0x2d9: {  	[spmem:s3] =	stream.indirect.scatter.add.f32 @p1 [tilespmem:s12], [sflag:$0x7], $0x40, s4, s9, $0xb8;
	[tilespmem:$0x1FE40] =	vst v63  }
0x2da: {  	s4 =	simm.s32 @!p1 $0x5  }
0x2db: {  	_ =	swait.ge @!p1 [sflag:s4], $0x2000  }
0x2dc: {  	[sflag:s4] =	ssyncset.done @!p1 $0x0  }
0x2dd: {  	[sflag:s4] =	ssyncadd.s32 @!p1 $0xFFFFE000;
	s4 =	sshra.s32 @!p1 s1, $0x2  }
0x2de: {  	s26 =	simm.s32 @!p1 $0x4000;
	s12 =	simm.s32 @!p1 $0x80;
	s9 =	sadd.s32 @!p1 $0x1400, s4  }
0x2df: {  	[tilespmem:s26], [sflag:$0x1] =	stream.indirect.gather @!p1 [spmem:s2], $0x40, s9, s12, $0xb8;
	[tilespmem:$0x1FE40] =	vst v63  }
0x2e0: {  	s9 =	simm.s32 @!p1 $0x3  }
0x2e1: {  	_ =	swait.ge @!p1 [sflag:s9], $0x2000  }
0x2e2: {  	[sflag:s9] =	ssyncset.done @!p1 $0x0  }
0x2e3: {  	s26 =	simm.s32 @!p1 $0x8000;
	[sflag:s9] =	ssyncadd.s32 @!p1 $0xFFFFE000;
	s9 =	sadd.s32 @!p1 $0x3300, s4  }
0x2e4: {  	[spmem:s3] =	stream.indirect.scatter.add.f32 @!p1 [tilespmem:s26], [sflag:$0x7], $0x40, s9, s12, $0xb8;
	[tilespmem:$0x1FE40] =	vst v63  }
0x2e5: {  	s9 =	simm.s32 @!p1 $0x6  }
0x2e6: {  	_ =	swait.ge @!p1 [sflag:s9], $0x2000  }
0x2e7: {  	[sflag:s9] =	ssyncset.done @!p1 $0x0  }
0x2e8: {  	s4 =	sadd.s32 @!p1 $0x1480, s4;
	[sflag:s9] =	ssyncadd.s32 @!p1 $0xFFFFE000;
	s9 =	simm.s32 @!p1 $0x6000  }
0x2e9: {  	[tilespmem:s9], [sflag:$0x2] =	stream.indirect.gather @!p1 [spmem:s2], $0x40, s4, s12, $0xb8;
	[tilespmem:$0x1FE40] =	vst v63  }
.Ltmp4:
0x2ea: {  	_ = 	snop;
	(pc) =	sbr.rel @p1 .LBB2_7-.Ltmp4, $4  }
0x2eb: {  	_ =	swait.ge [sflag:s5], $0x2000  }
0x2ec: {  	[sflag:s5] =	ssyncset.done $0x0  }
0x2ed: {  	s26 =	sadd.s32 $0x3380, s6;
	[sflag:s5] =	ssyncadd.s32 $0xFFFFE000  }
0x2ee: {  	[spmem:s3] =	stream.indirect.scatter.add.f32 [tilespmem:s28], [sflag:$0x8], $0x40, s26, s13, $0xb8;
	[tilespmem:$0x1FE40] =	vst v63  }
.Ltmp5:
0x2ef: {  	(pc) =	sbr.rel .LBB2_5-.Ltmp5, $4  }
0x2f0: {  	_ =	swait.ge [sflag:s8], $0x2000  }
0x2f1: {  	[sflag:s8] =	ssyncset.done $0x0  }
0x2f2: {  	s4 =	sadd.s32 $0x1500, s6;
	s1 =	sadd.s32 $0x800, s1;
	[sflag:s8] =	ssyncadd.s32 $0xFFFFE000  }
0x2f3: {  	[tilespmem:s14], [sflag:$0x3] =	stream.indirect.gather [spmem:s2], $0x40, s4, s13, $0xb8;
	[tilespmem:$0x1FE40] =	vst v63  }
.LBB2_7:
0x2f4: {  	_ =	swait.ge [sflag:s30], $0x2000  }
0x2f5: {  	[sflag:s30] =	ssyncset.done $0x0  }
0x2f6: {  	[sflag:s30] =	ssyncadd.s32 $0xFFFFE000  }
0x2f7: {  	_ =	swait.ge [sflag:s0], $0x2000  }
0x2f8: {  	[sflag:s0] =	ssyncset.done $0x0  }
0x2f9: {  	[sflag:s0] =	ssyncadd.s32 $0xFFFFE000  }
0x2fa: {  	_ =	swait.ge [sflag:s8], $0x2000  }
0x2fb: {  	[sflag:s8] =	ssyncset.done $0x0  }
0x2fc: {  	[sflag:s8] =	ssyncadd.s32 $0xFFFFE000  }
0x2fd: {  	_ =	swait.ge [sflag:s20], $0x2000  }
0x2fe: {  	[sflag:s20] =	ssyncset.done $0x0  }
0x2ff: {  	[sflag:s20] =	ssyncadd.s32 $0xFFFFE000  }
0x300: {  	_ =	swait.ge [sflag:s11], $0x1000  }
0x301: {  	[sflag:s11] =	ssyncset.done $0x0  }
0x302: {  	[sflag:s11] =	ssyncadd.s32 $0xFFFFF000  }
0x303: {  	_ =	swait.ge [sflag:s22], $0x1000  }
0x304: {  	s1 =	simm.s32 $0x0;
	[sflag:s22] =	ssyncset.done $0x0  }
0x305: {  	s6 =	simm.s32 $0x1000;
	s4 =	rddreg [dreg:$0xf];
	[sflag:s22] =	ssyncadd.s32 $0xFFFFF000  }
0x306: {  	[tilespmem:s6], [sflag:$0xA] =	stream.linear.gather [hbm4b:s4+s1], $0x1000, $0x38;
	[tilespmem:$0x1FE40] =	vst v63  }
0x307: {  	s26 =	simm.s32 $0x3000;
	s12 =	rddreg [dreg:$0x10]  }
0x308: {  	[tilespmem:s26], [sflag:$0xC] =	stream.linear.gather [hbm4b:s12+s1], $0x1000, $0x38;
	[tilespmem:$0x1FE40] =	vst v63  }
0x309: {  	_ = 	snop  }
0x30a: {  	[tilespmem:s24], [sflag:$0x1] =	stream.indirect.gather [spmem:s2], $0x40, s1, s13, $0xb8;
	[tilespmem:$0x1FE40] =	vst v63  }
0x30b: {  	_ = 	snop  }
0x30c: {  	[tilespmem:s25], [sflag:$0x2] =	stream.indirect.gather [spmem:s2], $0x40, s13, s13, $0xb8;
	[tilespmem:$0x1FE40] =	vst v63  }
0x30d: {  	s6 =	simm.s32 $0x100  }
0x30e: {  	[tilespmem:s14], [sflag:$0x3] =	stream.indirect.gather [spmem:s2], $0x40, s6, s13, $0xb8;
	[tilespmem:$0x1FE40] =	vst v63  }
0x30f: {  	_ =	swait.ge [sflag:s19], $0x2000  }
0x310: {  	[sflag:s19] =	ssyncset.done $0x0  }
0x311: {  	[sflag:s19] =	ssyncadd.s32 $0xFFFFE000  }
0x312: {  	[spmem:s3] =	stream.indirect.scatter.add.f32 [tilespmem:s24], [sflag:$0x5], $0x40, s18, s13, $0xb8;
	[tilespmem:$0x1FE40] =	vst v63  }
0x313: {  	s9 =	simm.s32 $0x180  }
0x314: {  	[tilespmem:s28], [sflag:$0x4] =	stream.indirect.gather [spmem:s2], $0x40, s9, s13, $0xb8;
	[tilespmem:$0x1FE40] =	vst v63  }
0x315: {  	_ =	swait.ge [sflag:s29], $0x2000  }
0x316: {  	[sflag:s29] =	ssyncset.done $0x0  }
0x317: {  	s12 =	simm.s32 $0x2080;
	[sflag:s29] =	ssyncadd.s32 $0xFFFFE000  }
0x318: {  	[spmem:s3] =	stream.indirect.scatter.add.f32 [tilespmem:s25], [sflag:$0x6], $0x40, s12, s13, $0xb8;
	[tilespmem:$0x1FE40] =	vst v63  }
0x319: {  	_ =	swait.ge [sflag:s30], $0x2000  }
0x31a: {  	[sflag:s30] =	ssyncset.done $0x0  }
0x31b: {  	s26 =	simm.s32 $0x200;
	[sflag:s30] =	ssyncadd.s32 $0xFFFFE000  }
0x31c: {  	[tilespmem:s24], [sflag:$0x1] =	stream.indirect.gather [spmem:s2], $0x40, s26, s13, $0xb8;
	[tilespmem:$0x1FE40] =	vst v63  }
0x31d: {  	_ =	swait.ge [sflag:s7], $0x2000  }
0x31e: {  	[sflag:s7] =	ssyncset.done $0x0  }
0x31f: {  	s6 =	simm.s32 $0x2100;
	[sflag:s7] =	ssyncadd.s32 $0xFFFFE000  }
0x320: {  	[spmem:s3] =	stream.indirect.scatter.add.f32 [tilespmem:s14], [sflag:$0x7], $0x40, s6, s13, $0xb8;
	[tilespmem:$0x1FE40] =	vst v63  }
0x321: {  	_ =	swait.ge [sflag:s0], $0x2000  }
0x322: {  	[sflag:s0] =	ssyncset.done $0x0  }
0x323: {  	s9 =	simm.s32 $0x280;
	[sflag:s0] =	ssyncadd.s32 $0xFFFFE000  }
0x324: {  	[tilespmem:s25], [sflag:$0x2] =	stream.indirect.gather [spmem:s2], $0x40, s9, s13, $0xb8;
	[tilespmem:$0x1FE40] =	vst v63  }
0x325: {  	_ =	swait.ge [sflag:s5], $0x2000  }
0x326: {  	[sflag:s5] =	ssyncset.done $0x0  }
0x327: {  	s12 =	simm.s32 $0x2180;
	[sflag:s5] =	ssyncadd.s32 $0xFFFFE000  }
0x328: {  	[spmem:s3] =	stream.indirect.scatter.add.f32 [tilespmem:s28], [sflag:$0x8], $0x40, s12, s13, $0xb8;
	[tilespmem:$0x1FE40] =	vst v63  }
0x329: {  	_ =	swait.ge [sflag:s8], $0x2000  }
0x32a: {  	[sflag:s8] =	ssyncset.done $0x0  }
0x32b: {  	s26 =	simm.s32 $0x300;
	[sflag:s8] =	ssyncadd.s32 $0xFFFFE000  }
0x32c: {  	[tilespmem:s14], [sflag:$0x3] =	stream.indirect.gather [spmem:s2], $0x40, s26, s13, $0xb8;
	[tilespmem:$0x1FE40] =	vst v63  }
.LBB2_8:
0x32d: {  	_ =	swait.ge [sflag:s19], $0x2000  }
0x32e: {  	s6 =	sshra.s32 s1, $0x2;
	[sflag:s19] =	ssyncset.done $0x0  }
0x32f: {  	s4 =	sadd.s32 $0x2200, s6;
	[sflag:s19] =	ssyncadd.s32 $0xFFFFE000  }
0x330: {  	[spmem:s3] =	stream.indirect.scatter.add.f32 [tilespmem:s24], [sflag:$0x5], $0x40, s4, s13, $0xb8;
	[tilespmem:$0x1FE40] =	vst v63  }
0x331: {  	_ =	swait.ge [sflag:s20], $0x2000  }
0x332: {  	[sflag:s20] =	ssyncset.done $0x0  }
0x333: {  	s9 =	sadd.s32 $0x380, s6;
	[sflag:s20] =	ssyncadd.s32 $0xFFFFE000  }
0x334: {  	[tilespmem:s28], [sflag:$0x4] =	stream.indirect.gather [spmem:s2], $0x40, s9, s13, $0xb8;
	[tilespmem:$0x1FE40] =	vst v63  }
0x335: {  	_ =	swait.ge [sflag:s29], $0x2000  }
0x336: {  	p1 =	seq.s32 s1, $0x3000;
	[sflag:s29] =	ssyncset.done $0x0  }
0x337: {  	s12 =	sadd.s32 $0x2280, s6;
	s4 =	simm.s32 @p1 $0x3;
	[sflag:s29] =	ssyncadd.s32 $0xFFFFE000  }
0x338: {  	[spmem:s3] =	stream.indirect.scatter.add.f32 [tilespmem:s25], [sflag:$0x6], $0x40, s12, s13, $0xb8;
	[tilespmem:$0x1FE40] =	vst v63  }
0x339: {  	_ =	swait.ge @p1 [sflag:s4], $0x2000  }
0x33a: {  	[sflag:s4] =	ssyncset.done @p1 $0x0  }
0x33b: {  	[sflag:s4] =	ssyncadd.s32 @p1 $0xFFFFE000;
	s4 =	sshra.s32 @p1 s1, $0x2  }
0x33c: {  	s9 =	simm.s32 @p1 $0x80;
	s12 =	simm.s32 @p1 $0x8000;
	s4 =	sadd.s32 @p1 $0x2300, s4  }
0x33d: {  	[spmem:s3] =	stream.indirect.scatter.add.f32 @p1 [tilespmem:s12], [sflag:$0x7], $0x40, s4, s9, $0xb8;
	[tilespmem:$0x1FE40] =	vst v63  }
0x33e: {  	s4 =	simm.s32 @!p1 $0x5  }
0x33f: {  	_ =	swait.ge @!p1 [sflag:s4], $0x2000  }
0x340: {  	[sflag:s4] =	ssyncset.done @!p1 $0x0  }
0x341: {  	[sflag:s4] =	ssyncadd.s32 @!p1 $0xFFFFE000;
	s4 =	sshra.s32 @!p1 s1, $0x2  }
0x342: {  	s26 =	simm.s32 @!p1 $0x4000;
	s12 =	simm.s32 @!p1 $0x80;
	s9 =	sadd.s32 @!p1 $0x400, s4  }
0x343: {  	[tilespmem:s26], [sflag:$0x1] =	stream.indirect.gather @!p1 [spmem:s2], $0x40, s9, s12, $0xb8;
	[tilespmem:$0x1FE40] =	vst v63  }
0x344: {  	s9 =	simm.s32 @!p1 $0x3  }
0x345: {  	_ =	swait.ge @!p1 [sflag:s9], $0x2000  }
0x346: {  	[sflag:s9] =	ssyncset.done @!p1 $0x0  }
0x347: {  	s26 =	simm.s32 @!p1 $0x8000;
	[sflag:s9] =	ssyncadd.s32 @!p1 $0xFFFFE000;
	s9 =	sadd.s32 @!p1 $0x2300, s4  }
0x348: {  	[spmem:s3] =	stream.indirect.scatter.add.f32 @!p1 [tilespmem:s26], [sflag:$0x7], $0x40, s9, s12, $0xb8;
	[tilespmem:$0x1FE40] =	vst v63  }
0x349: {  	s9 =	simm.s32 @!p1 $0x6  }
0x34a: {  	_ =	swait.ge @!p1 [sflag:s9], $0x2000  }
0x34b: {  	[sflag:s9] =	ssyncset.done @!p1 $0x0  }
0x34c: {  	s4 =	sadd.s32 @!p1 $0x480, s4;
	[sflag:s9] =	ssyncadd.s32 @!p1 $0xFFFFE000;
	s9 =	simm.s32 @!p1 $0x6000  }
0x34d: {  	[tilespmem:s9], [sflag:$0x2] =	stream.indirect.gather @!p1 [spmem:s2], $0x40, s4, s12, $0xb8;
	[tilespmem:$0x1FE40] =	vst v63  }
.Ltmp6:
0x34e: {  	_ = 	snop;
	(pc) =	sbr.rel @p1 .LBB2_10-.Ltmp6, $4  }
0x34f: {  	_ =	swait.ge [sflag:s5], $0x2000  }
0x350: {  	[sflag:s5] =	ssyncset.done $0x0  }
0x351: {  	s26 =	sadd.s32 $0x2380, s6;
	[sflag:s5] =	ssyncadd.s32 $0xFFFFE000  }
0x352: {  	[spmem:s3] =	stream.indirect.scatter.add.f32 [tilespmem:s28], [sflag:$0x8], $0x40, s26, s13, $0xb8;
	[tilespmem:$0x1FE40] =	vst v63  }
.Ltmp7:
0x353: {  	(pc) =	sbr.rel .LBB2_8-.Ltmp7, $4  }
0x354: {  	_ =	swait.ge [sflag:s8], $0x2000  }
0x355: {  	[sflag:s8] =	ssyncset.done $0x0  }
0x356: {  	s4 =	sadd.s32 $0x500, s6;
	s1 =	sadd.s32 $0x800, s1;
	[sflag:s8] =	ssyncadd.s32 $0xFFFFE000  }
0x357: {  	[tilespmem:s14], [sflag:$0x3] =	stream.indirect.gather [spmem:s2], $0x40, s4, s13, $0xb8;
	[tilespmem:$0x1FE40] =	vst v63  }
.LBB2_10:
0x358: {  	_ =	swait.ge [sflag:s30], $0x2000  }
0x359: {  	[sflag:s30] =	ssyncset.done $0x0  }
0x35a: {  	[sflag:s30] =	ssyncadd.s32 $0xFFFFE000  }
0x35b: {  	_ =	swait.ge [sflag:s0], $0x2000  }
0x35c: {  	[sflag:s0] =	ssyncset.done $0x0  }
0x35d: {  	[sflag:s0] =	ssyncadd.s32 $0xFFFFE000  }
0x35e: {  	_ =	swait.ge [sflag:s8], $0x2000  }
0x35f: {  	[sflag:s8] =	ssyncset.done $0x0  }
0x360: {  	[sflag:s8] =	ssyncadd.s32 $0xFFFFE000  }
0x361: {  	_ =	swait.ge [sflag:s20], $0x2000  }
0x362: {  	[sflag:s20] =	ssyncset.done $0x0  }
0x363: {  	[sflag:s20] =	ssyncadd.s32 $0xFFFFE000  }
0x364: {  	_ =	swait.ge [sflag:s15], $0x1000  }
0x365: {  	[sflag:s15] =	ssyncset.done $0x0  }
0x366: {  	[sflag:s15] =	ssyncadd.s32 $0xFFFFF000  }
0x367: {  	_ =	swait.ge [sflag:s16], $0x1000  }
0x368: {  	[sflag:s16] =	ssyncset.done $0x0  }
0x369: {  	s1 =	simm.s32 $0x0;
	s4 =	rddreg [dreg:$0x11];
	[sflag:s16] =	ssyncadd.s32 $0xFFFFF000  }
0x36a: {  	[tilespmem:s1], [sflag:$0x9] =	stream.linear.gather [hbm4b:s4+s1], $0x1000, $0x38;
	[tilespmem:$0x1FE40] =	vst v63  }
0x36b: {  	s6 =	rddreg [dreg:$0x12]  }
0x36c: {  	[tilespmem:s18], [sflag:$0xB] =	stream.linear.gather [hbm4b:s6+s1], $0x1000, $0x38;
	[tilespmem:$0x1FE40] =	vst v63  }
0x36d: {  	s9 =	simm.s32 $0x1000  }
0x36e: {  	[tilespmem:s24], [sflag:$0x1] =	stream.indirect.gather [spmem:s2], $0x40, s9, s13, $0xb8;
	[tilespmem:$0x1FE40] =	vst v63  }
0x36f: {  	s12 =	simm.s32 $0x1080  }
0x370: {  	[tilespmem:s25], [sflag:$0x2] =	stream.indirect.gather [spmem:s2], $0x40, s12, s13, $0xb8;
	[tilespmem:$0x1FE40] =	vst v63  }
0x371: {  	s26 =	simm.s32 $0x1100  }
0x372: {  	[tilespmem:s14], [sflag:$0x3] =	stream.indirect.gather [spmem:s2], $0x40, s26, s13, $0xb8;
	[tilespmem:$0x1FE40] =	vst v63  }
0x373: {  	_ =	swait.ge [sflag:s19], $0x2000  }
0x374: {  	[sflag:s19] =	ssyncset.done $0x0  }
0x375: {  	s6 =	simm.s32 $0x3000;
	[sflag:s19] =	ssyncadd.s32 $0xFFFFE000  }
0x376: {  	[spmem:s3] =	stream.indirect.scatter.add.f32 [tilespmem:s24], [sflag:$0x5], $0x40, s6, s13, $0xb8;
	[tilespmem:$0x1FE40] =	vst v63  }
0x377: {  	s9 =	simm.s32 $0x1180  }
0x378: {  	[tilespmem:s28], [sflag:$0x4] =	stream.indirect.gather [spmem:s2], $0x40, s9, s13, $0xb8;
	[tilespmem:$0x1FE40] =	vst v63  }
0x379: {  	_ =	swait.ge [sflag:s29], $0x2000  }
0x37a: {  	[sflag:s29] =	ssyncset.done $0x0  }
0x37b: {  	s12 =	simm.s32 $0x3080;
	[sflag:s29] =	ssyncadd.s32 $0xFFFFE000  }
0x37c: {  	[spmem:s3] =	stream.indirect.scatter.add.f32 [tilespmem:s25], [sflag:$0x6], $0x40, s12, s13, $0xb8;
	[tilespmem:$0x1FE40] =	vst v63  }
0x37d: {  	_ =	swait.ge [sflag:s30], $0x2000  }
0x37e: {  	[sflag:s30] =	ssyncset.done $0x0  }
0x37f: {  	s26 =	simm.s32 $0x1200;
	[sflag:s30] =	ssyncadd.s32 $0xFFFFE000  }
0x380: {  	[tilespmem:s24], [sflag:$0x1] =	stream.indirect.gather [spmem:s2], $0x40, s26, s13, $0xb8;
	[tilespmem:$0x1FE40] =	vst v63  }
0x381: {  	_ =	swait.ge [sflag:s7], $0x2000  }
0x382: {  	[sflag:s7] =	ssyncset.done $0x0  }
0x383: {  	s6 =	simm.s32 $0x3100;
	[sflag:s7] =	ssyncadd.s32 $0xFFFFE000  }
0x384: {  	[spmem:s3] =	stream.indirect.scatter.add.f32 [tilespmem:s14], [sflag:$0x7], $0x40, s6, s13, $0xb8;
	[tilespmem:$0x1FE40] =	vst v63  }
0x385: {  	_ =	swait.ge [sflag:s0], $0x2000  }
0x386: {  	[sflag:s0] =	ssyncset.done $0x0  }
0x387: {  	s9 =	simm.s32 $0x1280;
	[sflag:s0] =	ssyncadd.s32 $0xFFFFE000  }
0x388: {  	[tilespmem:s25], [sflag:$0x2] =	stream.indirect.gather [spmem:s2], $0x40, s9, s13, $0xb8;
	[tilespmem:$0x1FE40] =	vst v63  }
0x389: {  	_ =	swait.ge [sflag:s5], $0x2000  }
0x38a: {  	[sflag:s5] =	ssyncset.done $0x0  }
0x38b: {  	s12 =	simm.s32 $0x3180;
	[sflag:s5] =	ssyncadd.s32 $0xFFFFE000  }
0x38c: {  	[spmem:s3] =	stream.indirect.scatter.add.f32 [tilespmem:s28], [sflag:$0x8], $0x40, s12, s13, $0xb8;
	[tilespmem:$0x1FE40] =	vst v63  }
0x38d: {  	_ =	swait.ge [sflag:s8], $0x2000  }
0x38e: {  	[sflag:s8] =	ssyncset.done $0x0  }
0x38f: {  	s26 =	simm.s32 $0x1300;
	[sflag:s8] =	ssyncadd.s32 $0xFFFFE000  }
0x390: {  	[tilespmem:s14], [sflag:$0x3] =	stream.indirect.gather [spmem:s2], $0x40, s26, s13, $0xb8;
	[tilespmem:$0x1FE40] =	vst v63  }
.LBB2_11:
0x391: {  	_ =	swait.ge [sflag:s19], $0x2000  }
0x392: {  	s6 =	sshra.s32 s1, $0x2;
	[sflag:s19] =	ssyncset.done $0x0  }
0x393: {  	s4 =	sadd.s32 $0x3200, s6;
	[sflag:s19] =	ssyncadd.s32 $0xFFFFE000  }
0x394: {  	[spmem:s3] =	stream.indirect.scatter.add.f32 [tilespmem:s24], [sflag:$0x5], $0x40, s4, s13, $0xb8;
	[tilespmem:$0x1FE40] =	vst v63  }
0x395: {  	_ =	swait.ge [sflag:s20], $0x2000  }
0x396: {  	[sflag:s20] =	ssyncset.done $0x0  }
0x397: {  	s9 =	sadd.s32 $0x1380, s6;
	[sflag:s20] =	ssyncadd.s32 $0xFFFFE000  }
0x398: {  	[tilespmem:s28], [sflag:$0x4] =	stream.indirect.gather [spmem:s2], $0x40, s9, s13, $0xb8;
	[tilespmem:$0x1FE40] =	vst v63  }
0x399: {  	_ =	swait.ge [sflag:s29], $0x2000  }
0x39a: {  	p1 =	seq.s32 s1, $0x3000;
	[sflag:s29] =	ssyncset.done $0x0  }
0x39b: {  	s12 =	sadd.s32 $0x3280, s6;
	s4 =	simm.s32 @p1 $0x3;
	[sflag:s29] =	ssyncadd.s32 $0xFFFFE000  }
0x39c: {  	[spmem:s3] =	stream.indirect.scatter.add.f32 [tilespmem:s25], [sflag:$0x6], $0x40, s12, s13, $0xb8;
	[tilespmem:$0x1FE40] =	vst v63  }
0x39d: {  	_ =	swait.ge @p1 [sflag:s4], $0x2000  }
0x39e: {  	[sflag:s4] =	ssyncset.done @p1 $0x0  }
0x39f: {  	[sflag:s4] =	ssyncadd.s32 @p1 $0xFFFFE000;
	s4 =	sshra.s32 @p1 s1, $0x2  }
0x3a0: {  	s9 =	simm.s32 @p1 $0x80;
	s12 =	simm.s32 @p1 $0x8000;
	s4 =	sadd.s32 @p1 $0x3300, s4  }
0x3a1: {  	[spmem:s3] =	stream.indirect.scatter.add.f32 @p1 [tilespmem:s12], [sflag:$0x7], $0x40, s4, s9, $0xb8;
	[tilespmem:$0x1FE40] =	vst v63  }
0x3a2: {  	s4 =	simm.s32 @!p1 $0x5  }
0x3a3: {  	_ =	swait.ge @!p1 [sflag:s4], $0x2000  }
0x3a4: {  	[sflag:s4] =	ssyncset.done @!p1 $0x0  }
0x3a5: {  	[sflag:s4] =	ssyncadd.s32 @!p1 $0xFFFFE000;
	s4 =	sshra.s32 @!p1 s1, $0x2  }
0x3a6: {  	s26 =	simm.s32 @!p1 $0x4000;
	s12 =	simm.s32 @!p1 $0x80;
	s9 =	sadd.s32 @!p1 $0x1400, s4  }
0x3a7: {  	[tilespmem:s26], [sflag:$0x1] =	stream.indirect.gather @!p1 [spmem:s2], $0x40, s9, s12, $0xb8;
	[tilespmem:$0x1FE40] =	vst v63  }
0x3a8: {  	s9 =	simm.s32 @!p1 $0x3  }
0x3a9: {  	_ =	swait.ge @!p1 [sflag:s9], $0x2000  }
0x3aa: {  	[sflag:s9] =	ssyncset.done @!p1 $0x0  }
0x3ab: {  	s26 =	simm.s32 @!p1 $0x8000;
	[sflag:s9] =	ssyncadd.s32 @!p1 $0xFFFFE000;
	s9 =	sadd.s32 @!p1 $0x3300, s4  }
0x3ac: {  	[spmem:s3] =	stream.indirect.scatter.add.f32 @!p1 [tilespmem:s26], [sflag:$0x7], $0x40, s9, s12, $0xb8;
	[tilespmem:$0x1FE40] =	vst v63  }
0x3ad: {  	s9 =	simm.s32 @!p1 $0x6  }
0x3ae: {  	_ =	swait.ge @!p1 [sflag:s9], $0x2000  }
0x3af: {  	[sflag:s9] =	ssyncset.done @!p1 $0x0  }
0x3b0: {  	s4 =	sadd.s32 @!p1 $0x1480, s4;
	[sflag:s9] =	ssyncadd.s32 @!p1 $0xFFFFE000;
	s9 =	simm.s32 @!p1 $0x6000  }
0x3b1: {  	[tilespmem:s9], [sflag:$0x2] =	stream.indirect.gather @!p1 [spmem:s2], $0x40, s4, s12, $0xb8;
	[tilespmem:$0x1FE40] =	vst v63  }
.Ltmp8:
0x3b2: {  	_ = 	snop;
	(pc) =	sbr.rel @p1 .LBB2_13-.Ltmp8, $4  }
0x3b3: {  	_ =	swait.ge [sflag:s5], $0x2000  }
0x3b4: {  	[sflag:s5] =	ssyncset.done $0x0  }
0x3b5: {  	s26 =	sadd.s32 $0x3380, s6;
	[sflag:s5] =	ssyncadd.s32 $0xFFFFE000  }
0x3b6: {  	[spmem:s3] =	stream.indirect.scatter.add.f32 [tilespmem:s28], [sflag:$0x8], $0x40, s26, s13, $0xb8;
	[tilespmem:$0x1FE40] =	vst v63  }
.Ltmp9:
0x3b7: {  	(pc) =	sbr.rel .LBB2_11-.Ltmp9, $4  }
0x3b8: {  	_ =	swait.ge [sflag:s8], $0x2000  }
0x3b9: {  	[sflag:s8] =	ssyncset.done $0x0  }
0x3ba: {  	s4 =	sadd.s32 $0x1500, s6;
	s1 =	sadd.s32 $0x800, s1;
	[sflag:s8] =	ssyncadd.s32 $0xFFFFE000  }
0x3bb: {  	[tilespmem:s14], [sflag:$0x3] =	stream.indirect.gather [spmem:s2], $0x40, s4, s13, $0xb8;
	[tilespmem:$0x1FE40] =	vst v63  }
.LBB2_13:
0x3bc: {  	_ =	swait.ge [sflag:s30], $0x2000  }
0x3bd: {  	[sflag:s30] =	ssyncset.done $0x0  }
0x3be: {  	[sflag:s30] =	ssyncadd.s32 $0xFFFFE000  }
0x3bf: {  	_ =	swait.ge [sflag:s0], $0x2000  }
0x3c0: {  	[sflag:s0] =	ssyncset.done $0x0  }
0x3c1: {  	[sflag:s0] =	ssyncadd.s32 $0xFFFFE000  }
0x3c2: {  	_ =	swait.ge [sflag:s8], $0x2000  }
0x3c3: {  	[sflag:s8] =	ssyncset.done $0x0  }
0x3c4: {  	[sflag:s8] =	ssyncadd.s32 $0xFFFFE000  }
0x3c5: {  	_ =	swait.ge [sflag:s20], $0x2000  }
0x3c6: {  	[sflag:s20] =	ssyncset.done $0x0  }
0x3c7: {  	[sflag:s20] =	ssyncadd.s32 $0xFFFFE000  }
0x3c8: {  	_ =	swait.ge [sflag:s11], $0x1000  }
0x3c9: {  	[sflag:s11] =	ssyncset.done $0x0  }
0x3ca: {  	[sflag:s11] =	ssyncadd.s32 $0xFFFFF000  }
0x3cb: {  	_ =	swait.ge [sflag:s22], $0x1000  }
0x3cc: {  	[sflag:s22] =	ssyncset.done $0x0  }
0x3cd: {  	s1 =	simm.s32 $0x0;
	[sflag:s22] =	ssyncadd.s32 $0xFFFFF000  }
0x3ce: {  	[tilespmem:s24], [sflag:$0x1] =	stream.indirect.gather [spmem:s2], $0x40, s1, s13, $0xb8;
	[tilespmem:$0x1FE40] =	vst v63  }
0x3cf: {  	_ = 	snop  }
0x3d0: {  	[tilespmem:s25], [sflag:$0x2] =	stream.indirect.gather [spmem:s2], $0x40, s13, s13, $0xb8;
	[tilespmem:$0x1FE40] =	vst v63  }
0x3d1: {  	s4 =	simm.s32 $0x100  }
0x3d2: {  	[tilespmem:s14], [sflag:$0x3] =	stream.indirect.gather [spmem:s2], $0x40, s4, s13, $0xb8;
	[tilespmem:$0x1FE40] =	vst v63  }
0x3d3: {  	_ =	swait.ge [sflag:s19], $0x2000  }
0x3d4: {  	[sflag:s19] =	ssyncset.done $0x0  }
0x3d5: {  	[sflag:s19] =	ssyncadd.s32 $0xFFFFE000  }
0x3d6: {  	[spmem:s3] =	stream.indirect.scatter.add.f32 [tilespmem:s24], [sflag:$0x5], $0x40, s18, s13, $0xb8;
	[tilespmem:$0x1FE40] =	vst v63  }
0x3d7: {  	s9 =	simm.s32 $0x180  }
0x3d8: {  	[tilespmem:s28], [sflag:$0x4] =	stream.indirect.gather [spmem:s2], $0x40, s9, s13, $0xb8;
	[tilespmem:$0x1FE40] =	vst v63  }
0x3d9: {  	_ =	swait.ge [sflag:s29], $0x2000  }
0x3da: {  	[sflag:s29] =	ssyncset.done $0x0  }
0x3db: {  	s12 =	simm.s32 $0x2080;
	[sflag:s29] =	ssyncadd.s32 $0xFFFFE000  }
0x3dc: {  	[spmem:s3] =	stream.indirect.scatter.add.f32 [tilespmem:s25], [sflag:$0x6], $0x40, s12, s13, $0xb8;
	[tilespmem:$0x1FE40] =	vst v63  }
0x3dd: {  	_ =	swait.ge [sflag:s30], $0x2000  }
0x3de: {  	[sflag:s30] =	ssyncset.done $0x0  }
0x3df: {  	s26 =	simm.s32 $0x200;
	[sflag:s30] =	ssyncadd.s32 $0xFFFFE000  }
0x3e0: {  	[tilespmem:s24], [sflag:$0x1] =	stream.indirect.gather [spmem:s2], $0x40, s26, s13, $0xb8;
	[tilespmem:$0x1FE40] =	vst v63  }
0x3e1: {  	_ =	swait.ge [sflag:s7], $0x2000  }
0x3e2: {  	[sflag:s7] =	ssyncset.done $0x0  }
0x3e3: {  	s6 =	simm.s32 $0x2100;
	[sflag:s7] =	ssyncadd.s32 $0xFFFFE000  }
0x3e4: {  	[spmem:s3] =	stream.indirect.scatter.add.f32 [tilespmem:s14], [sflag:$0x7], $0x40, s6, s13, $0xb8;
	[tilespmem:$0x1FE40] =	vst v63  }
0x3e5: {  	_ =	swait.ge [sflag:s0], $0x2000  }
0x3e6: {  	[sflag:s0] =	ssyncset.done $0x0  }
0x3e7: {  	s9 =	simm.s32 $0x280;
	[sflag:s0] =	ssyncadd.s32 $0xFFFFE000  }
0x3e8: {  	[tilespmem:s25], [sflag:$0x2] =	stream.indirect.gather [spmem:s2], $0x40, s9, s13, $0xb8;
	[tilespmem:$0x1FE40] =	vst v63  }
0x3e9: {  	_ =	swait.ge [sflag:s5], $0x2000  }
0x3ea: {  	[sflag:s5] =	ssyncset.done $0x0  }
0x3eb: {  	s12 =	simm.s32 $0x2180;
	[sflag:s5] =	ssyncadd.s32 $0xFFFFE000  }
0x3ec: {  	[spmem:s3] =	stream.indirect.scatter.add.f32 [tilespmem:s28], [sflag:$0x8], $0x40, s12, s13, $0xb8;
	[tilespmem:$0x1FE40] =	vst v63  }
0x3ed: {  	_ =	swait.ge [sflag:s8], $0x2000  }
0x3ee: {  	[sflag:s8] =	ssyncset.done $0x0  }
0x3ef: {  	s26 =	simm.s32 $0x300;
	[sflag:s8] =	ssyncadd.s32 $0xFFFFE000  }
0x3f0: {  	[tilespmem:s14], [sflag:$0x3] =	stream.indirect.gather [spmem:s2], $0x40, s26, s13, $0xb8;
	[tilespmem:$0x1FE40] =	vst v63  }
.LBB2_14:
0x3f1: {  	_ =	swait.ge [sflag:s19], $0x2000  }
0x3f2: {  	s6 =	sshra.s32 s1, $0x2;
	[sflag:s19] =	ssyncset.done $0x0  }
0x3f3: {  	s4 =	sadd.s32 $0x2200, s6;
	[sflag:s19] =	ssyncadd.s32 $0xFFFFE000  }
0x3f4: {  	[spmem:s3] =	stream.indirect.scatter.add.f32 [tilespmem:s24], [sflag:$0x5], $0x40, s4, s13, $0xb8;
	[tilespmem:$0x1FE40] =	vst v63  }
0x3f5: {  	_ =	swait.ge [sflag:s20], $0x2000  }
0x3f6: {  	[sflag:s20] =	ssyncset.done $0x0  }
0x3f7: {  	s9 =	sadd.s32 $0x380, s6;
	[sflag:s20] =	ssyncadd.s32 $0xFFFFE000  }
0x3f8: {  	[tilespmem:s28], [sflag:$0x4] =	stream.indirect.gather [spmem:s2], $0x40, s9, s13, $0xb8;
	[tilespmem:$0x1FE40] =	vst v63  }
0x3f9: {  	_ =	swait.ge [sflag:s29], $0x2000  }
0x3fa: {  	p1 =	seq.s32 s1, $0x3000;
	[sflag:s29] =	ssyncset.done $0x0  }
0x3fb: {  	s12 =	sadd.s32 $0x2280, s6;
	s4 =	simm.s32 @p1 $0x3;
	[sflag:s29] =	ssyncadd.s32 $0xFFFFE000  }
0x3fc: {  	[spmem:s3] =	stream.indirect.scatter.add.f32 [tilespmem:s25], [sflag:$0x6], $0x40, s12, s13, $0xb8;
	[tilespmem:$0x1FE40] =	vst v63  }
0x3fd: {  	_ =	swait.ge @p1 [sflag:s4], $0x2000  }
0x3fe: {  	[sflag:s4] =	ssyncset.done @p1 $0x0  }
0x3ff: {  	[sflag:s4] =	ssyncadd.s32 @p1 $0xFFFFE000;
	s4 =	sshra.s32 @p1 s1, $0x2  }
0x400: {  	s9 =	simm.s32 @p1 $0x80;
	s12 =	simm.s32 @p1 $0x8000;
	s4 =	sadd.s32 @p1 $0x2300, s4  }
0x401: {  	[spmem:s3] =	stream.indirect.scatter.add.f32 @p1 [tilespmem:s12], [sflag:$0x7], $0x40, s4, s9, $0xb8;
	[tilespmem:$0x1FE40] =	vst v63  }
0x402: {  	s4 =	simm.s32 @!p1 $0x5  }
0x403: {  	_ =	swait.ge @!p1 [sflag:s4], $0x2000  }
0x404: {  	[sflag:s4] =	ssyncset.done @!p1 $0x0  }
0x405: {  	[sflag:s4] =	ssyncadd.s32 @!p1 $0xFFFFE000;
	s4 =	sshra.s32 @!p1 s1, $0x2  }
0x406: {  	s26 =	simm.s32 @!p1 $0x4000;
	s12 =	simm.s32 @!p1 $0x80;
	s9 =	sadd.s32 @!p1 $0x400, s4  }
0x407: {  	[tilespmem:s26], [sflag:$0x1] =	stream.indirect.gather @!p1 [spmem:s2], $0x40, s9, s12, $0xb8;
	[tilespmem:$0x1FE40] =	vst v63  }
0x408: {  	s9 =	simm.s32 @!p1 $0x3  }
0x409: {  	_ =	swait.ge @!p1 [sflag:s9], $0x2000  }
0x40a: {  	[sflag:s9] =	ssyncset.done @!p1 $0x0  }
0x40b: {  	s26 =	simm.s32 @!p1 $0x8000;
	[sflag:s9] =	ssyncadd.s32 @!p1 $0xFFFFE000;
	s9 =	sadd.s32 @!p1 $0x2300, s4  }
0x40c: {  	[spmem:s3] =	stream.indirect.scatter.add.f32 @!p1 [tilespmem:s26], [sflag:$0x7], $0x40, s9, s12, $0xb8;
	[tilespmem:$0x1FE40] =	vst v63  }
0x40d: {  	s9 =	simm.s32 @!p1 $0x6  }
0x40e: {  	_ =	swait.ge @!p1 [sflag:s9], $0x2000  }
0x40f: {  	[sflag:s9] =	ssyncset.done @!p1 $0x0  }
0x410: {  	s4 =	sadd.s32 @!p1 $0x480, s4;
	[sflag:s9] =	ssyncadd.s32 @!p1 $0xFFFFE000;
	s9 =	simm.s32 @!p1 $0x6000  }
0x411: {  	[tilespmem:s9], [sflag:$0x2] =	stream.indirect.gather @!p1 [spmem:s2], $0x40, s4, s12, $0xb8;
	[tilespmem:$0x1FE40] =	vst v63  }
.Ltmp10:
0x412: {  	_ = 	snop;
	(pc) =	sbr.rel @p1 .LBB2_16-.Ltmp10, $4  }
0x413: {  	_ =	swait.ge [sflag:s5], $0x2000  }
0x414: {  	[sflag:s5] =	ssyncset.done $0x0  }
0x415: {  	s26 =	sadd.s32 $0x2380, s6;
	[sflag:s5] =	ssyncadd.s32 $0xFFFFE000  }
0x416: {  	[spmem:s3] =	stream.indirect.scatter.add.f32 [tilespmem:s28], [sflag:$0x8], $0x40, s26, s13, $0xb8;
	[tilespmem:$0x1FE40] =	vst v63  }
.Ltmp11:
0x417: {  	(pc) =	sbr.rel .LBB2_14-.Ltmp11, $4  }
0x418: {  	_ =	swait.ge [sflag:s8], $0x2000  }
0x419: {  	[sflag:s8] =	ssyncset.done $0x0  }
0x41a: {  	s4 =	sadd.s32 $0x500, s6;
	s1 =	sadd.s32 $0x800, s1;
	[sflag:s8] =	ssyncadd.s32 $0xFFFFE000  }
0x41b: {  	[tilespmem:s14], [sflag:$0x3] =	stream.indirect.gather [spmem:s2], $0x40, s4, s13, $0xb8;
	[tilespmem:$0x1FE40] =	vst v63  }
.LBB2_17:
0x41c: {  	_ =	sfence.sel $0x180000  }
0x41d: {  	[bflag:$0x0] =	sbarrier.arrive $0xFFFF  }
0x41e: {  	_ =	strace $0x90000047  }
0x41f: {  	s0 =	stileid.u32;
	[bflag:$0x2] =	sbarrier.arrive $0xFFFF  }
0x420: {  	p0 =	sne.s32 s0, $0x0;
	s0 =	rddreg [dreg:$0x6]  }
0x421: {  	s0 =	sadd.s32 @!p0 $0x100000, s0  }
0x422: {  	[sflag:s0] =	ssyncadd.tile.s32 @!p0 $0x1;
	_ =	shalt  }
.Lfunc_end2:
_tile_overlayer_lowered:
.L_overlay_start_2:
0x423: {  	(tag) =	ssettag $0x2  }
0x424: {  	s0 =	rddreg [dreg:$0x0];
	s2 =	stileid.u32  }
0x425: {  	s1 =	rddreg [dreg:$0x1];
	p0 =	sne.s32 s2, $0x0  }
0x426: {  	s3 =	rddreg [dreg:$0x2];
	[bflag:$0x3] =	sbarrier.arrive $0xFFFF;
	s2 =	simm.s32 @!p0 $0x1C0D  }
0x427: {  	[timem:s3], [sflag:s2] =	dma.local @!p0 [hbm:s0], s1  }
0x428: {  	s0 =	simm.s32 @!p0 $0xD  }
0x429: {  	_ =	swait.ge @!p0 [sflag:s0], s1  }
0x42a: {  	s1 =	ssub.s32 @!p0 $0x0, s1;
	[sflag:s0] =	ssyncset.done @!p0 $0x0  }
0x42b: {  	[sflag:s0] =	ssyncadd.s32 @!p0 s1  }
0x42c: {  	[bflag:$0x3] =	sbarrier.arrive $0xFFFF  }
0x42d: {  	_ =	shalt  }

</sc_bundles>
